<compile_context>
chip_gen: v7x
topology: tpu7x:2x2x1
jax: 0.10.2.dev20260603
libtpu: 0.0.44.dev20260713+nightly
codegen_flags: <defaults>
</compile_context>

<pallas_src>
import functools

import jax
import jax.numpy as jnp
import numpy as np
from jax import lax
from jax.experimental import pallas as pl
from jax.experimental.pallas import tpu as pltpu
from jax.experimental.pallas import tpu_sc as plsc

N = 10000
C = 128
K = 32
G = 4
NPAD = 10240
NSUB = 16
CHUNK_NODES = 2
CHN = CHUNK_NODES * K
TOT_CHUNKS = NPAD // CHUNK_NODES
NLANE = 16
NV = C // NLANE
NBUF = 4

NWORK = 2 * NSUB
CPW = TOT_CHUNKS // NWORK


TRB = 1024


def _sc_gather_sum(xT_hbm, idx_hbm, out_hbm, idx_v,
                   buf0, buf1, buf2, buf3,
                   out_v, sem0, sem1, sem2, sem3):
    bufs = (buf0, buf1, buf2, buf3)
    sems = (sem0, sem1, sem2, sem3)
    cid = lax.axis_index("c")
    sid = lax.axis_index("s")

    def gather(c, buf, sem):
        pltpu.make_async_copy(xT_hbm.at[idx_v.at[c]], buf, sem).start()

    def wait(buf, sem):
        pltpu.make_async_copy(xT_hbm.at[idx_v.at[0]], buf, sem).wait()

    def compute_chunk(buf, c):
        for i in range(CHUNK_NODES):
            def rbody(q, accs, _i=i):
                base = _i * K + q * 8
                for rr in range(8):
                    row = base + rr
                    accs = tuple(
                        accs[j] + buf[row, pl.ds(j * NLANE, NLANE)]
                        for j in range(NV)
                    )
                return accs
            accs0 = tuple(jnp.zeros((NLANE,), jnp.float32) for _ in range(NV))
            accs = lax.fori_loop(0, K // 8, rbody, accs0)
            node = c * CHUNK_NODES + i
            for j in range(NV):
                out_v[node, pl.ds(j * NLANE, NLANE)] = accs[j]

    wid = cid * NSUB + sid
    chunk0 = wid * CPW

    pltpu.sync_copy(idx_hbm.at[pl.ds(chunk0, CPW)], idx_v)

    for b in range(NBUF):
        gather(b, bufs[b], sems[b])

    def step(p, carry):
        for b in range(NBUF):
            c = NBUF * p + b
            wait(bufs[b], sems[b])
            compute_chunk(bufs[b], c)

            @pl.when(p < CPW // NBUF - 1)
            def _(b=b, c=c):
                gather(c + NBUF, bufs[b], sems[b])
        return carry

    lax.fori_loop(0, CPW // NBUF, step, 0)

    pltpu.sync_copy(out_v, out_hbm.at[pl.ds(chunk0 * CHUNK_NODES,
                                            CPW * CHUNK_NODES)])


def _neighbor_sum(xT, idx2):
    mesh = plsc.VectorSubcoreMesh(core_axis_name="c", subcore_axis_name="s",
                                  num_cores=2, num_subcores=NSUB)
    kern = functools.partial(
        pl.kernel,
        out_type=jax.ShapeDtypeStruct((NPAD, C), jnp.float32),
        mesh=mesh,
        scratch_types=(
            [pltpu.VMEM((CPW, CHN), jnp.int32)]
            + [pltpu.VMEM((CHN, C), jnp.float32) for _ in range(NBUF)]
            + [pltpu.VMEM((CPW * CHUNK_NODES, C), jnp.float32)]
            + [pltpu.SemaphoreType.DMA for _ in range(NBUF)]
        ),
    )(_sc_gather_sum)
    return kern(xT, idx2)


def _conv_body(eps_ref, xT_ref, xj_ref, W_ref, b_ref, o_ref):
    scale = 1.0 + eps_ref[0]
    h = scale * xT_ref[...] + xj_ref[...]
    y = lax.dot_general(h, W_ref[...], (((1,), (1,)), ((), ())),
                        preferred_element_type=jnp.float32)
    o_ref[...] = jnp.maximum(y + b_ref[...], 0.0)


def _gin_update(eps, xT, xj, W_bd, b):
    return pl.pallas_call(
        _conv_body,
        grid=(NPAD // TRB,),
        in_specs=[
            pl.BlockSpec(memory_space=pltpu.SMEM),
            pl.BlockSpec((TRB, C), lambda i: (i, 0)),
            pl.BlockSpec((TRB, C), lambda i: (i, 0)),
            pl.BlockSpec((C, C), lambda i: (0, 0)),
            pl.BlockSpec((1, C), lambda i: (0, 0)),
        ],
        out_specs=pl.BlockSpec((TRB, C), lambda i: (i, 0)),
        out_shape=jax.ShapeDtypeStruct((N, C), jnp.float32),
    )(eps, xT, xj, W_bd, b)


def kernel(x, edge_index, W, b, eps):
    xT = x[0, :, :, 0].T
    idx = edge_index[0, 0]
    fill = (jnp.arange(NPAD - N, dtype=jnp.int32)[:, None] * K
            + jnp.arange(K, dtype=jnp.int32)[None, :]) % N
    idx_pad = jnp.concatenate([idx, fill], axis=0)
    idx2 = idx_pad.reshape(TOT_CHUNKS, CHN)

    Wg = W[:, :, 0, 0]
    W_bd = jnp.zeros((C, C), jnp.float32)
    gs = C // G
    for g in range(G):
        W_bd = W_bd.at[g * gs:(g + 1) * gs, g * gs:(g + 1) * gs].set(
            Wg[g * gs:(g + 1) * gs, :])

    xj = _neighbor_sum(xT, idx2)
    out = _gin_update(eps, xT, xj, W_bd, b[None, :])
    return out.T[None, :, :, None]

# --- scband reference (transcript-rebuilt; emitter-appended) ---
"""Pipeline reference for scband-ginconv2d-73169062855214 (READ-ONLY COPY).

The authoritative reference and input builder live on the scoring server;
editing this copy changes nothing except your own understanding.
"""

import jax, jax.numpy as jnp
import numpy as np

B, C_IN, C_OUT, N, K, G = 1, 128, 128, 10000, 32, 4


def setup_inputs(seed: int = 0) -> dict:
    key = jax.random.key(seed)
    k1, k2, k3, k4 = jax.random.split(key, 4)
    x = jax.random.normal(k1, (B, C_IN, N, 1), dtype=jnp.float32)
    edge_index = jax.random.randint(k2, (2, B, N, K), 0, N, dtype=jnp.int32)
    # Conv2d(128,128,1,groups=4) weight: [C_OUT, C_IN//G, 1, 1], kaiming-like scale
    W = jax.random.normal(k3, (C_OUT, C_IN // G, 1, 1), dtype=jnp.float32) * (2.0 / (C_IN // G)) ** 0.5
    b = jnp.zeros((C_OUT,), dtype=jnp.float32)
    eps = jnp.zeros((1,), dtype=jnp.float32)
    return {"x": x, "edge_index": edge_index, "W": W, "b": b, "eps": eps}


def reference(x, edge_index, W, b, eps):
    # batched_index_select: gather neighbor features
    idx = edge_index[0]  # [B, N, K]
    x_sq = x[:, :, :, 0]  # [B, C, N]

    def gather(xb, idxb):
        # xb: [C, N], idxb: [N, K] -> [C, N, K]
        return xb[:, idxb]

    feat = jax.vmap(gather)(x_sq, idx)  # [B, C, N, K]
    x_j = jnp.sum(feat, axis=-1, keepdims=True)  # [B, C, N, 1]
    h = (1.0 + eps[0]) * x + x_j  # [B, C, N, 1]
    # grouped 1x1 conv (groups=4)
    hg = h[:, :, :, 0].reshape(B, G, C_IN // G, N)
    Wg = W[:, :, 0, 0].reshape(G, C_OUT // G, C_IN // G)
    out = jnp.einsum('goc,bgcn->bgon', Wg, hg).reshape(B, C_OUT, N)
    out = out + b[None, :, None]
    out = jax.nn.relu(out)
    return out[:, :, :, None]

if __name__ == "__main__":
    import jax
    _d = setup_inputs()
    print(jax.jit(kernel)(*tuple(_d.values())))

</pallas_src>

<mosaic_0001>
#map = affine_map<(d0, d1) -> (0, 0)>
module attributes {stable_mosaic.version = 14 : i64} {
  func.func @_sc_gather_sum(%arg0: i32, %arg1: i32, %arg2: memref<10000x128xf32, #tpu.memory_space<hbm>>, %arg3: memref<5120x64xi32, #tpu.memory_space<hbm>>, %arg4: memref<10240x128xf32, #tpu.memory_space<hbm>>, %arg5: memref<160x64xi32, #tpu.memory_space<vmem>>, %arg6: memref<64x128xf32, #tpu.memory_space<vmem>>, %arg7: memref<64x128xf32, #tpu.memory_space<vmem>>, %arg8: memref<64x128xf32, #tpu.memory_space<vmem>>, %arg9: memref<64x128xf32, #tpu.memory_space<vmem>>, %arg10: memref<320x128xf32, #tpu.memory_space<vmem>>, %arg11: memref<!tpu.dma_semaphore, #tpu.memory_space<semaphore_mem>>, %arg12: memref<!tpu.dma_semaphore, #tpu.memory_space<semaphore_mem>>, %arg13: memref<!tpu.dma_semaphore, #tpu.memory_space<semaphore_mem>>, %arg14: memref<!tpu.dma_semaphore, #tpu.memory_space<semaphore_mem>>) attributes {dimension_semantics = [#tpu.dimension_semantics<core_parallel>, #tpu.dimension_semantics<subcore_parallel>], iteration_bounds = array<i64: 2, 16>, scalar_prefetch = 0 : i64, scratch_operands = 10 : i64, tpu.core_type = #tpu.core_type<sc_vector_subcore>, window_params = [{transform_indices = #map}, {transform_indices = #map}, {transform_indices = #map}]} {
    %mul3A = arith.constant 16 : i32
    %mul3A_0 = arith.muli %arg0, %mul3A : i32
    %add3A = arith.addi %mul3A_0, %arg1 : i32
    %mul3A_1 = arith.constant 160 : i32
    %mul3A_2 = arith.muli %add3A, %mul3A_1 : i32
    "tpu.region"() ({
      %run_scoped3A = tpu.sem_alloc : memref<!tpu.dma_semaphore, #tpu.memory_space<semaphore_mem>>
      %dma_start3A_37 = arith.constant 0 : i32
      %dma_start3A_38 = tpu.memref_slice %arg3[%mul3A_2, %dma_start3A_37] : memref<5120x64xi32, #tpu.memory_space<hbm>> -> memref<160x64xi32, #tpu.memory_space<hbm>>
      %dma_start3A_39 = arith.constant 0 : i32
      %dma_start3A_40 = tpu.memref_slice %arg3[%mul3A_2, %dma_start3A_39] : memref<5120x64xi32, #tpu.memory_space<hbm>> -> memref<160x64xi32, #tpu.memory_space<hbm>>
      tpu.enqueue_dma source(%dma_start3A_40 : memref<160x64xi32, #tpu.memory_space<hbm>>) target(%arg5 : memref<160x64xi32, #tpu.memory_space<vmem>>) target_semaphore(%run_scoped3A : memref<!tpu.dma_semaphore, #tpu.memory_space<semaphore_mem>>)
      %dma_wait3A = arith.constant 0 : i32
      %dma_wait3A_41 = tpu.memref_slice %arg3[%mul3A_2, %dma_wait3A] : memref<5120x64xi32, #tpu.memory_space<hbm>> -> memref<160x64xi32, #tpu.memory_space<hbm>>
      %dma_wait3A_42 = arith.constant 0 : i32
      %dma_wait3A_43 = tpu.memref_slice %arg3[%mul3A_2, %dma_wait3A_42] : memref<5120x64xi32, #tpu.memory_space<hbm>> -> memref<160x64xi32, #tpu.memory_space<hbm>>
      tpu.wait_dma2 semaphore(%run_scoped3A : memref<!tpu.dma_semaphore, #tpu.memory_space<semaphore_mem>>) src(%dma_wait3A_43 : memref<160x64xi32, #tpu.memory_space<hbm>>) dst(%arg5 : memref<160x64xi32, #tpu.memory_space<vmem>>)
      tpu.yield
    }) : () -> ()
    %dma_start3A = arith.constant 0 : i32
    %dma_start3A_3 = arith.constant 0 : i32
    %dma_start3A_4 = tpu.memref_slice %arg5[%dma_start3A, %dma_start3A_3] : memref<160x64xi32, #tpu.memory_space<vmem>> -> memref<1x64xi32, #tpu.memory_space<vmem>>
    %dma_start3A_5 = tpu.memref_squeeze %dma_start3A_4 : memref<1x64xi32, #tpu.memory_space<vmem>> -> memref<64xi32, #tpu.memory_space<vmem>>
    %dma_start3A_6 = arith.constant 0 : i32
    %dma_start3A_7 = arith.constant 0 : i32
    %dma_start3A_8 = tpu.memref_slice %arg2[%dma_start3A_6, %dma_start3A_7] : memref<10000x128xf32, #tpu.memory_space<hbm>> -> memref<10000x128xf32, #tpu.memory_space<hbm>>
    tpu.enqueue_indirect_dma source(%dma_start3A_8 : memref<10000x128xf32, #tpu.memory_space<hbm>>) target(%arg6 : memref<64x128xf32, #tpu.memory_space<vmem>>) offsets(%dma_start3A_5 : memref<64xi32, #tpu.memory_space<vmem>>) semaphore(%arg11 : memref<!tpu.dma_semaphore, #tpu.memory_space<semaphore_mem>>)
    %dma_start3A_9 = arith.constant 1 : i32
    %dma_start3A_10 = arith.constant 0 : i32
    %dma_start3A_11 = tpu.memref_slice %arg5[%dma_start3A_9, %dma_start3A_10] : memref<160x64xi32, #tpu.memory_space<vmem>> -> memref<1x64xi32, #tpu.memory_space<vmem>>
    %dma_start3A_12 = tpu.memref_squeeze %dma_start3A_11 : memref<1x64xi32, #tpu.memory_space<vmem>> -> memref<64xi32, #tpu.memory_space<vmem>>
    %dma_start3A_13 = arith.constant 0 : i32
    %dma_start3A_14 = arith.constant 0 : i32
    %dma_start3A_15 = tpu.memref_slice %arg2[%dma_start3A_13, %dma_start3A_14] : memref<10000x128xf32, #tpu.memory_space<hbm>> -> memref<10000x128xf32, #tpu.memory_space<hbm>>
    tpu.enqueue_indirect_dma source(%dma_start3A_15 : memref<10000x128xf32, #tpu.memory_space<hbm>>) target(%arg7 : memref<64x128xf32, #tpu.memory_space<vmem>>) offsets(%dma_start3A_12 : memref<64xi32, #tpu.memory_space<vmem>>) semaphore(%arg12 : memref<!tpu.dma_semaphore, #tpu.memory_space<semaphore_mem>>)
    %dma_start3A_16 = arith.constant 2 : i32
    %dma_start3A_17 = arith.constant 0 : i32
    %dma_start3A_18 = tpu.memref_slice %arg5[%dma_start3A_16, %dma_start3A_17] : memref<160x64xi32, #tpu.memory_space<vmem>> -> memref<1x64xi32, #tpu.memory_space<vmem>>
    %dma_start3A_19 = tpu.memref_squeeze %dma_start3A_18 : memref<1x64xi32, #tpu.memory_space<vmem>> -> memref<64xi32, #tpu.memory_space<vmem>>
    %dma_start3A_20 = arith.constant 0 : i32
    %dma_start3A_21 = arith.constant 0 : i32
    %dma_start3A_22 = tpu.memref_slice %arg2[%dma_start3A_20, %dma_start3A_21] : memref<10000x128xf32, #tpu.memory_space<hbm>> -> memref<10000x128xf32, #tpu.memory_space<hbm>>
    tpu.enqueue_indirect_dma source(%dma_start3A_22 : memref<10000x128xf32, #tpu.memory_space<hbm>>) target(%arg8 : memref<64x128xf32, #tpu.memory_space<vmem>>) offsets(%dma_start3A_19 : memref<64xi32, #tpu.memory_space<vmem>>) semaphore(%arg13 : memref<!tpu.dma_semaphore, #tpu.memory_space<semaphore_mem>>)
    %dma_start3A_23 = arith.constant 3 : i32
    %dma_start3A_24 = arith.constant 0 : i32
    %dma_start3A_25 = tpu.memref_slice %arg5[%dma_start3A_23, %dma_start3A_24] : memref<160x64xi32, #tpu.memory_space<vmem>> -> memref<1x64xi32, #tpu.memory_space<vmem>>
    %dma_start3A_26 = tpu.memref_squeeze %dma_start3A_25 : memref<1x64xi32, #tpu.memory_space<vmem>> -> memref<64xi32, #tpu.memory_space<vmem>>
    %dma_start3A_27 = arith.constant 0 : i32
    %dma_start3A_28 = arith.constant 0 : i32
    %dma_start3A_29 = tpu.memref_slice %arg2[%dma_start3A_27, %dma_start3A_28] : memref<10000x128xf32, #tpu.memory_space<hbm>> -> memref<10000x128xf32, #tpu.memory_space<hbm>>
    tpu.enqueue_indirect_dma source(%dma_start3A_29 : memref<10000x128xf32, #tpu.memory_space<hbm>>) target(%arg9 : memref<64x128xf32, #tpu.memory_space<vmem>>) offsets(%dma_start3A_26 : memref<64xi32, #tpu.memory_space<vmem>>) semaphore(%arg14 : memref<!tpu.dma_semaphore, #tpu.memory_space<semaphore_mem>>)
    %scan3A = arith.constant 0 : i32
    %scan3A_30 = arith.constant 0 : i32
    %scan3A_31 = arith.constant 40 : i32
    %scan3A_32 = arith.addi %scan3A_30, %scan3A_31 : i32
    %scan3A_33 = arith.constant 1 : i32
    scf.for %scan3A_37 = %scan3A_30 to %scan3A_32 step %scan3A_33  : i32 {
      %mul3A_38 = arith.constant 4 : i32
      %mul3A_39 = arith.muli %mul3A_38, %scan3A_37 : i32
      %add3A_40 = arith.constant 0 : i32
      %add3A_41 = arith.addi %mul3A_39, %add3A_40 : i32
      %dma_wait3A = arith.constant 0 : i32
      %dma_wait3A_42 = arith.constant 0 : i32
      %dma_wait3A_43 = tpu.memref_slice %arg5[%dma_wait3A, %dma_wait3A_42] : memref<160x64xi32, #tpu.memory_space<vmem>> -> memref<1x64xi32, #tpu.memory_space<vmem>>
      %dma_wait3A_44 = tpu.memref_squeeze %dma_wait3A_43 : memref<1x64xi32, #tpu.memory_space<vmem>> -> memref<64xi32, #tpu.memory_space<vmem>>
      %dma_wait3A_45 = arith.constant 0 : i32
      %dma_wait3A_46 = arith.constant 0 : i32
      %dma_wait3A_47 = tpu.memref_slice %arg2[%dma_wait3A_45, %dma_wait3A_46] : memref<10000x128xf32, #tpu.memory_space<hbm>> -> memref<10000x128xf32, #tpu.memory_space<hbm>>
      tpu.wait_indirect_dma semaphore(%arg11 : memref<!tpu.dma_semaphore, #tpu.memory_space<semaphore_mem>>) src(%dma_wait3A_47 : memref<10000x128xf32, #tpu.memory_space<hbm>>) dst(%arg6 : memref<64x128xf32, #tpu.memory_space<vmem>>)
      %broadcast_in_dim3A = arith.constant 0.000000e+00 : f32
      %broadcast_in_dim3A_48 = vector.broadcast %broadcast_in_dim3A : f32 to vector<16xf32>
      %broadcast_in_dim3A_49 = arith.constant 0.000000e+00 : f32
      %broadcast_in_dim3A_50 = vector.broadcast %broadcast_in_dim3A_49 : f32 to vector<16xf32>
      %broadcast_in_dim3A_51 = arith.constant 0.000000e+00 : f32
      %broadcast_in_dim3A_52 = vector.broadcast %broadcast_in_dim3A_51 : f32 to vector<16xf32>
      %broadcast_in_dim3A_53 = arith.constant 0.000000e+00 : f32
      %broadcast_in_dim3A_54 = vector.broadcast %broadcast_in_dim3A_53 : f32 to vector<16xf32>
      %broadcast_in_dim3A_55 = arith.constant 0.000000e+00 : f32
      %broadcast_in_dim3A_56 = vector.broadcast %broadcast_in_dim3A_55 : f32 to vector<16xf32>
      %broadcast_in_dim3A_57 = arith.constant 0.000000e+00 : f32
      %broadcast_in_dim3A_58 = vector.broadcast %broadcast_in_dim3A_57 : f32 to vector<16xf32>
      %broadcast_in_dim3A_59 = arith.constant 0.000000e+00 : f32
      %broadcast_in_dim3A_60 = vector.broadcast %broadcast_in_dim3A_59 : f32 to vector<16xf32>
      %broadcast_in_dim3A_61 = arith.constant 0.000000e+00 : f32
      %broadcast_in_dim3A_62 = vector.broadcast %broadcast_in_dim3A_61 : f32 to vector<16xf32>
      %scan3A_63 = arith.constant 0 : i32
      %scan3A_64 = arith.constant 4 : i32
      %scan3A_65 = arith.addi %scan3A_63, %scan3A_64 : i32
      %scan3A_66 = arith.constant 1 : i32
      %scan3A_67:8 = scf.for %scan3A_624 = %scan3A_63 to %scan3A_65 step %scan3A_66 iter_args(%scan3A_625 = %broadcast_in_dim3A_48, %scan3A_626 = %broadcast_in_dim3A_50, %scan3A_627 = %broadcast_in_dim3A_52, %scan3A_628 = %broadcast_in_dim3A_54, %scan3A_629 = %broadcast_in_dim3A_56, %scan3A_630 = %broadcast_in_dim3A_58, %scan3A_631 = %broadcast_in_dim3A_60, %scan3A_632 = %broadcast_in_dim3A_62) -> (vector<16xf32>, vector<16xf32>, vector<16xf32>, vector<16xf32>, vector<16xf32>, vector<16xf32>, vector<16xf32>, vector<16xf32>)  : i32 {
        %mul3A_633 = arith.constant 8 : i32
        %mul3A_634 = arith.muli %scan3A_624, %mul3A_633 : i32
        %add3A_635 = arith.constant 0 : i32
        %add3A_636 = arith.addi %add3A_635, %mul3A_634 : i32
        %add3A_637 = arith.constant 0 : i32
        %add3A_638 = arith.addi %add3A_636, %add3A_637 : i32
        %get3A = arith.index_cast %add3A_638 : i32 to index
        %get3A_639 = arith.constant 0 : index
        %get3A_640 = tpu.vector_load %arg6[%get3A, %get3A_639] {strides = array<i32>} : memref<64x128xf32, #tpu.memory_space<vmem>>, vector<1x16xf32>,
        %get3A_641 = vector.shape_cast %get3A_640 : vector<1x16xf32> to vector<16xf32>
        %add3A_642 = arith.addf %scan3A_625, %get3A_641 : vector<16xf32>
        %get3A_643 = arith.index_cast %add3A_638 : i32 to index
        %get3A_644 = arith.constant 16 : index
        %get3A_645 = tpu.vector_load %arg6[%get3A_643, %get3A_644] {strides = array<i32>} : memref<64x128xf32, #tpu.memory_space<vmem>>, vector<1x16xf32>,
        %get3A_646 = vector.shape_cast %get3A_645 : vector<1x16xf32> to vector<16xf32>
        %add3A_647 = arith.addf %scan3A_626, %get3A_646 : vector<16xf32>
        %get3A_648 = arith.index_cast %add3A_638 : i32 to index
        %get3A_649 = arith.constant 32 : index
        %get3A_650 = tpu.vector_load %arg6[%get3A_648, %get3A_649] {strides = array<i32>} : memref<64x128xf32, #tpu.memory_space<vmem>>, vector<1x16xf32>,
        %get3A_651 = vector.shape_cast %get3A_650 : vector<1x16xf32> to vector<16xf32>
        %add3A_652 = arith.addf %scan3A_627, %get3A_651 : vector<16xf32>
        %get3A_653 = arith.index_cast %add3A_638 : i32 to index
        %get3A_654 = arith.constant 48 : index
        %get3A_655 = tpu.vector_load %arg6[%get3A_653, %get3A_654] {strides = array<i32>} : memref<64x128xf32, #tpu.memory_space<vmem>>, vector<1x16xf32>,
        %get3A_656 = vector.shape_cast %get3A_655 : vector<1x16xf32> to vector<16xf32>
        %add3A_657 = arith.addf %scan3A_628, %get3A_656 : vector<16xf32>
        %get3A_658 = arith.index_cast %add3A_638 : i32 to index
        %get3A_659 = arith.constant 64 : index
        %get3A_660 = tpu.vector_load %arg6[%get3A_658, %get3A_659] {strides = array<i32>} : memref<64x128xf32, #tpu.memory_space<vmem>>, vector<1x16xf32>,
        %get3A_661 = vector.shape_cast %get3A_660 : vector<1x16xf32> to vector<16xf32>
        %add3A_662 = arith.addf %scan3A_629, %get3A_661 : vector<16xf32>
        %get3A_663 = arith.index_cast %add3A_638 : i32 to index
        %get3A_664 = arith.constant 80 : index
        %get3A_665 = tpu.vector_load %arg6[%get3A_663, %get3A_664] {strides = array<i32>} : memref<64x128xf32, #tpu.memory_space<vmem>>, vector<1x16xf32>,
        %get3A_666 = vector.shape_cast %get3A_665 : vector<1x16xf32> to vector<16xf32>
        %add3A_667 = arith.addf %scan3A_630, %get3A_666 : vector<16xf32>
        %get3A_668 = arith.index_cast %add3A_638 : i32 to index
        %get3A_669 = arith.constant 96 : index
        %get3A_670 = tpu.vector_load %arg6[%get3A_668, %get3A_669] {strides = array<i32>} : memref<64x128xf32, #tpu.memory_space<vmem>>, vector<1x16xf32>,
        %get3A_671 = vector.shape_cast %get3A_670 : vector<1x16xf32> to vector<16xf32>
        %add3A_672 = arith.addf %scan3A_631, %get3A_671 : vector<16xf32>
        %get3A_673 = arith.index_cast %add3A_638 : i32 to index
        %get3A_674 = arith.constant 112 : index
        %get3A_675 = tpu.vector_load %arg6[%get3A_673, %get3A_674] {strides = array<i32>} : memref<64x128xf32, #tpu.memory_space<vmem>>, vector<1x16xf32>,
        %get3A_676 = vector.shape_cast %get3A_675 : vector<1x16xf32> to vector<16xf32>
        %add3A_677 = arith.addf %scan3A_632, %get3A_676 : vector<16xf32>
        %add3A_678 = arith.constant 1 : i32
        %add3A_679 = arith.addi %add3A_636, %add3A_678 : i32
        %get3A_680 = arith.index_cast %add3A_679 : i32 to index
        %get3A_681 = arith.constant 0 : index
        %get3A_682 = tpu.vector_load %arg6[%get3A_680, %get3A_681] {strides = array<i32>} : memref<64x128xf32, #tpu.memory_space<vmem>>, vector<1x16xf32>,
        %get3A_683 = vector.shape_cast %get3A_682 : vector<1x16xf32> to vector<16xf32>
        %add3A_684 = arith.addf %add3A_642, %get3A_683 : vector<16xf32>
        %get3A_685 = arith.index_cast %add3A_679 : i32 to index
        %get3A_686 = arith.constant 16 : index
        %get3A_687 = tpu.vector_load %arg6[%get3A_685, %get3A_686] {strides = array<i32>} : memref<64x128xf32, #tpu.memory_space<vmem>>, vector<1x16xf32>,
        %get3A_688 = vector.shape_cast %get3A_687 : vector<1x16xf32> to vector<16xf32>
        %add3A_689 = arith.addf %add3A_647, %get3A_688 : vector<16xf32>
        %get3A_690 = arith.index_cast %add3A_679 : i32 to index
        %get3A_691 = arith.constant 32 : index
        %get3A_692 = tpu.vector_load %arg6[%get3A_690, %get3A_691] {strides = array<i32>} : memref<64x128xf32, #tpu.memory_space<vmem>>, vector<1x16xf32>,
        %get3A_693 = vector.shape_cast %get3A_692 : vector<1x16xf32> to vector<16xf32>
        %add3A_694 = arith.addf %add3A_652, %get3A_693 : vector<16xf32>
        %get3A_695 = arith.index_cast %add3A_679 : i32 to index
        %get3A_696 = arith.constant 48 : index
        %get3A_697 = tpu.vector_load %arg6[%get3A_695, %get3A_696] {strides = array<i32>} : memref<64x128xf32, #tpu.memory_space<vmem>>, vector<1x16xf32>,
        %get3A_698 = vector.shape_cast %get3A_697 : vector<1x16xf32> to vector<16xf32>
        %add3A_699 = arith.addf %add3A_657, %get3A_698 : vector<16xf32>
        %get3A_700 = arith.index_cast %add3A_679 : i32 to index
        %get3A_701 = arith.constant 64 : index
        %get3A_702 = tpu.vector_load %arg6[%get3A_700, %get3A_701] {strides = array<i32>} : memref<64x128xf32, #tpu.memory_space<vmem>>, vector<1x16xf32>,
        %get3A_703 = vector.shape_cast %get3A_702 : vector<1x16xf32> to vector<16xf32>
        %add3A_704 = arith.addf %add3A_662, %get3A_703 : vector<16xf32>
        %get3A_705 = arith.index_cast %add3A_679 : i32 to index
        %get3A_706 = arith.constant 80 : index
        %get3A_707 = tpu.vector_load %arg6[%get3A_705, %get3A_706] {strides = array<i32>} : memref<64x128xf32, #tpu.memory_space<vmem>>, vector<1x16xf32>,
        %get3A_708 = vector.shape_cast %get3A_707 : vector<1x16xf32> to vector<16xf32>
        %add3A_709 = arith.addf %add3A_667, %get3A_708 : vector<16xf32>
        %get3A_710 = arith.index_cast %add3A_679 : i32 to index
        %get3A_711 = arith.constant 96 : index
        %get3A_712 = tpu.vector_load %arg6[%get3A_710, %get3A_711] {strides = array<i32>} : memref<64x128xf32, #tpu.memory_space<vmem>>, vector<1x16xf32>,
        %get3A_713 = vector.shape_cast %get3A_712 : vector<1x16xf32> to vector<16xf32>
        %add3A_714 = arith.addf %add3A_672, %get3A_713 : vector<16xf32>
        %get3A_715 = arith.index_cast %add3A_679 : i32 to index
        %get3A_716 = arith.constant 112 : index
        %get3A_717 = tpu.vector_load %arg6[%get3A_715, %get3A_716] {strides = array<i32>} : memref<64x128xf32, #tpu.memory_space<vmem>>, vector<1x16xf32>,
        %get3A_718 = vector.shape_cast %get3A_717 : vector<1x16xf32> to vector<16xf32>
        %add3A_719 = arith.addf %add3A_677, %get3A_718 : vector<16xf32>
        %add3A_720 = arith.constant 2 : i32
        %add3A_721 = arith.addi %add3A_636, %add3A_720 : i32
        %get3A_722 = arith.index_cast %add3A_721 : i32 to index
        %get3A_723 = arith.constant 0 : index
        %get3A_724 = tpu.vector_load %arg6[%get3A_722, %get3A_723] {strides = array<i32>} : memref<64x128xf32, #tpu.memory_space<vmem>>, vector<1x16xf32>,
        %get3A_725 = vector.shape_cast %get3A_724 : vector<1x16xf32> to vector<16xf32>
        %add3A_726 = arith.addf %add3A_684, %get3A_725 : vector<16xf32>
        %get3A_727 = arith.index_cast %add3A_721 : i32 to index
        %get3A_728 = arith.constant 16 : index
        %get3A_729 = tpu.vector_load %arg6[%get3A_727, %get3A_728] {strides = array<i32>} : memref<64x128xf32, #tpu.memory_space<vmem>>, vector<1x16xf32>,
        %get3A_730 = vector.shape_cast %get3A_729 : vector<1x16xf32> to vector<16xf32>
        %add3A_731 = arith.addf %add3A_689, %get3A_730 : vector<16xf32>
        %get3A_732 = arith.index_cast %add3A_721 : i32 to index
        %get3A_733 = arith.constant 32 : index
        %get3A_734 = tpu.vector_load %arg6[%get3A_732, %get3A_733] {strides = array<i32>} : memref<64x128xf32, #tpu.memory_space<vmem>>, vector<1x16xf32>,
        %get3A_735 = vector.shape_cast %get3A_734 : vector<1x16xf32> to vector<16xf32>
        %add3A_736 = arith.addf %add3A_694, %get3A_735 : vector<16xf32>
        %get3A_737 = arith.index_cast %add3A_721 : i32 to index
        %get3A_738 = arith.constant 48 : index
        %get3A_739 = tpu.vector_load %arg6[%get3A_737, %get3A_738] {strides = array<i32>} : memref<64x128xf32, #tpu.memory_space<vmem>>, vector<1x16xf32>,
        %get3A_740 = vector.shape_cast %get3A_739 : vector<1x16xf32> to vector<16xf32>
        %add3A_741 = arith.addf %add3A_699, %get3A_740 : vector<16xf32>
        %get3A_742 = arith.index_cast %add3A_721 : i32 to index
        %get3A_743 = arith.constant 64 : index
        %get3A_744 = tpu.vector_load %arg6[%get3A_742, %get3A_743] {strides = array<i32>} : memref<64x128xf32, #tpu.memory_space<vmem>>, vector<1x16xf32>,
        %get3A_745 = vector.shape_cast %get3A_744 : vector<1x16xf32> to vector<16xf32>
        %add3A_746 = arith.addf %add3A_704, %get3A_745 : vector<16xf32>
        %get3A_747 = arith.index_cast %add3A_721 : i32 to index
        %get3A_748 = arith.constant 80 : index
        %get3A_749 = tpu.vector_load %arg6[%get3A_747, %get3A_748] {strides = array<i32>} : memref<64x128xf32, #tpu.memory_space<vmem>>, vector<1x16xf32>,
        %get3A_750 = vector.shape_cast %get3A_749 : vector<1x16xf32> to vector<16xf32>
        %add3A_751 = arith.addf %add3A_709, %get3A_750 : vector<16xf32>
        %get3A_752 = arith.index_cast %add3A_721 : i32 to index
        %get3A_753 = arith.constant 96 : index
        %get3A_754 = tpu.vector_load %arg6[%get3A_752, %get3A_753] {strides = array<i32>} : memref<64x128xf32, #tpu.memory_space<vmem>>, vector<1x16xf32>,
        %get3A_755 = vector.shape_cast %get3A_754 : vector<1x16xf32> to vector<16xf32>
        %add3A_756 = arith.addf %add3A_714, %get3A_755 : vector<16xf32>
        %get3A_757 = arith.index_cast %add3A_721 : i32 to index
        %get3A_758 = arith.constant 112 : index
        %get3A_759 = tpu.vector_load %arg6[%get3A_757, %get3A_758] {strides = array<i32>} : memref<64x128xf32, #tpu.memory_space<vmem>>, vector<1x16xf32>,
        %get3A_760 = vector.shape_cast %get3A_759 : vector<1x16xf32> to vector<16xf32>
        %add3A_761 = arith.addf %add3A_719, %get3A_760 : vector<16xf32>
        %add3A_762 = arith.constant 3 : i32
        %add3A_763 = arith.addi %add3A_636, %add3A_762 : i32
        %get3A_764 = arith.index_cast %add3A_763 : i32 to index
        %get3A_765 = arith.constant 0 : index
        %get3A_766 = tpu.vector_load %arg6[%get3A_764, %get3A_765] {strides = array<i32>} : memref<64x128xf32, #tpu.memory_space<vmem>>, vector<1x16xf32>,
        %get3A_767 = vector.shape_cast %get3A_766 : vector<1x16xf32> to vector<16xf32>
        %add3A_768 = arith.addf %add3A_726, %get3A_767 : vector<16xf32>
        %get3A_769 = arith.index_cast %add3A_763 : i32 to index
        %get3A_770 = arith.constant 16 : index
        %get3A_771 = tpu.vector_load %arg6[%get3A_769, %get3A_770] {strides = array<i32>} : memref<64x128xf32, #tpu.memory_space<vmem>>, vector<1x16xf32>,
        %get3A_772 = vector.shape_cast %get3A_771 : vector<1x16xf32> to vector<16xf32>
        %add3A_773 = arith.addf %add3A_731, %get3A_772 : vector<16xf32>
        %get3A_774 = arith.index_cast %add3A_763 : i32 to index
        %get3A_775 = arith.constant 32 : index
        %get3A_776 = tpu.vector_load %arg6[%get3A_774, %get3A_775] {strides = array<i32>} : memref<64x128xf32, #tpu.memory_space<vmem>>, vector<1x16xf32>,
        %get3A_777 = vector.shape_cast %get3A_776 : vector<1x16xf32> to vector<16xf32>
        %add3A_778 = arith.addf %add3A_736, %get3A_777 : vector<16xf32>
        %get3A_779 = arith.index_cast %add3A_763 : i32 to index
        %get3A_780 = arith.constant 48 : index
        %get3A_781 = tpu.vector_load %arg6[%get3A_779, %get3A_780] {strides = array<i32>} : memref<64x128xf32, #tpu.memory_space<vmem>>, vector<1x16xf32>,
        %get3A_782 = vector.shape_cast %get3A_781 : vector<1x16xf32> to vector<16xf32>
        %add3A_783 = arith.addf %add3A_741, %get3A_782 : vector<16xf32>
        %get3A_784 = arith.index_cast %add3A_763 : i32 to index
        %get3A_785 = arith.constant 64 : index
        %get3A_786 = tpu.vector_load %arg6[%get3A_784, %get3A_785] {strides = array<i32>} : memref<64x128xf32, #tpu.memory_space<vmem>>, vector<1x16xf32>,
        %get3A_787 = vector.shape_cast %get3A_786 : vector<1x16xf32> to vector<16xf32>
        %add3A_788 = arith.addf %add3A_746, %get3A_787 : vector<16xf32>
        %get3A_789 = arith.index_cast %add3A_763 : i32 to index
        %get3A_790 = arith.constant 80 : index
        %get3A_791 = tpu.vector_load %arg6[%get3A_789, %get3A_790] {strides = array<i32>} : memref<64x128xf32, #tpu.memory_space<vmem>>, vector<1x16xf32>,
        %get3A_792 = vector.shape_cast %get3A_791 : vector<1x16xf32> to vector<16xf32>
        %add3A_793 = arith.addf %add3A_751, %get3A_792 : vector<16xf32>
        %get3A_794 = arith.index_cast %add3A_763 : i32 to index
        %get3A_795 = arith.constant 96 : index
        %get3A_796 = tpu.vector_load %arg6[%get3A_794, %get3A_795] {strides = array<i32>} : memref<64x128xf32, #tpu.memory_space<vmem>>, vector<1x16xf32>,
        %get3A_797 = vector.shape_cast %get3A_796 : vector<1x16xf32> to vector<16xf32>
        %add3A_798 = arith.addf %add3A_756, %get3A_797 : vector<16xf32>
        %get3A_799 = arith.index_cast %add3A_763 : i32 to index
        %get3A_800 = arith.constant 112 : index
        %get3A_801 = tpu.vector_load %arg6[%get3A_799, %get3A_800] {strides = array<i32>} : memref<64x128xf32, #tpu.memory_space<vmem>>, vector<1x16xf32>,
        %get3A_802 = vector.shape_cast %get3A_801 : vector<1x16xf32> to vector<16xf32>
        %add3A_803 = arith.addf %add3A_761, %get3A_802 : vector<16xf32>
        %add3A_804 = arith.constant 4 : i32
        %add3A_805 = arith.addi %add3A_636, %add3A_804 : i32
        %get3A_806 = arith.index_cast %add3A_805 : i32 to index
        %get3A_807 = arith.constant 0 : index
        %get3A_808 = tpu.vector_load %arg6[%get3A_806, %get3A_807] {strides = array<i32>} : memref<64x128xf32, #tpu.memory_space<vmem>>, vector<1x16xf32>,
        %get3A_809 = vector.shape_cast %get3A_808 : vector<1x16xf32> to vector<16xf32>
        %add3A_810 = arith.addf %add3A_768, %get3A_809 : vector<16xf32>
        %get3A_811 = arith.index_cast %add3A_805 : i32 to index
        %get3A_812 = arith.constant 16 : index
        %get3A_813 = tpu.vector_load %arg6[%get3A_811, %get3A_812] {strides = array<i32>} : memref<64x128xf32, #tpu.memory_space<vmem>>, vector<1x16xf32>,
        %get3A_814 = vector.shape_cast %get3A_813 : vector<1x16xf32> to vector<16xf32>
        %add3A_815 = arith.addf %add3A_773, %get3A_814 : vector<16xf32>
        %get3A_816 = arith.index_cast %add3A_805 : i32 to index
        %get3A_817 = arith.constant 32 : index
        %get3A_818 = tpu.vector_load %arg6[%get3A_816, %get3A_817] {strides = array<i32>} : memref<64x128xf32, #tpu.memory_space<vmem>>, vector<1x16xf32>,
        %get3A_819 = vector.shape_cast %get3A_818 : vector<1x16xf32> to vector<16xf32>
        %add3A_820 = arith.addf %add3A_778, %get3A_819 : vector<16xf32>
        %get3A_821 = arith.index_cast %add3A_805 : i32 to index
        %get3A_822 = arith.constant 48 : index
        %get3A_823 = tpu.vector_load %arg6[%get3A_821, %get3A_822] {strides = array<i32>} : memref<64x128xf32, #tpu.memory_space<vmem>>, vector<1x16xf32>,
        %get3A_824 = vector.shape_cast %get3A_823 : vector<1x16xf32> to vector<16xf32>
        %add3A_825 = arith.addf %add3A_783, %get3A_824 : vector<16xf32>
        %get3A_826 = arith.index_cast %add3A_805 : i32 to index
        %get3A_827 = arith.constant 64 : index
        %get3A_828 = tpu.vector_load %arg6[%get3A_826, %get3A_827] {strides = array<i32>} : memref<64x128xf32, #tpu.memory_space<vmem>>, vector<1x16xf32>,
        %get3A_829 = vector.shape_cast %get3A_828 : vector<1x16xf32> to vector<16xf32>
        %add3A_830 = arith.addf %add3A_788, %get3A_829 : vector<16xf32>
        %get3A_831 = arith.index_cast %add3A_805 : i32 to index
        %get3A_832 = arith.constant 80 : index
        %get3A_833 = tpu.vector_load %arg6[%get3A_831, %get3A_832] {strides = array<i32>} : memref<64x128xf32, #tpu.memory_space<vmem>>, vector<1x16xf32>,
        %get3A_834 = vector.shape_cast %get3A_833 : vector<1x16xf32> to vector<16xf32>
        %add3A_835 = arith.addf %add3A_793, %get3A_834 : vector<16xf32>
        %get3A_836 = arith.index_cast %add3A_805 : i32 to index
        %get3A_837 = arith.constant 96 : index
        %get3A_838 = tpu.vector_load %arg6[%get3A_836, %get3A_837] {strides = array<i32>} : memref<64x128xf32, #tpu.memory_space<vmem>>, vector<1x16xf32>,
        %get3A_839 = vector.shape_cast %get3A_838 : vector<1x16xf32> to vector<16xf32>
        %add3A_840 = arith.addf %add3A_798, %get3A_839 : vector<16xf32>
        %get3A_841 = arith.index_cast %add3A_805 : i32 to index
        %get3A_842 = arith.constant 112 : index
        %get3A_843 = tpu.vector_load %arg6[%get3A_841, %get3A_842] {strides = array<i32>} : memref<64x128xf32, #tpu.memory_space<vmem>>, vector<1x16xf32>,
        %get3A_844 = vector.shape_cast %get3A_843 : vector<1x16xf32> to vector<16xf32>
        %add3A_845 = arith.addf %add3A_803, %get3A_844 : vector<16xf32>
        %add3A_846 = arith.constant 5 : i32
        %add3A_847 = arith.addi %add3A_636, %add3A_846 : i32
        %get3A_848 = arith.index_cast %add3A_847 : i32 to index
        %get3A_849 = arith.constant 0 : index
        %get3A_850 = tpu.vector_load %arg6[%get3A_848, %get3A_849] {strides = array<i32>} : memref<64x128xf32, #tpu.memory_space<vmem>>, vector<1x16xf32>,
        %get3A_851 = vector.shape_cast %get3A_850 : vector<1x16xf32> to vector<16xf32>
        %add3A_852 = arith.addf %add3A_810, %get3A_851 : vector<16xf32>
        %get3A_853 = arith.index_cast %add3A_847 : i32 to index
        %get3A_854 = arith.constant 16 : index
        %get3A_855 = tpu.vector_load %arg6[%get3A_853, %get3A_854] {strides = array<i32>} : memref<64x128xf32, #tpu.memory_space<vmem>>, vector<1x16xf32>,
        %get3A_856 = vector.shape_cast %get3A_855 : vector<1x16xf32> to vector<16xf32>
        %add3A_857 = arith.addf %add3A_815, %get3A_856 : vector<16xf32>
        %get3A_858 = arith.index_cast %add3A_847 : i32 to index
        %get3A_859 = arith.constant 32 : index
        %get3A_860 = tpu.vector_load %arg6[%get3A_858, %get3A_859] {strides = array<i32>} : memref<64x128xf32, #tpu.memory_space<vmem>>, vector<1x16xf32>,
        %get3A_861 = vector.shape_cast %get3A_860 : vector<1x16xf32> to vector<16xf32>
        %add3A_862 = arith.addf %add3A_820, %get3A_861 : vector<16xf32>
        %get3A_863 = arith.index_cast %add3A_847 : i32 to index
        %get3A_864 = arith.constant 48 : index
        %get3A_865 = tpu.vector_load %arg6[%get3A_863, %get3A_864] {strides = array<i32>} : memref<64x128xf32, #tpu.memory_space<vmem>>, vector<1x16xf32>,
        %get3A_866 = vector.shape_cast %get3A_865 : vector<1x16xf32> to vector<16xf32>
        %add3A_867 = arith.addf %add3A_825, %get3A_866 : vector<16xf32>
        %get3A_868 = arith.index_cast %add3A_847 : i32 to index
        %get3A_869 = arith.constant 64 : index
        %get3A_870 = tpu.vector_load %arg6[%get3A_868, %get3A_869] {strides = array<i32>} : memref<64x128xf32, #tpu.memory_space<vmem>>, vector<1x16xf32>,
        %get3A_871 = vector.shape_cast %get3A_870 : vector<1x16xf32> to vector<16xf32>
        %add3A_872 = arith.addf %add3A_830, %get3A_871 : vector<16xf32>
        %get3A_873 = arith.index_cast %add3A_847 : i32 to index
        %get3A_874 = arith.constant 80 : index
        %get3A_875 = tpu.vector_load %arg6[%get3A_873, %get3A_874] {strides = array<i32>} : memref<64x128xf32, #tpu.memory_space<vmem>>, vector<1x16xf32>,
        %get3A_876 = vector.shape_cast %get3A_875 : vector<1x16xf32> to vector<16xf32>
        %add3A_877 = arith.addf %add3A_835, %get3A_876 : vector<16xf32>
        %get3A_878 = arith.index_cast %add3A_847 : i32 to index
        %get3A_879 = arith.constant 96 : index
        %get3A_880 = tpu.vector_load %arg6[%get3A_878, %get3A_879] {strides = array<i32>} : memref<64x128xf32, #tpu.memory_space<vmem>>, vector<1x16xf32>,
        %get3A_881 = vector.shape_cast %get3A_880 : vector<1x16xf32> to vector<16xf32>
        %add3A_882 = arith.addf %add3A_840, %get3A_881 : vector<16xf32>
        %get3A_883 = arith.index_cast %add3A_847 : i32 to index
        %get3A_884 = arith.constant 112 : index
        %get3A_885 = tpu.vector_load %arg6[%get3A_883, %get3A_884] {strides = array<i32>} : memref<64x128xf32, #tpu.memory_space<vmem>>, vector<1x16xf32>,
        %get3A_886 = vector.shape_cast %get3A_885 : vector<1x16xf32> to vector<16xf32>
        %add3A_887 = arith.addf %add3A_845, %get3A_886 : vector<16xf32>
        %add3A_888 = arith.constant 6 : i32
        %add3A_889 = arith.addi %add3A_636, %add3A_888 : i32
        %get3A_890 = arith.index_cast %add3A_889 : i32 to index
        %get3A_891 = arith.constant 0 : index
        %get3A_892 = tpu.vector_load %arg6[%get3A_890, %get3A_891] {strides = array<i32>} : memref<64x128xf32, #tpu.memory_space<vmem>>, vector<1x16xf32>,
        %get3A_893 = vector.shape_cast %get3A_892 : vector<1x16xf32> to vector<16xf32>
        %add3A_894 = arith.addf %add3A_852, %get3A_893 : vector<16xf32>
        %get3A_895 = arith.index_cast %add3A_889 : i32 to index
        %get3A_896 = arith.constant 16 : index
        %get3A_897 = tpu.vector_load %arg6[%get3A_895, %get3A_896] {strides = array<i32>} : memref<64x128xf32, #tpu.memory_space<vmem>>, vector<1x16xf32>,
        %get3A_898 = vector.shape_cast %get3A_897 : vector<1x16xf32> to vector<16xf32>
        %add3A_899 = arith.addf %add3A_857, %get3A_898 : vector<16xf32>
        %get3A_900 = arith.index_cast %add3A_889 : i32 to index
        %get3A_901 = arith.constant 32 : index
        %get3A_902 = tpu.vector_load %arg6[%get3A_900, %get3A_901] {strides = array<i32>} : memref<64x128xf32, #tpu.memory_space<vmem>>, vector<1x16xf32>,
        %get3A_903 = vector.shape_cast %get3A_902 : vector<1x16xf32> to vector<16xf32>
        %add3A_904 = arith.addf %add3A_862, %get3A_903 : vector<16xf32>
        %get3A_905 = arith.index_cast %add3A_889 : i32 to index
        %get3A_906 = arith.constant 48 : index
        %get3A_907 = tpu.vector_load %arg6[%get3A_905, %get3A_906] {strides = array<i32>} : memref<64x128xf32, #tpu.memory_space<vmem>>, vector<1x16xf32>,
        %get3A_908 = vector.shape_cast %get3A_907 : vector<1x16xf32> to vector<16xf32>
        %add3A_909 = arith.addf %add3A_867, %get3A_908 : vector<16xf32>
        %get3A_910 = arith.index_cast %add3A_889 : i32 to index
        %get3A_911 = arith.constant 64 : index
        %get3A_912 = tpu.vector_load %arg6[%get3A_910, %get3A_911] {strides = array<i32>} : memref<64x128xf32, #tpu.memory_space<vmem>>, vector<1x16xf32>,
        %get3A_913 = vector.shape_cast %get3A_912 : vector<1x16xf32> to vector<16xf32>
        %add3A_914 = arith.addf %add3A_872, %get3A_913 : vector<16xf32>
        %get3A_915 = arith.index_cast %add3A_889 : i32 to index
        %get3A_916 = arith.constant 80 : index
        %get3A_917 = tpu.vector_load %arg6[%get3A_915, %get3A_916] {strides = array<i32>} : memref<64x128xf32, #tpu.memory_space<vmem>>, vector<1x16xf32>,
        %get3A_918 = vector.shape_cast %get3A_917 : vector<1x16xf32> to vector<16xf32>
        %add3A_919 = arith.addf %add3A_877, %get3A_918 : vector<16xf32>
        %get3A_920 = arith.index_cast %add3A_889 : i32 to index
        %get3A_921 = arith.constant 96 : index
        %get3A_922 = tpu.vector_load %arg6[%get3A_920, %get3A_921] {strides = array<i32>} : memref<64x128xf32, #tpu.memory_space<vmem>>, vector<1x16xf32>,
        %get3A_923 = vector.shape_cast %get3A_922 : vector<1x16xf32> to vector<16xf32>
        %add3A_924 = arith.addf %add3A_882, %get3A_923 : vector<16xf32>
        %get3A_925 = arith.index_cast %add3A_889 : i32 to index
        %get3A_926 = arith.constant 112 : index
        %get3A_927 = tpu.vector_load %arg6[%get3A_925, %get3A_926] {strides = array<i32>} : memref<64x128xf32, #tpu.memory_space<vmem>>, vector<1x16xf32>,
        %get3A_928 = vector.shape_cast %get3A_927 : vector<1x16xf32> to vector<16xf32>
        %add3A_929 = arith.addf %add3A_887, %get3A_928 : vector<16xf32>
        %add3A_930 = arith.constant 7 : i32
        %add3A_931 = arith.addi %add3A_636, %add3A_930 : i32
        %get3A_932 = arith.index_cast %add3A_931 : i32 to index
        %get3A_933 = arith.constant 0 : index
        %get3A_934 = tpu.vector_load %arg6[%get3A_932, %get3A_933] {strides = array<i32>} : memref<64x128xf32, #tpu.memory_space<vmem>>, vector<1x16xf32>,
        %get3A_935 = vector.shape_cast %get3A_934 : vector<1x16xf32> to vector<16xf32>
        %add3A_936 = arith.addf %add3A_894, %get3A_935 : vector<16xf32>
        %get3A_937 = arith.index_cast %add3A_931 : i32 to index
        %get3A_938 = arith.constant 16 : index
        %get3A_939 = tpu.vector_load %arg6[%get3A_937, %get3A_938] {strides = array<i32>} : memref<64x128xf32, #tpu.memory_space<vmem>>, vector<1x16xf32>,
        %get3A_940 = vector.shape_cast %get3A_939 : vector<1x16xf32> to vector<16xf32>
        %add3A_941 = arith.addf %add3A_899, %get3A_940 : vector<16xf32>
        %get3A_942 = arith.index_cast %add3A_931 : i32 to index
        %get3A_943 = arith.constant 32 : index
        %get3A_944 = tpu.vector_load %arg6[%get3A_942, %get3A_943] {strides = array<i32>} : memref<64x128xf32, #tpu.memory_space<vmem>>, vector<1x16xf32>,
        %get3A_945 = vector.shape_cast %get3A_944 : vector<1x16xf32> to vector<16xf32>
        %add3A_946 = arith.addf %add3A_904, %get3A_945 : vector<16xf32>
        %get3A_947 = arith.index_cast %add3A_931 : i32 to index
        %get3A_948 = arith.constant 48 : index
        %get3A_949 = tpu.vector_load %arg6[%get3A_947, %get3A_948] {strides = array<i32>} : memref<64x128xf32, #tpu.memory_space<vmem>>, vector<1x16xf32>,
        %get3A_950 = vector.shape_cast %get3A_949 : vector<1x16xf32> to vector<16xf32>
        %add3A_951 = arith.addf %add3A_909, %get3A_950 : vector<16xf32>
        %get3A_952 = arith.index_cast %add3A_931 : i32 to index
        %get3A_953 = arith.constant 64 : index
        %get3A_954 = tpu.vector_load %arg6[%get3A_952, %get3A_953] {strides = array<i32>} : memref<64x128xf32, #tpu.memory_space<vmem>>, vector<1x16xf32>,
        %get3A_955 = vector.shape_cast %get3A_954 : vector<1x16xf32> to vector<16xf32>
        %add3A_956 = arith.addf %add3A_914, %get3A_955 : vector<16xf32>
        %get3A_957 = arith.index_cast %add3A_931 : i32 to index
        %get3A_958 = arith.constant 80 : index
        %get3A_959 = tpu.vector_load %arg6[%get3A_957, %get3A_958] {strides = array<i32>} : memref<64x128xf32, #tpu.memory_space<vmem>>, vector<1x16xf32>,
        %get3A_960 = vector.shape_cast %get3A_959 : vector<1x16xf32> to vector<16xf32>
        %add3A_961 = arith.addf %add3A_919, %get3A_960 : vector<16xf32>
        %get3A_962 = arith.index_cast %add3A_931 : i32 to index
        %get3A_963 = arith.constant 96 : index
        %get3A_964 = tpu.vector_load %arg6[%get3A_962, %get3A_963] {strides = array<i32>} : memref<64x128xf32, #tpu.memory_space<vmem>>, vector<1x16xf32>,
        %get3A_965 = vector.shape_cast %get3A_964 : vector<1x16xf32> to vector<16xf32>
        %add3A_966 = arith.addf %add3A_924, %get3A_965 : vector<16xf32>
        %get3A_967 = arith.index_cast %add3A_931 : i32 to index
        %get3A_968 = arith.constant 112 : index
        %get3A_969 = tpu.vector_load %arg6[%get3A_967, %get3A_968] {strides = array<i32>} : memref<64x128xf32, #tpu.memory_space<vmem>>, vector<1x16xf32>,
        %get3A_970 = vector.shape_cast %get3A_969 : vector<1x16xf32> to vector<16xf32>
        %add3A_971 = arith.addf %add3A_929, %get3A_970 : vector<16xf32>
        scf.yield %add3A_936, %add3A_941, %add3A_946, %add3A_951, %add3A_956, %add3A_961, %add3A_966, %add3A_971 : vector<16xf32>, vector<16xf32>, vector<16xf32>, vector<16xf32>, vector<16xf32>, vector<16xf32>, vector<16xf32>, vector<16xf32>
      }
      %scan3A_68 = arith.constant 4 : i32
      %mul3A_69 = arith.constant 2 : i32
      %mul3A_70 = arith.muli %add3A_41, %mul3A_69 : i32
      %add3A_71 = arith.constant 0 : i32
      %add3A_72 = arith.addi %mul3A_70, %add3A_71 : i32
      %swap3A = arith.index_cast %add3A_72 : i32 to index
      %swap3A_73 = arith.constant 0 : index
      %swap3A_74 = tpu.vector_load %arg10[%swap3A, %swap3A_73] {strides = array<i32>} : memref<320x128xf32, #tpu.memory_space<vmem>>, vector<1x16xf32>,
      %swap3A_75 = vector.shape_cast %swap3A_74 : vector<1x16xf32> to vector<16xf32>
      %swap3A_76 = vector.shape_cast %scan3A_67#0 : vector<16xf32> to vector<1x16xf32>
      tpu.vector_store %arg10[%swap3A, %swap3A_73], %swap3A_76 {strides = array<i32>} : memref<320x128xf32, #tpu.memory_space<vmem>>, vector<1x16xf32>,
      %swap3A_77 = arith.index_cast %add3A_72 : i32 to index
      %swap3A_78 = arith.constant 16 : index
      %swap3A_79 = tpu.vector_load %arg10[%swap3A_77, %swap3A_78] {strides = array<i32>} : memref<320x128xf32, #tpu.memory_space<vmem>>, vector<1x16xf32>,
      %swap3A_80 = vector.shape_cast %swap3A_79 : vector<1x16xf32> to vector<16xf32>
      %swap3A_81 = vector.shape_cast %scan3A_67#1 : vector<16xf32> to vector<1x16xf32>
      tpu.vector_store %arg10[%swap3A_77, %swap3A_78], %swap3A_81 {strides = array<i32>} : memref<320x128xf32, #tpu.memory_space<vmem>>, vector<1x16xf32>,
      %swap3A_82 = arith.index_cast %add3A_72 : i32 to index
      %swap3A_83 = arith.constant 32 : index
      %swap3A_84 = tpu.vector_load %arg10[%swap3A_82, %swap3A_83] {strides = array<i32>} : memref<320x128xf32, #tpu.memory_space<vmem>>, vector<1x16xf32>,
      %swap3A_85 = vector.shape_cast %swap3A_84 : vector<1x16xf32> to vector<16xf32>
      %swap3A_86 = vector.shape_cast %scan3A_67#2 : vector<16xf32> to vector<1x16xf32>
      tpu.vector_store %arg10[%swap3A_82, %swap3A_83], %swap3A_86 {strides = array<i32>} : memref<320x128xf32, #tpu.memory_space<vmem>>, vector<1x16xf32>,
      %swap3A_87 = arith.index_cast %add3A_72 : i32 to index
      %swap3A_88 = arith.constant 48 : index
      %swap3A_89 = tpu.vector_load %arg10[%swap3A_87, %swap3A_88] {strides = array<i32>} : memref<320x128xf32, #tpu.memory_space<vmem>>, vector<1x16xf32>,
      %swap3A_90 = vector.shape_cast %swap3A_89 : vector<1x16xf32> to vector<16xf32>
      %swap3A_91 = vector.shape_cast %scan3A_67#3 : vector<16xf32> to vector<1x16xf32>
      tpu.vector_store %arg10[%swap3A_87, %swap3A_88], %swap3A_91 {strides = array<i32>} : memref<320x128xf32, #tpu.memory_space<vmem>>, vector<1x16xf32>,
      %swap3A_92 = arith.index_cast %add3A_72 : i32 to index
      %swap3A_93 = arith.constant 64 : index
      %swap3A_94 = tpu.vector_load %arg10[%swap3A_92, %swap3A_93] {strides = array<i32>} : memref<320x128xf32, #tpu.memory_space<vmem>>, vector<1x16xf32>,
      %swap3A_95 = vector.shape_cast %swap3A_94 : vector<1x16xf32> to vector<16xf32>
      %swap3A_96 = vector.shape_cast %scan3A_67#4 : vector<16xf32> to vector<1x16xf32>
      tpu.vector_store %arg10[%swap3A_92, %swap3A_93], %swap3A_96 {strides = array<i32>} : memref<320x128xf32, #tpu.memory_space<vmem>>, vector<1x16xf32>,
      %swap3A_97 = arith.index_cast %add3A_72 : i32 to index
      %swap3A_98 = arith.constant 80 : index
      %swap3A_99 = tpu.vector_load %arg10[%swap3A_97, %swap3A_98] {strides = array<i32>} : memref<320x128xf32, #tpu.memory_space<vmem>>, vector<1x16xf32>,
      %swap3A_100 = vector.shape_cast %swap3A_99 : vector<1x16xf32> to vector<16xf32>
      %swap3A_101 = vector.shape_cast %scan3A_67#5 : vector<16xf32> to vector<1x16xf32>
      tpu.vector_store %arg10[%swap3A_97, %swap3A_98], %swap3A_101 {strides = array<i32>} : memref<320x128xf32, #tpu.memory_space<vmem>>, vector<1x16xf32>,
      %swap3A_102 = arith.index_cast %add3A_72 : i32 to index
      %swap3A_103 = arith.constant 96 : index
      %swap3A_104 = tpu.vector_load %arg10[%swap3A_102, %swap3A_103] {strides = array<i32>} : memref<320x128xf32, #tpu.memory_space<vmem>>, vector<1x16xf32>,
      %swap3A_105 = vector.shape_cast %swap3A_104 : vector<1x16xf32> to vector<16xf32>
      %swap3A_106 = vector.shape_cast %scan3A_67#6 : vector<16xf32> to vector<1x16xf32>
      tpu.vector_store %arg10[%swap3A_102, %swap3A_103], %swap3A_106 {strides = array<i32>} : memref<320x128xf32, #tpu.memory_space<vmem>>, vector<1x16xf32>,
      %swap3A_107 = arith.index_cast %add3A_72 : i32 to index
      %swap3A_108 = arith.constant 112 : index
      %swap3A_109 = tpu.vector_load %arg10[%swap3A_107, %swap3A_108] {strides = array<i32>} : memref<320x128xf32, #tpu.memory_space<vmem>>, vector<1x16xf32>,
      %swap3A_110 = vector.shape_cast %swap3A_109 : vector<1x16xf32> to vector<16xf32>
      %swap3A_111 = vector.shape_cast %scan3A_67#7 : vector<16xf32> to vector<1x16xf32>
      tpu.vector_store %arg10[%swap3A_107, %swap3A_108], %swap3A_111 {strides = array<i32>} : memref<320x128xf32, #tpu.memory_space<vmem>>, vector<1x16xf32>,
      %broadcast_in_dim3A_112 = arith.constant 0.000000e+00 : f32
      %broadcast_in_dim3A_113 = vector.broadcast %broadcast_in_dim3A_112 : f32 to vector<16xf32>
      %broadcast_in_dim3A_114 = arith.constant 0.000000e+00 : f32
      %broadcast_in_dim3A_115 = vector.broadcast %broadcast_in_dim3A_114 : f32 to vector<16xf32>
      %broadcast_in_dim3A_116 = arith.constant 0.000000e+00 : f32
      %broadcast_in_dim3A_117 = vector.broadcast %broadcast_in_dim3A_116 : f32 to vector<16xf32>
      %broadcast_in_dim3A_118 = arith.constant 0.000000e+00 : f32
      %broadcast_in_dim3A_119 = vector.broadcast %broadcast_in_dim3A_118 : f32 to vector<16xf32>
      %broadcast_in_dim3A_120 = arith.constant 0.000000e+00 : f32
      %broadcast_in_dim3A_121 = vector.broadcast %broadcast_in_dim3A_120 : f32 to vector<16xf32>
      %broadcast_in_dim3A_122 = arith.constant 0.000000e+00 : f32
      %broadcast_in_dim3A_123 = vector.broadcast %broadcast_in_dim3A_122 : f32 to vector<16xf32>
      %broadcast_in_dim3A_124 = arith.constant 0.000000e+00 : f32
      %broadcast_in_dim3A_125 = vector.broadcast %broadcast_in_dim3A_124 : f32 to vector<16xf32>
      %broadcast_in_dim3A_126 = arith.constant 0.000000e+00 : f32
      %broadcast_in_dim3A_127 = vector.broadcast %broadcast_in_dim3A_126 : f32 to vector<16xf32>
      %scan3A_128 = arith.constant 0 : i32
      %scan3A_129 = arith.constant 4 : i32
      %scan3A_130 = arith.addi %scan3A_128, %scan3A_129 : i32
      %scan3A_131 = arith.constant 1 : i32
      %scan3A_132:8 = scf.for %scan3A_624 = %scan3A_128 to %scan3A_130 step %scan3A_131 iter_args(%scan3A_625 = %broadcast_in_dim3A_113, %scan3A_626 = %broadcast_in_dim3A_115, %scan3A_627 = %broadcast_in_dim3A_117, %scan3A_628 = %broadcast_in_dim3A_119, %scan3A_629 = %broadcast_in_dim3A_121, %scan3A_630 = %broadcast_in_dim3A_123, %scan3A_631 = %broadcast_in_dim3A_125, %scan3A_632 = %broadcast_in_dim3A_127) -> (vector<16xf32>, vector<16xf32>, vector<16xf32>, vector<16xf32>, vector<16xf32>, vector<16xf32>, vector<16xf32>, vector<16xf32>)  : i32 {
        %mul3A_633 = arith.constant 8 : i32
        %mul3A_634 = arith.muli %scan3A_624, %mul3A_633 : i32
        %add3A_635 = arith.constant 32 : i32
        %add3A_636 = arith.addi %add3A_635, %mul3A_634 : i32
        %add3A_637 = arith.constant 0 : i32
        %add3A_638 = arith.addi %add3A_636, %add3A_637 : i32
        %get3A = arith.index_cast %add3A_638 : i32 to index
        %get3A_639 = arith.constant 0 : index
        %get3A_640 = tpu.vector_load %arg6[%get3A, %get3A_639] {strides = array<i32>} : memref<64x128xf32, #tpu.memory_space<vmem>>, vector<1x16xf32>,
        %get3A_641 = vector.shape_cast %get3A_640 : vector<1x16xf32> to vector<16xf32>
        %add3A_642 = arith.addf %scan3A_625, %get3A_641 : vector<16xf32>
        %get3A_643 = arith.index_cast %add3A_638 : i32 to index
        %get3A_644 = arith.constant 16 : index
        %get3A_645 = tpu.vector_load %arg6[%get3A_643, %get3A_644] {strides = array<i32>} : memref<64x128xf32, #tpu.memory_space<vmem>>, vector<1x16xf32>,
        %get3A_646 = vector.shape_cast %get3A_645 : vector<1x16xf32> to vector<16xf32>
        %add3A_647 = arith.addf %scan3A_626, %get3A_646 : vector<16xf32>
        %get3A_648 = arith.index_cast %add3A_638 : i32 to index
        %get3A_649 = arith.constant 32 : index
        %get3A_650 = tpu.vector_load %arg6[%get3A_648, %get3A_649] {strides = array<i32>} : memref<64x128xf32, #tpu.memory_space<vmem>>, vector<1x16xf32>,
        %get3A_651 = vector.shape_cast %get3A_650 : vector<1x16xf32> to vector<16xf32>
        %add3A_652 = arith.addf %scan3A_627, %get3A_651 : vector<16xf32>
        %get3A_653 = arith.index_cast %add3A_638 : i32 to index
        %get3A_654 = arith.constant 48 : index
        %get3A_655 = tpu.vector_load %arg6[%get3A_653, %get3A_654] {strides = array<i32>} : memref<64x128xf32, #tpu.memory_space<vmem>>, vector<1x16xf32>,
        %get3A_656 = vector.shape_cast %get3A_655 : vector<1x16xf32> to vector<16xf32>
        %add3A_657 = arith.addf %scan3A_628, %get3A_656 : vector<16xf32>
        %get3A_658 = arith.index_cast %add3A_638 : i32 to index
        %get3A_659 = arith.constant 64 : index
        %get3A_660 = tpu.vector_load %arg6[%get3A_658, %get3A_659] {strides = array<i32>} : memref<64x128xf32, #tpu.memory_space<vmem>>, vector<1x16xf32>,
        %get3A_661 = vector.shape_cast %get3A_660 : vector<1x16xf32> to vector<16xf32>
        %add3A_662 = arith.addf %scan3A_629, %get3A_661 : vector<16xf32>
        %get3A_663 = arith.index_cast %add3A_638 : i32 to index
        %get3A_664 = arith.constant 80 : index
        %get3A_665 = tpu.vector_load %arg6[%get3A_663, %get3A_664] {strides = array<i32>} : memref<64x128xf32, #tpu.memory_space<vmem>>, vector<1x16xf32>,
        %get3A_666 = vector.shape_cast %get3A_665 : vector<1x16xf32> to vector<16xf32>
        %add3A_667 = arith.addf %scan3A_630, %get3A_666 : vector<16xf32>
        %get3A_668 = arith.index_cast %add3A_638 : i32 to index
        %get3A_669 = arith.constant 96 : index
        %get3A_670 = tpu.vector_load %arg6[%get3A_668, %get3A_669] {strides = array<i32>} : memref<64x128xf32, #tpu.memory_space<vmem>>, vector<1x16xf32>,
        %get3A_671 = vector.shape_cast %get3A_670 : vector<1x16xf32> to vector<16xf32>
        %add3A_672 = arith.addf %scan3A_631, %get3A_671 : vector<16xf32>
        %get3A_673 = arith.index_cast %add3A_638 : i32 to index
        %get3A_674 = arith.constant 112 : index
        %get3A_675 = tpu.vector_load %arg6[%get3A_673, %get3A_674] {strides = array<i32>} : memref<64x128xf32, #tpu.memory_space<vmem>>, vector<1x16xf32>,
        %get3A_676 = vector.shape_cast %get3A_675 : vector<1x16xf32> to vector<16xf32>
        %add3A_677 = arith.addf %scan3A_632, %get3A_676 : vector<16xf32>
        %add3A_678 = arith.constant 1 : i32
        %add3A_679 = arith.addi %add3A_636, %add3A_678 : i32
        %get3A_680 = arith.index_cast %add3A_679 : i32 to index
        %get3A_681 = arith.constant 0 : index
        %get3A_682 = tpu.vector_load %arg6[%get3A_680, %get3A_681] {strides = array<i32>} : memref<64x128xf32, #tpu.memory_space<vmem>>, vector<1x16xf32>,
        %get3A_683 = vector.shape_cast %get3A_682 : vector<1x16xf32> to vector<16xf32>
        %add3A_684 = arith.addf %add3A_642, %get3A_683 : vector<16xf32>
        %get3A_685 = arith.index_cast %add3A_679 : i32 to index
        %get3A_686 = arith.constant 16 : index
        %get3A_687 = tpu.vector_load %arg6[%get3A_685, %get3A_686] {strides = array<i32>} : memref<64x128xf32, #tpu.memory_space<vmem>>, vector<1x16xf32>,
        %get3A_688 = vector.shape_cast %get3A_687 : vector<1x16xf32> to vector<16xf32>
        %add3A_689 = arith.addf %add3A_647, %get3A_688 : vector<16xf32>
        %get3A_690 = arith.index_cast %add3A_679 : i32 to index
        %get3A_691 = arith.constant 32 : index
        %get3A_692 = tpu.vector_load %arg6[%get3A_690, %get3A_691] {strides = array<i32>} : memref<64x128xf32, #tpu.memory_space<vmem>>, vector<1x16xf32>,
        %get3A_693 = vector.shape_cast %get3A_692 : vector<1x16xf32> to vector<16xf32>
        %add3A_694 = arith.addf %add3A_652, %get3A_693 : vector<16xf32>
        %get3A_695 = arith.index_cast %add3A_679 : i32 to index
        %get3A_696 = arith.constant 48 : index
        %get3A_697 = tpu.vector_load %arg6[%get3A_695, %get3A_696] {strides = array<i32>} : memref<64x128xf32, #tpu.memory_space<vmem>>, vector<1x16xf32>,
        %get3A_698 = vector.shape_cast %get3A_697 : vector<1x16xf32> to vector<16xf32>
        %add3A_699 = arith.addf %add3A_657, %get3A_698 : vector<16xf32>
        %get3A_700 = arith.index_cast %add3A_679 : i32 to index
        %get3A_701 = arith.constant 64 : index
        %get3A_702 = tpu.vector_load %arg6[%get3A_700, %get3A_701] {strides = array<i32>} : memref<64x128xf32, #tpu.memory_space<vmem>>, vector<1x16xf32>,
        %get3A_703 = vector.shape_cast %get3A_702 : vector<1x16xf32> to vector<16xf32>
        %add3A_704 = arith.addf %add3A_662, %get3A_703 : vector<16xf32>
        %get3A_705 = arith.index_cast %add3A_679 : i32 to index
        %get3A_706 = arith.constant 80 : index
        %get3A_707 = tpu.vector_load %arg6[%get3A_705, %get3A_706] {strides = array<i32>} : memref<64x128xf32, #tpu.memory_space<vmem>>, vector<1x16xf32>,
        %get3A_708 = vector.shape_cast %get3A_707 : vector<1x16xf32> to vector<16xf32>
        %add3A_709 = arith.addf %add3A_667, %get3A_708 : vector<16xf32>
        %get3A_710 = arith.index_cast %add3A_679 : i32 to index
        %get3A_711 = arith.constant 96 : index
        %get3A_712 = tpu.vector_load %arg6[%get3A_710, %get3A_711] {strides = array<i32>} : memref<64x128xf32, #tpu.memory_space<vmem>>, vector<1x16xf32>,
        %get3A_713 = vector.shape_cast %get3A_712 : vector<1x16xf32> to vector<16xf32>
        %add3A_714 = arith.addf %add3A_672, %get3A_713 : vector<16xf32>
        %get3A_715 = arith.index_cast %add3A_679 : i32 to index
        %get3A_716 = arith.constant 112 : index
        %get3A_717 = tpu.vector_load %arg6[%get3A_715, %get3A_716] {strides = array<i32>} : memref<64x128xf32, #tpu.memory_space<vmem>>, vector<1x16xf32>,
        %get3A_718 = vector.shape_cast %get3A_717 : vector<1x16xf32> to vector<16xf32>
        %add3A_719 = arith.addf %add3A_677, %get3A_718 : vector<16xf32>
        %add3A_720 = arith.constant 2 : i32
        %add3A_721 = arith.addi %add3A_636, %add3A_720 : i32
        %get3A_722 = arith.index_cast %add3A_721 : i32 to index
        %get3A_723 = arith.constant 0 : index
        %get3A_724 = tpu.vector_load %arg6[%get3A_722, %get3A_723] {strides = array<i32>} : memref<64x128xf32, #tpu.memory_space<vmem>>, vector<1x16xf32>,
        %get3A_725 = vector.shape_cast %get3A_724 : vector<1x16xf32> to vector<16xf32>
        %add3A_726 = arith.addf %add3A_684, %get3A_725 : vector<16xf32>
        %get3A_727 = arith.index_cast %add3A_721 : i32 to index
        %get3A_728 = arith.constant 16 : index
        %get3A_729 = tpu.vector_load %arg6[%get3A_727, %get3A_728] {strides = array<i32>} : memref<64x128xf32, #tpu.memory_space<vmem>>, vector<1x16xf32>,
        %get3A_730 = vector.shape_cast %get3A_729 : vector<1x16xf32> to vector<16xf32>
        %add3A_731 = arith.addf %add3A_689, %get3A_730 : vector<16xf32>
        %get3A_732 = arith.index_cast %add3A_721 : i32 to index
        %get3A_733 = arith.constant 32 : index
        %get3A_734 = tpu.vector_load %arg6[%get3A_732, %get3A_733] {strides = array<i32>} : memref<64x128xf32, #tpu.memory_space<vmem>>, vector<1x16xf32>,
        %get3A_735 = vector.shape_cast %get3A_734 : vector<1x16xf32> to vector<16xf32>
        %add3A_736 = arith.addf %add3A_694, %get3A_735 : vector<16xf32>
        %get3A_737 = arith.index_cast %add3A_721 : i32 to index
        %get3A_738 = arith.constant 48 : index
        %get3A_739 = tpu.vector_load %arg6[%get3A_737, %get3A_738] {strides = array<i32>} : memref<64x128xf32, #tpu.memory_space<vmem>>, vector<1x16xf32>,
        %get3A_740 = vector.shape_cast %get3A_739 : vector<1x16xf32> to vector<16xf32>
        %add3A_741 = arith.addf %add3A_699, %get3A_740 : vector<16xf32>
        %get3A_742 = arith.index_cast %add3A_721 : i32 to index
        %get3A_743 = arith.constant 64 : index
        %get3A_744 = tpu.vector_load %arg6[%get3A_742, %get3A_743] {strides = array<i32>} : memref<64x128xf32, #tpu.memory_space<vmem>>, vector<1x16xf32>,
        %get3A_745 = vector.shape_cast %get3A_744 : vector<1x16xf32> to vector<16xf32>
        %add3A_746 = arith.addf %add3A_704, %get3A_745 : vector<16xf32>
        %get3A_747 = arith.index_cast %add3A_721 : i32 to index
        %get3A_748 = arith.constant 80 : index
        %get3A_749 = tpu.vector_load %arg6[%get3A_747, %get3A_748] {strides = array<i32>} : memref<64x128xf32, #tpu.memory_space<vmem>>, vector<1x16xf32>,
        %get3A_750 = vector.shape_cast %get3A_749 : vector<1x16xf32> to vector<16xf32>
        %add3A_751 = arith.addf %add3A_709, %get3A_750 : vector<16xf32>
        %get3A_752 = arith.index_cast %add3A_721 : i32 to index
        %get3A_753 = arith.constant 96 : index
        %get3A_754 = tpu.vector_load %arg6[%get3A_752, %get3A_753] {strides = array<i32>} : memref<64x128xf32, #tpu.memory_space<vmem>>, vector<1x16xf32>,
        %get3A_755 = vector.shape_cast %get3A_754 : vector<1x16xf32> to vector<16xf32>
        %add3A_756 = arith.addf %add3A_714, %get3A_755 : vector<16xf32>
        %get3A_757 = arith.index_cast %add3A_721 : i32 to index
        %get3A_758 = arith.constant 112 : index
        %get3A_759 = tpu.vector_load %arg6[%get3A_757, %get3A_758] {strides = array<i32>} : memref<64x128xf32, #tpu.memory_space<vmem>>, vector<1x16xf32>,
        %get3A_760 = vector.shape_cast %get3A_759 : vector<1x16xf32> to vector<16xf32>
        %add3A_761 = arith.addf %add3A_719, %get3A_760 : vector<16xf32>
        %add3A_762 = arith.constant 3 : i32
        %add3A_763 = arith.addi %add3A_636, %add3A_762 : i32
        %get3A_764 = arith.index_cast %add3A_763 : i32 to index
        %get3A_765 = arith.constant 0 : index
        %get3A_766 = tpu.vector_load %arg6[%get3A_764, %get3A_765] {strides = array<i32>} : memref<64x128xf32, #tpu.memory_space<vmem>>, vector<1x16xf32>,
        %get3A_767 = vector.shape_cast %get3A_766 : vector<1x16xf32> to vector<16xf32>
        %add3A_768 = arith.addf %add3A_726, %get3A_767 : vector<16xf32>
        %get3A_769 = arith.index_cast %add3A_763 : i32 to index
        %get3A_770 = arith.constant 16 : index
        %get3A_771 = tpu.vector_load %arg6[%get3A_769, %get3A_770] {strides = array<i32>} : memref<64x128xf32, #tpu.memory_space<vmem>>, vector<1x16xf32>,
        %get3A_772 = vector.shape_cast %get3A_771 : vector<1x16xf32> to vector<16xf32>
        %add3A_773 = arith.addf %add3A_731, %get3A_772 : vector<16xf32>
        %get3A_774 = arith.index_cast %add3A_763 : i32 to index
        %get3A_775 = arith.constant 32 : index
        %get3A_776 = tpu.vector_load %arg6[%get3A_774, %get3A_775] {strides = array<i32>} : memref<64x128xf32, #tpu.memory_space<vmem>>, vector<1x16xf32>,
        %get3A_777 = vector.shape_cast %get3A_776 : vector<1x16xf32> to vector<16xf32>
        %add3A_778 = arith.addf %add3A_736, %get3A_777 : vector<16xf32>
        %get3A_779 = arith.index_cast %add3A_763 : i32 to index
        %get3A_780 = arith.constant 48 : index
        %get3A_781 = tpu.vector_load %arg6[%get3A_779, %get3A_780] {strides = array<i32>} : memref<64x128xf32, #tpu.memory_space<vmem>>, vector<1x16xf32>,
        %get3A_782 = vector.shape_cast %get3A_781 : vector<1x16xf32> to vector<16xf32>
        %add3A_783 = arith.addf %add3A_741, %get3A_782 : vector<16xf32>
        %get3A_784 = arith.index_cast %add3A_763 : i32 to index
        %get3A_785 = arith.constant 64 : index
        %get3A_786 = tpu.vector_load %arg6[%get3A_784, %get3A_785] {strides = array<i32>} : memref<64x128xf32, #tpu.memory_space<vmem>>, vector<1x16xf32>,
        %get3A_787 = vector.shape_cast %get3A_786 : vector<1x16xf32> to vector<16xf32>
        %add3A_788 = arith.addf %add3A_746, %get3A_787 : vector<16xf32>
        %get3A_789 = arith.index_cast %add3A_763 : i32 to index
        %get3A_790 = arith.constant 80 : index
        %get3A_791 = tpu.vector_load %arg6[%get3A_789, %get3A_790] {strides = array<i32>} : memref<64x128xf32, #tpu.memory_space<vmem>>, vector<1x16xf32>,
        %get3A_792 = vector.shape_cast %get3A_791 : vector<1x16xf32> to vector<16xf32>
        %add3A_793 = arith.addf %add3A_751, %get3A_792 : vector<16xf32>
        %get3A_794 = arith.index_cast %add3A_763 : i32 to index
        %get3A_795 = arith.constant 96 : index
        %get3A_796 = tpu.vector_load %arg6[%get3A_794, %get3A_795] {strides = array<i32>} : memref<64x128xf32, #tpu.memory_space<vmem>>, vector<1x16xf32>,
        %get3A_797 = vector.shape_cast %get3A_796 : vector<1x16xf32> to vector<16xf32>
        %add3A_798 = arith.addf %add3A_756, %get3A_797 : vector<16xf32>
        %get3A_799 = arith.index_cast %add3A_763 : i32 to index
        %get3A_800 = arith.constant 112 : index
        %get3A_801 = tpu.vector_load %arg6[%get3A_799, %get3A_800] {strides = array<i32>} : memref<64x128xf32, #tpu.memory_space<vmem>>, vector<1x16xf32>,
        %get3A_802 = vector.shape_cast %get3A_801 : vector<1x16xf32> to vector<16xf32>
        %add3A_803 = arith.addf %add3A_761, %get3A_802 : vector<16xf32>
        %add3A_804 = arith.constant 4 : i32
        %add3A_805 = arith.addi %add3A_636, %add3A_804 : i32
        %get3A_806 = arith.index_cast %add3A_805 : i32 to index
        %get3A_807 = arith.constant 0 : index
        %get3A_808 = tpu.vector_load %arg6[%get3A_806, %get3A_807] {strides = array<i32>} : memref<64x128xf32, #tpu.memory_space<vmem>>, vector<1x16xf32>,
        %get3A_809 = vector.shape_cast %get3A_808 : vector<1x16xf32> to vector<16xf32>
        %add3A_810 = arith.addf %add3A_768, %get3A_809 : vector<16xf32>
        %get3A_811 = arith.index_cast %add3A_805 : i32 to index
        %get3A_812 = arith.constant 16 : index
        %get3A_813 = tpu.vector_load %arg6[%get3A_811, %get3A_812] {strides = array<i32>} : memref<64x128xf32, #tpu.memory_space<vmem>>, vector<1x16xf32>,
        %get3A_814 = vector.shape_cast %get3A_813 : vector<1x16xf32> to vector<16xf32>
        %add3A_815 = arith.addf %add3A_773, %get3A_814 : vector<16xf32>
        %get3A_816 = arith.index_cast %add3A_805 : i32 to index
        %get3A_817 = arith.constant 32 : index
        %get3A_818 = tpu.vector_load %arg6[%get3A_816, %get3A_817] {strides = array<i32>} : memref<64x128xf32, #tpu.memory_space<vmem>>, vector<1x16xf32>,
        %get3A_819 = vector.shape_cast %get3A_818 : vector<1x16xf32> to vector<16xf32>
        %add3A_820 = arith.addf %add3A_778, %get3A_819 : vector<16xf32>
        %get3A_821 = arith.index_cast %add3A_805 : i32 to index
        %get3A_822 = arith.constant 48 : index
        %get3A_823 = tpu.vector_load %arg6[%get3A_821, %get3A_822] {strides = array<i32>} : memref<64x128xf32, #tpu.memory_space<vmem>>, vector<1x16xf32>,
        %get3A_824 = vector.shape_cast %get3A_823 : vector<1x16xf32> to vector<16xf32>
        %add3A_825 = arith.addf %add3A_783, %get3A_824 : vector<16xf32>
        %get3A_826 = arith.index_cast %add3A_805 : i32 to index
        %get3A_827 = arith.constant 64 : index
        %get3A_828 = tpu.vector_load %arg6[%get3A_826, %get3A_827] {strides = array<i32>} : memref<64x128xf32, #tpu.memory_space<vmem>>, vector<1x16xf32>,
        %get3A_829 = vector.shape_cast %get3A_828 : vector<1x16xf32> to vector<16xf32>
        %add3A_830 = arith.addf %add3A_788, %get3A_829 : vector<16xf32>
        %get3A_831 = arith.index_cast %add3A_805 : i32 to index
        %get3A_832 = arith.constant 80 : index
        %get3A_833 = tpu.vector_load %arg6[%get3A_831, %get3A_832] {strides = array<i32>} : memref<64x128xf32, #tpu.memory_space<vmem>>, vector<1x16xf32>,
        %get3A_834 = vector.shape_cast %get3A_833 : vector<1x16xf32> to vector<16xf32>
        %add3A_835 = arith.addf %add3A_793, %get3A_834 : vector<16xf32>
        %get3A_836 = arith.index_cast %add3A_805 : i32 to index
        %get3A_837 = arith.constant 96 : index
        %get3A_838 = tpu.vector_load %arg6[%get3A_836, %get3A_837] {strides = array<i32>} : memref<64x128xf32, #tpu.memory_space<vmem>>, vector<1x16xf32>,
        %get3A_839 = vector.shape_cast %get3A_838 : vector<1x16xf32> to vector<16xf32>
        %add3A_840 = arith.addf %add3A_798, %get3A_839 : vector<16xf32>
        %get3A_841 = arith.index_cast %add3A_805 : i32 to index
        %get3A_842 = arith.constant 112 : index
        %get3A_843 = tpu.vector_load %arg6[%get3A_841, %get3A_842] {strides = array<i32>} : memref<64x128xf32, #tpu.memory_space<vmem>>, vector<1x16xf32>,
        %get3A_844 = vector.shape_cast %get3A_843 : vector<1x16xf32> to vector<16xf32>
        %add3A_845 = arith.addf %add3A_803, %get3A_844 : vector<16xf32>
        %add3A_846 = arith.constant 5 : i32
        %add3A_847 = arith.addi %add3A_636, %add3A_846 : i32
        %get3A_848 = arith.index_cast %add3A_847 : i32 to index
        %get3A_849 = arith.constant 0 : index
        %get3A_850 = tpu.vector_load %arg6[%get3A_848, %get3A_849] {strides = array<i32>} : memref<64x128xf32, #tpu.memory_space<vmem>>, vector<1x16xf32>,
        %get3A_851 = vector.shape_cast %get3A_850 : vector<1x16xf32> to vector<16xf32>
        %add3A_852 = arith.addf %add3A_810, %get3A_851 : vector<16xf32>
        %get3A_853 = arith.index_cast %add3A_847 : i32 to index
        %get3A_854 = arith.constant 16 : index
        %get3A_855 = tpu.vector_load %arg6[%get3A_853, %get3A_854] {strides = array<i32>} : memref<64x128xf32, #tpu.memory_space<vmem>>, vector<1x16xf32>,
        %get3A_856 = vector.shape_cast %get3A_855 : vector<1x16xf32> to vector<16xf32>
        %add3A_857 = arith.addf %add3A_815, %get3A_856 : vector<16xf32>
        %get3A_858 = arith.index_cast %add3A_847 : i32 to index
        %get3A_859 = arith.constant 32 : index
        %get3A_860 = tpu.vector_load %arg6[%get3A_858, %get3A_859] {strides = array<i32>} : memref<64x128xf32, #tpu.memory_space<vmem>>, vector<1x16xf32>,
        %get3A_861 = vector.shape_cast %get3A_860 : vector<1x16xf32> to vector<16xf32>
        %add3A_862 = arith.addf %add3A_820, %get3A_861 : vector<16xf32>
        %get3A_863 = arith.index_cast %add3A_847 : i32 to index
        %get3A_864 = arith.constant 48 : index
        %get3A_865 = tpu.vector_load %arg6[%get3A_863, %get3A_864] {strides = array<i32>} : memref<64x128xf32, #tpu.memory_space<vmem>>, vector<1x16xf32>,
        %get3A_866 = vector.shape_cast %get3A_865 : vector<1x16xf32> to vector<16xf32>
        %add3A_867 = arith.addf %add3A_825, %get3A_866 : vector<16xf32>
        %get3A_868 = arith.index_cast %add3A_847 : i32 to index
        %get3A_869 = arith.constant 64 : index
        %get3A_870 = tpu.vector_load %arg6[%get3A_868, %get3A_869] {strides = array<i32>} : memref<64x128xf32, #tpu.memory_space<vmem>>, vector<1x16xf32>,
        %get3A_871 = vector.shape_cast %get3A_870 : vector<1x16xf32> to vector<16xf32>
        %add3A_872 = arith.addf %add3A_830, %get3A_871 : vector<16xf32>
        %get3A_873 = arith.index_cast %add3A_847 : i32 to index
        %get3A_874 = arith.constant 80 : index
        %get3A_875 = tpu.vector_load %arg6[%get3A_873, %get3A_874] {strides = array<i32>} : memref<64x128xf32, #tpu.memory_space<vmem>>, vector<1x16xf32>,
        %get3A_876 = vector.shape_cast %get3A_875 : vector<1x16xf32> to vector<16xf32>
        %add3A_877 = arith.addf %add3A_835, %get3A_876 : vector<16xf32>
        %get3A_878 = arith.index_cast %add3A_847 : i32 to index
        %get3A_879 = arith.constant 96 : index
        %get3A_880 = tpu.vector_load %arg6[%get3A_878, %get3A_879] {strides = array<i32>} : memref<64x128xf32, #tpu.memory_space<vmem>>, vector<1x16xf32>,
        %get3A_881 = vector.shape_cast %get3A_880 : vector<1x16xf32> to vector<16xf32>
        %add3A_882 = arith.addf %add3A_840, %get3A_881 : vector<16xf32>
        %get3A_883 = arith.index_cast %add3A_847 : i32 to index
        %get3A_884 = arith.constant 112 : index
        %get3A_885 = tpu.vector_load %arg6[%get3A_883, %get3A_884] {strides = array<i32>} : memref<64x128xf32, #tpu.memory_space<vmem>>, vector<1x16xf32>,
        %get3A_886 = vector.shape_cast %get3A_885 : vector<1x16xf32> to vector<16xf32>
        %add3A_887 = arith.addf %add3A_845, %get3A_886 : vector<16xf32>
        %add3A_888 = arith.constant 6 : i32
        %add3A_889 = arith.addi %add3A_636, %add3A_888 : i32
        %get3A_890 = arith.index_cast %add3A_889 : i32 to index
        %get3A_891 = arith.constant 0 : index
        %get3A_892 = tpu.vector_load %arg6[%get3A_890, %get3A_891] {strides = array<i32>} : memref<64x128xf32, #tpu.memory_space<vmem>>, vector<1x16xf32>,
        %get3A_893 = vector.shape_cast %get3A_892 : vector<1x16xf32> to vector<16xf32>
        %add3A_894 = arith.addf %add3A_852, %get3A_893 : vector<16xf32>
        %get3A_895 = arith.index_cast %add3A_889 : i32 to index
        %get3A_896 = arith.constant 16 : index
        %get3A_897 = tpu.vector_load %arg6[%get3A_895, %get3A_896] {strides = array<i32>} : memref<64x128xf32, #tpu.memory_space<vmem>>, vector<1x16xf32>,
        %get3A_898 = vector.shape_cast %get3A_897 : vector<1x16xf32> to vector<16xf32>
        %add3A_899 = arith.addf %add3A_857, %get3A_898 : vector<16xf32>
        %get3A_900 = arith.index_cast %add3A_889 : i32 to index
        %get3A_901 = arith.constant 32 : index
        %get3A_902 = tpu.vector_load %arg6[%get3A_900, %get3A_901] {strides = array<i32>} : memref<64x128xf32, #tpu.memory_space<vmem>>, vector<1x16xf32>,
        %get3A_903 = vector.shape_cast %get3A_902 : vector<1x16xf32> to vector<16xf32>
        %add3A_904 = arith.addf %add3A_862, %get3A_903 : vector<16xf32>
        %get3A_905 = arith.index_cast %add3A_889 : i32 to index
        %get3A_906 = arith.constant 48 : index
        %get3A_907 = tpu.vector_load %arg6[%get3A_905, %get3A_906] {strides = array<i32>} : memref<64x128xf32, #tpu.memory_space<vmem>>, vector<1x16xf32>,
        %get3A_908 = vector.shape_cast %get3A_907 : vector<1x16xf32> to vector<16xf32>
        %add3A_909 = arith.addf %add3A_867, %get3A_908 : vector<16xf32>
        %get3A_910 = arith.index_cast %add3A_889 : i32 to index
        %get3A_911 = arith.constant 64 : index
        %get3A_912 = tpu.vector_load %arg6[%get3A_910, %get3A_911] {strides = array<i32>} : memref<64x128xf32, #tpu.memory_space<vmem>>, vector<1x16xf32>,
        %get3A_913 = vector.shape_cast %get3A_912 : vector<1x16xf32> to vector<16xf32>
        %add3A_914 = arith.addf %add3A_872, %get3A_913 : vector<16xf32>
        %get3A_915 = arith.index_cast %add3A_889 : i32 to index
        %get3A_916 = arith.constant 80 : index
        %get3A_917 = tpu.vector_load %arg6[%get3A_915, %get3A_916] {strides = array<i32>} : memref<64x128xf32, #tpu.memory_space<vmem>>, vector<1x16xf32>,
        %get3A_918 = vector.shape_cast %get3A_917 : vector<1x16xf32> to vector<16xf32>
        %add3A_919 = arith.addf %add3A_877, %get3A_918 : vector<16xf32>
        %get3A_920 = arith.index_cast %add3A_889 : i32 to index
        %get3A_921 = arith.constant 96 : index
        %get3A_922 = tpu.vector_load %arg6[%get3A_920, %get3A_921] {strides = array<i32>} : memref<64x128xf32, #tpu.memory_space<vmem>>, vector<1x16xf32>,
        %get3A_923 = vector.shape_cast %get3A_922 : vector<1x16xf32> to vector<16xf32>
        %add3A_924 = arith.addf %add3A_882, %get3A_923 : vector<16xf32>
        %get3A_925 = arith.index_cast %add3A_889 : i32 to index
        %get3A_926 = arith.constant 112 : index
        %get3A_927 = tpu.vector_load %arg6[%get3A_925, %get3A_926] {strides = array<i32>} : memref<64x128xf32, #tpu.memory_space<vmem>>, vector<1x16xf32>,
        %get3A_928 = vector.shape_cast %get3A_927 : vector<1x16xf32> to vector<16xf32>
        %add3A_929 = arith.addf %add3A_887, %get3A_928 : vector<16xf32>
        %add3A_930 = arith.constant 7 : i32
        %add3A_931 = arith.addi %add3A_636, %add3A_930 : i32
        %get3A_932 = arith.index_cast %add3A_931 : i32 to index
        %get3A_933 = arith.constant 0 : index
        %get3A_934 = tpu.vector_load %arg6[%get3A_932, %get3A_933] {strides = array<i32>} : memref<64x128xf32, #tpu.memory_space<vmem>>, vector<1x16xf32>,
        %get3A_935 = vector.shape_cast %get3A_934 : vector<1x16xf32> to vector<16xf32>
        %add3A_936 = arith.addf %add3A_894, %get3A_935 : vector<16xf32>
        %get3A_937 = arith.index_cast %add3A_931 : i32 to index
        %get3A_938 = arith.constant 16 : index
        %get3A_939 = tpu.vector_load %arg6[%get3A_937, %get3A_938] {strides = array<i32>} : memref<64x128xf32, #tpu.memory_space<vmem>>, vector<1x16xf32>,
        %get3A_940 = vector.shape_cast %get3A_939 : vector<1x16xf32> to vector<16xf32>
        %add3A_941 = arith.addf %add3A_899, %get3A_940 : vector<16xf32>
        %get3A_942 = arith.index_cast %add3A_931 : i32 to index
        %get3A_943 = arith.constant 32 : index
        %get3A_944 = tpu.vector_load %arg6[%get3A_942, %get3A_943] {strides = array<i32>} : memref<64x128xf32, #tpu.memory_space<vmem>>, vector<1x16xf32>,
        %get3A_945 = vector.shape_cast %get3A_944 : vector<1x16xf32> to vector<16xf32>
        %add3A_946 = arith.addf %add3A_904, %get3A_945 : vector<16xf32>
        %get3A_947 = arith.index_cast %add3A_931 : i32 to index
        %get3A_948 = arith.constant 48 : index
        %get3A_949 = tpu.vector_load %arg6[%get3A_947, %get3A_948] {strides = array<i32>} : memref<64x128xf32, #tpu.memory_space<vmem>>, vector<1x16xf32>,
        %get3A_950 = vector.shape_cast %get3A_949 : vector<1x16xf32> to vector<16xf32>
        %add3A_951 = arith.addf %add3A_909, %get3A_950 : vector<16xf32>
        %get3A_952 = arith.index_cast %add3A_931 : i32 to index
        %get3A_953 = arith.constant 64 : index
        %get3A_954 = tpu.vector_load %arg6[%get3A_952, %get3A_953] {strides = array<i32>} : memref<64x128xf32, #tpu.memory_space<vmem>>, vector<1x16xf32>,
        %get3A_955 = vector.shape_cast %get3A_954 : vector<1x16xf32> to vector<16xf32>
        %add3A_956 = arith.addf %add3A_914, %get3A_955 : vector<16xf32>
        %get3A_957 = arith.index_cast %add3A_931 : i32 to index
        %get3A_958 = arith.constant 80 : index
        %get3A_959 = tpu.vector_load %arg6[%get3A_957, %get3A_958] {strides = array<i32>} : memref<64x128xf32, #tpu.memory_space<vmem>>, vector<1x16xf32>,
        %get3A_960 = vector.shape_cast %get3A_959 : vector<1x16xf32> to vector<16xf32>
        %add3A_961 = arith.addf %add3A_919, %get3A_960 : vector<16xf32>
        %get3A_962 = arith.index_cast %add3A_931 : i32 to index
        %get3A_963 = arith.constant 96 : index
        %get3A_964 = tpu.vector_load %arg6[%get3A_962, %get3A_963] {strides = array<i32>} : memref<64x128xf32, #tpu.memory_space<vmem>>, vector<1x16xf32>,
        %get3A_965 = vector.shape_cast %get3A_964 : vector<1x16xf32> to vector<16xf32>
        %add3A_966 = arith.addf %add3A_924, %get3A_965 : vector<16xf32>
        %get3A_967 = arith.index_cast %add3A_931 : i32 to index
        %get3A_968 = arith.constant 112 : index
        %get3A_969 = tpu.vector_load %arg6[%get3A_967, %get3A_968] {strides = array<i32>} : memref<64x128xf32, #tpu.memory_space<vmem>>, vector<1x16xf32>,
        %get3A_970 = vector.shape_cast %get3A_969 : vector<1x16xf32> to vector<16xf32>
        %add3A_971 = arith.addf %add3A_929, %get3A_970 : vector<16xf32>
        scf.yield %add3A_936, %add3A_941, %add3A_946, %add3A_951, %add3A_956, %add3A_961, %add3A_966, %add3A_971 : vector<16xf32>, vector<16xf32>, vector<16xf32>, vector<16xf32>, vector<16xf32>, vector<16xf32>, vector<16xf32>, vector<16xf32>
      }
      %scan3A_133 = arith.constant 4 : i32
      %mul3A_134 = arith.constant 2 : i32
      %mul3A_135 = arith.muli %add3A_41, %mul3A_134 : i32
      %add3A_136 = arith.constant 1 : i32
      %add3A_137 = arith.addi %mul3A_135, %add3A_136 : i32
      %swap3A_138 = arith.index_cast %add3A_137 : i32 to index
      %swap3A_139 = arith.constant 0 : index
      %swap3A_140 = tpu.vector_load %arg10[%swap3A_138, %swap3A_139] {strides = array<i32>} : memref<320x128xf32, #tpu.memory_space<vmem>>, vector<1x16xf32>,
      %swap3A_141 = vector.shape_cast %swap3A_140 : vector<1x16xf32> to vector<16xf32>
      %swap3A_142 = vector.shape_cast %scan3A_132#0 : vector<16xf32> to vector<1x16xf32>
      tpu.vector_store %arg10[%swap3A_138, %swap3A_139], %swap3A_142 {strides = array<i32>} : memref<320x128xf32, #tpu.memory_space<vmem>>, vector<1x16xf32>,
      %swap3A_143 = arith.index_cast %add3A_137 : i32 to index
      %swap3A_144 = arith.constant 16 : index
      %swap3A_145 = tpu.vector_load %arg10[%swap3A_143, %swap3A_144] {strides = array<i32>} : memref<320x128xf32, #tpu.memory_space<vmem>>, vector<1x16xf32>,
      %swap3A_146 = vector.shape_cast %swap3A_145 : vector<1x16xf32> to vector<16xf32>
      %swap3A_147 = vector.shape_cast %scan3A_132#1 : vector<16xf32> to vector<1x16xf32>
      tpu.vector_store %arg10[%swap3A_143, %swap3A_144], %swap3A_147 {strides = array<i32>} : memref<320x128xf32, #tpu.memory_space<vmem>>, vector<1x16xf32>,
      %swap3A_148 = arith.index_cast %add3A_137 : i32 to index
      %swap3A_149 = arith.constant 32 : index
      %swap3A_150 = tpu.vector_load %arg10[%swap3A_148, %swap3A_149] {strides = array<i32>} : memref<320x128xf32, #tpu.memory_space<vmem>>, vector<1x16xf32>,
      %swap3A_151 = vector.shape_cast %swap3A_150 : vector<1x16xf32> to vector<16xf32>
      %swap3A_152 = vector.shape_cast %scan3A_132#2 : vector<16xf32> to vector<1x16xf32>
      tpu.vector_store %arg10[%swap3A_148, %swap3A_149], %swap3A_152 {strides = array<i32>} : memref<320x128xf32, #tpu.memory_space<vmem>>, vector<1x16xf32>,
      %swap3A_153 = arith.index_cast %add3A_137 : i32 to index
      %swap3A_154 = arith.constant 48 : index
      %swap3A_155 = tpu.vector_load %arg10[%swap3A_153, %swap3A_154] {strides = array<i32>} : memref<320x128xf32, #tpu.memory_space<vmem>>, vector<1x16xf32>,
      %swap3A_156 = vector.shape_cast %swap3A_155 : vector<1x16xf32> to vector<16xf32>
      %swap3A_157 = vector.shape_cast %scan3A_132#3 : vector<16xf32> to vector<1x16xf32>
      tpu.vector_store %arg10[%swap3A_153, %swap3A_154], %swap3A_157 {strides = array<i32>} : memref<320x128xf32, #tpu.memory_space<vmem>>, vector<1x16xf32>,
      %swap3A_158 = arith.index_cast %add3A_137 : i32 to index
      %swap3A_159 = arith.constant 64 : index
      %swap3A_160 = tpu.vector_load %arg10[%swap3A_158, %swap3A_159] {strides = array<i32>} : memref<320x128xf32, #tpu.memory_space<vmem>>, vector<1x16xf32>,
      %swap3A_161 = vector.shape_cast %swap3A_160 : vector<1x16xf32> to vector<16xf32>
      %swap3A_162 = vector.shape_cast %scan3A_132#4 : vector<16xf32> to vector<1x16xf32>
      tpu.vector_store %arg10[%swap3A_158, %swap3A_159], %swap3A_162 {strides = array<i32>} : memref<320x128xf32, #tpu.memory_space<vmem>>, vector<1x16xf32>,
      %swap3A_163 = arith.index_cast %add3A_137 : i32 to index
      %swap3A_164 = arith.constant 80 : index
      %swap3A_165 = tpu.vector_load %arg10[%swap3A_163, %swap3A_164] {strides = array<i32>} : memref<320x128xf32, #tpu.memory_space<vmem>>, vector<1x16xf32>,
      %swap3A_166 = vector.shape_cast %swap3A_165 : vector<1x16xf32> to vector<16xf32>
      %swap3A_167 = vector.shape_cast %scan3A_132#5 : vector<16xf32> to vector<1x16xf32>
      tpu.vector_store %arg10[%swap3A_163, %swap3A_164], %swap3A_167 {strides = array<i32>} : memref<320x128xf32, #tpu.memory_space<vmem>>, vector<1x16xf32>,
      %swap3A_168 = arith.index_cast %add3A_137 : i32 to index
      %swap3A_169 = arith.constant 96 : index
      %swap3A_170 = tpu.vector_load %arg10[%swap3A_168, %swap3A_169] {strides = array<i32>} : memref<320x128xf32, #tpu.memory_space<vmem>>, vector<1x16xf32>,
      %swap3A_171 = vector.shape_cast %swap3A_170 : vector<1x16xf32> to vector<16xf32>
      %swap3A_172 = vector.shape_cast %scan3A_132#6 : vector<16xf32> to vector<1x16xf32>
      tpu.vector_store %arg10[%swap3A_168, %swap3A_169], %swap3A_172 {strides = array<i32>} : memref<320x128xf32, #tpu.memory_space<vmem>>, vector<1x16xf32>,
      %swap3A_173 = arith.index_cast %add3A_137 : i32 to index
      %swap3A_174 = arith.constant 112 : index
      %swap3A_175 = tpu.vector_load %arg10[%swap3A_173, %swap3A_174] {strides = array<i32>} : memref<320x128xf32, #tpu.memory_space<vmem>>, vector<1x16xf32>,
      %swap3A_176 = vector.shape_cast %swap3A_175 : vector<1x16xf32> to vector<16xf32>
      %swap3A_177 = vector.shape_cast %scan3A_132#7 : vector<16xf32> to vector<1x16xf32>
      tpu.vector_store %arg10[%swap3A_173, %swap3A_174], %swap3A_177 {strides = array<i32>} : memref<320x128xf32, #tpu.memory_space<vmem>>, vector<1x16xf32>,
      %lt3A = arith.constant 39 : i32
      %lt3A_178 = arith.cmpi slt, %scan3A_37, %lt3A : i32
      %convert_element_type3A = arith.extui %lt3A_178 : i1 to i32
      %cond3A = arith.constant 0 : i32
      %cond3A_179 = arith.cmpi ne, %convert_element_type3A, %cond3A : i32
      scf.if %cond3A_179 {
        %add3A_624 = arith.constant 4 : i32
        %add3A_625 = arith.addi %add3A_41, %add3A_624 : i32
        %dma_start3A_626 = arith.constant 0 : i32
        %dma_start3A_627 = tpu.memref_slice %arg5[%add3A_625, %dma_start3A_626] : memref<160x64xi32, #tpu.memory_space<vmem>> -> memref<1x64xi32, #tpu.memory_space<vmem>>
        %dma_start3A_628 = tpu.memref_squeeze %dma_start3A_627 : memref<1x64xi32, #tpu.memory_space<vmem>> -> memref<64xi32, #tpu.memory_space<vmem>>
        %dma_start3A_629 = arith.constant 0 : i32
        %dma_start3A_630 = arith.constant 0 : i32
        %dma_start3A_631 = tpu.memref_slice %arg2[%dma_start3A_629, %dma_start3A_630] : memref<10000x128xf32, #tpu.memory_space<hbm>> -> memref<10000x128xf32, #tpu.memory_space<hbm>>
        tpu.enqueue_indirect_dma source(%dma_start3A_631 : memref<10000x128xf32, #tpu.memory_space<hbm>>) target(%arg6 : memref<64x128xf32, #tpu.memory_space<vmem>>) offsets(%dma_start3A_628 : memref<64xi32, #tpu.memory_space<vmem>>) semaphore(%arg11 : memref<!tpu.dma_semaphore, #tpu.memory_space<semaphore_mem>>)
      } else {
      }
      %mul3A_180 = arith.constant 4 : i32
      %mul3A_181 = arith.muli %mul3A_180, %scan3A_37 : i32
      %add3A_182 = arith.constant 1 : i32
      %add3A_183 = arith.addi %mul3A_181, %add3A_182 : i32
      %dma_wait3A_184 = arith.constant 0 : i32
      %dma_wait3A_185 = arith.constant 0 : i32
      %dma_wait3A_186 = tpu.memref_slice %arg5[%dma_wait3A_184, %dma_wait3A_185] : memref<160x64xi32, #tpu.memory_space<vmem>> -> memref<1x64xi32, #tpu.memory_space<vmem>>
      %dma_wait3A_187 = tpu.memref_squeeze %dma_wait3A_186 : memref<1x64xi32, #tpu.memory_space<vmem>> -> memref<64xi32, #tpu.memory_space<vmem>>
      %dma_wait3A_188 = arith.constant 0 : i32
      %dma_wait3A_189 = arith.constant 0 : i32
      %dma_wait3A_190 = tpu.memref_slice %arg2[%dma_wait3A_188, %dma_wait3A_189] : memref<10000x128xf32, #tpu.memory_space<hbm>> -> memref<10000x128xf32, #tpu.memory_space<hbm>>
      tpu.wait_indirect_dma semaphore(%arg12 : memref<!tpu.dma_semaphore, #tpu.memory_space<semaphore_mem>>) src(%dma_wait3A_190 : memref<10000x128xf32, #tpu.memory_space<hbm>>) dst(%arg7 : memref<64x128xf32, #tpu.memory_space<vmem>>)
      %broadcast_in_dim3A_191 = arith.constant 0.000000e+00 : f32
      %broadcast_in_dim3A_192 = vector.broadcast %broadcast_in_dim3A_191 : f32 to vector<16xf32>
      %broadcast_in_dim3A_193 = arith.constant 0.000000e+00 : f32
      %broadcast_in_dim3A_194 = vector.broadcast %broadcast_in_dim3A_193 : f32 to vector<16xf32>
      %broadcast_in_dim3A_195 = arith.constant 0.000000e+00 : f32
      %broadcast_in_dim3A_196 = vector.broadcast %broadcast_in_dim3A_195 : f32 to vector<16xf32>
      %broadcast_in_dim3A_197 = arith.constant 0.000000e+00 : f32
      %broadcast_in_dim3A_198 = vector.broadcast %broadcast_in_dim3A_197 : f32 to vector<16xf32>
      %broadcast_in_dim3A_199 = arith.constant 0.000000e+00 : f32
      %broadcast_in_dim3A_200 = vector.broadcast %broadcast_in_dim3A_199 : f32 to vector<16xf32>
      %broadcast_in_dim3A_201 = arith.constant 0.000000e+00 : f32
      %broadcast_in_dim3A_202 = vector.broadcast %broadcast_in_dim3A_201 : f32 to vector<16xf32>
      %broadcast_in_dim3A_203 = arith.constant 0.000000e+00 : f32
      %broadcast_in_dim3A_204 = vector.broadcast %broadcast_in_dim3A_203 : f32 to vector<16xf32>
      %broadcast_in_dim3A_205 = arith.constant 0.000000e+00 : f32
      %broadcast_in_dim3A_206 = vector.broadcast %broadcast_in_dim3A_205 : f32 to vector<16xf32>
      %scan3A_207 = arith.constant 0 : i32
      %scan3A_208 = arith.constant 4 : i32
      %scan3A_209 = arith.addi %scan3A_207, %scan3A_208 : i32
      %scan3A_210 = arith.constant 1 : i32
      %scan3A_211:8 = scf.for %scan3A_624 = %scan3A_207 to %scan3A_209 step %scan3A_210 iter_args(%scan3A_625 = %broadcast_in_dim3A_192, %scan3A_626 = %broadcast_in_dim3A_194, %scan3A_627 = %broadcast_in_dim3A_196, %scan3A_628 = %broadcast_in_dim3A_198, %scan3A_629 = %broadcast_in_dim3A_200, %scan3A_630 = %broadcast_in_dim3A_202, %scan3A_631 = %broadcast_in_dim3A_204, %scan3A_632 = %broadcast_in_dim3A_206) -> (vector<16xf32>, vector<16xf32>, vector<16xf32>, vector<16xf32>, vector<16xf32>, vector<16xf32>, vector<16xf32>, vector<16xf32>)  : i32 {
        %mul3A_633 = arith.constant 8 : i32
        %mul3A_634 = arith.muli %scan3A_624, %mul3A_633 : i32
        %add3A_635 = arith.constant 0 : i32
        %add3A_636 = arith.addi %add3A_635, %mul3A_634 : i32
        %add3A_637 = arith.constant 0 : i32
        %add3A_638 = arith.addi %add3A_636, %add3A_637 : i32
        %get3A = arith.index_cast %add3A_638 : i32 to index
        %get3A_639 = arith.constant 0 : index
        %get3A_640 = tpu.vector_load %arg7[%get3A, %get3A_639] {strides = array<i32>} : memref<64x128xf32, #tpu.memory_space<vmem>>, vector<1x16xf32>,
        %get3A_641 = vector.shape_cast %get3A_640 : vector<1x16xf32> to vector<16xf32>
        %add3A_642 = arith.addf %scan3A_625, %get3A_641 : vector<16xf32>
        %get3A_643 = arith.index_cast %add3A_638 : i32 to index
        %get3A_644 = arith.constant 16 : index
        %get3A_645 = tpu.vector_load %arg7[%get3A_643, %get3A_644] {strides = array<i32>} : memref<64x128xf32, #tpu.memory_space<vmem>>, vector<1x16xf32>,
        %get3A_646 = vector.shape_cast %get3A_645 : vector<1x16xf32> to vector<16xf32>
        %add3A_647 = arith.addf %scan3A_626, %get3A_646 : vector<16xf32>
        %get3A_648 = arith.index_cast %add3A_638 : i32 to index
        %get3A_649 = arith.constant 32 : index
        %get3A_650 = tpu.vector_load %arg7[%get3A_648, %get3A_649] {strides = array<i32>} : memref<64x128xf32, #tpu.memory_space<vmem>>, vector<1x16xf32>,
        %get3A_651 = vector.shape_cast %get3A_650 : vector<1x16xf32> to vector<16xf32>
        %add3A_652 = arith.addf %scan3A_627, %get3A_651 : vector<16xf32>
        %get3A_653 = arith.index_cast %add3A_638 : i32 to index
        %get3A_654 = arith.constant 48 : index
        %get3A_655 = tpu.vector_load %arg7[%get3A_653, %get3A_654] {strides = array<i32>} : memref<64x128xf32, #tpu.memory_space<vmem>>, vector<1x16xf32>,
        %get3A_656 = vector.shape_cast %get3A_655 : vector<1x16xf32> to vector<16xf32>
        %add3A_657 = arith.addf %scan3A_628, %get3A_656 : vector<16xf32>
        %get3A_658 = arith.index_cast %add3A_638 : i32 to index
        %get3A_659 = arith.constant 64 : index
        %get3A_660 = tpu.vector_load %arg7[%get3A_658, %get3A_659] {strides = array<i32>} : memref<64x128xf32, #tpu.memory_space<vmem>>, vector<1x16xf32>,
        %get3A_661 = vector.shape_cast %get3A_660 : vector<1x16xf32> to vector<16xf32>
        %add3A_662 = arith.addf %scan3A_629, %get3A_661 : vector<16xf32>
        %get3A_663 = arith.index_cast %add3A_638 : i32 to index
        %get3A_664 = arith.constant 80 : index
        %get3A_665 = tpu.vector_load %arg7[%get3A_663, %get3A_664] {strides = array<i32>} : memref<64x128xf32, #tpu.memory_space<vmem>>, vector<1x16xf32>,
        %get3A_666 = vector.shape_cast %get3A_665 : vector<1x16xf32> to vector<16xf32>
        %add3A_667 = arith.addf %scan3A_630, %get3A_666 : vector<16xf32>
        %get3A_668 = arith.index_cast %add3A_638 : i32 to index
        %get3A_669 = arith.constant 96 : index
        %get3A_670 = tpu.vector_load %arg7[%get3A_668, %get3A_669] {strides = array<i32>} : memref<64x128xf32, #tpu.memory_space<vmem>>, vector<1x16xf32>,
        %get3A_671 = vector.shape_cast %get3A_670 : vector<1x16xf32> to vector<16xf32>
        %add3A_672 = arith.addf %scan3A_631, %get3A_671 : vector<16xf32>
        %get3A_673 = arith.index_cast %add3A_638 : i32 to index
        %get3A_674 = arith.constant 112 : index
        %get3A_675 = tpu.vector_load %arg7[%get3A_673, %get3A_674] {strides = array<i32>} : memref<64x128xf32, #tpu.memory_space<vmem>>, vector<1x16xf32>,
        %get3A_676 = vector.shape_cast %get3A_675 : vector<1x16xf32> to vector<16xf32>
        %add3A_677 = arith.addf %scan3A_632, %get3A_676 : vector<16xf32>
        %add3A_678 = arith.constant 1 : i32
        %add3A_679 = arith.addi %add3A_636, %add3A_678 : i32
        %get3A_680 = arith.index_cast %add3A_679 : i32 to index
        %get3A_681 = arith.constant 0 : index
        %get3A_682 = tpu.vector_load %arg7[%get3A_680, %get3A_681] {strides = array<i32>} : memref<64x128xf32, #tpu.memory_space<vmem>>, vector<1x16xf32>,
        %get3A_683 = vector.shape_cast %get3A_682 : vector<1x16xf32> to vector<16xf32>
        %add3A_684 = arith.addf %add3A_642, %get3A_683 : vector<16xf32>
        %get3A_685 = arith.index_cast %add3A_679 : i32 to index
        %get3A_686 = arith.constant 16 : index
        %get3A_687 = tpu.vector_load %arg7[%get3A_685, %get3A_686] {strides = array<i32>} : memref<64x128xf32, #tpu.memory_space<vmem>>, vector<1x16xf32>,
        %get3A_688 = vector.shape_cast %get3A_687 : vector<1x16xf32> to vector<16xf32>
        %add3A_689 = arith.addf %add3A_647, %get3A_688 : vector<16xf32>
        %get3A_690 = arith.index_cast %add3A_679 : i32 to index
        %get3A_691 = arith.constant 32 : index
        %get3A_692 = tpu.vector_load %arg7[%get3A_690, %get3A_691] {strides = array<i32>} : memref<64x128xf32, #tpu.memory_space<vmem>>, vector<1x16xf32>,
        %get3A_693 = vector.shape_cast %get3A_692 : vector<1x16xf32> to vector<16xf32>
        %add3A_694 = arith.addf %add3A_652, %get3A_693 : vector<16xf32>
        %get3A_695 = arith.index_cast %add3A_679 : i32 to index
        %get3A_696 = arith.constant 48 : index
        %get3A_697 = tpu.vector_load %arg7[%get3A_695, %get3A_696] {strides = array<i32>} : memref<64x128xf32, #tpu.memory_space<vmem>>, vector<1x16xf32>,
        %get3A_698 = vector.shape_cast %get3A_697 : vector<1x16xf32> to vector<16xf32>
        %add3A_699 = arith.addf %add3A_657, %get3A_698 : vector<16xf32>
        %get3A_700 = arith.index_cast %add3A_679 : i32 to index
        %get3A_701 = arith.constant 64 : index
        %get3A_702 = tpu.vector_load %arg7[%get3A_700, %get3A_701] {strides = array<i32>} : memref<64x128xf32, #tpu.memory_space<vmem>>, vector<1x16xf32>,
        %get3A_703 = vector.shape_cast %get3A_702 : vector<1x16xf32> to vector<16xf32>
        %add3A_704 = arith.addf %add3A_662, %get3A_703 : vector<16xf32>
        %get3A_705 = arith.index_cast %add3A_679 : i32 to index
        %get3A_706 = arith.constant 80 : index
        %get3A_707 = tpu.vector_load %arg7[%get3A_705, %get3A_706] {strides = array<i32>} : memref<64x128xf32, #tpu.memory_space<vmem>>, vector<1x16xf32>,
        %get3A_708 = vector.shape_cast %get3A_707 : vector<1x16xf32> to vector<16xf32>
        %add3A_709 = arith.addf %add3A_667, %get3A_708 : vector<16xf32>
        %get3A_710 = arith.index_cast %add3A_679 : i32 to index
        %get3A_711 = arith.constant 96 : index
        %get3A_712 = tpu.vector_load %arg7[%get3A_710, %get3A_711] {strides = array<i32>} : memref<64x128xf32, #tpu.memory_space<vmem>>, vector<1x16xf32>,
        %get3A_713 = vector.shape_cast %get3A_712 : vector<1x16xf32> to vector<16xf32>
        %add3A_714 = arith.addf %add3A_672, %get3A_713 : vector<16xf32>
        %get3A_715 = arith.index_cast %add3A_679 : i32 to index
        %get3A_716 = arith.constant 112 : index
        %get3A_717 = tpu.vector_load %arg7[%get3A_715, %get3A_716] {strides = array<i32>} : memref<64x128xf32, #tpu.memory_space<vmem>>, vector<1x16xf32>,
        %get3A_718 = vector.shape_cast %get3A_717 : vector<1x16xf32> to vector<16xf32>
        %add3A_719 = arith.addf %add3A_677, %get3A_718 : vector<16xf32>
        %add3A_720 = arith.constant 2 : i32
        %add3A_721 = arith.addi %add3A_636, %add3A_720 : i32
        %get3A_722 = arith.index_cast %add3A_721 : i32 to index
        %get3A_723 = arith.constant 0 : index
        %get3A_724 = tpu.vector_load %arg7[%get3A_722, %get3A_723] {strides = array<i32>} : memref<64x128xf32, #tpu.memory_space<vmem>>, vector<1x16xf32>,
        %get3A_725 = vector.shape_cast %get3A_724 : vector<1x16xf32> to vector<16xf32>
        %add3A_726 = arith.addf %add3A_684, %get3A_725 : vector<16xf32>
        %get3A_727 = arith.index_cast %add3A_721 : i32 to index
        %get3A_728 = arith.constant 16 : index
        %get3A_729 = tpu.vector_load %arg7[%get3A_727, %get3A_728] {strides = array<i32>} : memref<64x128xf32, #tpu.memory_space<vmem>>, vector<1x16xf32>,
        %get3A_730 = vector.shape_cast %get3A_729 : vector<1x16xf32> to vector<16xf32>
        %add3A_731 = arith.addf %add3A_689, %get3A_730 : vector<16xf32>
        %get3A_732 = arith.index_cast %add3A_721 : i32 to index
        %get3A_733 = arith.constant 32 : index
        %get3A_734 = tpu.vector_load %arg7[%get3A_732, %get3A_733] {strides = array<i32>} : memref<64x128xf32, #tpu.memory_space<vmem>>, vector<1x16xf32>,
        %get3A_735 = vector.shape_cast %get3A_734 : vector<1x16xf32> to vector<16xf32>
        %add3A_736 = arith.addf %add3A_694, %get3A_735 : vector<16xf32>
        %get3A_737 = arith.index_cast %add3A_721 : i32 to index
        %get3A_738 = arith.constant 48 : index
        %get3A_739 = tpu.vector_load %arg7[%get3A_737, %get3A_738] {strides = array<i32>} : memref<64x128xf32, #tpu.memory_space<vmem>>, vector<1x16xf32>,
        %get3A_740 = vector.shape_cast %get3A_739 : vector<1x16xf32> to vector<16xf32>
        %add3A_741 = arith.addf %add3A_699, %get3A_740 : vector<16xf32>
        %get3A_742 = arith.index_cast %add3A_721 : i32 to index
        %get3A_743 = arith.constant 64 : index
        %get3A_744 = tpu.vector_load %arg7[%get3A_742, %get3A_743] {strides = array<i32>} : memref<64x128xf32, #tpu.memory_space<vmem>>, vector<1x16xf32>,
        %get3A_745 = vector.shape_cast %get3A_744 : vector<1x16xf32> to vector<16xf32>
        %add3A_746 = arith.addf %add3A_704, %get3A_745 : vector<16xf32>
        %get3A_747 = arith.index_cast %add3A_721 : i32 to index
        %get3A_748 = arith.constant 80 : index
        %get3A_749 = tpu.vector_load %arg7[%get3A_747, %get3A_748] {strides = array<i32>} : memref<64x128xf32, #tpu.memory_space<vmem>>, vector<1x16xf32>,
        %get3A_750 = vector.shape_cast %get3A_749 : vector<1x16xf32> to vector<16xf32>
        %add3A_751 = arith.addf %add3A_709, %get3A_750 : vector<16xf32>
        %get3A_752 = arith.index_cast %add3A_721 : i32 to index
        %get3A_753 = arith.constant 96 : index
        %get3A_754 = tpu.vector_load %arg7[%get3A_752, %get3A_753] {strides = array<i32>} : memref<64x128xf32, #tpu.memory_space<vmem>>, vector<1x16xf32>,
        %get3A_755 = vector.shape_cast %get3A_754 : vector<1x16xf32> to vector<16xf32>
        %add3A_756 = arith.addf %add3A_714, %get3A_755 : vector<16xf32>
        %get3A_757 = arith.index_cast %add3A_721 : i32 to index
        %get3A_758 = arith.constant 112 : index
        %get3A_759 = tpu.vector_load %arg7[%get3A_757, %get3A_758] {strides = array<i32>} : memref<64x128xf32, #tpu.memory_space<vmem>>, vector<1x16xf32>,
        %get3A_760 = vector.shape_cast %get3A_759 : vector<1x16xf32> to vector<16xf32>
        %add3A_761 = arith.addf %add3A_719, %get3A_760 : vector<16xf32>
        %add3A_762 = arith.constant 3 : i32
        %add3A_763 = arith.addi %add3A_636, %add3A_762 : i32
        %get3A_764 = arith.index_cast %add3A_763 : i32 to index
        %get3A_765 = arith.constant 0 : index
        %get3A_766 = tpu.vector_load %arg7[%get3A_764, %get3A_765] {strides = array<i32>} : memref<64x128xf32, #tpu.memory_space<vmem>>, vector<1x16xf32>,
        %get3A_767 = vector.shape_cast %get3A_766 : vector<1x16xf32> to vector<16xf32>
        %add3A_768 = arith.addf %add3A_726, %get3A_767 : vector<16xf32>
        %get3A_769 = arith.index_cast %add3A_763 : i32 to index
        %get3A_770 = arith.constant 16 : index
        %get3A_771 = tpu.vector_load %arg7[%get3A_769, %get3A_770] {strides = array<i32>} : memref<64x128xf32, #tpu.memory_space<vmem>>, vector<1x16xf32>,
        %get3A_772 = vector.shape_cast %get3A_771 : vector<1x16xf32> to vector<16xf32>
        %add3A_773 = arith.addf %add3A_731, %get3A_772 : vector<16xf32>
        %get3A_774 = arith.index_cast %add3A_763 : i32 to index
        %get3A_775 = arith.constant 32 : index
        %get3A_776 = tpu.vector_load %arg7[%get3A_774, %get3A_775] {strides = array<i32>} : memref<64x128xf32, #tpu.memory_space<vmem>>, vector<1x16xf32>,
        %get3A_777 = vector.shape_cast %get3A_776 : vector<1x16xf32> to vector<16xf32>
        %add3A_778 = arith.addf %add3A_736, %get3A_777 : vector<16xf32>
        %get3A_779 = arith.index_cast %add3A_763 : i32 to index
        %get3A_780 = arith.constant 48 : index
        %get3A_781 = tpu.vector_load %arg7[%get3A_779, %get3A_780] {strides = array<i32>} : memref<64x128xf32, #tpu.memory_space<vmem>>, vector<1x16xf32>,
        %get3A_782 = vector.shape_cast %get3A_781 : vector<1x16xf32> to vector<16xf32>
        %add3A_783 = arith.addf %add3A_741, %get3A_782 : vector<16xf32>
        %get3A_784 = arith.index_cast %add3A_763 : i32 to index
        %get3A_785 = arith.constant 64 : index
        %get3A_786 = tpu.vector_load %arg7[%get3A_784, %get3A_785] {strides = array<i32>} : memref<64x128xf32, #tpu.memory_space<vmem>>, vector<1x16xf32>,
        %get3A_787 = vector.shape_cast %get3A_786 : vector<1x16xf32> to vector<16xf32>
        %add3A_788 = arith.addf %add3A_746, %get3A_787 : vector<16xf32>
        %get3A_789 = arith.index_cast %add3A_763 : i32 to index
        %get3A_790 = arith.constant 80 : index
        %get3A_791 = tpu.vector_load %arg7[%get3A_789, %get3A_790] {strides = array<i32>} : memref<64x128xf32, #tpu.memory_space<vmem>>, vector<1x16xf32>,
        %get3A_792 = vector.shape_cast %get3A_791 : vector<1x16xf32> to vector<16xf32>
        %add3A_793 = arith.addf %add3A_751, %get3A_792 : vector<16xf32>
        %get3A_794 = arith.index_cast %add3A_763 : i32 to index
        %get3A_795 = arith.constant 96 : index
        %get3A_796 = tpu.vector_load %arg7[%get3A_794, %get3A_795] {strides = array<i32>} : memref<64x128xf32, #tpu.memory_space<vmem>>, vector<1x16xf32>,
        %get3A_797 = vector.shape_cast %get3A_796 : vector<1x16xf32> to vector<16xf32>
        %add3A_798 = arith.addf %add3A_756, %get3A_797 : vector<16xf32>
        %get3A_799 = arith.index_cast %add3A_763 : i32 to index
        %get3A_800 = arith.constant 112 : index
        %get3A_801 = tpu.vector_load %arg7[%get3A_799, %get3A_800] {strides = array<i32>} : memref<64x128xf32, #tpu.memory_space<vmem>>, vector<1x16xf32>,
        %get3A_802 = vector.shape_cast %get3A_801 : vector<1x16xf32> to vector<16xf32>
        %add3A_803 = arith.addf %add3A_761, %get3A_802 : vector<16xf32>
        %add3A_804 = arith.constant 4 : i32
        %add3A_805 = arith.addi %add3A_636, %add3A_804 : i32
        %get3A_806 = arith.index_cast %add3A_805 : i32 to index
        %get3A_807 = arith.constant 0 : index
        %get3A_808 = tpu.vector_load %arg7[%get3A_806, %get3A_807] {strides = array<i32>} : memref<64x128xf32, #tpu.memory_space<vmem>>, vector<1x16xf32>,
        %get3A_809 = vector.shape_cast %get3A_808 : vector<1x16xf32> to vector<16xf32>
        %add3A_810 = arith.addf %add3A_768, %get3A_809 : vector<16xf32>
        %get3A_811 = arith.index_cast %add3A_805 : i32 to index
        %get3A_812 = arith.constant 16 : index
        %get3A_813 = tpu.vector_load %arg7[%get3A_811, %get3A_812] {strides = array<i32>} : memref<64x128xf32, #tpu.memory_space<vmem>>, vector<1x16xf32>,
        %get3A_814 = vector.shape_cast %get3A_813 : vector<1x16xf32> to vector<16xf32>
        %add3A_815 = arith.addf %add3A_773, %get3A_814 : vector<16xf32>
        %get3A_816 = arith.index_cast %add3A_805 : i32 to index
        %get3A_817 = arith.constant 32 : index
        %get3A_818 = tpu.vector_load %arg7[%get3A_816, %get3A_817] {strides = array<i32>} : memref<64x128xf32, #tpu.memory_space<vmem>>, vector<1x16xf32>,
        %get3A_819 = vector.shape_cast %get3A_818 : vector<1x16xf32> to vector<16xf32>
        %add3A_820 = arith.addf %add3A_778, %get3A_819 : vector<16xf32>
        %get3A_821 = arith.index_cast %add3A_805 : i32 to index
        %get3A_822 = arith.constant 48 : index
        %get3A_823 = tpu.vector_load %arg7[%get3A_821, %get3A_822] {strides = array<i32>} : memref<64x128xf32, #tpu.memory_space<vmem>>, vector<1x16xf32>,
        %get3A_824 = vector.shape_cast %get3A_823 : vector<1x16xf32> to vector<16xf32>
        %add3A_825 = arith.addf %add3A_783, %get3A_824 : vector<16xf32>
        %get3A_826 = arith.index_cast %add3A_805 : i32 to index
        %get3A_827 = arith.constant 64 : index
        %get3A_828 = tpu.vector_load %arg7[%get3A_826, %get3A_827] {strides = array<i32>} : memref<64x128xf32, #tpu.memory_space<vmem>>, vector<1x16xf32>,
        %get3A_829 = vector.shape_cast %get3A_828 : vector<1x16xf32> to vector<16xf32>
        %add3A_830 = arith.addf %add3A_788, %get3A_829 : vector<16xf32>
        %get3A_831 = arith.index_cast %add3A_805 : i32 to index
        %get3A_832 = arith.constant 80 : index
        %get3A_833 = tpu.vector_load %arg7[%get3A_831, %get3A_832] {strides = array<i32>} : memref<64x128xf32, #tpu.memory_space<vmem>>, vector<1x16xf32>,
        %get3A_834 = vector.shape_cast %get3A_833 : vector<1x16xf32> to vector<16xf32>
        %add3A_835 = arith.addf %add3A_793, %get3A_834 : vector<16xf32>
        %get3A_836 = arith.index_cast %add3A_805 : i32 to index
        %get3A_837 = arith.constant 96 : index
        %get3A_838 = tpu.vector_load %arg7[%get3A_836, %get3A_837] {strides = array<i32>} : memref<64x128xf32, #tpu.memory_space<vmem>>, vector<1x16xf32>,
        %get3A_839 = vector.shape_cast %get3A_838 : vector<1x16xf32> to vector<16xf32>
        %add3A_840 = arith.addf %add3A_798, %get3A_839 : vector<16xf32>
        %get3A_841 = arith.index_cast %add3A_805 : i32 to index
        %get3A_842 = arith.constant 112 : index
        %get3A_843 = tpu.vector_load %arg7[%get3A_841, %get3A_842] {strides = array<i32>} : memref<64x128xf32, #tpu.memory_space<vmem>>, vector<1x16xf32>,
        %get3A_844 = vector.shape_cast %get3A_843 : vector<1x16xf32> to vector<16xf32>
        %add3A_845 = arith.addf %add3A_803, %get3A_844 : vector<16xf32>
        %add3A_846 = arith.constant 5 : i32
        %add3A_847 = arith.addi %add3A_636, %add3A_846 : i32
        %get3A_848 = arith.index_cast %add3A_847 : i32 to index
        %get3A_849 = arith.constant 0 : index
        %get3A_850 = tpu.vector_load %arg7[%get3A_848, %get3A_849] {strides = array<i32>} : memref<64x128xf32, #tpu.memory_space<vmem>>, vector<1x16xf32>,
        %get3A_851 = vector.shape_cast %get3A_850 : vector<1x16xf32> to vector<16xf32>
        %add3A_852 = arith.addf %add3A_810, %get3A_851 : vector<16xf32>
        %get3A_853 = arith.index_cast %add3A_847 : i32 to index
        %get3A_854 = arith.constant 16 : index
        %get3A_855 = tpu.vector_load %arg7[%get3A_853, %get3A_854] {strides = array<i32>} : memref<64x128xf32, #tpu.memory_space<vmem>>, vector<1x16xf32>,
        %get3A_856 = vector.shape_cast %get3A_855 : vector<1x16xf32> to vector<16xf32>
        %add3A_857 = arith.addf %add3A_815, %get3A_856 : vector<16xf32>
        %get3A_858 = arith.index_cast %add3A_847 : i32 to index
        %get3A_859 = arith.constant 32 : index
        %get3A_860 = tpu.vector_load %arg7[%get3A_858, %get3A_859] {strides = array<i32>} : memref<64x128xf32, #tpu.memory_space<vmem>>, vector<1x16xf32>,
        %get3A_861 = vector.shape_cast %get3A_860 : vector<1x16xf32> to vector<16xf32>
        %add3A_862 = arith.addf %add3A_820, %get3A_861 : vector<16xf32>
        %get3A_863 = arith.index_cast %add3A_847 : i32 to index
        %get3A_864 = arith.constant 48 : index
        %get3A_865 = tpu.vector_load %arg7[%get3A_863, %get3A_864] {strides = array<i32>} : memref<64x128xf32, #tpu.memory_space<vmem>>, vector<1x16xf32>,
        %get3A_866 = vector.shape_cast %get3A_865 : vector<1x16xf32> to vector<16xf32>
        %add3A_867 = arith.addf %add3A_825, %get3A_866 : vector<16xf32>
        %get3A_868 = arith.index_cast %add3A_847 : i32 to index
        %get3A_869 = arith.constant 64 : index
        %get3A_870 = tpu.vector_load %arg7[%get3A_868, %get3A_869] {strides = array<i32>} : memref<64x128xf32, #tpu.memory_space<vmem>>, vector<1x16xf32>,
        %get3A_871 = vector.shape_cast %get3A_870 : vector<1x16xf32> to vector<16xf32>
        %add3A_872 = arith.addf %add3A_830, %get3A_871 : vector<16xf32>
        %get3A_873 = arith.index_cast %add3A_847 : i32 to index
        %get3A_874 = arith.constant 80 : index
        %get3A_875 = tpu.vector_load %arg7[%get3A_873, %get3A_874] {strides = array<i32>} : memref<64x128xf32, #tpu.memory_space<vmem>>, vector<1x16xf32>,
        %get3A_876 = vector.shape_cast %get3A_875 : vector<1x16xf32> to vector<16xf32>
        %add3A_877 = arith.addf %add3A_835, %get3A_876 : vector<16xf32>
        %get3A_878 = arith.index_cast %add3A_847 : i32 to index
        %get3A_879 = arith.constant 96 : index
        %get3A_880 = tpu.vector_load %arg7[%get3A_878, %get3A_879] {strides = array<i32>} : memref<64x128xf32, #tpu.memory_space<vmem>>, vector<1x16xf32>,
        %get3A_881 = vector.shape_cast %get3A_880 : vector<1x16xf32> to vector<16xf32>
        %add3A_882 = arith.addf %add3A_840, %get3A_881 : vector<16xf32>
        %get3A_883 = arith.index_cast %add3A_847 : i32 to index
        %get3A_884 = arith.constant 112 : index
        %get3A_885 = tpu.vector_load %arg7[%get3A_883, %get3A_884] {strides = array<i32>} : memref<64x128xf32, #tpu.memory_space<vmem>>, vector<1x16xf32>,
        %get3A_886 = vector.shape_cast %get3A_885 : vector<1x16xf32> to vector<16xf32>
        %add3A_887 = arith.addf %add3A_845, %get3A_886 : vector<16xf32>
        %add3A_888 = arith.constant 6 : i32
        %add3A_889 = arith.addi %add3A_636, %add3A_888 : i32
        %get3A_890 = arith.index_cast %add3A_889 : i32 to index
        %get3A_891 = arith.constant 0 : index
        %get3A_892 = tpu.vector_load %arg7[%get3A_890, %get3A_891] {strides = array<i32>} : memref<64x128xf32, #tpu.memory_space<vmem>>, vector<1x16xf32>,
        %get3A_893 = vector.shape_cast %get3A_892 : vector<1x16xf32> to vector<16xf32>
        %add3A_894 = arith.addf %add3A_852, %get3A_893 : vector<16xf32>
        %get3A_895 = arith.index_cast %add3A_889 : i32 to index
        %get3A_896 = arith.constant 16 : index
        %get3A_897 = tpu.vector_load %arg7[%get3A_895, %get3A_896] {strides = array<i32>} : memref<64x128xf32, #tpu.memory_space<vmem>>, vector<1x16xf32>,
        %get3A_898 = vector.shape_cast %get3A_897 : vector<1x16xf32> to vector<16xf32>
        %add3A_899 = arith.addf %add3A_857, %get3A_898 : vector<16xf32>
        %get3A_900 = arith.index_cast %add3A_889 : i32 to index
        %get3A_901 = arith.constant 32 : index
        %get3A_902 = tpu.vector_load %arg7[%get3A_900, %get3A_901] {strides = array<i32>} : memref<64x128xf32, #tpu.memory_space<vmem>>, vector<1x16xf32>,
        %get3A_903 = vector.shape_cast %get3A_902 : vector<1x16xf32> to vector<16xf32>
        %add3A_904 = arith.addf %add3A_862, %get3A_903 : vector<16xf32>
        %get3A_905 = arith.index_cast %add3A_889 : i32 to index
        %get3A_906 = arith.constant 48 : index
        %get3A_907 = tpu.vector_load %arg7[%get3A_905, %get3A_906] {strides = array<i32>} : memref<64x128xf32, #tpu.memory_space<vmem>>, vector<1x16xf32>,
        %get3A_908 = vector.shape_cast %get3A_907 : vector<1x16xf32> to vector<16xf32>
        %add3A_909 = arith.addf %add3A_867, %get3A_908 : vector<16xf32>
        %get3A_910 = arith.index_cast %add3A_889 : i32 to index
        %get3A_911 = arith.constant 64 : index
        %get3A_912 = tpu.vector_load %arg7[%get3A_910, %get3A_911] {strides = array<i32>} : memref<64x128xf32, #tpu.memory_space<vmem>>, vector<1x16xf32>,
        %get3A_913 = vector.shape_cast %get3A_912 : vector<1x16xf32> to vector<16xf32>
        %add3A_914 = arith.addf %add3A_872, %get3A_913 : vector<16xf32>
        %get3A_915 = arith.index_cast %add3A_889 : i32 to index
        %get3A_916 = arith.constant 80 : index
        %get3A_917 = tpu.vector_load %arg7[%get3A_915, %get3A_916] {strides = array<i32>} : memref<64x128xf32, #tpu.memory_space<vmem>>, vector<1x16xf32>,
        %get3A_918 = vector.shape_cast %get3A_917 : vector<1x16xf32> to vector<16xf32>
        %add3A_919 = arith.addf %add3A_877, %get3A_918 : vector<16xf32>
        %get3A_920 = arith.index_cast %add3A_889 : i32 to index
        %get3A_921 = arith.constant 96 : index
        %get3A_922 = tpu.vector_load %arg7[%get3A_920, %get3A_921] {strides = array<i32>} : memref<64x128xf32, #tpu.memory_space<vmem>>, vector<1x16xf32>,
        %get3A_923 = vector.shape_cast %get3A_922 : vector<1x16xf32> to vector<16xf32>
        %add3A_924 = arith.addf %add3A_882, %get3A_923 : vector<16xf32>
        %get3A_925 = arith.index_cast %add3A_889 : i32 to index
        %get3A_926 = arith.constant 112 : index
        %get3A_927 = tpu.vector_load %arg7[%get3A_925, %get3A_926] {strides = array<i32>} : memref<64x128xf32, #tpu.memory_space<vmem>>, vector<1x16xf32>,
        %get3A_928 = vector.shape_cast %get3A_927 : vector<1x16xf32> to vector<16xf32>
        %add3A_929 = arith.addf %add3A_887, %get3A_928 : vector<16xf32>
        %add3A_930 = arith.constant 7 : i32
        %add3A_931 = arith.addi %add3A_636, %add3A_930 : i32
        %get3A_932 = arith.index_cast %add3A_931 : i32 to index
        %get3A_933 = arith.constant 0 : index
        %get3A_934 = tpu.vector_load %arg7[%get3A_932, %get3A_933] {strides = array<i32>} : memref<64x128xf32, #tpu.memory_space<vmem>>, vector<1x16xf32>,
        %get3A_935 = vector.shape_cast %get3A_934 : vector<1x16xf32> to vector<16xf32>
        %add3A_936 = arith.addf %add3A_894, %get3A_935 : vector<16xf32>
        %get3A_937 = arith.index_cast %add3A_931 : i32 to index
        %get3A_938 = arith.constant 16 : index
        %get3A_939 = tpu.vector_load %arg7[%get3A_937, %get3A_938] {strides = array<i32>} : memref<64x128xf32, #tpu.memory_space<vmem>>, vector<1x16xf32>,
        %get3A_940 = vector.shape_cast %get3A_939 : vector<1x16xf32> to vector<16xf32>
        %add3A_941 = arith.addf %add3A_899, %get3A_940 : vector<16xf32>
        %get3A_942 = arith.index_cast %add3A_931 : i32 to index
        %get3A_943 = arith.constant 32 : index
        %get3A_944 = tpu.vector_load %arg7[%get3A_942, %get3A_943] {strides = array<i32>} : memref<64x128xf32, #tpu.memory_space<vmem>>, vector<1x16xf32>,
        %get3A_945 = vector.shape_cast %get3A_944 : vector<1x16xf32> to vector<16xf32>
        %add3A_946 = arith.addf %add3A_904, %get3A_945 : vector<16xf32>
        %get3A_947 = arith.index_cast %add3A_931 : i32 to index
        %get3A_948 = arith.constant 48 : index
        %get3A_949 = tpu.vector_load %arg7[%get3A_947, %get3A_948] {strides = array<i32>} : memref<64x128xf32, #tpu.memory_space<vmem>>, vector<1x16xf32>,
        %get3A_950 = vector.shape_cast %get3A_949 : vector<1x16xf32> to vector<16xf32>
        %add3A_951 = arith.addf %add3A_909, %get3A_950 : vector<16xf32>
        %get3A_952 = arith.index_cast %add3A_931 : i32 to index
        %get3A_953 = arith.constant 64 : index
        %get3A_954 = tpu.vector_load %arg7[%get3A_952, %get3A_953] {strides = array<i32>} : memref<64x128xf32, #tpu.memory_space<vmem>>, vector<1x16xf32>,
        %get3A_955 = vector.shape_cast %get3A_954 : vector<1x16xf32> to vector<16xf32>
        %add3A_956 = arith.addf %add3A_914, %get3A_955 : vector<16xf32>
        %get3A_957 = arith.index_cast %add3A_931 : i32 to index
        %get3A_958 = arith.constant 80 : index
        %get3A_959 = tpu.vector_load %arg7[%get3A_957, %get3A_958] {strides = array<i32>} : memref<64x128xf32, #tpu.memory_space<vmem>>, vector<1x16xf32>,
        %get3A_960 = vector.shape_cast %get3A_959 : vector<1x16xf32> to vector<16xf32>
        %add3A_961 = arith.addf %add3A_919, %get3A_960 : vector<16xf32>
        %get3A_962 = arith.index_cast %add3A_931 : i32 to index
        %get3A_963 = arith.constant 96 : index
        %get3A_964 = tpu.vector_load %arg7[%get3A_962, %get3A_963] {strides = array<i32>} : memref<64x128xf32, #tpu.memory_space<vmem>>, vector<1x16xf32>,
        %get3A_965 = vector.shape_cast %get3A_964 : vector<1x16xf32> to vector<16xf32>
        %add3A_966 = arith.addf %add3A_924, %get3A_965 : vector<16xf32>
        %get3A_967 = arith.index_cast %add3A_931 : i32 to index
        %get3A_968 = arith.constant 112 : index
        %get3A_969 = tpu.vector_load %arg7[%get3A_967, %get3A_968] {strides = array<i32>} : memref<64x128xf32, #tpu.memory_space<vmem>>, vector<1x16xf32>,
        %get3A_970 = vector.shape_cast %get3A_969 : vector<1x16xf32> to vector<16xf32>
        %add3A_971 = arith.addf %add3A_929, %get3A_970 : vector<16xf32>
        scf.yield %add3A_936, %add3A_941, %add3A_946, %add3A_951, %add3A_956, %add3A_961, %add3A_966, %add3A_971 : vector<16xf32>, vector<16xf32>, vector<16xf32>, vector<16xf32>, vector<16xf32>, vector<16xf32>, vector<16xf32>, vector<16xf32>
      }
      %scan3A_212 = arith.constant 4 : i32
      %mul3A_213 = arith.constant 2 : i32
      %mul3A_214 = arith.muli %add3A_183, %mul3A_213 : i32
      %add3A_215 = arith.constant 0 : i32
      %add3A_216 = arith.addi %mul3A_214, %add3A_215 : i32
      %swap3A_217 = arith.index_cast %add3A_216 : i32 to index
      %swap3A_218 = arith.constant 0 : index
      %swap3A_219 = tpu.vector_load %arg10[%swap3A_217, %swap3A_218] {strides = array<i32>} : memref<320x128xf32, #tpu.memory_space<vmem>>, vector<1x16xf32>,
      %swap3A_220 = vector.shape_cast %swap3A_219 : vector<1x16xf32> to vector<16xf32>
      %swap3A_221 = vector.shape_cast %scan3A_211#0 : vector<16xf32> to vector<1x16xf32>
      tpu.vector_store %arg10[%swap3A_217, %swap3A_218], %swap3A_221 {strides = array<i32>} : memref<320x128xf32, #tpu.memory_space<vmem>>, vector<1x16xf32>,
      %swap3A_222 = arith.index_cast %add3A_216 : i32 to index
      %swap3A_223 = arith.constant 16 : index
      %swap3A_224 = tpu.vector_load %arg10[%swap3A_222, %swap3A_223] {strides = array<i32>} : memref<320x128xf32, #tpu.memory_space<vmem>>, vector<1x16xf32>,
      %swap3A_225 = vector.shape_cast %swap3A_224 : vector<1x16xf32> to vector<16xf32>
      %swap3A_226 = vector.shape_cast %scan3A_211#1 : vector<16xf32> to vector<1x16xf32>
      tpu.vector_store %arg10[%swap3A_222, %swap3A_223], %swap3A_226 {strides = array<i32>} : memref<320x128xf32, #tpu.memory_space<vmem>>, vector<1x16xf32>,
      %swap3A_227 = arith.index_cast %add3A_216 : i32 to index
      %swap3A_228 = arith.constant 32 : index
      %swap3A_229 = tpu.vector_load %arg10[%swap3A_227, %swap3A_228] {strides = array<i32>} : memref<320x128xf32, #tpu.memory_space<vmem>>, vector<1x16xf32>,
      %swap3A_230 = vector.shape_cast %swap3A_229 : vector<1x16xf32> to vector<16xf32>
      %swap3A_231 = vector.shape_cast %scan3A_211#2 : vector<16xf32> to vector<1x16xf32>
      tpu.vector_store %arg10[%swap3A_227, %swap3A_228], %swap3A_231 {strides = array<i32>} : memref<320x128xf32, #tpu.memory_space<vmem>>, vector<1x16xf32>,
      %swap3A_232 = arith.index_cast %add3A_216 : i32 to index
      %swap3A_233 = arith.constant 48 : index
      %swap3A_234 = tpu.vector_load %arg10[%swap3A_232, %swap3A_233] {strides = array<i32>} : memref<320x128xf32, #tpu.memory_space<vmem>>, vector<1x16xf32>,
      %swap3A_235 = vector.shape_cast %swap3A_234 : vector<1x16xf32> to vector<16xf32>
      %swap3A_236 = vector.shape_cast %scan3A_211#3 : vector<16xf32> to vector<1x16xf32>
      tpu.vector_store %arg10[%swap3A_232, %swap3A_233], %swap3A_236 {strides = array<i32>} : memref<320x128xf32, #tpu.memory_space<vmem>>, vector<1x16xf32>,
      %swap3A_237 = arith.index_cast %add3A_216 : i32 to index
      %swap3A_238 = arith.constant 64 : index
      %swap3A_239 = tpu.vector_load %arg10[%swap3A_237, %swap3A_238] {strides = array<i32>} : memref<320x128xf32, #tpu.memory_space<vmem>>, vector<1x16xf32>,
      %swap3A_240 = vector.shape_cast %swap3A_239 : vector<1x16xf32> to vector<16xf32>
      %swap3A_241 = vector.shape_cast %scan3A_211#4 : vector<16xf32> to vector<1x16xf32>
      tpu.vector_store %arg10[%swap3A_237, %swap3A_238], %swap3A_241 {strides = array<i32>} : memref<320x128xf32, #tpu.memory_space<vmem>>, vector<1x16xf32>,
      %swap3A_242 = arith.index_cast %add3A_216 : i32 to index
      %swap3A_243 = arith.constant 80 : index
      %swap3A_244 = tpu.vector_load %arg10[%swap3A_242, %swap3A_243] {strides = array<i32>} : memref<320x128xf32, #tpu.memory_space<vmem>>, vector<1x16xf32>,
      %swap3A_245 = vector.shape_cast %swap3A_244 : vector<1x16xf32> to vector<16xf32>
      %swap3A_246 = vector.shape_cast %scan3A_211#5 : vector<16xf32> to vector<1x16xf32>
      tpu.vector_store %arg10[%swap3A_242, %swap3A_243], %swap3A_246 {strides = array<i32>} : memref<320x128xf32, #tpu.memory_space<vmem>>, vector<1x16xf32>,
      %swap3A_247 = arith.index_cast %add3A_216 : i32 to index
      %swap3A_248 = arith.constant 96 : index
      %swap3A_249 = tpu.vector_load %arg10[%swap3A_247, %swap3A_248] {strides = array<i32>} : memref<320x128xf32, #tpu.memory_space<vmem>>, vector<1x16xf32>,
      %swap3A_250 = vector.shape_cast %swap3A_249 : vector<1x16xf32> to vector<16xf32>
      %swap3A_251 = vector.shape_cast %scan3A_211#6 : vector<16xf32> to vector<1x16xf32>
      tpu.vector_store %arg10[%swap3A_247, %swap3A_248], %swap3A_251 {strides = array<i32>} : memref<320x128xf32, #tpu.memory_space<vmem>>, vector<1x16xf32>,
      %swap3A_252 = arith.index_cast %add3A_216 : i32 to index
      %swap3A_253 = arith.constant 112 : index
      %swap3A_254 = tpu.vector_load %arg10[%swap3A_252, %swap3A_253] {strides = array<i32>} : memref<320x128xf32, #tpu.memory_space<vmem>>, vector<1x16xf32>,
      %swap3A_255 = vector.shape_cast %swap3A_254 : vector<1x16xf32> to vector<16xf32>
      %swap3A_256 = vector.shape_cast %scan3A_211#7 : vector<16xf32> to vector<1x16xf32>
      tpu.vector_store %arg10[%swap3A_252, %swap3A_253], %swap3A_256 {strides = array<i32>} : memref<320x128xf32, #tpu.memory_space<vmem>>, vector<1x16xf32>,
      %broadcast_in_dim3A_257 = arith.constant 0.000000e+00 : f32
      %broadcast_in_dim3A_258 = vector.broadcast %broadcast_in_dim3A_257 : f32 to vector<16xf32>
      %broadcast_in_dim3A_259 = arith.constant 0.000000e+00 : f32
      %broadcast_in_dim3A_260 = vector.broadcast %broadcast_in_dim3A_259 : f32 to vector<16xf32>
      %broadcast_in_dim3A_261 = arith.constant 0.000000e+00 : f32
      %broadcast_in_dim3A_262 = vector.broadcast %broadcast_in_dim3A_261 : f32 to vector<16xf32>
      %broadcast_in_dim3A_263 = arith.constant 0.000000e+00 : f32
      %broadcast_in_dim3A_264 = vector.broadcast %broadcast_in_dim3A_263 : f32 to vector<16xf32>
      %broadcast_in_dim3A_265 = arith.constant 0.000000e+00 : f32
      %broadcast_in_dim3A_266 = vector.broadcast %broadcast_in_dim3A_265 : f32 to vector<16xf32>
      %broadcast_in_dim3A_267 = arith.constant 0.000000e+00 : f32
      %broadcast_in_dim3A_268 = vector.broadcast %broadcast_in_dim3A_267 : f32 to vector<16xf32>
      %broadcast_in_dim3A_269 = arith.constant 0.000000e+00 : f32
      %broadcast_in_dim3A_270 = vector.broadcast %broadcast_in_dim3A_269 : f32 to vector<16xf32>
      %broadcast_in_dim3A_271 = arith.constant 0.000000e+00 : f32
      %broadcast_in_dim3A_272 = vector.broadcast %broadcast_in_dim3A_271 : f32 to vector<16xf32>
      %scan3A_273 = arith.constant 0 : i32
      %scan3A_274 = arith.constant 4 : i32
      %scan3A_275 = arith.addi %scan3A_273, %scan3A_274 : i32
      %scan3A_276 = arith.constant 1 : i32
      %scan3A_277:8 = scf.for %scan3A_624 = %scan3A_273 to %scan3A_275 step %scan3A_276 iter_args(%scan3A_625 = %broadcast_in_dim3A_258, %scan3A_626 = %broadcast_in_dim3A_260, %scan3A_627 = %broadcast_in_dim3A_262, %scan3A_628 = %broadcast_in_dim3A_264, %scan3A_629 = %broadcast_in_dim3A_266, %scan3A_630 = %broadcast_in_dim3A_268, %scan3A_631 = %broadcast_in_dim3A_270, %scan3A_632 = %broadcast_in_dim3A_272) -> (vector<16xf32>, vector<16xf32>, vector<16xf32>, vector<16xf32>, vector<16xf32>, vector<16xf32>, vector<16xf32>, vector<16xf32>)  : i32 {
        %mul3A_633 = arith.constant 8 : i32
        %mul3A_634 = arith.muli %scan3A_624, %mul3A_633 : i32
        %add3A_635 = arith.constant 32 : i32
        %add3A_636 = arith.addi %add3A_635, %mul3A_634 : i32
        %add3A_637 = arith.constant 0 : i32
        %add3A_638 = arith.addi %add3A_636, %add3A_637 : i32
        %get3A = arith.index_cast %add3A_638 : i32 to index
        %get3A_639 = arith.constant 0 : index
        %get3A_640 = tpu.vector_load %arg7[%get3A, %get3A_639] {strides = array<i32>} : memref<64x128xf32, #tpu.memory_space<vmem>>, vector<1x16xf32>,
        %get3A_641 = vector.shape_cast %get3A_640 : vector<1x16xf32> to vector<16xf32>
        %add3A_642 = arith.addf %scan3A_625, %get3A_641 : vector<16xf32>
        %get3A_643 = arith.index_cast %add3A_638 : i32 to index
        %get3A_644 = arith.constant 16 : index
        %get3A_645 = tpu.vector_load %arg7[%get3A_643, %get3A_644] {strides = array<i32>} : memref<64x128xf32, #tpu.memory_space<vmem>>, vector<1x16xf32>,
        %get3A_646 = vector.shape_cast %get3A_645 : vector<1x16xf32> to vector<16xf32>
        %add3A_647 = arith.addf %scan3A_626, %get3A_646 : vector<16xf32>
        %get3A_648 = arith.index_cast %add3A_638 : i32 to index
        %get3A_649 = arith.constant 32 : index
        %get3A_650 = tpu.vector_load %arg7[%get3A_648, %get3A_649] {strides = array<i32>} : memref<64x128xf32, #tpu.memory_space<vmem>>, vector<1x16xf32>,
        %get3A_651 = vector.shape_cast %get3A_650 : vector<1x16xf32> to vector<16xf32>
        %add3A_652 = arith.addf %scan3A_627, %get3A_651 : vector<16xf32>
        %get3A_653 = arith.index_cast %add3A_638 : i32 to index
        %get3A_654 = arith.constant 48 : index
        %get3A_655 = tpu.vector_load %arg7[%get3A_653, %get3A_654] {strides = array<i32>} : memref<64x128xf32, #tpu.memory_space<vmem>>, vector<1x16xf32>,
        %get3A_656 = vector.shape_cast %get3A_655 : vector<1x16xf32> to vector<16xf32>
        %add3A_657 = arith.addf %scan3A_628, %get3A_656 : vector<16xf32>
        %get3A_658 = arith.index_cast %add3A_638 : i32 to index
        %get3A_659 = arith.constant 64 : index
        %get3A_660 = tpu.vector_load %arg7[%get3A_658, %get3A_659] {strides = array<i32>} : memref<64x128xf32, #tpu.memory_space<vmem>>, vector<1x16xf32>,
        %get3A_661 = vector.shape_cast %get3A_660 : vector<1x16xf32> to vector<16xf32>
        %add3A_662 = arith.addf %scan3A_629, %get3A_661 : vector<16xf32>
        %get3A_663 = arith.index_cast %add3A_638 : i32 to index
        %get3A_664 = arith.constant 80 : index
        %get3A_665 = tpu.vector_load %arg7[%get3A_663, %get3A_664] {strides = array<i32>} : memref<64x128xf32, #tpu.memory_space<vmem>>, vector<1x16xf32>,
        %get3A_666 = vector.shape_cast %get3A_665 : vector<1x16xf32> to vector<16xf32>
        %add3A_667 = arith.addf %scan3A_630, %get3A_666 : vector<16xf32>
        %get3A_668 = arith.index_cast %add3A_638 : i32 to index
        %get3A_669 = arith.constant 96 : index
        %get3A_670 = tpu.vector_load %arg7[%get3A_668, %get3A_669] {strides = array<i32>} : memref<64x128xf32, #tpu.memory_space<vmem>>, vector<1x16xf32>,
        %get3A_671 = vector.shape_cast %get3A_670 : vector<1x16xf32> to vector<16xf32>
        %add3A_672 = arith.addf %scan3A_631, %get3A_671 : vector<16xf32>
        %get3A_673 = arith.index_cast %add3A_638 : i32 to index
        %get3A_674 = arith.constant 112 : index
        %get3A_675 = tpu.vector_load %arg7[%get3A_673, %get3A_674] {strides = array<i32>} : memref<64x128xf32, #tpu.memory_space<vmem>>, vector<1x16xf32>,
        %get3A_676 = vector.shape_cast %get3A_675 : vector<1x16xf32> to vector<16xf32>
        %add3A_677 = arith.addf %scan3A_632, %get3A_676 : vector<16xf32>
        %add3A_678 = arith.constant 1 : i32
        %add3A_679 = arith.addi %add3A_636, %add3A_678 : i32
        %get3A_680 = arith.index_cast %add3A_679 : i32 to index
        %get3A_681 = arith.constant 0 : index
        %get3A_682 = tpu.vector_load %arg7[%get3A_680, %get3A_681] {strides = array<i32>} : memref<64x128xf32, #tpu.memory_space<vmem>>, vector<1x16xf32>,
        %get3A_683 = vector.shape_cast %get3A_682 : vector<1x16xf32> to vector<16xf32>
        %add3A_684 = arith.addf %add3A_642, %get3A_683 : vector<16xf32>
        %get3A_685 = arith.index_cast %add3A_679 : i32 to index
        %get3A_686 = arith.constant 16 : index
        %get3A_687 = tpu.vector_load %arg7[%get3A_685, %get3A_686] {strides = array<i32>} : memref<64x128xf32, #tpu.memory_space<vmem>>, vector<1x16xf32>,
        %get3A_688 = vector.shape_cast %get3A_687 : vector<1x16xf32> to vector<16xf32>
        %add3A_689 = arith.addf %add3A_647, %get3A_688 : vector<16xf32>
        %get3A_690 = arith.index_cast %add3A_679 : i32 to index
        %get3A_691 = arith.constant 32 : index
        %get3A_692 = tpu.vector_load %arg7[%get3A_690, %get3A_691] {strides = array<i32>} : memref<64x128xf32, #tpu.memory_space<vmem>>, vector<1x16xf32>,
        %get3A_693 = vector.shape_cast %get3A_692 : vector<1x16xf32> to vector<16xf32>
        %add3A_694 = arith.addf %add3A_652, %get3A_693 : vector<16xf32>
        %get3A_695 = arith.index_cast %add3A_679 : i32 to index
        %get3A_696 = arith.constant 48 : index
        %get3A_697 = tpu.vector_load %arg7[%get3A_695, %get3A_696] {strides = array<i32>} : memref<64x128xf32, #tpu.memory_space<vmem>>, vector<1x16xf32>,
        %get3A_698 = vector.shape_cast %get3A_697 : vector<1x16xf32> to vector<16xf32>
        %add3A_699 = arith.addf %add3A_657, %get3A_698 : vector<16xf32>
        %get3A_700 = arith.index_cast %add3A_679 : i32 to index
        %get3A_701 = arith.constant 64 : index
        %get3A_702 = tpu.vector_load %arg7[%get3A_700, %get3A_701] {strides = array<i32>} : memref<64x128xf32, #tpu.memory_space<vmem>>, vector<1x16xf32>,
        %get3A_703 = vector.shape_cast %get3A_702 : vector<1x16xf32> to vector<16xf32>
        %add3A_704 = arith.addf %add3A_662, %get3A_703 : vector<16xf32>
        %get3A_705 = arith.index_cast %add3A_679 : i32 to index
        %get3A_706 = arith.constant 80 : index
        %get3A_707 = tpu.vector_load %arg7[%get3A_705, %get3A_706] {strides = array<i32>} : memref<64x128xf32, #tpu.memory_space<vmem>>, vector<1x16xf32>,
        %get3A_708 = vector.shape_cast %get3A_707 : vector<1x16xf32> to vector<16xf32>
        %add3A_709 = arith.addf %add3A_667, %get3A_708 : vector<16xf32>
        %get3A_710 = arith.index_cast %add3A_679 : i32 to index
        %get3A_711 = arith.constant 96 : index
        %get3A_712 = tpu.vector_load %arg7[%get3A_710, %get3A_711] {strides = array<i32>} : memref<64x128xf32, #tpu.memory_space<vmem>>, vector<1x16xf32>,
        %get3A_713 = vector.shape_cast %get3A_712 : vector<1x16xf32> to vector<16xf32>
        %add3A_714 = arith.addf %add3A_672, %get3A_713 : vector<16xf32>
        %get3A_715 = arith.index_cast %add3A_679 : i32 to index
        %get3A_716 = arith.constant 112 : index
        %get3A_717 = tpu.vector_load %arg7[%get3A_715, %get3A_716] {strides = array<i32>} : memref<64x128xf32, #tpu.memory_space<vmem>>, vector<1x16xf32>,
        %get3A_718 = vector.shape_cast %get3A_717 : vector<1x16xf32> to vector<16xf32>
        %add3A_719 = arith.addf %add3A_677, %get3A_718 : vector<16xf32>
        %add3A_720 = arith.constant 2 : i32
        %add3A_721 = arith.addi %add3A_636, %add3A_720 : i32
        %get3A_722 = arith.index_cast %add3A_721 : i32 to index
        %get3A_723 = arith.constant 0 : index
        %get3A_724 = tpu.vector_load %arg7[%get3A_722, %get3A_723] {strides = array<i32>} : memref<64x128xf32, #tpu.memory_space<vmem>>, vector<1x16xf32>,
        %get3A_725 = vector.shape_cast %get3A_724 : vector<1x16xf32> to vector<16xf32>
        %add3A_726 = arith.addf %add3A_684, %get3A_725 : vector<16xf32>
        %get3A_727 = arith.index_cast %add3A_721 : i32 to index
        %get3A_728 = arith.constant 16 : index
        %get3A_729 = tpu.vector_load %arg7[%get3A_727, %get3A_728] {strides = array<i32>} : memref<64x128xf32, #tpu.memory_space<vmem>>, vector<1x16xf32>,
        %get3A_730 = vector.shape_cast %get3A_729 : vector<1x16xf32> to vector<16xf32>
        %add3A_731 = arith.addf %add3A_689, %get3A_730 : vector<16xf32>
        %get3A_732 = arith.index_cast %add3A_721 : i32 to index
        %get3A_733 = arith.constant 32 : index
        %get3A_734 = tpu.vector_load %arg7[%get3A_732, %get3A_733] {strides = array<i32>} : memref<64x128xf32, #tpu.memory_space<vmem>>, vector<1x16xf32>,
        %get3A_735 = vector.shape_cast %get3A_734 : vector<1x16xf32> to vector<16xf32>
        %add3A_736 = arith.addf %add3A_694, %get3A_735 : vector<16xf32>
        %get3A_737 = arith.index_cast %add3A_721 : i32 to index
        %get3A_738 = arith.constant 48 : index
        %get3A_739 = tpu.vector_load %arg7[%get3A_737, %get3A_738] {strides = array<i32>} : memref<64x128xf32, #tpu.memory_space<vmem>>, vector<1x16xf32>,
        %get3A_740 = vector.shape_cast %get3A_739 : vector<1x16xf32> to vector<16xf32>
        %add3A_741 = arith.addf %add3A_699, %get3A_740 : vector<16xf32>
        %get3A_742 = arith.index_cast %add3A_721 : i32 to index
        %get3A_743 = arith.constant 64 : index
        %get3A_744 = tpu.vector_load %arg7[%get3A_742, %get3A_743] {strides = array<i32>} : memref<64x128xf32, #tpu.memory_space<vmem>>, vector<1x16xf32>,
        %get3A_745 = vector.shape_cast %get3A_744 : vector<1x16xf32> to vector<16xf32>
        %add3A_746 = arith.addf %add3A_704, %get3A_745 : vector<16xf32>
        %get3A_747 = arith.index_cast %add3A_721 : i32 to index
        %get3A_748 = arith.constant 80 : index
        %get3A_749 = tpu.vector_load %arg7[%get3A_747, %get3A_748] {strides = array<i32>} : memref<64x128xf32, #tpu.memory_space<vmem>>, vector<1x16xf32>,
        %get3A_750 = vector.shape_cast %get3A_749 : vector<1x16xf32> to vector<16xf32>
        %add3A_751 = arith.addf %add3A_709, %get3A_750 : vector<16xf32>
        %get3A_752 = arith.index_cast %add3A_721 : i32 to index
        %get3A_753 = arith.constant 96 : index
        %get3A_754 = tpu.vector_load %arg7[%get3A_752, %get3A_753] {strides = array<i32>} : memref<64x128xf32, #tpu.memory_space<vmem>>, vector<1x16xf32>,
        %get3A_755 = vector.shape_cast %get3A_754 : vector<1x16xf32> to vector<16xf32>
        %add3A_756 = arith.addf %add3A_714, %get3A_755 : vector<16xf32>
        %get3A_757 = arith.index_cast %add3A_721 : i32 to index
        %get3A_758 = arith.constant 112 : index
        %get3A_759 = tpu.vector_load %arg7[%get3A_757, %get3A_758] {strides = array<i32>} : memref<64x128xf32, #tpu.memory_space<vmem>>, vector<1x16xf32>,
        %get3A_760 = vector.shape_cast %get3A_759 : vector<1x16xf32> to vector<16xf32>
        %add3A_761 = arith.addf %add3A_719, %get3A_760 : vector<16xf32>
        %add3A_762 = arith.constant 3 : i32
        %add3A_763 = arith.addi %add3A_636, %add3A_762 : i32
        %get3A_764 = arith.index_cast %add3A_763 : i32 to index
        %get3A_765 = arith.constant 0 : index
        %get3A_766 = tpu.vector_load %arg7[%get3A_764, %get3A_765] {strides = array<i32>} : memref<64x128xf32, #tpu.memory_space<vmem>>, vector<1x16xf32>,
        %get3A_767 = vector.shape_cast %get3A_766 : vector<1x16xf32> to vector<16xf32>
        %add3A_768 = arith.addf %add3A_726, %get3A_767 : vector<16xf32>
        %get3A_769 = arith.index_cast %add3A_763 : i32 to index
        %get3A_770 = arith.constant 16 : index
        %get3A_771 = tpu.vector_load %arg7[%get3A_769, %get3A_770] {strides = array<i32>} : memref<64x128xf32, #tpu.memory_space<vmem>>, vector<1x16xf32>,
        %get3A_772 = vector.shape_cast %get3A_771 : vector<1x16xf32> to vector<16xf32>
        %add3A_773 = arith.addf %add3A_731, %get3A_772 : vector<16xf32>
        %get3A_774 = arith.index_cast %add3A_763 : i32 to index
        %get3A_775 = arith.constant 32 : index
        %get3A_776 = tpu.vector_load %arg7[%get3A_774, %get3A_775] {strides = array<i32>} : memref<64x128xf32, #tpu.memory_space<vmem>>, vector<1x16xf32>,
        %get3A_777 = vector.shape_cast %get3A_776 : vector<1x16xf32> to vector<16xf32>
        %add3A_778 = arith.addf %add3A_736, %get3A_777 : vector<16xf32>
        %get3A_779 = arith.index_cast %add3A_763 : i32 to index
        %get3A_780 = arith.constant 48 : index
        %get3A_781 = tpu.vector_load %arg7[%get3A_779, %get3A_780] {strides = array<i32>} : memref<64x128xf32, #tpu.memory_space<vmem>>, vector<1x16xf32>,
        %get3A_782 = vector.shape_cast %get3A_781 : vector<1x16xf32> to vector<16xf32>
        %add3A_783 = arith.addf %add3A_741, %get3A_782 : vector<16xf32>
        %get3A_784 = arith.index_cast %add3A_763 : i32 to index
        %get3A_785 = arith.constant 64 : index
        %get3A_786 = tpu.vector_load %arg7[%get3A_784, %get3A_785] {strides = array<i32>} : memref<64x128xf32, #tpu.memory_space<vmem>>, vector<1x16xf32>,
        %get3A_787 = vector.shape_cast %get3A_786 : vector<1x16xf32> to vector<16xf32>
        %add3A_788 = arith.addf %add3A_746, %get3A_787 : vector<16xf32>
        %get3A_789 = arith.index_cast %add3A_763 : i32 to index
        %get3A_790 = arith.constant 80 : index
        %get3A_791 = tpu.vector_load %arg7[%get3A_789, %get3A_790] {strides = array<i32>} : memref<64x128xf32, #tpu.memory_space<vmem>>, vector<1x16xf32>,
        %get3A_792 = vector.shape_cast %get3A_791 : vector<1x16xf32> to vector<16xf32>
        %add3A_793 = arith.addf %add3A_751, %get3A_792 : vector<16xf32>
        %get3A_794 = arith.index_cast %add3A_763 : i32 to index
        %get3A_795 = arith.constant 96 : index
        %get3A_796 = tpu.vector_load %arg7[%get3A_794, %get3A_795] {strides = array<i32>} : memref<64x128xf32, #tpu.memory_space<vmem>>, vector<1x16xf32>,
        %get3A_797 = vector.shape_cast %get3A_796 : vector<1x16xf32> to vector<16xf32>
        %add3A_798 = arith.addf %add3A_756, %get3A_797 : vector<16xf32>
        %get3A_799 = arith.index_cast %add3A_763 : i32 to index
        %get3A_800 = arith.constant 112 : index
        %get3A_801 = tpu.vector_load %arg7[%get3A_799, %get3A_800] {strides = array<i32>} : memref<64x128xf32, #tpu.memory_space<vmem>>, vector<1x16xf32>,
        %get3A_802 = vector.shape_cast %get3A_801 : vector<1x16xf32> to vector<16xf32>
        %add3A_803 = arith.addf %add3A_761, %get3A_802 : vector<16xf32>
        %add3A_804 = arith.constant 4 : i32
        %add3A_805 = arith.addi %add3A_636, %add3A_804 : i32
        %get3A_806 = arith.index_cast %add3A_805 : i32 to index
        %get3A_807 = arith.constant 0 : index
        %get3A_808 = tpu.vector_load %arg7[%get3A_806, %get3A_807] {strides = array<i32>} : memref<64x128xf32, #tpu.memory_space<vmem>>, vector<1x16xf32>,
        %get3A_809 = vector.shape_cast %get3A_808 : vector<1x16xf32> to vector<16xf32>
        %add3A_810 = arith.addf %add3A_768, %get3A_809 : vector<16xf32>
        %get3A_811 = arith.index_cast %add3A_805 : i32 to index
        %get3A_812 = arith.constant 16 : index
        %get3A_813 = tpu.vector_load %arg7[%get3A_811, %get3A_812] {strides = array<i32>} : memref<64x128xf32, #tpu.memory_space<vmem>>, vector<1x16xf32>,
        %get3A_814 = vector.shape_cast %get3A_813 : vector<1x16xf32> to vector<16xf32>
        %add3A_815 = arith.addf %add3A_773, %get3A_814 : vector<16xf32>
        %get3A_816 = arith.index_cast %add3A_805 : i32 to index
        %get3A_817 = arith.constant 32 : index
        %get3A_818 = tpu.vector_load %arg7[%get3A_816, %get3A_817] {strides = array<i32>} : memref<64x128xf32, #tpu.memory_space<vmem>>, vector<1x16xf32>,
        %get3A_819 = vector.shape_cast %get3A_818 : vector<1x16xf32> to vector<16xf32>
        %add3A_820 = arith.addf %add3A_778, %get3A_819 : vector<16xf32>
        %get3A_821 = arith.index_cast %add3A_805 : i32 to index
        %get3A_822 = arith.constant 48 : index
        %get3A_823 = tpu.vector_load %arg7[%get3A_821, %get3A_822] {strides = array<i32>} : memref<64x128xf32, #tpu.memory_space<vmem>>, vector<1x16xf32>,
        %get3A_824 = vector.shape_cast %get3A_823 : vector<1x16xf32> to vector<16xf32>
        %add3A_825 = arith.addf %add3A_783, %get3A_824 : vector<16xf32>
        %get3A_826 = arith.index_cast %add3A_805 : i32 to index
        %get3A_827 = arith.constant 64 : index
        %get3A_828 = tpu.vector_load %arg7[%get3A_826, %get3A_827] {strides = array<i32>} : memref<64x128xf32, #tpu.memory_space<vmem>>, vector<1x16xf32>,
        %get3A_829 = vector.shape_cast %get3A_828 : vector<1x16xf32> to vector<16xf32>
        %add3A_830 = arith.addf %add3A_788, %get3A_829 : vector<16xf32>
        %get3A_831 = arith.index_cast %add3A_805 : i32 to index
        %get3A_832 = arith.constant 80 : index
        %get3A_833 = tpu.vector_load %arg7[%get3A_831, %get3A_832] {strides = array<i32>} : memref<64x128xf32, #tpu.memory_space<vmem>>, vector<1x16xf32>,
        %get3A_834 = vector.shape_cast %get3A_833 : vector<1x16xf32> to vector<16xf32>
        %add3A_835 = arith.addf %add3A_793, %get3A_834 : vector<16xf32>
        %get3A_836 = arith.index_cast %add3A_805 : i32 to index
        %get3A_837 = arith.constant 96 : index
        %get3A_838 = tpu.vector_load %arg7[%get3A_836, %get3A_837] {strides = array<i32>} : memref<64x128xf32, #tpu.memory_space<vmem>>, vector<1x16xf32>,
        %get3A_839 = vector.shape_cast %get3A_838 : vector<1x16xf32> to vector<16xf32>
        %add3A_840 = arith.addf %add3A_798, %get3A_839 : vector<16xf32>
        %get3A_841 = arith.index_cast %add3A_805 : i32 to index
        %get3A_842 = arith.constant 112 : index
        %get3A_843 = tpu.vector_load %arg7[%get3A_841, %get3A_842] {strides = array<i32>} : memref<64x128xf32, #tpu.memory_space<vmem>>, vector<1x16xf32>,
        %get3A_844 = vector.shape_cast %get3A_843 : vector<1x16xf32> to vector<16xf32>
        %add3A_845 = arith.addf %add3A_803, %get3A_844 : vector<16xf32>
        %add3A_846 = arith.constant 5 : i32
        %add3A_847 = arith.addi %add3A_636, %add3A_846 : i32
        %get3A_848 = arith.index_cast %add3A_847 : i32 to index
        %get3A_849 = arith.constant 0 : index
        %get3A_850 = tpu.vector_load %arg7[%get3A_848, %get3A_849] {strides = array<i32>} : memref<64x128xf32, #tpu.memory_space<vmem>>, vector<1x16xf32>,
        %get3A_851 = vector.shape_cast %get3A_850 : vector<1x16xf32> to vector<16xf32>
        %add3A_852 = arith.addf %add3A_810, %get3A_851 : vector<16xf32>
        %get3A_853 = arith.index_cast %add3A_847 : i32 to index
        %get3A_854 = arith.constant 16 : index
        %get3A_855 = tpu.vector_load %arg7[%get3A_853, %get3A_854] {strides = array<i32>} : memref<64x128xf32, #tpu.memory_space<vmem>>, vector<1x16xf32>,
        %get3A_856 = vector.shape_cast %get3A_855 : vector<1x16xf32> to vector<16xf32>
        %add3A_857 = arith.addf %add3A_815, %get3A_856 : vector<16xf32>
        %get3A_858 = arith.index_cast %add3A_847 : i32 to index
        %get3A_859 = arith.constant 32 : index
        %get3A_860 = tpu.vector_load %arg7[%get3A_858, %get3A_859] {strides = array<i32>} : memref<64x128xf32, #tpu.memory_space<vmem>>, vector<1x16xf32>,
        %get3A_861 = vector.shape_cast %get3A_860 : vector<1x16xf32> to vector<16xf32>
        %add3A_862 = arith.addf %add3A_820, %get3A_861 : vector<16xf32>
        %get3A_863 = arith.index_cast %add3A_847 : i32 to index
        %get3A_864 = arith.constant 48 : index
        %get3A_865 = tpu.vector_load %arg7[%get3A_863, %get3A_864] {strides = array<i32>} : memref<64x128xf32, #tpu.memory_space<vmem>>, vector<1x16xf32>,
        %get3A_866 = vector.shape_cast %get3A_865 : vector<1x16xf32> to vector<16xf32>
        %add3A_867 = arith.addf %add3A_825, %get3A_866 : vector<16xf32>
        %get3A_868 = arith.index_cast %add3A_847 : i32 to index
        %get3A_869 = arith.constant 64 : index
        %get3A_870 = tpu.vector_load %arg7[%get3A_868, %get3A_869] {strides = array<i32>} : memref<64x128xf32, #tpu.memory_space<vmem>>, vector<1x16xf32>,
        %get3A_871 = vector.shape_cast %get3A_870 : vector<1x16xf32> to vector<16xf32>
        %add3A_872 = arith.addf %add3A_830, %get3A_871 : vector<16xf32>
        %get3A_873 = arith.index_cast %add3A_847 : i32 to index
        %get3A_874 = arith.constant 80 : index
        %get3A_875 = tpu.vector_load %arg7[%get3A_873, %get3A_874] {strides = array<i32>} : memref<64x128xf32, #tpu.memory_space<vmem>>, vector<1x16xf32>,
        %get3A_876 = vector.shape_cast %get3A_875 : vector<1x16xf32> to vector<16xf32>
        %add3A_877 = arith.addf %add3A_835, %get3A_876 : vector<16xf32>
        %get3A_878 = arith.index_cast %add3A_847 : i32 to index
        %get3A_879 = arith.constant 96 : index
        %get3A_880 = tpu.vector_load %arg7[%get3A_878, %get3A_879] {strides = array<i32>} : memref<64x128xf32, #tpu.memory_space<vmem>>, vector<1x16xf32>,
        %get3A_881 = vector.shape_cast %get3A_880 : vector<1x16xf32> to vector<16xf32>
        %add3A_882 = arith.addf %add3A_840, %get3A_881 : vector<16xf32>
        %get3A_883 = arith.index_cast %add3A_847 : i32 to index
        %get3A_884 = arith.constant 112 : index
        %get3A_885 = tpu.vector_load %arg7[%get3A_883, %get3A_884] {strides = array<i32>} : memref<64x128xf32, #tpu.memory_space<vmem>>, vector<1x16xf32>,
        %get3A_886 = vector.shape_cast %get3A_885 : vector<1x16xf32> to vector<16xf32>
        %add3A_887 = arith.addf %add3A_845, %get3A_886 : vector<16xf32>
        %add3A_888 = arith.constant 6 : i32
        %add3A_889 = arith.addi %add3A_636, %add3A_888 : i32
        %get3A_890 = arith.index_cast %add3A_889 : i32 to index
        %get3A_891 = arith.constant 0 : index
        %get3A_892 = tpu.vector_load %arg7[%get3A_890, %get3A_891] {strides = array<i32>} : memref<64x128xf32, #tpu.memory_space<vmem>>, vector<1x16xf32>,
        %get3A_893 = vector.shape_cast %get3A_892 : vector<1x16xf32> to vector<16xf32>
        %add3A_894 = arith.addf %add3A_852, %get3A_893 : vector<16xf32>
        %get3A_895 = arith.index_cast %add3A_889 : i32 to index
        %get3A_896 = arith.constant 16 : index
        %get3A_897 = tpu.vector_load %arg7[%get3A_895, %get3A_896] {strides = array<i32>} : memref<64x128xf32, #tpu.memory_space<vmem>>, vector<1x16xf32>,
        %get3A_898 = vector.shape_cast %get3A_897 : vector<1x16xf32> to vector<16xf32>
        %add3A_899 = arith.addf %add3A_857, %get3A_898 : vector<16xf32>
        %get3A_900 = arith.index_cast %add3A_889 : i32 to index
        %get3A_901 = arith.constant 32 : index
        %get3A_902 = tpu.vector_load %arg7[%get3A_900, %get3A_901] {strides = array<i32>} : memref<64x128xf32, #tpu.memory_space<vmem>>, vector<1x16xf32>,
        %get3A_903 = vector.shape_cast %get3A_902 : vector<1x16xf32> to vector<16xf32>
        %add3A_904 = arith.addf %add3A_862, %get3A_903 : vector<16xf32>
        %get3A_905 = arith.index_cast %add3A_889 : i32 to index
        %get3A_906 = arith.constant 48 : index
        %get3A_907 = tpu.vector_load %arg7[%get3A_905, %get3A_906] {strides = array<i32>} : memref<64x128xf32, #tpu.memory_space<vmem>>, vector<1x16xf32>,
        %get3A_908 = vector.shape_cast %get3A_907 : vector<1x16xf32> to vector<16xf32>
        %add3A_909 = arith.addf %add3A_867, %get3A_908 : vector<16xf32>
        %get3A_910 = arith.index_cast %add3A_889 : i32 to index
        %get3A_911 = arith.constant 64 : index
        %get3A_912 = tpu.vector_load %arg7[%get3A_910, %get3A_911] {strides = array<i32>} : memref<64x128xf32, #tpu.memory_space<vmem>>, vector<1x16xf32>,
        %get3A_913 = vector.shape_cast %get3A_912 : vector<1x16xf32> to vector<16xf32>
        %add3A_914 = arith.addf %add3A_872, %get3A_913 : vector<16xf32>
        %get3A_915 = arith.index_cast %add3A_889 : i32 to index
        %get3A_916 = arith.constant 80 : index
        %get3A_917 = tpu.vector_load %arg7[%get3A_915, %get3A_916] {strides = array<i32>} : memref<64x128xf32, #tpu.memory_space<vmem>>, vector<1x16xf32>,
        %get3A_918 = vector.shape_cast %get3A_917 : vector<1x16xf32> to vector<16xf32>
        %add3A_919 = arith.addf %add3A_877, %get3A_918 : vector<16xf32>
        %get3A_920 = arith.index_cast %add3A_889 : i32 to index
        %get3A_921 = arith.constant 96 : index
        %get3A_922 = tpu.vector_load %arg7[%get3A_920, %get3A_921] {strides = array<i32>} : memref<64x128xf32, #tpu.memory_space<vmem>>, vector<1x16xf32>,
        %get3A_923 = vector.shape_cast %get3A_922 : vector<1x16xf32> to vector<16xf32>
        %add3A_924 = arith.addf %add3A_882, %get3A_923 : vector<16xf32>
        %get3A_925 = arith.index_cast %add3A_889 : i32 to index
        %get3A_926 = arith.constant 112 : index
        %get3A_927 = tpu.vector_load %arg7[%get3A_925, %get3A_926] {strides = array<i32>} : memref<64x128xf32, #tpu.memory_space<vmem>>, vector<1x16xf32>,
        %get3A_928 = vector.shape_cast %get3A_927 : vector<1x16xf32> to vector<16xf32>
        %add3A_929 = arith.addf %add3A_887, %get3A_928 : vector<16xf32>
        %add3A_930 = arith.constant 7 : i32
        %add3A_931 = arith.addi %add3A_636, %add3A_930 : i32
        %get3A_932 = arith.index_cast %add3A_931 : i32 to index
        %get3A_933 = arith.constant 0 : index
        %get3A_934 = tpu.vector_load %arg7[%get3A_932, %get3A_933] {strides = array<i32>} : memref<64x128xf32, #tpu.memory_space<vmem>>, vector<1x16xf32>,
        %get3A_935 = vector.shape_cast %get3A_934 : vector<1x16xf32> to vector<16xf32>
        %add3A_936 = arith.addf %add3A_894, %get3A_935 : vector<16xf32>
        %get3A_937 = arith.index_cast %add3A_931 : i32 to index
        %get3A_938 = arith.constant 16 : index
        %get3A_939 = tpu.vector_load %arg7[%get3A_937, %get3A_938] {strides = array<i32>} : memref<64x128xf32, #tpu.memory_space<vmem>>, vector<1x16xf32>,
        %get3A_940 = vector.shape_cast %get3A_939 : vector<1x16xf32> to vector<16xf32>
        %add3A_941 = arith.addf %add3A_899, %get3A_940 : vector<16xf32>
        %get3A_942 = arith.index_cast %add3A_931 : i32 to index
        %get3A_943 = arith.constant 32 : index
        %get3A_944 = tpu.vector_load %arg7[%get3A_942, %get3A_943] {strides = array<i32>} : memref<64x128xf32, #tpu.memory_space<vmem>>, vector<1x16xf32>,
        %get3A_945 = vector.shape_cast %get3A_944 : vector<1x16xf32> to vector<16xf32>
        %add3A_946 = arith.addf %add3A_904, %get3A_945 : vector<16xf32>
        %get3A_947 = arith.index_cast %add3A_931 : i32 to index
        %get3A_948 = arith.constant 48 : index
        %get3A_949 = tpu.vector_load %arg7[%get3A_947, %get3A_948] {strides = array<i32>} : memref<64x128xf32, #tpu.memory_space<vmem>>, vector<1x16xf32>,
        %get3A_950 = vector.shape_cast %get3A_949 : vector<1x16xf32> to vector<16xf32>
        %add3A_951 = arith.addf %add3A_909, %get3A_950 : vector<16xf32>
        %get3A_952 = arith.index_cast %add3A_931 : i32 to index
        %get3A_953 = arith.constant 64 : index
        %get3A_954 = tpu.vector_load %arg7[%get3A_952, %get3A_953] {strides = array<i32>} : memref<64x128xf32, #tpu.memory_space<vmem>>, vector<1x16xf32>,
        %get3A_955 = vector.shape_cast %get3A_954 : vector<1x16xf32> to vector<16xf32>
        %add3A_956 = arith.addf %add3A_914, %get3A_955 : vector<16xf32>
        %get3A_957 = arith.index_cast %add3A_931 : i32 to index
        %get3A_958 = arith.constant 80 : index
        %get3A_959 = tpu.vector_load %arg7[%get3A_957, %get3A_958] {strides = array<i32>} : memref<64x128xf32, #tpu.memory_space<vmem>>, vector<1x16xf32>,
        %get3A_960 = vector.shape_cast %get3A_959 : vector<1x16xf32> to vector<16xf32>
        %add3A_961 = arith.addf %add3A_919, %get3A_960 : vector<16xf32>
        %get3A_962 = arith.index_cast %add3A_931 : i32 to index
        %get3A_963 = arith.constant 96 : index
        %get3A_964 = tpu.vector_load %arg7[%get3A_962, %get3A_963] {strides = array<i32>} : memref<64x128xf32, #tpu.memory_space<vmem>>, vector<1x16xf32>,
        %get3A_965 = vector.shape_cast %get3A_964 : vector<1x16xf32> to vector<16xf32>
        %add3A_966 = arith.addf %add3A_924, %get3A_965 : vector<16xf32>
        %get3A_967 = arith.index_cast %add3A_931 : i32 to index
        %get3A_968 = arith.constant 112 : index
        %get3A_969 = tpu.vector_load %arg7[%get3A_967, %get3A_968] {strides = array<i32>} : memref<64x128xf32, #tpu.memory_space<vmem>>, vector<1x16xf32>,
        %get3A_970 = vector.shape_cast %get3A_969 : vector<1x16xf32> to vector<16xf32>
        %add3A_971 = arith.addf %add3A_929, %get3A_970 : vector<16xf32>
        scf.yield %add3A_936, %add3A_941, %add3A_946, %add3A_951, %add3A_956, %add3A_961, %add3A_966, %add3A_971 : vector<16xf32>, vector<16xf32>, vector<16xf32>, vector<16xf32>, vector<16xf32>, vector<16xf32>, vector<16xf32>, vector<16xf32>
      }
      %scan3A_278 = arith.constant 4 : i32
      %mul3A_279 = arith.constant 2 : i32
      %mul3A_280 = arith.muli %add3A_183, %mul3A_279 : i32
      %add3A_281 = arith.constant 1 : i32
      %add3A_282 = arith.addi %mul3A_280, %add3A_281 : i32
      %swap3A_283 = arith.index_cast %add3A_282 : i32 to index
      %swap3A_284 = arith.constant 0 : index
      %swap3A_285 = tpu.vector_load %arg10[%swap3A_283, %swap3A_284] {strides = array<i32>} : memref<320x128xf32, #tpu.memory_space<vmem>>, vector<1x16xf32>,
      %swap3A_286 = vector.shape_cast %swap3A_285 : vector<1x16xf32> to vector<16xf32>
      %swap3A_287 = vector.shape_cast %scan3A_277#0 : vector<16xf32> to vector<1x16xf32>
      tpu.vector_store %arg10[%swap3A_283, %swap3A_284], %swap3A_287 {strides = array<i32>} : memref<320x128xf32, #tpu.memory_space<vmem>>, vector<1x16xf32>,
      %swap3A_288 = arith.index_cast %add3A_282 : i32 to index
      %swap3A_289 = arith.constant 16 : index
      %swap3A_290 = tpu.vector_load %arg10[%swap3A_288, %swap3A_289] {strides = array<i32>} : memref<320x128xf32, #tpu.memory_space<vmem>>, vector<1x16xf32>,
      %swap3A_291 = vector.shape_cast %swap3A_290 : vector<1x16xf32> to vector<16xf32>
      %swap3A_292 = vector.shape_cast %scan3A_277#1 : vector<16xf32> to vector<1x16xf32>
      tpu.vector_store %arg10[%swap3A_288, %swap3A_289], %swap3A_292 {strides = array<i32>} : memref<320x128xf32, #tpu.memory_space<vmem>>, vector<1x16xf32>,
      %swap3A_293 = arith.index_cast %add3A_282 : i32 to index
      %swap3A_294 = arith.constant 32 : index
      %swap3A_295 = tpu.vector_load %arg10[%swap3A_293, %swap3A_294] {strides = array<i32>} : memref<320x128xf32, #tpu.memory_space<vmem>>, vector<1x16xf32>,
      %swap3A_296 = vector.shape_cast %swap3A_295 : vector<1x16xf32> to vector<16xf32>
      %swap3A_297 = vector.shape_cast %scan3A_277#2 : vector<16xf32> to vector<1x16xf32>
      tpu.vector_store %arg10[%swap3A_293, %swap3A_294], %swap3A_297 {strides = array<i32>} : memref<320x128xf32, #tpu.memory_space<vmem>>, vector<1x16xf32>,
      %swap3A_298 = arith.index_cast %add3A_282 : i32 to index
      %swap3A_299 = arith.constant 48 : index
      %swap3A_300 = tpu.vector_load %arg10[%swap3A_298, %swap3A_299] {strides = array<i32>} : memref<320x128xf32, #tpu.memory_space<vmem>>, vector<1x16xf32>,
      %swap3A_301 = vector.shape_cast %swap3A_300 : vector<1x16xf32> to vector<16xf32>
      %swap3A_302 = vector.shape_cast %scan3A_277#3 : vector<16xf32> to vector<1x16xf32>
      tpu.vector_store %arg10[%swap3A_298, %swap3A_299], %swap3A_302 {strides = array<i32>} : memref<320x128xf32, #tpu.memory_space<vmem>>, vector<1x16xf32>,
      %swap3A_303 = arith.index_cast %add3A_282 : i32 to index
      %swap3A_304 = arith.constant 64 : index
      %swap3A_305 = tpu.vector_load %arg10[%swap3A_303, %swap3A_304] {strides = array<i32>} : memref<320x128xf32, #tpu.memory_space<vmem>>, vector<1x16xf32>,
      %swap3A_306 = vector.shape_cast %swap3A_305 : vector<1x16xf32> to vector<16xf32>
      %swap3A_307 = vector.shape_cast %scan3A_277#4 : vector<16xf32> to vector<1x16xf32>
      tpu.vector_store %arg10[%swap3A_303, %swap3A_304], %swap3A_307 {strides = array<i32>} : memref<320x128xf32, #tpu.memory_space<vmem>>, vector<1x16xf32>,
      %swap3A_308 = arith.index_cast %add3A_282 : i32 to index
      %swap3A_309 = arith.constant 80 : index
      %swap3A_310 = tpu.vector_load %arg10[%swap3A_308, %swap3A_309] {strides = array<i32>} : memref<320x128xf32, #tpu.memory_space<vmem>>, vector<1x16xf32>,
      %swap3A_311 = vector.shape_cast %swap3A_310 : vector<1x16xf32> to vector<16xf32>
      %swap3A_312 = vector.shape_cast %scan3A_277#5 : vector<16xf32> to vector<1x16xf32>
      tpu.vector_store %arg10[%swap3A_308, %swap3A_309], %swap3A_312 {strides = array<i32>} : memref<320x128xf32, #tpu.memory_space<vmem>>, vector<1x16xf32>,
      %swap3A_313 = arith.index_cast %add3A_282 : i32 to index
      %swap3A_314 = arith.constant 96 : index
      %swap3A_315 = tpu.vector_load %arg10[%swap3A_313, %swap3A_314] {strides = array<i32>} : memref<320x128xf32, #tpu.memory_space<vmem>>, vector<1x16xf32>,
      %swap3A_316 = vector.shape_cast %swap3A_315 : vector<1x16xf32> to vector<16xf32>
      %swap3A_317 = vector.shape_cast %scan3A_277#6 : vector<16xf32> to vector<1x16xf32>
      tpu.vector_store %arg10[%swap3A_313, %swap3A_314], %swap3A_317 {strides = array<i32>} : memref<320x128xf32, #tpu.memory_space<vmem>>, vector<1x16xf32>,
      %swap3A_318 = arith.index_cast %add3A_282 : i32 to index
      %swap3A_319 = arith.constant 112 : index
      %swap3A_320 = tpu.vector_load %arg10[%swap3A_318, %swap3A_319] {strides = array<i32>} : memref<320x128xf32, #tpu.memory_space<vmem>>, vector<1x16xf32>,
      %swap3A_321 = vector.shape_cast %swap3A_320 : vector<1x16xf32> to vector<16xf32>
      %swap3A_322 = vector.shape_cast %scan3A_277#7 : vector<16xf32> to vector<1x16xf32>
      tpu.vector_store %arg10[%swap3A_318, %swap3A_319], %swap3A_322 {strides = array<i32>} : memref<320x128xf32, #tpu.memory_space<vmem>>, vector<1x16xf32>,
      %lt3A_323 = arith.constant 39 : i32
      %lt3A_324 = arith.cmpi slt, %scan3A_37, %lt3A_323 : i32
      %convert_element_type3A_325 = arith.extui %lt3A_324 : i1 to i32
      %cond3A_326 = arith.constant 0 : i32
      %cond3A_327 = arith.cmpi ne, %convert_element_type3A_325, %cond3A_326 : i32
      scf.if %cond3A_327 {
        %add3A_624 = arith.constant 4 : i32
        %add3A_625 = arith.addi %add3A_183, %add3A_624 : i32
        %dma_start3A_626 = arith.constant 0 : i32
        %dma_start3A_627 = tpu.memref_slice %arg5[%add3A_625, %dma_start3A_626] : memref<160x64xi32, #tpu.memory_space<vmem>> -> memref<1x64xi32, #tpu.memory_space<vmem>>
        %dma_start3A_628 = tpu.memref_squeeze %dma_start3A_627 : memref<1x64xi32, #tpu.memory_space<vmem>> -> memref<64xi32, #tpu.memory_space<vmem>>
        %dma_start3A_629 = arith.constant 0 : i32
        %dma_start3A_630 = arith.constant 0 : i32
        %dma_start3A_631 = tpu.memref_slice %arg2[%dma_start3A_629, %dma_start3A_630] : memref<10000x128xf32, #tpu.memory_space<hbm>> -> memref<10000x128xf32, #tpu.memory_space<hbm>>
        tpu.enqueue_indirect_dma source(%dma_start3A_631 : memref<10000x128xf32, #tpu.memory_space<hbm>>) target(%arg7 : memref<64x128xf32, #tpu.memory_space<vmem>>) offsets(%dma_start3A_628 : memref<64xi32, #tpu.memory_space<vmem>>) semaphore(%arg12 : memref<!tpu.dma_semaphore, #tpu.memory_space<semaphore_mem>>)
      } else {
      }
      %mul3A_328 = arith.constant 4 : i32
      %mul3A_329 = arith.muli %mul3A_328, %scan3A_37 : i32
      %add3A_330 = arith.constant 2 : i32
      %add3A_331 = arith.addi %mul3A_329, %add3A_330 : i32
      %dma_wait3A_332 = arith.constant 0 : i32
      %dma_wait3A_333 = arith.constant 0 : i32
      %dma_wait3A_334 = tpu.memref_slice %arg5[%dma_wait3A_332, %dma_wait3A_333] : memref<160x64xi32, #tpu.memory_space<vmem>> -> memref<1x64xi32, #tpu.memory_space<vmem>>
      %dma_wait3A_335 = tpu.memref_squeeze %dma_wait3A_334 : memref<1x64xi32, #tpu.memory_space<vmem>> -> memref<64xi32, #tpu.memory_space<vmem>>
      %dma_wait3A_336 = arith.constant 0 : i32
      %dma_wait3A_337 = arith.constant 0 : i32
      %dma_wait3A_338 = tpu.memref_slice %arg2[%dma_wait3A_336, %dma_wait3A_337] : memref<10000x128xf32, #tpu.memory_space<hbm>> -> memref<10000x128xf32, #tpu.memory_space<hbm>>
      tpu.wait_indirect_dma semaphore(%arg13 : memref<!tpu.dma_semaphore, #tpu.memory_space<semaphore_mem>>) src(%dma_wait3A_338 : memref<10000x128xf32, #tpu.memory_space<hbm>>) dst(%arg8 : memref<64x128xf32, #tpu.memory_space<vmem>>)
      %broadcast_in_dim3A_339 = arith.constant 0.000000e+00 : f32
      %broadcast_in_dim3A_340 = vector.broadcast %broadcast_in_dim3A_339 : f32 to vector<16xf32>
      %broadcast_in_dim3A_341 = arith.constant 0.000000e+00 : f32
      %broadcast_in_dim3A_342 = vector.broadcast %broadcast_in_dim3A_341 : f32 to vector<16xf32>
      %broadcast_in_dim3A_343 = arith.constant 0.000000e+00 : f32
      %broadcast_in_dim3A_344 = vector.broadcast %broadcast_in_dim3A_343 : f32 to vector<16xf32>
      %broadcast_in_dim3A_345 = arith.constant 0.000000e+00 : f32
      %broadcast_in_dim3A_346 = vector.broadcast %broadcast_in_dim3A_345 : f32 to vector<16xf32>
      %broadcast_in_dim3A_347 = arith.constant 0.000000e+00 : f32
      %broadcast_in_dim3A_348 = vector.broadcast %broadcast_in_dim3A_347 : f32 to vector<16xf32>
      %broadcast_in_dim3A_349 = arith.constant 0.000000e+00 : f32
      %broadcast_in_dim3A_350 = vector.broadcast %broadcast_in_dim3A_349 : f32 to vector<16xf32>
      %broadcast_in_dim3A_351 = arith.constant 0.000000e+00 : f32
      %broadcast_in_dim3A_352 = vector.broadcast %broadcast_in_dim3A_351 : f32 to vector<16xf32>
      %broadcast_in_dim3A_353 = arith.constant 0.000000e+00 : f32
      %broadcast_in_dim3A_354 = vector.broadcast %broadcast_in_dim3A_353 : f32 to vector<16xf32>
      %scan3A_355 = arith.constant 0 : i32
      %scan3A_356 = arith.constant 4 : i32
      %scan3A_357 = arith.addi %scan3A_355, %scan3A_356 : i32
      %scan3A_358 = arith.constant 1 : i32
      %scan3A_359:8 = scf.for %scan3A_624 = %scan3A_355 to %scan3A_357 step %scan3A_358 iter_args(%scan3A_625 = %broadcast_in_dim3A_340, %scan3A_626 = %broadcast_in_dim3A_342, %scan3A_627 = %broadcast_in_dim3A_344, %scan3A_628 = %broadcast_in_dim3A_346, %scan3A_629 = %broadcast_in_dim3A_348, %scan3A_630 = %broadcast_in_dim3A_350, %scan3A_631 = %broadcast_in_dim3A_352, %scan3A_632 = %broadcast_in_dim3A_354) -> (vector<16xf32>, vector<16xf32>, vector<16xf32>, vector<16xf32>, vector<16xf32>, vector<16xf32>, vector<16xf32>, vector<16xf32>)  : i32 {
        %mul3A_633 = arith.constant 8 : i32
        %mul3A_634 = arith.muli %scan3A_624, %mul3A_633 : i32
        %add3A_635 = arith.constant 0 : i32
        %add3A_636 = arith.addi %add3A_635, %mul3A_634 : i32
        %add3A_637 = arith.constant 0 : i32
        %add3A_638 = arith.addi %add3A_636, %add3A_637 : i32
        %get3A = arith.index_cast %add3A_638 : i32 to index
        %get3A_639 = arith.constant 0 : index
        %get3A_640 = tpu.vector_load %arg8[%get3A, %get3A_639] {strides = array<i32>} : memref<64x128xf32, #tpu.memory_space<vmem>>, vector<1x16xf32>,
        %get3A_641 = vector.shape_cast %get3A_640 : vector<1x16xf32> to vector<16xf32>
        %add3A_642 = arith.addf %scan3A_625, %get3A_641 : vector<16xf32>
        %get3A_643 = arith.index_cast %add3A_638 : i32 to index
        %get3A_644 = arith.constant 16 : index
        %get3A_645 = tpu.vector_load %arg8[%get3A_643, %get3A_644] {strides = array<i32>} : memref<64x128xf32, #tpu.memory_space<vmem>>, vector<1x16xf32>,
        %get3A_646 = vector.shape_cast %get3A_645 : vector<1x16xf32> to vector<16xf32>
        %add3A_647 = arith.addf %scan3A_626, %get3A_646 : vector<16xf32>
        %get3A_648 = arith.index_cast %add3A_638 : i32 to index
        %get3A_649 = arith.constant 32 : index
        %get3A_650 = tpu.vector_load %arg8[%get3A_648, %get3A_649] {strides = array<i32>} : memref<64x128xf32, #tpu.memory_space<vmem>>, vector<1x16xf32>,
        %get3A_651 = vector.shape_cast %get3A_650 : vector<1x16xf32> to vector<16xf32>
        %add3A_652 = arith.addf %scan3A_627, %get3A_651 : vector<16xf32>
        %get3A_653 = arith.index_cast %add3A_638 : i32 to index
        %get3A_654 = arith.constant 48 : index
        %get3A_655 = tpu.vector_load %arg8[%get3A_653, %get3A_654] {strides = array<i32>} : memref<64x128xf32, #tpu.memory_space<vmem>>, vector<1x16xf32>,
        %get3A_656 = vector.shape_cast %get3A_655 : vector<1x16xf32> to vector<16xf32>
        %add3A_657 = arith.addf %scan3A_628, %get3A_656 : vector<16xf32>
        %get3A_658 = arith.index_cast %add3A_638 : i32 to index
        %get3A_659 = arith.constant 64 : index
        %get3A_660 = tpu.vector_load %arg8[%get3A_658, %get3A_659] {strides = array<i32>} : memref<64x128xf32, #tpu.memory_space<vmem>>, vector<1x16xf32>,
        %get3A_661 = vector.shape_cast %get3A_660 : vector<1x16xf32> to vector<16xf32>
        %add3A_662 = arith.addf %scan3A_629, %get3A_661 : vector<16xf32>
        %get3A_663 = arith.index_cast %add3A_638 : i32 to index
        %get3A_664 = arith.constant 80 : index
        %get3A_665 = tpu.vector_load %arg8[%get3A_663, %get3A_664] {strides = array<i32>} : memref<64x128xf32, #tpu.memory_space<vmem>>, vector<1x16xf32>,
        %get3A_666 = vector.shape_cast %get3A_665 : vector<1x16xf32> to vector<16xf32>
        %add3A_667 = arith.addf %scan3A_630, %get3A_666 : vector<16xf32>
        %get3A_668 = arith.index_cast %add3A_638 : i32 to index
        %get3A_669 = arith.constant 96 : index
        %get3A_670 = tpu.vector_load %arg8[%get3A_668, %get3A_669] {strides = array<i32>} : memref<64x128xf32, #tpu.memory_space<vmem>>, vector<1x16xf32>,
        %get3A_671 = vector.shape_cast %get3A_670 : vector<1x16xf32> to vector<16xf32>
        %add3A_672 = arith.addf %scan3A_631, %get3A_671 : vector<16xf32>
        %get3A_673 = arith.index_cast %add3A_638 : i32 to index
        %get3A_674 = arith.constant 112 : index
        %get3A_675 = tpu.vector_load %arg8[%get3A_673, %get3A_674] {strides = array<i32>} : memref<64x128xf32, #tpu.memory_space<vmem>>, vector<1x16xf32>,
        %get3A_676 = vector.shape_cast %get3A_675 : vector<1x16xf32> to vector<16xf32>
        %add3A_677 = arith.addf %scan3A_632, %get3A_676 : vector<16xf32>
        %add3A_678 = arith.constant 1 : i32
        %add3A_679 = arith.addi %add3A_636, %add3A_678 : i32
        %get3A_680 = arith.index_cast %add3A_679 : i32 to index
        %get3A_681 = arith.constant 0 : index
        %get3A_682 = tpu.vector_load %arg8[%get3A_680, %get3A_681] {strides = array<i32>} : memref<64x128xf32, #tpu.memory_space<vmem>>, vector<1x16xf32>,
        %get3A_683 = vector.shape_cast %get3A_682 : vector<1x16xf32> to vector<16xf32>
        %add3A_684 = arith.addf %add3A_642, %get3A_683 : vector<16xf32>
        %get3A_685 = arith.index_cast %add3A_679 : i32 to index
        %get3A_686 = arith.constant 16 : index
        %get3A_687 = tpu.vector_load %arg8[%get3A_685, %get3A_686] {strides = array<i32>} : memref<64x128xf32, #tpu.memory_space<vmem>>, vector<1x16xf32>,
        %get3A_688 = vector.shape_cast %get3A_687 : vector<1x16xf32> to vector<16xf32>
        %add3A_689 = arith.addf %add3A_647, %get3A_688 : vector<16xf32>
        %get3A_690 = arith.index_cast %add3A_679 : i32 to index
        %get3A_691 = arith.constant 32 : index
        %get3A_692 = tpu.vector_load %arg8[%get3A_690, %get3A_691] {strides = array<i32>} : memref<64x128xf32, #tpu.memory_space<vmem>>, vector<1x16xf32>,
        %get3A_693 = vector.shape_cast %get3A_692 : vector<1x16xf32> to vector<16xf32>
        %add3A_694 = arith.addf %add3A_652, %get3A_693 : vector<16xf32>
        %get3A_695 = arith.index_cast %add3A_679 : i32 to index
        %get3A_696 = arith.constant 48 : index
        %get3A_697 = tpu.vector_load %arg8[%get3A_695, %get3A_696] {strides = array<i32>} : memref<64x128xf32, #tpu.memory_space<vmem>>, vector<1x16xf32>,
        %get3A_698 = vector.shape_cast %get3A_697 : vector<1x16xf32> to vector<16xf32>
        %add3A_699 = arith.addf %add3A_657, %get3A_698 : vector<16xf32>
        %get3A_700 = arith.index_cast %add3A_679 : i32 to index
        %get3A_701 = arith.constant 64 : index
        %get3A_702 = tpu.vector_load %arg8[%get3A_700, %get3A_701] {strides = array<i32>} : memref<64x128xf32, #tpu.memory_space<vmem>>, vector<1x16xf32>,
        %get3A_703 = vector.shape_cast %get3A_702 : vector<1x16xf32> to vector<16xf32>
        %add3A_704 = arith.addf %add3A_662, %get3A_703 : vector<16xf32>
        %get3A_705 = arith.index_cast %add3A_679 : i32 to index
        %get3A_706 = arith.constant 80 : index
        %get3A_707 = tpu.vector_load %arg8[%get3A_705, %get3A_706] {strides = array<i32>} : memref<64x128xf32, #tpu.memory_space<vmem>>, vector<1x16xf32>,
        %get3A_708 = vector.shape_cast %get3A_707 : vector<1x16xf32> to vector<16xf32>
        %add3A_709 = arith.addf %add3A_667, %get3A_708 : vector<16xf32>
        %get3A_710 = arith.index_cast %add3A_679 : i32 to index
        %get3A_711 = arith.constant 96 : index
        %get3A_712 = tpu.vector_load %arg8[%get3A_710, %get3A_711] {strides = array<i32>} : memref<64x128xf32, #tpu.memory_space<vmem>>, vector<1x16xf32>,
        %get3A_713 = vector.shape_cast %get3A_712 : vector<1x16xf32> to vector<16xf32>
        %add3A_714 = arith.addf %add3A_672, %get3A_713 : vector<16xf32>
        %get3A_715 = arith.index_cast %add3A_679 : i32 to index
        %get3A_716 = arith.constant 112 : index
        %get3A_717 = tpu.vector_load %arg8[%get3A_715, %get3A_716] {strides = array<i32>} : memref<64x128xf32, #tpu.memory_space<vmem>>, vector<1x16xf32>,
        %get3A_718 = vector.shape_cast %get3A_717 : vector<1x16xf32> to vector<16xf32>
        %add3A_719 = arith.addf %add3A_677, %get3A_718 : vector<16xf32>
        %add3A_720 = arith.constant 2 : i32
        %add3A_721 = arith.addi %add3A_636, %add3A_720 : i32
        %get3A_722 = arith.index_cast %add3A_721 : i32 to index
        %get3A_723 = arith.constant 0 : index
        %get3A_724 = tpu.vector_load %arg8[%get3A_722, %get3A_723] {strides = array<i32>} : memref<64x128xf32, #tpu.memory_space<vmem>>, vector<1x16xf32>,
        %get3A_725 = vector.shape_cast %get3A_724 : vector<1x16xf32> to vector<16xf32>
        %add3A_726 = arith.addf %add3A_684, %get3A_725 : vector<16xf32>
        %get3A_727 = arith.index_cast %add3A_721 : i32 to index
        %get3A_728 = arith.constant 16 : index
        %get3A_729 = tpu.vector_load %arg8[%get3A_727, %get3A_728] {strides = array<i32>} : memref<64x128xf32, #tpu.memory_space<vmem>>, vector<1x16xf32>,
        %get3A_730 = vector.shape_cast %get3A_729 : vector<1x16xf32> to vector<16xf32>
        %add3A_731 = arith.addf %add3A_689, %get3A_730 : vector<16xf32>
        %get3A_732 = arith.index_cast %add3A_721 : i32 to index
        %get3A_733 = arith.constant 32 : index
        %get3A_734 = tpu.vector_load %arg8[%get3A_732, %get3A_733] {strides = array<i32>} : memref<64x128xf32, #tpu.memory_space<vmem>>, vector<1x16xf32>,
        %get3A_735 = vector.shape_cast %get3A_734 : vector<1x16xf32> to vector<16xf32>
        %add3A_736 = arith.addf %add3A_694, %get3A_735 : vector<16xf32>
        %get3A_737 = arith.index_cast %add3A_721 : i32 to index
        %get3A_738 = arith.constant 48 : index
        %get3A_739 = tpu.vector_load %arg8[%get3A_737, %get3A_738] {strides = array<i32>} : memref<64x128xf32, #tpu.memory_space<vmem>>, vector<1x16xf32>,
        %get3A_740 = vector.shape_cast %get3A_739 : vector<1x16xf32> to vector<16xf32>
        %add3A_741 = arith.addf %add3A_699, %get3A_740 : vector<16xf32>
        %get3A_742 = arith.index_cast %add3A_721 : i32 to index
        %get3A_743 = arith.constant 64 : index
        %get3A_744 = tpu.vector_load %arg8[%get3A_742, %get3A_743] {strides = array<i32>} : memref<64x128xf32, #tpu.memory_space<vmem>>, vector<1x16xf32>,
        %get3A_745 = vector.shape_cast %get3A_744 : vector<1x16xf32> to vector<16xf32>
        %add3A_746 = arith.addf %add3A_704, %get3A_745 : vector<16xf32>
        %get3A_747 = arith.index_cast %add3A_721 : i32 to index
        %get3A_748 = arith.constant 80 : index
        %get3A_749 = tpu.vector_load %arg8[%get3A_747, %get3A_748] {strides = array<i32>} : memref<64x128xf32, #tpu.memory_space<vmem>>, vector<1x16xf32>,
        %get3A_750 = vector.shape_cast %get3A_749 : vector<1x16xf32> to vector<16xf32>
        %add3A_751 = arith.addf %add3A_709, %get3A_750 : vector<16xf32>
        %get3A_752 = arith.index_cast %add3A_721 : i32 to index
        %get3A_753 = arith.constant 96 : index
        %get3A_754 = tpu.vector_load %arg8[%get3A_752, %get3A_753] {strides = array<i32>} : memref<64x128xf32, #tpu.memory_space<vmem>>, vector<1x16xf32>,
        %get3A_755 = vector.shape_cast %get3A_754 : vector<1x16xf32> to vector<16xf32>
        %add3A_756 = arith.addf %add3A_714, %get3A_755 : vector<16xf32>
        %get3A_757 = arith.index_cast %add3A_721 : i32 to index
        %get3A_758 = arith.constant 112 : index
        %get3A_759 = tpu.vector_load %arg8[%get3A_757, %get3A_758] {strides = array<i32>} : memref<64x128xf32, #tpu.memory_space<vmem>>, vector<1x16xf32>,
        %get3A_760 = vector.shape_cast %get3A_759 : vector<1x16xf32> to vector<16xf32>
        %add3A_761 = arith.addf %add3A_719, %get3A_760 : vector<16xf32>
        %add3A_762 = arith.constant 3 : i32
        %add3A_763 = arith.addi %add3A_636, %add3A_762 : i32
        %get3A_764 = arith.index_cast %add3A_763 : i32 to index
        %get3A_765 = arith.constant 0 : index
        %get3A_766 = tpu.vector_load %arg8[%get3A_764, %get3A_765] {strides = array<i32>} : memref<64x128xf32, #tpu.memory_space<vmem>>, vector<1x16xf32>,
        %get3A_767 = vector.shape_cast %get3A_766 : vector<1x16xf32> to vector<16xf32>
        %add3A_768 = arith.addf %add3A_726, %get3A_767 : vector<16xf32>
        %get3A_769 = arith.index_cast %add3A_763 : i32 to index
        %get3A_770 = arith.constant 16 : index
        %get3A_771 = tpu.vector_load %arg8[%get3A_769, %get3A_770] {strides = array<i32>} : memref<64x128xf32, #tpu.memory_space<vmem>>, vector<1x16xf32>,
        %get3A_772 = vector.shape_cast %get3A_771 : vector<1x16xf32> to vector<16xf32>
        %add3A_773 = arith.addf %add3A_731, %get3A_772 : vector<16xf32>
        %get3A_774 = arith.index_cast %add3A_763 : i32 to index
        %get3A_775 = arith.constant 32 : index
        %get3A_776 = tpu.vector_load %arg8[%get3A_774, %get3A_775] {strides = array<i32>} : memref<64x128xf32, #tpu.memory_space<vmem>>, vector<1x16xf32>,
        %get3A_777 = vector.shape_cast %get3A_776 : vector<1x16xf32> to vector<16xf32>
        %add3A_778 = arith.addf %add3A_736, %get3A_777 : vector<16xf32>
        %get3A_779 = arith.index_cast %add3A_763 : i32 to index
        %get3A_780 = arith.constant 48 : index
        %get3A_781 = tpu.vector_load %arg8[%get3A_779, %get3A_780] {strides = array<i32>} : memref<64x128xf32, #tpu.memory_space<vmem>>, vector<1x16xf32>,
        %get3A_782 = vector.shape_cast %get3A_781 : vector<1x16xf32> to vector<16xf32>
        %add3A_783 = arith.addf %add3A_741, %get3A_782 : vector<16xf32>
        %get3A_784 = arith.index_cast %add3A_763 : i32 to index
        %get3A_785 = arith.constant 64 : index
        %get3A_786 = tpu.vector_load %arg8[%get3A_784, %get3A_785] {strides = array<i32>} : memref<64x128xf32, #tpu.memory_space<vmem>>, vector<1x16xf32>,
        %get3A_787 = vector.shape_cast %get3A_786 : vector<1x16xf32> to vector<16xf32>
        %add3A_788 = arith.addf %add3A_746, %get3A_787 : vector<16xf32>
        %get3A_789 = arith.index_cast %add3A_763 : i32 to index
        %get3A_790 = arith.constant 80 : index
        %get3A_791 = tpu.vector_load %arg8[%get3A_789, %get3A_790] {strides = array<i32>} : memref<64x128xf32, #tpu.memory_space<vmem>>, vector<1x16xf32>,
        %get3A_792 = vector.shape_cast %get3A_791 : vector<1x16xf32> to vector<16xf32>
        %add3A_793 = arith.addf %add3A_751, %get3A_792 : vector<16xf32>
        %get3A_794 = arith.index_cast %add3A_763 : i32 to index
        %get3A_795 = arith.constant 96 : index
        %get3A_796 = tpu.vector_load %arg8[%get3A_794, %get3A_795] {strides = array<i32>} : memref<64x128xf32, #tpu.memory_space<vmem>>, vector<1x16xf32>,
        %get3A_797 = vector.shape_cast %get3A_796 : vector<1x16xf32> to vector<16xf32>
        %add3A_798 = arith.addf %add3A_756, %get3A_797 : vector<16xf32>
        %get3A_799 = arith.index_cast %add3A_763 : i32 to index
        %get3A_800 = arith.constant 112 : index
        %get3A_801 = tpu.vector_load %arg8[%get3A_799, %get3A_800] {strides = array<i32>} : memref<64x128xf32, #tpu.memory_space<vmem>>, vector<1x16xf32>,
        %get3A_802 = vector.shape_cast %get3A_801 : vector<1x16xf32> to vector<16xf32>
        %add3A_803 = arith.addf %add3A_761, %get3A_802 : vector<16xf32>
        %add3A_804 = arith.constant 4 : i32
        %add3A_805 = arith.addi %add3A_636, %add3A_804 : i32
        %get3A_806 = arith.index_cast %add3A_805 : i32 to index
        %get3A_807 = arith.constant 0 : index
        %get3A_808 = tpu.vector_load %arg8[%get3A_806, %get3A_807] {strides = array<i32>} : memref<64x128xf32, #tpu.memory_space<vmem>>, vector<1x16xf32>,
        %get3A_809 = vector.shape_cast %get3A_808 : vector<1x16xf32> to vector<16xf32>
        %add3A_810 = arith.addf %add3A_768, %get3A_809 : vector<16xf32>
        %get3A_811 = arith.index_cast %add3A_805 : i32 to index
        %get3A_812 = arith.constant 16 : index
        %get3A_813 = tpu.vector_load %arg8[%get3A_811, %get3A_812] {strides = array<i32>} : memref<64x128xf32, #tpu.memory_space<vmem>>, vector<1x16xf32>,
        %get3A_814 = vector.shape_cast %get3A_813 : vector<1x16xf32> to vector<16xf32>
        %add3A_815 = arith.addf %add3A_773, %get3A_814 : vector<16xf32>
        %get3A_816 = arith.index_cast %add3A_805 : i32 to index
        %get3A_817 = arith.constant 32 : index
        %get3A_818 = tpu.vector_load %arg8[%get3A_816, %get3A_817] {strides = array<i32>} : memref<64x128xf32, #tpu.memory_space<vmem>>, vector<1x16xf32>,
        %get3A_819 = vector.shape_cast %get3A_818 : vector<1x16xf32> to vector<16xf32>
        %add3A_820 = arith.addf %add3A_778, %get3A_819 : vector<16xf32>
        %get3A_821 = arith.index_cast %add3A_805 : i32 to index
        %get3A_822 = arith.constant 48 : index
        %get3A_823 = tpu.vector_load %arg8[%get3A_821, %get3A_822] {strides = array<i32>} : memref<64x128xf32, #tpu.memory_space<vmem>>, vector<1x16xf32>,
        %get3A_824 = vector.shape_cast %get3A_823 : vector<1x16xf32> to vector<16xf32>
        %add3A_825 = arith.addf %add3A_783, %get3A_824 : vector<16xf32>
        %get3A_826 = arith.index_cast %add3A_805 : i32 to index
        %get3A_827 = arith.constant 64 : index
        %get3A_828 = tpu.vector_load %arg8[%get3A_826, %get3A_827] {strides = array<i32>} : memref<64x128xf32, #tpu.memory_space<vmem>>, vector<1x16xf32>,
        %get3A_829 = vector.shape_cast %get3A_828 : vector<1x16xf32> to vector<16xf32>
        %add3A_830 = arith.addf %add3A_788, %get3A_829 : vector<16xf32>
        %get3A_831 = arith.index_cast %add3A_805 : i32 to index
        %get3A_832 = arith.constant 80 : index
        %get3A_833 = tpu.vector_load %arg8[%get3A_831, %get3A_832] {strides = array<i32>} : memref<64x128xf32, #tpu.memory_space<vmem>>, vector<1x16xf32>,
        %get3A_834 = vector.shape_cast %get3A_833 : vector<1x16xf32> to vector<16xf32>
        %add3A_835 = arith.addf %add3A_793, %get3A_834 : vector<16xf32>
        %get3A_836 = arith.index_cast %add3A_805 : i32 to index
        %get3A_837 = arith.constant 96 : index
        %get3A_838 = tpu.vector_load %arg8[%get3A_836, %get3A_837] {strides = array<i32>} : memref<64x128xf32, #tpu.memory_space<vmem>>, vector<1x16xf32>,
        %get3A_839 = vector.shape_cast %get3A_838 : vector<1x16xf32> to vector<16xf32>
        %add3A_840 = arith.addf %add3A_798, %get3A_839 : vector<16xf32>
        %get3A_841 = arith.index_cast %add3A_805 : i32 to index
        %get3A_842 = arith.constant 112 : index
        %get3A_843 = tpu.vector_load %arg8[%get3A_841, %get3A_842] {strides = array<i32>} : memref<64x128xf32, #tpu.memory_space<vmem>>, vector<1x16xf32>,
        %get3A_844 = vector.shape_cast %get3A_843 : vector<1x16xf32> to vector<16xf32>
        %add3A_845 = arith.addf %add3A_803, %get3A_844 : vector<16xf32>
        %add3A_846 = arith.constant 5 : i32
        %add3A_847 = arith.addi %add3A_636, %add3A_846 : i32
        %get3A_848 = arith.index_cast %add3A_847 : i32 to index
        %get3A_849 = arith.constant 0 : index
        %get3A_850 = tpu.vector_load %arg8[%get3A_848, %get3A_849] {strides = array<i32>} : memref<64x128xf32, #tpu.memory_space<vmem>>, vector<1x16xf32>,
        %get3A_851 = vector.shape_cast %get3A_850 : vector<1x16xf32> to vector<16xf32>
        %add3A_852 = arith.addf %add3A_810, %get3A_851 : vector<16xf32>
        %get3A_853 = arith.index_cast %add3A_847 : i32 to index
        %get3A_854 = arith.constant 16 : index
        %get3A_855 = tpu.vector_load %arg8[%get3A_853, %get3A_854] {strides = array<i32>} : memref<64x128xf32, #tpu.memory_space<vmem>>, vector<1x16xf32>,
        %get3A_856 = vector.shape_cast %get3A_855 : vector<1x16xf32> to vector<16xf32>
        %add3A_857 = arith.addf %add3A_815, %get3A_856 : vector<16xf32>
        %get3A_858 = arith.index_cast %add3A_847 : i32 to index
        %get3A_859 = arith.constant 32 : index
        %get3A_860 = tpu.vector_load %arg8[%get3A_858, %get3A_859] {strides = array<i32>} : memref<64x128xf32, #tpu.memory_space<vmem>>, vector<1x16xf32>,
        %get3A_861 = vector.shape_cast %get3A_860 : vector<1x16xf32> to vector<16xf32>
        %add3A_862 = arith.addf %add3A_820, %get3A_861 : vector<16xf32>
        %get3A_863 = arith.index_cast %add3A_847 : i32 to index
        %get3A_864 = arith.constant 48 : index
        %get3A_865 = tpu.vector_load %arg8[%get3A_863, %get3A_864] {strides = array<i32>} : memref<64x128xf32, #tpu.memory_space<vmem>>, vector<1x16xf32>,
        %get3A_866 = vector.shape_cast %get3A_865 : vector<1x16xf32> to vector<16xf32>
        %add3A_867 = arith.addf %add3A_825, %get3A_866 : vector<16xf32>
        %get3A_868 = arith.index_cast %add3A_847 : i32 to index
        %get3A_869 = arith.constant 64 : index
        %get3A_870 = tpu.vector_load %arg8[%get3A_868, %get3A_869] {strides = array<i32>} : memref<64x128xf32, #tpu.memory_space<vmem>>, vector<1x16xf32>,
        %get3A_871 = vector.shape_cast %get3A_870 : vector<1x16xf32> to vector<16xf32>
        %add3A_872 = arith.addf %add3A_830, %get3A_871 : vector<16xf32>
        %get3A_873 = arith.index_cast %add3A_847 : i32 to index
        %get3A_874 = arith.constant 80 : index
        %get3A_875 = tpu.vector_load %arg8[%get3A_873, %get3A_874] {strides = array<i32>} : memref<64x128xf32, #tpu.memory_space<vmem>>, vector<1x16xf32>,
        %get3A_876 = vector.shape_cast %get3A_875 : vector<1x16xf32> to vector<16xf32>
        %add3A_877 = arith.addf %add3A_835, %get3A_876 : vector<16xf32>
        %get3A_878 = arith.index_cast %add3A_847 : i32 to index
        %get3A_879 = arith.constant 96 : index
        %get3A_880 = tpu.vector_load %arg8[%get3A_878, %get3A_879] {strides = array<i32>} : memref<64x128xf32, #tpu.memory_space<vmem>>, vector<1x16xf32>,
        %get3A_881 = vector.shape_cast %get3A_880 : vector<1x16xf32> to vector<16xf32>
        %add3A_882 = arith.addf %add3A_840, %get3A_881 : vector<16xf32>
        %get3A_883 = arith.index_cast %add3A_847 : i32 to index
        %get3A_884 = arith.constant 112 : index
        %get3A_885 = tpu.vector_load %arg8[%get3A_883, %get3A_884] {strides = array<i32>} : memref<64x128xf32, #tpu.memory_space<vmem>>, vector<1x16xf32>,
        %get3A_886 = vector.shape_cast %get3A_885 : vector<1x16xf32> to vector<16xf32>
        %add3A_887 = arith.addf %add3A_845, %get3A_886 : vector<16xf32>
        %add3A_888 = arith.constant 6 : i32
        %add3A_889 = arith.addi %add3A_636, %add3A_888 : i32
        %get3A_890 = arith.index_cast %add3A_889 : i32 to index
        %get3A_891 = arith.constant 0 : index
        %get3A_892 = tpu.vector_load %arg8[%get3A_890, %get3A_891] {strides = array<i32>} : memref<64x128xf32, #tpu.memory_space<vmem>>, vector<1x16xf32>,
        %get3A_893 = vector.shape_cast %get3A_892 : vector<1x16xf32> to vector<16xf32>
        %add3A_894 = arith.addf %add3A_852, %get3A_893 : vector<16xf32>
        %get3A_895 = arith.index_cast %add3A_889 : i32 to index
        %get3A_896 = arith.constant 16 : index
        %get3A_897 = tpu.vector_load %arg8[%get3A_895, %get3A_896] {strides = array<i32>} : memref<64x128xf32, #tpu.memory_space<vmem>>, vector<1x16xf32>,
        %get3A_898 = vector.shape_cast %get3A_897 : vector<1x16xf32> to vector<16xf32>
        %add3A_899 = arith.addf %add3A_857, %get3A_898 : vector<16xf32>
        %get3A_900 = arith.index_cast %add3A_889 : i32 to index
        %get3A_901 = arith.constant 32 : index
        %get3A_902 = tpu.vector_load %arg8[%get3A_900, %get3A_901] {strides = array<i32>} : memref<64x128xf32, #tpu.memory_space<vmem>>, vector<1x16xf32>,
        %get3A_903 = vector.shape_cast %get3A_902 : vector<1x16xf32> to vector<16xf32>
        %add3A_904 = arith.addf %add3A_862, %get3A_903 : vector<16xf32>
        %get3A_905 = arith.index_cast %add3A_889 : i32 to index
        %get3A_906 = arith.constant 48 : index
        %get3A_907 = tpu.vector_load %arg8[%get3A_905, %get3A_906] {strides = array<i32>} : memref<64x128xf32, #tpu.memory_space<vmem>>, vector<1x16xf32>,
        %get3A_908 = vector.shape_cast %get3A_907 : vector<1x16xf32> to vector<16xf32>
        %add3A_909 = arith.addf %add3A_867, %get3A_908 : vector<16xf32>
        %get3A_910 = arith.index_cast %add3A_889 : i32 to index
        %get3A_911 = arith.constant 64 : index
        %get3A_912 = tpu.vector_load %arg8[%get3A_910, %get3A_911] {strides = array<i32>} : memref<64x128xf32, #tpu.memory_space<vmem>>, vector<1x16xf32>,
        %get3A_913 = vector.shape_cast %get3A_912 : vector<1x16xf32> to vector<16xf32>
        %add3A_914 = arith.addf %add3A_872, %get3A_913 : vector<16xf32>
        %get3A_915 = arith.index_cast %add3A_889 : i32 to index
        %get3A_916 = arith.constant 80 : index
        %get3A_917 = tpu.vector_load %arg8[%get3A_915, %get3A_916] {strides = array<i32>} : memref<64x128xf32, #tpu.memory_space<vmem>>, vector<1x16xf32>,
        %get3A_918 = vector.shape_cast %get3A_917 : vector<1x16xf32> to vector<16xf32>
        %add3A_919 = arith.addf %add3A_877, %get3A_918 : vector<16xf32>
        %get3A_920 = arith.index_cast %add3A_889 : i32 to index
        %get3A_921 = arith.constant 96 : index
        %get3A_922 = tpu.vector_load %arg8[%get3A_920, %get3A_921] {strides = array<i32>} : memref<64x128xf32, #tpu.memory_space<vmem>>, vector<1x16xf32>,
        %get3A_923 = vector.shape_cast %get3A_922 : vector<1x16xf32> to vector<16xf32>
        %add3A_924 = arith.addf %add3A_882, %get3A_923 : vector<16xf32>
        %get3A_925 = arith.index_cast %add3A_889 : i32 to index
        %get3A_926 = arith.constant 112 : index
        %get3A_927 = tpu.vector_load %arg8[%get3A_925, %get3A_926] {strides = array<i32>} : memref<64x128xf32, #tpu.memory_space<vmem>>, vector<1x16xf32>,
        %get3A_928 = vector.shape_cast %get3A_927 : vector<1x16xf32> to vector<16xf32>
        %add3A_929 = arith.addf %add3A_887, %get3A_928 : vector<16xf32>
        %add3A_930 = arith.constant 7 : i32
        %add3A_931 = arith.addi %add3A_636, %add3A_930 : i32
        %get3A_932 = arith.index_cast %add3A_931 : i32 to index
        %get3A_933 = arith.constant 0 : index
        %get3A_934 = tpu.vector_load %arg8[%get3A_932, %get3A_933] {strides = array<i32>} : memref<64x128xf32, #tpu.memory_space<vmem>>, vector<1x16xf32>,
        %get3A_935 = vector.shape_cast %get3A_934 : vector<1x16xf32> to vector<16xf32>
        %add3A_936 = arith.addf %add3A_894, %get3A_935 : vector<16xf32>
        %get3A_937 = arith.index_cast %add3A_931 : i32 to index
        %get3A_938 = arith.constant 16 : index
        %get3A_939 = tpu.vector_load %arg8[%get3A_937, %get3A_938] {strides = array<i32>} : memref<64x128xf32, #tpu.memory_space<vmem>>, vector<1x16xf32>,
        %get3A_940 = vector.shape_cast %get3A_939 : vector<1x16xf32> to vector<16xf32>
        %add3A_941 = arith.addf %add3A_899, %get3A_940 : vector<16xf32>
        %get3A_942 = arith.index_cast %add3A_931 : i32 to index
        %get3A_943 = arith.constant 32 : index
        %get3A_944 = tpu.vector_load %arg8[%get3A_942, %get3A_943] {strides = array<i32>} : memref<64x128xf32, #tpu.memory_space<vmem>>, vector<1x16xf32>,
        %get3A_945 = vector.shape_cast %get3A_944 : vector<1x16xf32> to vector<16xf32>
        %add3A_946 = arith.addf %add3A_904, %get3A_945 : vector<16xf32>
        %get3A_947 = arith.index_cast %add3A_931 : i32 to index
        %get3A_948 = arith.constant 48 : index
        %get3A_949 = tpu.vector_load %arg8[%get3A_947, %get3A_948] {strides = array<i32>} : memref<64x128xf32, #tpu.memory_space<vmem>>, vector<1x16xf32>,
        %get3A_950 = vector.shape_cast %get3A_949 : vector<1x16xf32> to vector<16xf32>
        %add3A_951 = arith.addf %add3A_909, %get3A_950 : vector<16xf32>
        %get3A_952 = arith.index_cast %add3A_931 : i32 to index
        %get3A_953 = arith.constant 64 : index
        %get3A_954 = tpu.vector_load %arg8[%get3A_952, %get3A_953] {strides = array<i32>} : memref<64x128xf32, #tpu.memory_space<vmem>>, vector<1x16xf32>,
        %get3A_955 = vector.shape_cast %get3A_954 : vector<1x16xf32> to vector<16xf32>
        %add3A_956 = arith.addf %add3A_914, %get3A_955 : vector<16xf32>
        %get3A_957 = arith.index_cast %add3A_931 : i32 to index
        %get3A_958 = arith.constant 80 : index
        %get3A_959 = tpu.vector_load %arg8[%get3A_957, %get3A_958] {strides = array<i32>} : memref<64x128xf32, #tpu.memory_space<vmem>>, vector<1x16xf32>,
        %get3A_960 = vector.shape_cast %get3A_959 : vector<1x16xf32> to vector<16xf32>
        %add3A_961 = arith.addf %add3A_919, %get3A_960 : vector<16xf32>
        %get3A_962 = arith.index_cast %add3A_931 : i32 to index
        %get3A_963 = arith.constant 96 : index
        %get3A_964 = tpu.vector_load %arg8[%get3A_962, %get3A_963] {strides = array<i32>} : memref<64x128xf32, #tpu.memory_space<vmem>>, vector<1x16xf32>,
        %get3A_965 = vector.shape_cast %get3A_964 : vector<1x16xf32> to vector<16xf32>
        %add3A_966 = arith.addf %add3A_924, %get3A_965 : vector<16xf32>
        %get3A_967 = arith.index_cast %add3A_931 : i32 to index
        %get3A_968 = arith.constant 112 : index
        %get3A_969 = tpu.vector_load %arg8[%get3A_967, %get3A_968] {strides = array<i32>} : memref<64x128xf32, #tpu.memory_space<vmem>>, vector<1x16xf32>,
        %get3A_970 = vector.shape_cast %get3A_969 : vector<1x16xf32> to vector<16xf32>
        %add3A_971 = arith.addf %add3A_929, %get3A_970 : vector<16xf32>
        scf.yield %add3A_936, %add3A_941, %add3A_946, %add3A_951, %add3A_956, %add3A_961, %add3A_966, %add3A_971 : vector<16xf32>, vector<16xf32>, vector<16xf32>, vector<16xf32>, vector<16xf32>, vector<16xf32>, vector<16xf32>, vector<16xf32>
      }
      %scan3A_360 = arith.constant 4 : i32
      %mul3A_361 = arith.constant 2 : i32
      %mul3A_362 = arith.muli %add3A_331, %mul3A_361 : i32
      %add3A_363 = arith.constant 0 : i32
      %add3A_364 = arith.addi %mul3A_362, %add3A_363 : i32
      %swap3A_365 = arith.index_cast %add3A_364 : i32 to index
      %swap3A_366 = arith.constant 0 : index
      %swap3A_367 = tpu.vector_load %arg10[%swap3A_365, %swap3A_366] {strides = array<i32>} : memref<320x128xf32, #tpu.memory_space<vmem>>, vector<1x16xf32>,
      %swap3A_368 = vector.shape_cast %swap3A_367 : vector<1x16xf32> to vector<16xf32>
      %swap3A_369 = vector.shape_cast %scan3A_359#0 : vector<16xf32> to vector<1x16xf32>
      tpu.vector_store %arg10[%swap3A_365, %swap3A_366], %swap3A_369 {strides = array<i32>} : memref<320x128xf32, #tpu.memory_space<vmem>>, vector<1x16xf32>,
      %swap3A_370 = arith.index_cast %add3A_364 : i32 to index
      %swap3A_371 = arith.constant 16 : index
      %swap3A_372 = tpu.vector_load %arg10[%swap3A_370, %swap3A_371] {strides = array<i32>} : memref<320x128xf32, #tpu.memory_space<vmem>>, vector<1x16xf32>,
      %swap3A_373 = vector.shape_cast %swap3A_372 : vector<1x16xf32> to vector<16xf32>
      %swap3A_374 = vector.shape_cast %scan3A_359#1 : vector<16xf32> to vector<1x16xf32>
      tpu.vector_store %arg10[%swap3A_370, %swap3A_371], %swap3A_374 {strides = array<i32>} : memref<320x128xf32, #tpu.memory_space<vmem>>, vector<1x16xf32>,
      %swap3A_375 = arith.index_cast %add3A_364 : i32 to index
      %swap3A_376 = arith.constant 32 : index
      %swap3A_377 = tpu.vector_load %arg10[%swap3A_375, %swap3A_376] {strides = array<i32>} : memref<320x128xf32, #tpu.memory_space<vmem>>, vector<1x16xf32>,
      %swap3A_378 = vector.shape_cast %swap3A_377 : vector<1x16xf32> to vector<16xf32>
      %swap3A_379 = vector.shape_cast %scan3A_359#2 : vector<16xf32> to vector<1x16xf32>
      tpu.vector_store %arg10[%swap3A_375, %swap3A_376], %swap3A_379 {strides = array<i32>} : memref<320x128xf32, #tpu.memory_space<vmem>>, vector<1x16xf32>,
      %swap3A_380 = arith.index_cast %add3A_364 : i32 to index
      %swap3A_381 = arith.constant 48 : index
      %swap3A_382 = tpu.vector_load %arg10[%swap3A_380, %swap3A_381] {strides = array<i32>} : memref<320x128xf32, #tpu.memory_space<vmem>>, vector<1x16xf32>,
      %swap3A_383 = vector.shape_cast %swap3A_382 : vector<1x16xf32> to vector<16xf32>
      %swap3A_384 = vector.shape_cast %scan3A_359#3 : vector<16xf32> to vector<1x16xf32>
      tpu.vector_store %arg10[%swap3A_380, %swap3A_381], %swap3A_384 {strides = array<i32>} : memref<320x128xf32, #tpu.memory_space<vmem>>, vector<1x16xf32>,
      %swap3A_385 = arith.index_cast %add3A_364 : i32 to index
      %swap3A_386 = arith.constant 64 : index
      %swap3A_387 = tpu.vector_load %arg10[%swap3A_385, %swap3A_386] {strides = array<i32>} : memref<320x128xf32, #tpu.memory_space<vmem>>, vector<1x16xf32>,
      %swap3A_388 = vector.shape_cast %swap3A_387 : vector<1x16xf32> to vector<16xf32>
      %swap3A_389 = vector.shape_cast %scan3A_359#4 : vector<16xf32> to vector<1x16xf32>
      tpu.vector_store %arg10[%swap3A_385, %swap3A_386], %swap3A_389 {strides = array<i32>} : memref<320x128xf32, #tpu.memory_space<vmem>>, vector<1x16xf32>,
      %swap3A_390 = arith.index_cast %add3A_364 : i32 to index
      %swap3A_391 = arith.constant 80 : index
      %swap3A_392 = tpu.vector_load %arg10[%swap3A_390, %swap3A_391] {strides = array<i32>} : memref<320x128xf32, #tpu.memory_space<vmem>>, vector<1x16xf32>,
      %swap3A_393 = vector.shape_cast %swap3A_392 : vector<1x16xf32> to vector<16xf32>
      %swap3A_394 = vector.shape_cast %scan3A_359#5 : vector<16xf32> to vector<1x16xf32>
      tpu.vector_store %arg10[%swap3A_390, %swap3A_391], %swap3A_394 {strides = array<i32>} : memref<320x128xf32, #tpu.memory_space<vmem>>, vector<1x16xf32>,
      %swap3A_395 = arith.index_cast %add3A_364 : i32 to index
      %swap3A_396 = arith.constant 96 : index
      %swap3A_397 = tpu.vector_load %arg10[%swap3A_395, %swap3A_396] {strides = array<i32>} : memref<320x128xf32, #tpu.memory_space<vmem>>, vector<1x16xf32>,
      %swap3A_398 = vector.shape_cast %swap3A_397 : vector<1x16xf32> to vector<16xf32>
      %swap3A_399 = vector.shape_cast %scan3A_359#6 : vector<16xf32> to vector<1x16xf32>
      tpu.vector_store %arg10[%swap3A_395, %swap3A_396], %swap3A_399 {strides = array<i32>} : memref<320x128xf32, #tpu.memory_space<vmem>>, vector<1x16xf32>,
      %swap3A_400 = arith.index_cast %add3A_364 : i32 to index
      %swap3A_401 = arith.constant 112 : index
      %swap3A_402 = tpu.vector_load %arg10[%swap3A_400, %swap3A_401] {strides = array<i32>} : memref<320x128xf32, #tpu.memory_space<vmem>>, vector<1x16xf32>,
      %swap3A_403 = vector.shape_cast %swap3A_402 : vector<1x16xf32> to vector<16xf32>
      %swap3A_404 = vector.shape_cast %scan3A_359#7 : vector<16xf32> to vector<1x16xf32>
      tpu.vector_store %arg10[%swap3A_400, %swap3A_401], %swap3A_404 {strides = array<i32>} : memref<320x128xf32, #tpu.memory_space<vmem>>, vector<1x16xf32>,
      %broadcast_in_dim3A_405 = arith.constant 0.000000e+00 : f32
      %broadcast_in_dim3A_406 = vector.broadcast %broadcast_in_dim3A_405 : f32 to vector<16xf32>
      %broadcast_in_dim3A_407 = arith.constant 0.000000e+00 : f32
      %broadcast_in_dim3A_408 = vector.broadcast %broadcast_in_dim3A_407 : f32 to vector<16xf32>
      %broadcast_in_dim3A_409 = arith.constant 0.000000e+00 : f32
      %broadcast_in_dim3A_410 = vector.broadcast %broadcast_in_dim3A_409 : f32 to vector<16xf32>
      %broadcast_in_dim3A_411 = arith.constant 0.000000e+00 : f32
      %broadcast_in_dim3A_412 = vector.broadcast %broadcast_in_dim3A_411 : f32 to vector<16xf32>
      %broadcast_in_dim3A_413 = arith.constant 0.000000e+00 : f32
      %broadcast_in_dim3A_414 = vector.broadcast %broadcast_in_dim3A_413 : f32 to vector<16xf32>
      %broadcast_in_dim3A_415 = arith.constant 0.000000e+00 : f32
      %broadcast_in_dim3A_416 = vector.broadcast %broadcast_in_dim3A_415 : f32 to vector<16xf32>
      %broadcast_in_dim3A_417 = arith.constant 0.000000e+00 : f32
      %broadcast_in_dim3A_418 = vector.broadcast %broadcast_in_dim3A_417 : f32 to vector<16xf32>
      %broadcast_in_dim3A_419 = arith.constant 0.000000e+00 : f32
      %broadcast_in_dim3A_420 = vector.broadcast %broadcast_in_dim3A_419 : f32 to vector<16xf32>
      %scan3A_421 = arith.constant 0 : i32
      %scan3A_422 = arith.constant 4 : i32
      %scan3A_423 = arith.addi %scan3A_421, %scan3A_422 : i32
      %scan3A_424 = arith.constant 1 : i32
      %scan3A_425:8 = scf.for %scan3A_624 = %scan3A_421 to %scan3A_423 step %scan3A_424 iter_args(%scan3A_625 = %broadcast_in_dim3A_406, %scan3A_626 = %broadcast_in_dim3A_408, %scan3A_627 = %broadcast_in_dim3A_410, %scan3A_628 = %broadcast_in_dim3A_412, %scan3A_629 = %broadcast_in_dim3A_414, %scan3A_630 = %broadcast_in_dim3A_416, %scan3A_631 = %broadcast_in_dim3A_418, %scan3A_632 = %broadcast_in_dim3A_420) -> (vector<16xf32>, vector<16xf32>, vector<16xf32>, vector<16xf32>, vector<16xf32>, vector<16xf32>, vector<16xf32>, vector<16xf32>)  : i32 {
        %mul3A_633 = arith.constant 8 : i32
        %mul3A_634 = arith.muli %scan3A_624, %mul3A_633 : i32
        %add3A_635 = arith.constant 32 : i32
        %add3A_636 = arith.addi %add3A_635, %mul3A_634 : i32
        %add3A_637 = arith.constant 0 : i32
        %add3A_638 = arith.addi %add3A_636, %add3A_637 : i32
        %get3A = arith.index_cast %add3A_638 : i32 to index
        %get3A_639 = arith.constant 0 : index
        %get3A_640 = tpu.vector_load %arg8[%get3A, %get3A_639] {strides = array<i32>} : memref<64x128xf32, #tpu.memory_space<vmem>>, vector<1x16xf32>,
        %get3A_641 = vector.shape_cast %get3A_640 : vector<1x16xf32> to vector<16xf32>
        %add3A_642 = arith.addf %scan3A_625, %get3A_641 : vector<16xf32>
        %get3A_643 = arith.index_cast %add3A_638 : i32 to index
        %get3A_644 = arith.constant 16 : index
        %get3A_645 = tpu.vector_load %arg8[%get3A_643, %get3A_644] {strides = array<i32>} : memref<64x128xf32, #tpu.memory_space<vmem>>, vector<1x16xf32>,
        %get3A_646 = vector.shape_cast %get3A_645 : vector<1x16xf32> to vector<16xf32>
        %add3A_647 = arith.addf %scan3A_626, %get3A_646 : vector<16xf32>
        %get3A_648 = arith.index_cast %add3A_638 : i32 to index
        %get3A_649 = arith.constant 32 : index
        %get3A_650 = tpu.vector_load %arg8[%get3A_648, %get3A_649] {strides = array<i32>} : memref<64x128xf32, #tpu.memory_space<vmem>>, vector<1x16xf32>,
        %get3A_651 = vector.shape_cast %get3A_650 : vector<1x16xf32> to vector<16xf32>
        %add3A_652 = arith.addf %scan3A_627, %get3A_651 : vector<16xf32>
        %get3A_653 = arith.index_cast %add3A_638 : i32 to index
        %get3A_654 = arith.constant 48 : index
        %get3A_655 = tpu.vector_load %arg8[%get3A_653, %get3A_654] {strides = array<i32>} : memref<64x128xf32, #tpu.memory_space<vmem>>, vector<1x16xf32>,
        %get3A_656 = vector.shape_cast %get3A_655 : vector<1x16xf32> to vector<16xf32>
        %add3A_657 = arith.addf %scan3A_628, %get3A_656 : vector<16xf32>
        %get3A_658 = arith.index_cast %add3A_638 : i32 to index
        %get3A_659 = arith.constant 64 : index
        %get3A_660 = tpu.vector_load %arg8[%get3A_658, %get3A_659] {strides = array<i32>} : memref<64x128xf32, #tpu.memory_space<vmem>>, vector<1x16xf32>,
        %get3A_661 = vector.shape_cast %get3A_660 : vector<1x16xf32> to vector<16xf32>
        %add3A_662 = arith.addf %scan3A_629, %get3A_661 : vector<16xf32>
        %get3A_663 = arith.index_cast %add3A_638 : i32 to index
        %get3A_664 = arith.constant 80 : index
        %get3A_665 = tpu.vector_load %arg8[%get3A_663, %get3A_664] {strides = array<i32>} : memref<64x128xf32, #tpu.memory_space<vmem>>, vector<1x16xf32>,
        %get3A_666 = vector.shape_cast %get3A_665 : vector<1x16xf32> to vector<16xf32>
        %add3A_667 = arith.addf %scan3A_630, %get3A_666 : vector<16xf32>
        %get3A_668 = arith.index_cast %add3A_638 : i32 to index
        %get3A_669 = arith.constant 96 : index
        %get3A_670 = tpu.vector_load %arg8[%get3A_668, %get3A_669] {strides = array<i32>} : memref<64x128xf32, #tpu.memory_space<vmem>>, vector<1x16xf32>,
        %get3A_671 = vector.shape_cast %get3A_670 : vector<1x16xf32> to vector<16xf32>
        %add3A_672 = arith.addf %scan3A_631, %get3A_671 : vector<16xf32>
        %get3A_673 = arith.index_cast %add3A_638 : i32 to index
        %get3A_674 = arith.constant 112 : index
        %get3A_675 = tpu.vector_load %arg8[%get3A_673, %get3A_674] {strides = array<i32>} : memref<64x128xf32, #tpu.memory_space<vmem>>, vector<1x16xf32>,
        %get3A_676 = vector.shape_cast %get3A_675 : vector<1x16xf32> to vector<16xf32>
        %add3A_677 = arith.addf %scan3A_632, %get3A_676 : vector<16xf32>
        %add3A_678 = arith.constant 1 : i32
        %add3A_679 = arith.addi %add3A_636, %add3A_678 : i32
        %get3A_680 = arith.index_cast %add3A_679 : i32 to index
        %get3A_681 = arith.constant 0 : index
        %get3A_682 = tpu.vector_load %arg8[%get3A_680, %get3A_681] {strides = array<i32>} : memref<64x128xf32, #tpu.memory_space<vmem>>, vector<1x16xf32>,
        %get3A_683 = vector.shape_cast %get3A_682 : vector<1x16xf32> to vector<16xf32>
        %add3A_684 = arith.addf %add3A_642, %get3A_683 : vector<16xf32>
        %get3A_685 = arith.index_cast %add3A_679 : i32 to index
        %get3A_686 = arith.constant 16 : index
        %get3A_687 = tpu.vector_load %arg8[%get3A_685, %get3A_686] {strides = array<i32>} : memref<64x128xf32, #tpu.memory_space<vmem>>, vector<1x16xf32>,
        %get3A_688 = vector.shape_cast %get3A_687 : vector<1x16xf32> to vector<16xf32>
        %add3A_689 = arith.addf %add3A_647, %get3A_688 : vector<16xf32>
        %get3A_690 = arith.index_cast %add3A_679 : i32 to index
        %get3A_691 = arith.constant 32 : index
        %get3A_692 = tpu.vector_load %arg8[%get3A_690, %get3A_691] {strides = array<i32>} : memref<64x128xf32, #tpu.memory_space<vmem>>, vector<1x16xf32>,
        %get3A_693 = vector.shape_cast %get3A_692 : vector<1x16xf32> to vector<16xf32>
        %add3A_694 = arith.addf %add3A_652, %get3A_693 : vector<16xf32>
        %get3A_695 = arith.index_cast %add3A_679 : i32 to index
        %get3A_696 = arith.constant 48 : index
        %get3A_697 = tpu.vector_load %arg8[%get3A_695, %get3A_696] {strides = array<i32>} : memref<64x128xf32, #tpu.memory_space<vmem>>, vector<1x16xf32>,
        %get3A_698 = vector.shape_cast %get3A_697 : vector<1x16xf32> to vector<16xf32>
        %add3A_699 = arith.addf %add3A_657, %get3A_698 : vector<16xf32>
        %get3A_700 = arith.index_cast %add3A_679 : i32 to index
        %get3A_701 = arith.constant 64 : index
        %get3A_702 = tpu.vector_load %arg8[%get3A_700, %get3A_701] {strides = array<i32>} : memref<64x128xf32, #tpu.memory_space<vmem>>, vector<1x16xf32>,
        %get3A_703 = vector.shape_cast %get3A_702 : vector<1x16xf32> to vector<16xf32>
        %add3A_704 = arith.addf %add3A_662, %get3A_703 : vector<16xf32>
        %get3A_705 = arith.index_cast %add3A_679 : i32 to index
        %get3A_706 = arith.constant 80 : index
        %get3A_707 = tpu.vector_load %arg8[%get3A_705, %get3A_706] {strides = array<i32>} : memref<64x128xf32, #tpu.memory_space<vmem>>, vector<1x16xf32>,
        %get3A_708 = vector.shape_cast %get3A_707 : vector<1x16xf32> to vector<16xf32>
        %add3A_709 = arith.addf %add3A_667, %get3A_708 : vector<16xf32>
        %get3A_710 = arith.index_cast %add3A_679 : i32 to index
        %get3A_711 = arith.constant 96 : index
        %get3A_712 = tpu.vector_load %arg8[%get3A_710, %get3A_711] {strides = array<i32>} : memref<64x128xf32, #tpu.memory_space<vmem>>, vector<1x16xf32>,
        %get3A_713 = vector.shape_cast %get3A_712 : vector<1x16xf32> to vector<16xf32>
        %add3A_714 = arith.addf %add3A_672, %get3A_713 : vector<16xf32>
        %get3A_715 = arith.index_cast %add3A_679 : i32 to index
        %get3A_716 = arith.constant 112 : index
        %get3A_717 = tpu.vector_load %arg8[%get3A_715, %get3A_716] {strides = array<i32>} : memref<64x128xf32, #tpu.memory_space<vmem>>, vector<1x16xf32>,
        %get3A_718 = vector.shape_cast %get3A_717 : vector<1x16xf32> to vector<16xf32>
        %add3A_719 = arith.addf %add3A_677, %get3A_718 : vector<16xf32>
        %add3A_720 = arith.constant 2 : i32
        %add3A_721 = arith.addi %add3A_636, %add3A_720 : i32
        %get3A_722 = arith.index_cast %add3A_721 : i32 to index
        %get3A_723 = arith.constant 0 : index
        %get3A_724 = tpu.vector_load %arg8[%get3A_722, %get3A_723] {strides = array<i32>} : memref<64x128xf32, #tpu.memory_space<vmem>>, vector<1x16xf32>,
        %get3A_725 = vector.shape_cast %get3A_724 : vector<1x16xf32> to vector<16xf32>
        %add3A_726 = arith.addf %add3A_684, %get3A_725 : vector<16xf32>
        %get3A_727 = arith.index_cast %add3A_721 : i32 to index
        %get3A_728 = arith.constant 16 : index
        %get3A_729 = tpu.vector_load %arg8[%get3A_727, %get3A_728] {strides = array<i32>} : memref<64x128xf32, #tpu.memory_space<vmem>>, vector<1x16xf32>,
        %get3A_730 = vector.shape_cast %get3A_729 : vector<1x16xf32> to vector<16xf32>
        %add3A_731 = arith.addf %add3A_689, %get3A_730 : vector<16xf32>
        %get3A_732 = arith.index_cast %add3A_721 : i32 to index
        %get3A_733 = arith.constant 32 : index
        %get3A_734 = tpu.vector_load %arg8[%get3A_732, %get3A_733] {strides = array<i32>} : memref<64x128xf32, #tpu.memory_space<vmem>>, vector<1x16xf32>,
        %get3A_735 = vector.shape_cast %get3A_734 : vector<1x16xf32> to vector<16xf32>
        %add3A_736 = arith.addf %add3A_694, %get3A_735 : vector<16xf32>
        %get3A_737 = arith.index_cast %add3A_721 : i32 to index
        %get3A_738 = arith.constant 48 : index
        %get3A_739 = tpu.vector_load %arg8[%get3A_737, %get3A_738] {strides = array<i32>} : memref<64x128xf32, #tpu.memory_space<vmem>>, vector<1x16xf32>,
        %get3A_740 = vector.shape_cast %get3A_739 : vector<1x16xf32> to vector<16xf32>
        %add3A_741 = arith.addf %add3A_699, %get3A_740 : vector<16xf32>
        %get3A_742 = arith.index_cast %add3A_721 : i32 to index
        %get3A_743 = arith.constant 64 : index
        %get3A_744 = tpu.vector_load %arg8[%get3A_742, %get3A_743] {strides = array<i32>} : memref<64x128xf32, #tpu.memory_space<vmem>>, vector<1x16xf32>,
        %get3A_745 = vector.shape_cast %get3A_744 : vector<1x16xf32> to vector<16xf32>
        %add3A_746 = arith.addf %add3A_704, %get3A_745 : vector<16xf32>
        %get3A_747 = arith.index_cast %add3A_721 : i32 to index
        %get3A_748 = arith.constant 80 : index
        %get3A_749 = tpu.vector_load %arg8[%get3A_747, %get3A_748] {strides = array<i32>} : memref<64x128xf32, #tpu.memory_space<vmem>>, vector<1x16xf32>,
        %get3A_750 = vector.shape_cast %get3A_749 : vector<1x16xf32> to vector<16xf32>
        %add3A_751 = arith.addf %add3A_709, %get3A_750 : vector<16xf32>
        %get3A_752 = arith.index_cast %add3A_721 : i32 to index
        %get3A_753 = arith.constant 96 : index
        %get3A_754 = tpu.vector_load %arg8[%get3A_752, %get3A_753] {strides = array<i32>} : memref<64x128xf32, #tpu.memory_space<vmem>>, vector<1x16xf32>,
        %get3A_755 = vector.shape_cast %get3A_754 : vector<1x16xf32> to vector<16xf32>
        %add3A_756 = arith.addf %add3A_714, %get3A_755 : vector<16xf32>
        %get3A_757 = arith.index_cast %add3A_721 : i32 to index
        %get3A_758 = arith.constant 112 : index
        %get3A_759 = tpu.vector_load %arg8[%get3A_757, %get3A_758] {strides = array<i32>} : memref<64x128xf32, #tpu.memory_space<vmem>>, vector<1x16xf32>,
        %get3A_760 = vector.shape_cast %get3A_759 : vector<1x16xf32> to vector<16xf32>
        %add3A_761 = arith.addf %add3A_719, %get3A_760 : vector<16xf32>
        %add3A_762 = arith.constant 3 : i32
        %add3A_763 = arith.addi %add3A_636, %add3A_762 : i32
        %get3A_764 = arith.index_cast %add3A_763 : i32 to index
        %get3A_765 = arith.constant 0 : index
        %get3A_766 = tpu.vector_load %arg8[%get3A_764, %get3A_765] {strides = array<i32>} : memref<64x128xf32, #tpu.memory_space<vmem>>, vector<1x16xf32>,
        %get3A_767 = vector.shape_cast %get3A_766 : vector<1x16xf32> to vector<16xf32>
        %add3A_768 = arith.addf %add3A_726, %get3A_767 : vector<16xf32>
        %get3A_769 = arith.index_cast %add3A_763 : i32 to index
        %get3A_770 = arith.constant 16 : index
        %get3A_771 = tpu.vector_load %arg8[%get3A_769, %get3A_770] {strides = array<i32>} : memref<64x128xf32, #tpu.memory_space<vmem>>, vector<1x16xf32>,
        %get3A_772 = vector.shape_cast %get3A_771 : vector<1x16xf32> to vector<16xf32>
        %add3A_773 = arith.addf %add3A_731, %get3A_772 : vector<16xf32>
        %get3A_774 = arith.index_cast %add3A_763 : i32 to index
        %get3A_775 = arith.constant 32 : index
        %get3A_776 = tpu.vector_load %arg8[%get3A_774, %get3A_775] {strides = array<i32>} : memref<64x128xf32, #tpu.memory_space<vmem>>, vector<1x16xf32>,
        %get3A_777 = vector.shape_cast %get3A_776 : vector<1x16xf32> to vector<16xf32>
        %add3A_778 = arith.addf %add3A_736, %get3A_777 : vector<16xf32>
        %get3A_779 = arith.index_cast %add3A_763 : i32 to index
        %get3A_780 = arith.constant 48 : index
        %get3A_781 = tpu.vector_load %arg8[%get3A_779, %get3A_780] {strides = array<i32>} : memref<64x128xf32, #tpu.memory_space<vmem>>, vector<1x16xf32>,
        %get3A_782 = vector.shape_cast %get3A_781 : vector<1x16xf32> to vector<16xf32>
        %add3A_783 = arith.addf %add3A_741, %get3A_782 : vector<16xf32>
        %get3A_784 = arith.index_cast %add3A_763 : i32 to index
        %get3A_785 = arith.constant 64 : index
        %get3A_786 = tpu.vector_load %arg8[%get3A_784, %get3A_785] {strides = array<i32>} : memref<64x128xf32, #tpu.memory_space<vmem>>, vector<1x16xf32>,
        %get3A_787 = vector.shape_cast %get3A_786 : vector<1x16xf32> to vector<16xf32>
        %add3A_788 = arith.addf %add3A_746, %get3A_787 : vector<16xf32>
        %get3A_789 = arith.index_cast %add3A_763 : i32 to index
        %get3A_790 = arith.constant 80 : index
        %get3A_791 = tpu.vector_load %arg8[%get3A_789, %get3A_790] {strides = array<i32>} : memref<64x128xf32, #tpu.memory_space<vmem>>, vector<1x16xf32>,
        %get3A_792 = vector.shape_cast %get3A_791 : vector<1x16xf32> to vector<16xf32>
        %add3A_793 = arith.addf %add3A_751, %get3A_792 : vector<16xf32>
        %get3A_794 = arith.index_cast %add3A_763 : i32 to index
        %get3A_795 = arith.constant 96 : index
        %get3A_796 = tpu.vector_load %arg8[%get3A_794, %get3A_795] {strides = array<i32>} : memref<64x128xf32, #tpu.memory_space<vmem>>, vector<1x16xf32>,
        %get3A_797 = vector.shape_cast %get3A_796 : vector<1x16xf32> to vector<16xf32>
        %add3A_798 = arith.addf %add3A_756, %get3A_797 : vector<16xf32>
        %get3A_799 = arith.index_cast %add3A_763 : i32 to index
        %get3A_800 = arith.constant 112 : index
        %get3A_801 = tpu.vector_load %arg8[%get3A_799, %get3A_800] {strides = array<i32>} : memref<64x128xf32, #tpu.memory_space<vmem>>, vector<1x16xf32>,
        %get3A_802 = vector.shape_cast %get3A_801 : vector<1x16xf32> to vector<16xf32>
        %add3A_803 = arith.addf %add3A_761, %get3A_802 : vector<16xf32>
        %add3A_804 = arith.constant 4 : i32
        %add3A_805 = arith.addi %add3A_636, %add3A_804 : i32
        %get3A_806 = arith.index_cast %add3A_805 : i32 to index
        %get3A_807 = arith.constant 0 : index
        %get3A_808 = tpu.vector_load %arg8[%get3A_806, %get3A_807] {strides = array<i32>} : memref<64x128xf32, #tpu.memory_space<vmem>>, vector<1x16xf32>,
        %get3A_809 = vector.shape_cast %get3A_808 : vector<1x16xf32> to vector<16xf32>
        %add3A_810 = arith.addf %add3A_768, %get3A_809 : vector<16xf32>
        %get3A_811 = arith.index_cast %add3A_805 : i32 to index
        %get3A_812 = arith.constant 16 : index
        %get3A_813 = tpu.vector_load %arg8[%get3A_811, %get3A_812] {strides = array<i32>} : memref<64x128xf32, #tpu.memory_space<vmem>>, vector<1x16xf32>,
        %get3A_814 = vector.shape_cast %get3A_813 : vector<1x16xf32> to vector<16xf32>
        %add3A_815 = arith.addf %add3A_773, %get3A_814 : vector<16xf32>
        %get3A_816 = arith.index_cast %add3A_805 : i32 to index
        %get3A_817 = arith.constant 32 : index
        %get3A_818 = tpu.vector_load %arg8[%get3A_816, %get3A_817] {strides = array<i32>} : memref<64x128xf32, #tpu.memory_space<vmem>>, vector<1x16xf32>,
        %get3A_819 = vector.shape_cast %get3A_818 : vector<1x16xf32> to vector<16xf32>
        %add3A_820 = arith.addf %add3A_778, %get3A_819 : vector<16xf32>
        %get3A_821 = arith.index_cast %add3A_805 : i32 to index
        %get3A_822 = arith.constant 48 : index
        %get3A_823 = tpu.vector_load %arg8[%get3A_821, %get3A_822] {strides = array<i32>} : memref<64x128xf32, #tpu.memory_space<vmem>>, vector<1x16xf32>,
        %get3A_824 = vector.shape_cast %get3A_823 : vector<1x16xf32> to vector<16xf32>
        %add3A_825 = arith.addf %add3A_783, %get3A_824 : vector<16xf32>
        %get3A_826 = arith.index_cast %add3A_805 : i32 to index
        %get3A_827 = arith.constant 64 : index
        %get3A_828 = tpu.vector_load %arg8[%get3A_826, %get3A_827] {strides = array<i32>} : memref<64x128xf32, #tpu.memory_space<vmem>>, vector<1x16xf32>,
        %get3A_829 = vector.shape_cast %get3A_828 : vector<1x16xf32> to vector<16xf32>
        %add3A_830 = arith.addf %add3A_788, %get3A_829 : vector<16xf32>
        %get3A_831 = arith.index_cast %add3A_805 : i32 to index
        %get3A_832 = arith.constant 80 : index
        %get3A_833 = tpu.vector_load %arg8[%get3A_831, %get3A_832] {strides = array<i32>} : memref<64x128xf32, #tpu.memory_space<vmem>>, vector<1x16xf32>,
        %get3A_834 = vector.shape_cast %get3A_833 : vector<1x16xf32> to vector<16xf32>
        %add3A_835 = arith.addf %add3A_793, %get3A_834 : vector<16xf32>
        %get3A_836 = arith.index_cast %add3A_805 : i32 to index
        %get3A_837 = arith.constant 96 : index
        %get3A_838 = tpu.vector_load %arg8[%get3A_836, %get3A_837] {strides = array<i32>} : memref<64x128xf32, #tpu.memory_space<vmem>>, vector<1x16xf32>,
        %get3A_839 = vector.shape_cast %get3A_838 : vector<1x16xf32> to vector<16xf32>
        %add3A_840 = arith.addf %add3A_798, %get3A_839 : vector<16xf32>
        %get3A_841 = arith.index_cast %add3A_805 : i32 to index
        %get3A_842 = arith.constant 112 : index
        %get3A_843 = tpu.vector_load %arg8[%get3A_841, %get3A_842] {strides = array<i32>} : memref<64x128xf32, #tpu.memory_space<vmem>>, vector<1x16xf32>,
        %get3A_844 = vector.shape_cast %get3A_843 : vector<1x16xf32> to vector<16xf32>
        %add3A_845 = arith.addf %add3A_803, %get3A_844 : vector<16xf32>
        %add3A_846 = arith.constant 5 : i32
        %add3A_847 = arith.addi %add3A_636, %add3A_846 : i32
        %get3A_848 = arith.index_cast %add3A_847 : i32 to index
        %get3A_849 = arith.constant 0 : index
        %get3A_850 = tpu.vector_load %arg8[%get3A_848, %get3A_849] {strides = array<i32>} : memref<64x128xf32, #tpu.memory_space<vmem>>, vector<1x16xf32>,
        %get3A_851 = vector.shape_cast %get3A_850 : vector<1x16xf32> to vector<16xf32>
        %add3A_852 = arith.addf %add3A_810, %get3A_851 : vector<16xf32>
        %get3A_853 = arith.index_cast %add3A_847 : i32 to index
        %get3A_854 = arith.constant 16 : index
        %get3A_855 = tpu.vector_load %arg8[%get3A_853, %get3A_854] {strides = array<i32>} : memref<64x128xf32, #tpu.memory_space<vmem>>, vector<1x16xf32>,
        %get3A_856 = vector.shape_cast %get3A_855 : vector<1x16xf32> to vector<16xf32>
        %add3A_857 = arith.addf %add3A_815, %get3A_856 : vector<16xf32>
        %get3A_858 = arith.index_cast %add3A_847 : i32 to index
        %get3A_859 = arith.constant 32 : index
        %get3A_860 = tpu.vector_load %arg8[%get3A_858, %get3A_859] {strides = array<i32>} : memref<64x128xf32, #tpu.memory_space<vmem>>, vector<1x16xf32>,
        %get3A_861 = vector.shape_cast %get3A_860 : vector<1x16xf32> to vector<16xf32>
        %add3A_862 = arith.addf %add3A_820, %get3A_861 : vector<16xf32>
        %get3A_863 = arith.index_cast %add3A_847 : i32 to index
        %get3A_864 = arith.constant 48 : index
        %get3A_865 = tpu.vector_load %arg8[%get3A_863, %get3A_864] {strides = array<i32>} : memref<64x128xf32, #tpu.memory_space<vmem>>, vector<1x16xf32>,
        %get3A_866 = vector.shape_cast %get3A_865 : vector<1x16xf32> to vector<16xf32>
        %add3A_867 = arith.addf %add3A_825, %get3A_866 : vector<16xf32>
        %get3A_868 = arith.index_cast %add3A_847 : i32 to index
        %get3A_869 = arith.constant 64 : index
        %get3A_870 = tpu.vector_load %arg8[%get3A_868, %get3A_869] {strides = array<i32>} : memref<64x128xf32, #tpu.memory_space<vmem>>, vector<1x16xf32>,
        %get3A_871 = vector.shape_cast %get3A_870 : vector<1x16xf32> to vector<16xf32>
        %add3A_872 = arith.addf %add3A_830, %get3A_871 : vector<16xf32>
        %get3A_873 = arith.index_cast %add3A_847 : i32 to index
        %get3A_874 = arith.constant 80 : index
        %get3A_875 = tpu.vector_load %arg8[%get3A_873, %get3A_874] {strides = array<i32>} : memref<64x128xf32, #tpu.memory_space<vmem>>, vector<1x16xf32>,
        %get3A_876 = vector.shape_cast %get3A_875 : vector<1x16xf32> to vector<16xf32>
        %add3A_877 = arith.addf %add3A_835, %get3A_876 : vector<16xf32>
        %get3A_878 = arith.index_cast %add3A_847 : i32 to index
        %get3A_879 = arith.constant 96 : index
        %get3A_880 = tpu.vector_load %arg8[%get3A_878, %get3A_879] {strides = array<i32>} : memref<64x128xf32, #tpu.memory_space<vmem>>, vector<1x16xf32>,
        %get3A_881 = vector.shape_cast %get3A_880 : vector<1x16xf32> to vector<16xf32>
        %add3A_882 = arith.addf %add3A_840, %get3A_881 : vector<16xf32>
        %get3A_883 = arith.index_cast %add3A_847 : i32 to index
        %get3A_884 = arith.constant 112 : index
        %get3A_885 = tpu.vector_load %arg8[%get3A_883, %get3A_884] {strides = array<i32>} : memref<64x128xf32, #tpu.memory_space<vmem>>, vector<1x16xf32>,
        %get3A_886 = vector.shape_cast %get3A_885 : vector<1x16xf32> to vector<16xf32>
        %add3A_887 = arith.addf %add3A_845, %get3A_886 : vector<16xf32>
        %add3A_888 = arith.constant 6 : i32
        %add3A_889 = arith.addi %add3A_636, %add3A_888 : i32
        %get3A_890 = arith.index_cast %add3A_889 : i32 to index
        %get3A_891 = arith.constant 0 : index
        %get3A_892 = tpu.vector_load %arg8[%get3A_890, %get3A_891] {strides = array<i32>} : memref<64x128xf32, #tpu.memory_space<vmem>>, vector<1x16xf32>,
        %get3A_893 = vector.shape_cast %get3A_892 : vector<1x16xf32> to vector<16xf32>
        %add3A_894 = arith.addf %add3A_852, %get3A_893 : vector<16xf32>
        %get3A_895 = arith.index_cast %add3A_889 : i32 to index
        %get3A_896 = arith.constant 16 : index
        %get3A_897 = tpu.vector_load %arg8[%get3A_895, %get3A_896] {strides = array<i32>} : memref<64x128xf32, #tpu.memory_space<vmem>>, vector<1x16xf32>,
        %get3A_898 = vector.shape_cast %get3A_897 : vector<1x16xf32> to vector<16xf32>
        %add3A_899 = arith.addf %add3A_857, %get3A_898 : vector<16xf32>
        %get3A_900 = arith.index_cast %add3A_889 : i32 to index
        %get3A_901 = arith.constant 32 : index
        %get3A_902 = tpu.vector_load %arg8[%get3A_900, %get3A_901] {strides = array<i32>} : memref<64x128xf32, #tpu.memory_space<vmem>>, vector<1x16xf32>,
        %get3A_903 = vector.shape_cast %get3A_902 : vector<1x16xf32> to vector<16xf32>
        %add3A_904 = arith.addf %add3A_862, %get3A_903 : vector<16xf32>
        %get3A_905 = arith.index_cast %add3A_889 : i32 to index
        %get3A_906 = arith.constant 48 : index
        %get3A_907 = tpu.vector_load %arg8[%get3A_905, %get3A_906] {strides = array<i32>} : memref<64x128xf32, #tpu.memory_space<vmem>>, vector<1x16xf32>,
        %get3A_908 = vector.shape_cast %get3A_907 : vector<1x16xf32> to vector<16xf32>
        %add3A_909 = arith.addf %add3A_867, %get3A_908 : vector<16xf32>
        %get3A_910 = arith.index_cast %add3A_889 : i32 to index
        %get3A_911 = arith.constant 64 : index
        %get3A_912 = tpu.vector_load %arg8[%get3A_910, %get3A_911] {strides = array<i32>} : memref<64x128xf32, #tpu.memory_space<vmem>>, vector<1x16xf32>,
        %get3A_913 = vector.shape_cast %get3A_912 : vector<1x16xf32> to vector<16xf32>
        %add3A_914 = arith.addf %add3A_872, %get3A_913 : vector<16xf32>
        %get3A_915 = arith.index_cast %add3A_889 : i32 to index
        %get3A_916 = arith.constant 80 : index
        %get3A_917 = tpu.vector_load %arg8[%get3A_915, %get3A_916] {strides = array<i32>} : memref<64x128xf32, #tpu.memory_space<vmem>>, vector<1x16xf32>,
        %get3A_918 = vector.shape_cast %get3A_917 : vector<1x16xf32> to vector<16xf32>
        %add3A_919 = arith.addf %add3A_877, %get3A_918 : vector<16xf32>
        %get3A_920 = arith.index_cast %add3A_889 : i32 to index
        %get3A_921 = arith.constant 96 : index
        %get3A_922 = tpu.vector_load %arg8[%get3A_920, %get3A_921] {strides = array<i32>} : memref<64x128xf32, #tpu.memory_space<vmem>>, vector<1x16xf32>,
        %get3A_923 = vector.shape_cast %get3A_922 : vector<1x16xf32> to vector<16xf32>
        %add3A_924 = arith.addf %add3A_882, %get3A_923 : vector<16xf32>
        %get3A_925 = arith.index_cast %add3A_889 : i32 to index
        %get3A_926 = arith.constant 112 : index
        %get3A_927 = tpu.vector_load %arg8[%get3A_925, %get3A_926] {strides = array<i32>} : memref<64x128xf32, #tpu.memory_space<vmem>>, vector<1x16xf32>,
        %get3A_928 = vector.shape_cast %get3A_927 : vector<1x16xf32> to vector<16xf32>
        %add3A_929 = arith.addf %add3A_887, %get3A_928 : vector<16xf32>
        %add3A_930 = arith.constant 7 : i32
        %add3A_931 = arith.addi %add3A_636, %add3A_930 : i32
        %get3A_932 = arith.index_cast %add3A_931 : i32 to index
        %get3A_933 = arith.constant 0 : index
        %get3A_934 = tpu.vector_load %arg8[%get3A_932, %get3A_933] {strides = array<i32>} : memref<64x128xf32, #tpu.memory_space<vmem>>, vector<1x16xf32>,
        %get3A_935 = vector.shape_cast %get3A_934 : vector<1x16xf32> to vector<16xf32>
        %add3A_936 = arith.addf %add3A_894, %get3A_935 : vector<16xf32>
        %get3A_937 = arith.index_cast %add3A_931 : i32 to index
        %get3A_938 = arith.constant 16 : index
        %get3A_939 = tpu.vector_load %arg8[%get3A_937, %get3A_938] {strides = array<i32>} : memref<64x128xf32, #tpu.memory_space<vmem>>, vector<1x16xf32>,
        %get3A_940 = vector.shape_cast %get3A_939 : vector<1x16xf32> to vector<16xf32>
        %add3A_941 = arith.addf %add3A_899, %get3A_940 : vector<16xf32>
        %get3A_942 = arith.index_cast %add3A_931 : i32 to index
        %get3A_943 = arith.constant 32 : index
        %get3A_944 = tpu.vector_load %arg8[%get3A_942, %get3A_943] {strides = array<i32>} : memref<64x128xf32, #tpu.memory_space<vmem>>, vector<1x16xf32>,
        %get3A_945 = vector.shape_cast %get3A_944 : vector<1x16xf32> to vector<16xf32>
        %add3A_946 = arith.addf %add3A_904, %get3A_945 : vector<16xf32>
        %get3A_947 = arith.index_cast %add3A_931 : i32 to index
        %get3A_948 = arith.constant 48 : index
        %get3A_949 = tpu.vector_load %arg8[%get3A_947, %get3A_948] {strides = array<i32>} : memref<64x128xf32, #tpu.memory_space<vmem>>, vector<1x16xf32>,
        %get3A_950 = vector.shape_cast %get3A_949 : vector<1x16xf32> to vector<16xf32>
        %add3A_951 = arith.addf %add3A_909, %get3A_950 : vector<16xf32>
        %get3A_952 = arith.index_cast %add3A_931 : i32 to index
        %get3A_953 = arith.constant 64 : index
        %get3A_954 = tpu.vector_load %arg8[%get3A_952, %get3A_953] {strides = array<i32>} : memref<64x128xf32, #tpu.memory_space<vmem>>, vector<1x16xf32>,
        %get3A_955 = vector.shape_cast %get3A_954 : vector<1x16xf32> to vector<16xf32>
        %add3A_956 = arith.addf %add3A_914, %get3A_955 : vector<16xf32>
        %get3A_957 = arith.index_cast %add3A_931 : i32 to index
        %get3A_958 = arith.constant 80 : index
        %get3A_959 = tpu.vector_load %arg8[%get3A_957, %get3A_958] {strides = array<i32>} : memref<64x128xf32, #tpu.memory_space<vmem>>, vector<1x16xf32>,
        %get3A_960 = vector.shape_cast %get3A_959 : vector<1x16xf32> to vector<16xf32>
        %add3A_961 = arith.addf %add3A_919, %get3A_960 : vector<16xf32>
        %get3A_962 = arith.index_cast %add3A_931 : i32 to index
        %get3A_963 = arith.constant 96 : index
        %get3A_964 = tpu.vector_load %arg8[%get3A_962, %get3A_963] {strides = array<i32>} : memref<64x128xf32, #tpu.memory_space<vmem>>, vector<1x16xf32>,
        %get3A_965 = vector.shape_cast %get3A_964 : vector<1x16xf32> to vector<16xf32>
        %add3A_966 = arith.addf %add3A_924, %get3A_965 : vector<16xf32>
        %get3A_967 = arith.index_cast %add3A_931 : i32 to index
        %get3A_968 = arith.constant 112 : index
        %get3A_969 = tpu.vector_load %arg8[%get3A_967, %get3A_968] {strides = array<i32>} : memref<64x128xf32, #tpu.memory_space<vmem>>, vector<1x16xf32>,
        %get3A_970 = vector.shape_cast %get3A_969 : vector<1x16xf32> to vector<16xf32>
        %add3A_971 = arith.addf %add3A_929, %get3A_970 : vector<16xf32>
        scf.yield %add3A_936, %add3A_941, %add3A_946, %add3A_951, %add3A_956, %add3A_961, %add3A_966, %add3A_971 : vector<16xf32>, vector<16xf32>, vector<16xf32>, vector<16xf32>, vector<16xf32>, vector<16xf32>, vector<16xf32>, vector<16xf32>
      }
      %scan3A_426 = arith.constant 4 : i32
      %mul3A_427 = arith.constant 2 : i32
      %mul3A_428 = arith.muli %add3A_331, %mul3A_427 : i32
      %add3A_429 = arith.constant 1 : i32
      %add3A_430 = arith.addi %mul3A_428, %add3A_429 : i32
      %swap3A_431 = arith.index_cast %add3A_430 : i32 to index
      %swap3A_432 = arith.constant 0 : index
      %swap3A_433 = tpu.vector_load %arg10[%swap3A_431, %swap3A_432] {strides = array<i32>} : memref<320x128xf32, #tpu.memory_space<vmem>>, vector<1x16xf32>,
      %swap3A_434 = vector.shape_cast %swap3A_433 : vector<1x16xf32> to vector<16xf32>
      %swap3A_435 = vector.shape_cast %scan3A_425#0 : vector<16xf32> to vector<1x16xf32>
      tpu.vector_store %arg10[%swap3A_431, %swap3A_432], %swap3A_435 {strides = array<i32>} : memref<320x128xf32, #tpu.memory_space<vmem>>, vector<1x16xf32>,
      %swap3A_436 = arith.index_cast %add3A_430 : i32 to index
      %swap3A_437 = arith.constant 16 : index
      %swap3A_438 = tpu.vector_load %arg10[%swap3A_436, %swap3A_437] {strides = array<i32>} : memref<320x128xf32, #tpu.memory_space<vmem>>, vector<1x16xf32>,
      %swap3A_439 = vector.shape_cast %swap3A_438 : vector<1x16xf32> to vector<16xf32>
      %swap3A_440 = vector.shape_cast %scan3A_425#1 : vector<16xf32> to vector<1x16xf32>
      tpu.vector_store %arg10[%swap3A_436, %swap3A_437], %swap3A_440 {strides = array<i32>} : memref<320x128xf32, #tpu.memory_space<vmem>>, vector<1x16xf32>,
      %swap3A_441 = arith.index_cast %add3A_430 : i32 to index
      %swap3A_442 = arith.constant 32 : index
      %swap3A_443 = tpu.vector_load %arg10[%swap3A_441, %swap3A_442] {strides = array<i32>} : memref<320x128xf32, #tpu.memory_space<vmem>>, vector<1x16xf32>,
      %swap3A_444 = vector.shape_cast %swap3A_443 : vector<1x16xf32> to vector<16xf32>
      %swap3A_445 = vector.shape_cast %scan3A_425#2 : vector<16xf32> to vector<1x16xf32>
      tpu.vector_store %arg10[%swap3A_441, %swap3A_442], %swap3A_445 {strides = array<i32>} : memref<320x128xf32, #tpu.memory_space<vmem>>, vector<1x16xf32>,
      %swap3A_446 = arith.index_cast %add3A_430 : i32 to index
      %swap3A_447 = arith.constant 48 : index
      %swap3A_448 = tpu.vector_load %arg10[%swap3A_446, %swap3A_447] {strides = array<i32>} : memref<320x128xf32, #tpu.memory_space<vmem>>, vector<1x16xf32>,
      %swap3A_449 = vector.shape_cast %swap3A_448 : vector<1x16xf32> to vector<16xf32>
      %swap3A_450 = vector.shape_cast %scan3A_425#3 : vector<16xf32> to vector<1x16xf32>
      tpu.vector_store %arg10[%swap3A_446, %swap3A_447], %swap3A_450 {strides = array<i32>} : memref<320x128xf32, #tpu.memory_space<vmem>>, vector<1x16xf32>,
      %swap3A_451 = arith.index_cast %add3A_430 : i32 to index
      %swap3A_452 = arith.constant 64 : index
      %swap3A_453 = tpu.vector_load %arg10[%swap3A_451, %swap3A_452] {strides = array<i32>} : memref<320x128xf32, #tpu.memory_space<vmem>>, vector<1x16xf32>,
      %swap3A_454 = vector.shape_cast %swap3A_453 : vector<1x16xf32> to vector<16xf32>
      %swap3A_455 = vector.shape_cast %scan3A_425#4 : vector<16xf32> to vector<1x16xf32>
      tpu.vector_store %arg10[%swap3A_451, %swap3A_452], %swap3A_455 {strides = array<i32>} : memref<320x128xf32, #tpu.memory_space<vmem>>, vector<1x16xf32>,
      %swap3A_456 = arith.index_cast %add3A_430 : i32 to index
      %swap3A_457 = arith.constant 80 : index
      %swap3A_458 = tpu.vector_load %arg10[%swap3A_456, %swap3A_457] {strides = array<i32>} : memref<320x128xf32, #tpu.memory_space<vmem>>, vector<1x16xf32>,
      %swap3A_459 = vector.shape_cast %swap3A_458 : vector<1x16xf32> to vector<16xf32>
      %swap3A_460 = vector.shape_cast %scan3A_425#5 : vector<16xf32> to vector<1x16xf32>
      tpu.vector_store %arg10[%swap3A_456, %swap3A_457], %swap3A_460 {strides = array<i32>} : memref<320x128xf32, #tpu.memory_space<vmem>>, vector<1x16xf32>,
      %swap3A_461 = arith.index_cast %add3A_430 : i32 to index
      %swap3A_462 = arith.constant 96 : index
      %swap3A_463 = tpu.vector_load %arg10[%swap3A_461, %swap3A_462] {strides = array<i32>} : memref<320x128xf32, #tpu.memory_space<vmem>>, vector<1x16xf32>,
      %swap3A_464 = vector.shape_cast %swap3A_463 : vector<1x16xf32> to vector<16xf32>
      %swap3A_465 = vector.shape_cast %scan3A_425#6 : vector<16xf32> to vector<1x16xf32>
      tpu.vector_store %arg10[%swap3A_461, %swap3A_462], %swap3A_465 {strides = array<i32>} : memref<320x128xf32, #tpu.memory_space<vmem>>, vector<1x16xf32>,
      %swap3A_466 = arith.index_cast %add3A_430 : i32 to index
      %swap3A_467 = arith.constant 112 : index
      %swap3A_468 = tpu.vector_load %arg10[%swap3A_466, %swap3A_467] {strides = array<i32>} : memref<320x128xf32, #tpu.memory_space<vmem>>, vector<1x16xf32>,
      %swap3A_469 = vector.shape_cast %swap3A_468 : vector<1x16xf32> to vector<16xf32>
      %swap3A_470 = vector.shape_cast %scan3A_425#7 : vector<16xf32> to vector<1x16xf32>
      tpu.vector_store %arg10[%swap3A_466, %swap3A_467], %swap3A_470 {strides = array<i32>} : memref<320x128xf32, #tpu.memory_space<vmem>>, vector<1x16xf32>,
      %lt3A_471 = arith.constant 39 : i32
      %lt3A_472 = arith.cmpi slt, %scan3A_37, %lt3A_471 : i32
      %convert_element_type3A_473 = arith.extui %lt3A_472 : i1 to i32
      %cond3A_474 = arith.constant 0 : i32
      %cond3A_475 = arith.cmpi ne, %convert_element_type3A_473, %cond3A_474 : i32
      scf.if %cond3A_475 {
        %add3A_624 = arith.constant 4 : i32
        %add3A_625 = arith.addi %add3A_331, %add3A_624 : i32
        %dma_start3A_626 = arith.constant 0 : i32
        %dma_start3A_627 = tpu.memref_slice %arg5[%add3A_625, %dma_start3A_626] : memref<160x64xi32, #tpu.memory_space<vmem>> -> memref<1x64xi32, #tpu.memory_space<vmem>>
        %dma_start3A_628 = tpu.memref_squeeze %dma_start3A_627 : memref<1x64xi32, #tpu.memory_space<vmem>> -> memref<64xi32, #tpu.memory_space<vmem>>
        %dma_start3A_629 = arith.constant 0 : i32
        %dma_start3A_630 = arith.constant 0 : i32
        %dma_start3A_631 = tpu.memref_slice %arg2[%dma_start3A_629, %dma_start3A_630] : memref<10000x128xf32, #tpu.memory_space<hbm>> -> memref<10000x128xf32, #tpu.memory_space<hbm>>
        tpu.enqueue_indirect_dma source(%dma_start3A_631 : memref<10000x128xf32, #tpu.memory_space<hbm>>) target(%arg8 : memref<64x128xf32, #tpu.memory_space<vmem>>) offsets(%dma_start3A_628 : memref<64xi32, #tpu.memory_space<vmem>>) semaphore(%arg13 : memref<!tpu.dma_semaphore, #tpu.memory_space<semaphore_mem>>)
      } else {
      }
      %mul3A_476 = arith.constant 4 : i32
      %mul3A_477 = arith.muli %mul3A_476, %scan3A_37 : i32
      %add3A_478 = arith.constant 3 : i32
      %add3A_479 = arith.addi %mul3A_477, %add3A_478 : i32
      %dma_wait3A_480 = arith.constant 0 : i32
      %dma_wait3A_481 = arith.constant 0 : i32
      %dma_wait3A_482 = tpu.memref_slice %arg5[%dma_wait3A_480, %dma_wait3A_481] : memref<160x64xi32, #tpu.memory_space<vmem>> -> memref<1x64xi32, #tpu.memory_space<vmem>>
      %dma_wait3A_483 = tpu.memref_squeeze %dma_wait3A_482 : memref<1x64xi32, #tpu.memory_space<vmem>> -> memref<64xi32, #tpu.memory_space<vmem>>
      %dma_wait3A_484 = arith.constant 0 : i32
      %dma_wait3A_485 = arith.constant 0 : i32
      %dma_wait3A_486 = tpu.memref_slice %arg2[%dma_wait3A_484, %dma_wait3A_485] : memref<10000x128xf32, #tpu.memory_space<hbm>> -> memref<10000x128xf32, #tpu.memory_space<hbm>>
      tpu.wait_indirect_dma semaphore(%arg14 : memref<!tpu.dma_semaphore, #tpu.memory_space<semaphore_mem>>) src(%dma_wait3A_486 : memref<10000x128xf32, #tpu.memory_space<hbm>>) dst(%arg9 : memref<64x128xf32, #tpu.memory_space<vmem>>)
      %broadcast_in_dim3A_487 = arith.constant 0.000000e+00 : f32
      %broadcast_in_dim3A_488 = vector.broadcast %broadcast_in_dim3A_487 : f32 to vector<16xf32>
      %broadcast_in_dim3A_489 = arith.constant 0.000000e+00 : f32
      %broadcast_in_dim3A_490 = vector.broadcast %broadcast_in_dim3A_489 : f32 to vector<16xf32>
      %broadcast_in_dim3A_491 = arith.constant 0.000000e+00 : f32
      %broadcast_in_dim3A_492 = vector.broadcast %broadcast_in_dim3A_491 : f32 to vector<16xf32>
      %broadcast_in_dim3A_493 = arith.constant 0.000000e+00 : f32
      %broadcast_in_dim3A_494 = vector.broadcast %broadcast_in_dim3A_493 : f32 to vector<16xf32>
      %broadcast_in_dim3A_495 = arith.constant 0.000000e+00 : f32
      %broadcast_in_dim3A_496 = vector.broadcast %broadcast_in_dim3A_495 : f32 to vector<16xf32>
      %broadcast_in_dim3A_497 = arith.constant 0.000000e+00 : f32
      %broadcast_in_dim3A_498 = vector.broadcast %broadcast_in_dim3A_497 : f32 to vector<16xf32>
      %broadcast_in_dim3A_499 = arith.constant 0.000000e+00 : f32
      %broadcast_in_dim3A_500 = vector.broadcast %broadcast_in_dim3A_499 : f32 to vector<16xf32>
      %broadcast_in_dim3A_501 = arith.constant 0.000000e+00 : f32
      %broadcast_in_dim3A_502 = vector.broadcast %broadcast_in_dim3A_501 : f32 to vector<16xf32>
      %scan3A_503 = arith.constant 0 : i32
      %scan3A_504 = arith.constant 4 : i32
      %scan3A_505 = arith.addi %scan3A_503, %scan3A_504 : i32
      %scan3A_506 = arith.constant 1 : i32
      %scan3A_507:8 = scf.for %scan3A_624 = %scan3A_503 to %scan3A_505 step %scan3A_506 iter_args(%scan3A_625 = %broadcast_in_dim3A_488, %scan3A_626 = %broadcast_in_dim3A_490, %scan3A_627 = %broadcast_in_dim3A_492, %scan3A_628 = %broadcast_in_dim3A_494, %scan3A_629 = %broadcast_in_dim3A_496, %scan3A_630 = %broadcast_in_dim3A_498, %scan3A_631 = %broadcast_in_dim3A_500, %scan3A_632 = %broadcast_in_dim3A_502) -> (vector<16xf32>, vector<16xf32>, vector<16xf32>, vector<16xf32>, vector<16xf32>, vector<16xf32>, vector<16xf32>, vector<16xf32>)  : i32 {
        %mul3A_633 = arith.constant 8 : i32
        %mul3A_634 = arith.muli %scan3A_624, %mul3A_633 : i32
        %add3A_635 = arith.constant 0 : i32
        %add3A_636 = arith.addi %add3A_635, %mul3A_634 : i32
        %add3A_637 = arith.constant 0 : i32
        %add3A_638 = arith.addi %add3A_636, %add3A_637 : i32
        %get3A = arith.index_cast %add3A_638 : i32 to index
        %get3A_639 = arith.constant 0 : index
        %get3A_640 = tpu.vector_load %arg9[%get3A, %get3A_639] {strides = array<i32>} : memref<64x128xf32, #tpu.memory_space<vmem>>, vector<1x16xf32>,
        %get3A_641 = vector.shape_cast %get3A_640 : vector<1x16xf32> to vector<16xf32>
        %add3A_642 = arith.addf %scan3A_625, %get3A_641 : vector<16xf32>
        %get3A_643 = arith.index_cast %add3A_638 : i32 to index
        %get3A_644 = arith.constant 16 : index
        %get3A_645 = tpu.vector_load %arg9[%get3A_643, %get3A_644] {strides = array<i32>} : memref<64x128xf32, #tpu.memory_space<vmem>>, vector<1x16xf32>,
        %get3A_646 = vector.shape_cast %get3A_645 : vector<1x16xf32> to vector<16xf32>
        %add3A_647 = arith.addf %scan3A_626, %get3A_646 : vector<16xf32>
        %get3A_648 = arith.index_cast %add3A_638 : i32 to index
        %get3A_649 = arith.constant 32 : index
        %get3A_650 = tpu.vector_load %arg9[%get3A_648, %get3A_649] {strides = array<i32>} : memref<64x128xf32, #tpu.memory_space<vmem>>, vector<1x16xf32>,
        %get3A_651 = vector.shape_cast %get3A_650 : vector<1x16xf32> to vector<16xf32>
        %add3A_652 = arith.addf %scan3A_627, %get3A_651 : vector<16xf32>
        %get3A_653 = arith.index_cast %add3A_638 : i32 to index
        %get3A_654 = arith.constant 48 : index
        %get3A_655 = tpu.vector_load %arg9[%get3A_653, %get3A_654] {strides = array<i32>} : memref<64x128xf32, #tpu.memory_space<vmem>>, vector<1x16xf32>,
        %get3A_656 = vector.shape_cast %get3A_655 : vector<1x16xf32> to vector<16xf32>
        %add3A_657 = arith.addf %scan3A_628, %get3A_656 : vector<16xf32>
        %get3A_658 = arith.index_cast %add3A_638 : i32 to index
        %get3A_659 = arith.constant 64 : index
        %get3A_660 = tpu.vector_load %arg9[%get3A_658, %get3A_659] {strides = array<i32>} : memref<64x128xf32, #tpu.memory_space<vmem>>, vector<1x16xf32>,
        %get3A_661 = vector.shape_cast %get3A_660 : vector<1x16xf32> to vector<16xf32>
        %add3A_662 = arith.addf %scan3A_629, %get3A_661 : vector<16xf32>
        %get3A_663 = arith.index_cast %add3A_638 : i32 to index
        %get3A_664 = arith.constant 80 : index
        %get3A_665 = tpu.vector_load %arg9[%get3A_663, %get3A_664] {strides = array<i32>} : memref<64x128xf32, #tpu.memory_space<vmem>>, vector<1x16xf32>,
        %get3A_666 = vector.shape_cast %get3A_665 : vector<1x16xf32> to vector<16xf32>
        %add3A_667 = arith.addf %scan3A_630, %get3A_666 : vector<16xf32>
        %get3A_668 = arith.index_cast %add3A_638 : i32 to index
        %get3A_669 = arith.constant 96 : index
        %get3A_670 = tpu.vector_load %arg9[%get3A_668, %get3A_669] {strides = array<i32>} : memref<64x128xf32, #tpu.memory_space<vmem>>, vector<1x16xf32>,
        %get3A_671 = vector.shape_cast %get3A_670 : vector<1x16xf32> to vector<16xf32>
        %add3A_672 = arith.addf %scan3A_631, %get3A_671 : vector<16xf32>
        %get3A_673 = arith.index_cast %add3A_638 : i32 to index
        %get3A_674 = arith.constant 112 : index
        %get3A_675 = tpu.vector_load %arg9[%get3A_673, %get3A_674] {strides = array<i32>} : memref<64x128xf32, #tpu.memory_space<vmem>>, vector<1x16xf32>,
        %get3A_676 = vector.shape_cast %get3A_675 : vector<1x16xf32> to vector<16xf32>
        %add3A_677 = arith.addf %scan3A_632, %get3A_676 : vector<16xf32>
        %add3A_678 = arith.constant 1 : i32
        %add3A_679 = arith.addi %add3A_636, %add3A_678 : i32
        %get3A_680 = arith.index_cast %add3A_679 : i32 to index
        %get3A_681 = arith.constant 0 : index
        %get3A_682 = tpu.vector_load %arg9[%get3A_680, %get3A_681] {strides = array<i32>} : memref<64x128xf32, #tpu.memory_space<vmem>>, vector<1x16xf32>,
        %get3A_683 = vector.shape_cast %get3A_682 : vector<1x16xf32> to vector<16xf32>
        %add3A_684 = arith.addf %add3A_642, %get3A_683 : vector<16xf32>
        %get3A_685 = arith.index_cast %add3A_679 : i32 to index
        %get3A_686 = arith.constant 16 : index
        %get3A_687 = tpu.vector_load %arg9[%get3A_685, %get3A_686] {strides = array<i32>} : memref<64x128xf32, #tpu.memory_space<vmem>>, vector<1x16xf32>,
        %get3A_688 = vector.shape_cast %get3A_687 : vector<1x16xf32> to vector<16xf32>
        %add3A_689 = arith.addf %add3A_647, %get3A_688 : vector<16xf32>
        %get3A_690 = arith.index_cast %add3A_679 : i32 to index
        %get3A_691 = arith.constant 32 : index
        %get3A_692 = tpu.vector_load %arg9[%get3A_690, %get3A_691] {strides = array<i32>} : memref<64x128xf32, #tpu.memory_space<vmem>>, vector<1x16xf32>,
        %get3A_693 = vector.shape_cast %get3A_692 : vector<1x16xf32> to vector<16xf32>
        %add3A_694 = arith.addf %add3A_652, %get3A_693 : vector<16xf32>
        %get3A_695 = arith.index_cast %add3A_679 : i32 to index
        %get3A_696 = arith.constant 48 : index
        %get3A_697 = tpu.vector_load %arg9[%get3A_695, %get3A_696] {strides = array<i32>} : memref<64x128xf32, #tpu.memory_space<vmem>>, vector<1x16xf32>,
        %get3A_698 = vector.shape_cast %get3A_697 : vector<1x16xf32> to vector<16xf32>
        %add3A_699 = arith.addf %add3A_657, %get3A_698 : vector<16xf32>
        %get3A_700 = arith.index_cast %add3A_679 : i32 to index
        %get3A_701 = arith.constant 64 : index
        %get3A_702 = tpu.vector_load %arg9[%get3A_700, %get3A_701] {strides = array<i32>} : memref<64x128xf32, #tpu.memory_space<vmem>>, vector<1x16xf32>,
        %get3A_703 = vector.shape_cast %get3A_702 : vector<1x16xf32> to vector<16xf32>
        %add3A_704 = arith.addf %add3A_662, %get3A_703 : vector<16xf32>
        %get3A_705 = arith.index_cast %add3A_679 : i32 to index
        %get3A_706 = arith.constant 80 : index
        %get3A_707 = tpu.vector_load %arg9[%get3A_705, %get3A_706] {strides = array<i32>} : memref<64x128xf32, #tpu.memory_space<vmem>>, vector<1x16xf32>,
        %get3A_708 = vector.shape_cast %get3A_707 : vector<1x16xf32> to vector<16xf32>
        %add3A_709 = arith.addf %add3A_667, %get3A_708 : vector<16xf32>
        %get3A_710 = arith.index_cast %add3A_679 : i32 to index
        %get3A_711 = arith.constant 96 : index
        %get3A_712 = tpu.vector_load %arg9[%get3A_710, %get3A_711] {strides = array<i32>} : memref<64x128xf32, #tpu.memory_space<vmem>>, vector<1x16xf32>,
        %get3A_713 = vector.shape_cast %get3A_712 : vector<1x16xf32> to vector<16xf32>
        %add3A_714 = arith.addf %add3A_672, %get3A_713 : vector<16xf32>
        %get3A_715 = arith.index_cast %add3A_679 : i32 to index
        %get3A_716 = arith.constant 112 : index
        %get3A_717 = tpu.vector_load %arg9[%get3A_715, %get3A_716] {strides = array<i32>} : memref<64x128xf32, #tpu.memory_space<vmem>>, vector<1x16xf32>,
        %get3A_718 = vector.shape_cast %get3A_717 : vector<1x16xf32> to vector<16xf32>
        %add3A_719 = arith.addf %add3A_677, %get3A_718 : vector<16xf32>
        %add3A_720 = arith.constant 2 : i32
        %add3A_721 = arith.addi %add3A_636, %add3A_720 : i32
        %get3A_722 = arith.index_cast %add3A_721 : i32 to index
        %get3A_723 = arith.constant 0 : index
        %get3A_724 = tpu.vector_load %arg9[%get3A_722, %get3A_723] {strides = array<i32>} : memref<64x128xf32, #tpu.memory_space<vmem>>, vector<1x16xf32>,
        %get3A_725 = vector.shape_cast %get3A_724 : vector<1x16xf32> to vector<16xf32>
        %add3A_726 = arith.addf %add3A_684, %get3A_725 : vector<16xf32>
        %get3A_727 = arith.index_cast %add3A_721 : i32 to index
        %get3A_728 = arith.constant 16 : index
        %get3A_729 = tpu.vector_load %arg9[%get3A_727, %get3A_728] {strides = array<i32>} : memref<64x128xf32, #tpu.memory_space<vmem>>, vector<1x16xf32>,
        %get3A_730 = vector.shape_cast %get3A_729 : vector<1x16xf32> to vector<16xf32>
        %add3A_731 = arith.addf %add3A_689, %get3A_730 : vector<16xf32>
        %get3A_732 = arith.index_cast %add3A_721 : i32 to index
        %get3A_733 = arith.constant 32 : index
        %get3A_734 = tpu.vector_load %arg9[%get3A_732, %get3A_733] {strides = array<i32>} : memref<64x128xf32, #tpu.memory_space<vmem>>, vector<1x16xf32>,
        %get3A_735 = vector.shape_cast %get3A_734 : vector<1x16xf32> to vector<16xf32>
        %add3A_736 = arith.addf %add3A_694, %get3A_735 : vector<16xf32>
        %get3A_737 = arith.index_cast %add3A_721 : i32 to index
        %get3A_738 = arith.constant 48 : index
        %get3A_739 = tpu.vector_load %arg9[%get3A_737, %get3A_738] {strides = array<i32>} : memref<64x128xf32, #tpu.memory_space<vmem>>, vector<1x16xf32>,
        %get3A_740 = vector.shape_cast %get3A_739 : vector<1x16xf32> to vector<16xf32>
        %add3A_741 = arith.addf %add3A_699, %get3A_740 : vector<16xf32>
        %get3A_742 = arith.index_cast %add3A_721 : i32 to index
        %get3A_743 = arith.constant 64 : index
        %get3A_744 = tpu.vector_load %arg9[%get3A_742, %get3A_743] {strides = array<i32>} : memref<64x128xf32, #tpu.memory_space<vmem>>, vector<1x16xf32>,
        %get3A_745 = vector.shape_cast %get3A_744 : vector<1x16xf32> to vector<16xf32>
        %add3A_746 = arith.addf %add3A_704, %get3A_745 : vector<16xf32>
        %get3A_747 = arith.index_cast %add3A_721 : i32 to index
        %get3A_748 = arith.constant 80 : index
        %get3A_749 = tpu.vector_load %arg9[%get3A_747, %get3A_748] {strides = array<i32>} : memref<64x128xf32, #tpu.memory_space<vmem>>, vector<1x16xf32>,
        %get3A_750 = vector.shape_cast %get3A_749 : vector<1x16xf32> to vector<16xf32>
        %add3A_751 = arith.addf %add3A_709, %get3A_750 : vector<16xf32>
        %get3A_752 = arith.index_cast %add3A_721 : i32 to index
        %get3A_753 = arith.constant 96 : index
        %get3A_754 = tpu.vector_load %arg9[%get3A_752, %get3A_753] {strides = array<i32>} : memref<64x128xf32, #tpu.memory_space<vmem>>, vector<1x16xf32>,
        %get3A_755 = vector.shape_cast %get3A_754 : vector<1x16xf32> to vector<16xf32>
        %add3A_756 = arith.addf %add3A_714, %get3A_755 : vector<16xf32>
        %get3A_757 = arith.index_cast %add3A_721 : i32 to index
        %get3A_758 = arith.constant 112 : index
        %get3A_759 = tpu.vector_load %arg9[%get3A_757, %get3A_758] {strides = array<i32>} : memref<64x128xf32, #tpu.memory_space<vmem>>, vector<1x16xf32>,
        %get3A_760 = vector.shape_cast %get3A_759 : vector<1x16xf32> to vector<16xf32>
        %add3A_761 = arith.addf %add3A_719, %get3A_760 : vector<16xf32>
        %add3A_762 = arith.constant 3 : i32
        %add3A_763 = arith.addi %add3A_636, %add3A_762 : i32
        %get3A_764 = arith.index_cast %add3A_763 : i32 to index
        %get3A_765 = arith.constant 0 : index
        %get3A_766 = tpu.vector_load %arg9[%get3A_764, %get3A_765] {strides = array<i32>} : memref<64x128xf32, #tpu.memory_space<vmem>>, vector<1x16xf32>,
        %get3A_767 = vector.shape_cast %get3A_766 : vector<1x16xf32> to vector<16xf32>
        %add3A_768 = arith.addf %add3A_726, %get3A_767 : vector<16xf32>
        %get3A_769 = arith.index_cast %add3A_763 : i32 to index
        %get3A_770 = arith.constant 16 : index
        %get3A_771 = tpu.vector_load %arg9[%get3A_769, %get3A_770] {strides = array<i32>} : memref<64x128xf32, #tpu.memory_space<vmem>>, vector<1x16xf32>,
        %get3A_772 = vector.shape_cast %get3A_771 : vector<1x16xf32> to vector<16xf32>
        %add3A_773 = arith.addf %add3A_731, %get3A_772 : vector<16xf32>
        %get3A_774 = arith.index_cast %add3A_763 : i32 to index
        %get3A_775 = arith.constant 32 : index
        %get3A_776 = tpu.vector_load %arg9[%get3A_774, %get3A_775] {strides = array<i32>} : memref<64x128xf32, #tpu.memory_space<vmem>>, vector<1x16xf32>,
        %get3A_777 = vector.shape_cast %get3A_776 : vector<1x16xf32> to vector<16xf32>
        %add3A_778 = arith.addf %add3A_736, %get3A_777 : vector<16xf32>
        %get3A_779 = arith.index_cast %add3A_763 : i32 to index
        %get3A_780 = arith.constant 48 : index
        %get3A_781 = tpu.vector_load %arg9[%get3A_779, %get3A_780] {strides = array<i32>} : memref<64x128xf32, #tpu.memory_space<vmem>>, vector<1x16xf32>,
        %get3A_782 = vector.shape_cast %get3A_781 : vector<1x16xf32> to vector<16xf32>
        %add3A_783 = arith.addf %add3A_741, %get3A_782 : vector<16xf32>
        %get3A_784 = arith.index_cast %add3A_763 : i32 to index
        %get3A_785 = arith.constant 64 : index
        %get3A_786 = tpu.vector_load %arg9[%get3A_784, %get3A_785] {strides = array<i32>} : memref<64x128xf32, #tpu.memory_space<vmem>>, vector<1x16xf32>,
        %get3A_787 = vector.shape_cast %get3A_786 : vector<1x16xf32> to vector<16xf32>
        %add3A_788 = arith.addf %add3A_746, %get3A_787 : vector<16xf32>
        %get3A_789 = arith.index_cast %add3A_763 : i32 to index
        %get3A_790 = arith.constant 80 : index
        %get3A_791 = tpu.vector_load %arg9[%get3A_789, %get3A_790] {strides = array<i32>} : memref<64x128xf32, #tpu.memory_space<vmem>>, vector<1x16xf32>,
        %get3A_792 = vector.shape_cast %get3A_791 : vector<1x16xf32> to vector<16xf32>
        %add3A_793 = arith.addf %add3A_751, %get3A_792 : vector<16xf32>
        %get3A_794 = arith.index_cast %add3A_763 : i32 to index
        %get3A_795 = arith.constant 96 : index
        %get3A_796 = tpu.vector_load %arg9[%get3A_794, %get3A_795] {strides = array<i32>} : memref<64x128xf32, #tpu.memory_space<vmem>>, vector<1x16xf32>,
        %get3A_797 = vector.shape_cast %get3A_796 : vector<1x16xf32> to vector<16xf32>
        %add3A_798 = arith.addf %add3A_756, %get3A_797 : vector<16xf32>
        %get3A_799 = arith.index_cast %add3A_763 : i32 to index
        %get3A_800 = arith.constant 112 : index
        %get3A_801 = tpu.vector_load %arg9[%get3A_799, %get3A_800] {strides = array<i32>} : memref<64x128xf32, #tpu.memory_space<vmem>>, vector<1x16xf32>,
        %get3A_802 = vector.shape_cast %get3A_801 : vector<1x16xf32> to vector<16xf32>
        %add3A_803 = arith.addf %add3A_761, %get3A_802 : vector<16xf32>
        %add3A_804 = arith.constant 4 : i32
        %add3A_805 = arith.addi %add3A_636, %add3A_804 : i32
        %get3A_806 = arith.index_cast %add3A_805 : i32 to index
        %get3A_807 = arith.constant 0 : index
        %get3A_808 = tpu.vector_load %arg9[%get3A_806, %get3A_807] {strides = array<i32>} : memref<64x128xf32, #tpu.memory_space<vmem>>, vector<1x16xf32>,
        %get3A_809 = vector.shape_cast %get3A_808 : vector<1x16xf32> to vector<16xf32>
        %add3A_810 = arith.addf %add3A_768, %get3A_809 : vector<16xf32>
        %get3A_811 = arith.index_cast %add3A_805 : i32 to index
        %get3A_812 = arith.constant 16 : index
        %get3A_813 = tpu.vector_load %arg9[%get3A_811, %get3A_812] {strides = array<i32>} : memref<64x128xf32, #tpu.memory_space<vmem>>, vector<1x16xf32>,
        %get3A_814 = vector.shape_cast %get3A_813 : vector<1x16xf32> to vector<16xf32>
        %add3A_815 = arith.addf %add3A_773, %get3A_814 : vector<16xf32>
        %get3A_816 = arith.index_cast %add3A_805 : i32 to index
        %get3A_817 = arith.constant 32 : index
        %get3A_818 = tpu.vector_load %arg9[%get3A_816, %get3A_817] {strides = array<i32>} : memref<64x128xf32, #tpu.memory_space<vmem>>, vector<1x16xf32>,
        %get3A_819 = vector.shape_cast %get3A_818 : vector<1x16xf32> to vector<16xf32>
        %add3A_820 = arith.addf %add3A_778, %get3A_819 : vector<16xf32>
        %get3A_821 = arith.index_cast %add3A_805 : i32 to index
        %get3A_822 = arith.constant 48 : index
        %get3A_823 = tpu.vector_load %arg9[%get3A_821, %get3A_822] {strides = array<i32>} : memref<64x128xf32, #tpu.memory_space<vmem>>, vector<1x16xf32>,
        %get3A_824 = vector.shape_cast %get3A_823 : vector<1x16xf32> to vector<16xf32>
        %add3A_825 = arith.addf %add3A_783, %get3A_824 : vector<16xf32>
        %get3A_826 = arith.index_cast %add3A_805 : i32 to index
        %get3A_827 = arith.constant 64 : index
        %get3A_828 = tpu.vector_load %arg9[%get3A_826, %get3A_827] {strides = array<i32>} : memref<64x128xf32, #tpu.memory_space<vmem>>, vector<1x16xf32>,
        %get3A_829 = vector.shape_cast %get3A_828 : vector<1x16xf32> to vector<16xf32>
        %add3A_830 = arith.addf %add3A_788, %get3A_829 : vector<16xf32>
        %get3A_831 = arith.index_cast %add3A_805 : i32 to index
        %get3A_832 = arith.constant 80 : index
        %get3A_833 = tpu.vector_load %arg9[%get3A_831, %get3A_832] {strides = array<i32>} : memref<64x128xf32, #tpu.memory_space<vmem>>, vector<1x16xf32>,
        %get3A_834 = vector.shape_cast %get3A_833 : vector<1x16xf32> to vector<16xf32>
        %add3A_835 = arith.addf %add3A_793, %get3A_834 : vector<16xf32>
        %get3A_836 = arith.index_cast %add3A_805 : i32 to index
        %get3A_837 = arith.constant 96 : index
        %get3A_838 = tpu.vector_load %arg9[%get3A_836, %get3A_837] {strides = array<i32>} : memref<64x128xf32, #tpu.memory_space<vmem>>, vector<1x16xf32>,
        %get3A_839 = vector.shape_cast %get3A_838 : vector<1x16xf32> to vector<16xf32>
        %add3A_840 = arith.addf %add3A_798, %get3A_839 : vector<16xf32>
        %get3A_841 = arith.index_cast %add3A_805 : i32 to index
        %get3A_842 = arith.constant 112 : index
        %get3A_843 = tpu.vector_load %arg9[%get3A_841, %get3A_842] {strides = array<i32>} : memref<64x128xf32, #tpu.memory_space<vmem>>, vector<1x16xf32>,
        %get3A_844 = vector.shape_cast %get3A_843 : vector<1x16xf32> to vector<16xf32>
        %add3A_845 = arith.addf %add3A_803, %get3A_844 : vector<16xf32>
        %add3A_846 = arith.constant 5 : i32
        %add3A_847 = arith.addi %add3A_636, %add3A_846 : i32
        %get3A_848 = arith.index_cast %add3A_847 : i32 to index
        %get3A_849 = arith.constant 0 : index
        %get3A_850 = tpu.vector_load %arg9[%get3A_848, %get3A_849] {strides = array<i32>} : memref<64x128xf32, #tpu.memory_space<vmem>>, vector<1x16xf32>,
        %get3A_851 = vector.shape_cast %get3A_850 : vector<1x16xf32> to vector<16xf32>
        %add3A_852 = arith.addf %add3A_810, %get3A_851 : vector<16xf32>
        %get3A_853 = arith.index_cast %add3A_847 : i32 to index
        %get3A_854 = arith.constant 16 : index
        %get3A_855 = tpu.vector_load %arg9[%get3A_853, %get3A_854] {strides = array<i32>} : memref<64x128xf32, #tpu.memory_space<vmem>>, vector<1x16xf32>,
        %get3A_856 = vector.shape_cast %get3A_855 : vector<1x16xf32> to vector<16xf32>
        %add3A_857 = arith.addf %add3A_815, %get3A_856 : vector<16xf32>
        %get3A_858 = arith.index_cast %add3A_847 : i32 to index
        %get3A_859 = arith.constant 32 : index
        %get3A_860 = tpu.vector_load %arg9[%get3A_858, %get3A_859] {strides = array<i32>} : memref<64x128xf32, #tpu.memory_space<vmem>>, vector<1x16xf32>,
        %get3A_861 = vector.shape_cast %get3A_860 : vector<1x16xf32> to vector<16xf32>
        %add3A_862 = arith.addf %add3A_820, %get3A_861 : vector<16xf32>
        %get3A_863 = arith.index_cast %add3A_847 : i32 to index
        %get3A_864 = arith.constant 48 : index
        %get3A_865 = tpu.vector_load %arg9[%get3A_863, %get3A_864] {strides = array<i32>} : memref<64x128xf32, #tpu.memory_space<vmem>>, vector<1x16xf32>,
        %get3A_866 = vector.shape_cast %get3A_865 : vector<1x16xf32> to vector<16xf32>
        %add3A_867 = arith.addf %add3A_825, %get3A_866 : vector<16xf32>
        %get3A_868 = arith.index_cast %add3A_847 : i32 to index
        %get3A_869 = arith.constant 64 : index
        %get3A_870 = tpu.vector_load %arg9[%get3A_868, %get3A_869] {strides = array<i32>} : memref<64x128xf32, #tpu.memory_space<vmem>>, vector<1x16xf32>,
        %get3A_871 = vector.shape_cast %get3A_870 : vector<1x16xf32> to vector<16xf32>
        %add3A_872 = arith.addf %add3A_830, %get3A_871 : vector<16xf32>
        %get3A_873 = arith.index_cast %add3A_847 : i32 to index
        %get3A_874 = arith.constant 80 : index
        %get3A_875 = tpu.vector_load %arg9[%get3A_873, %get3A_874] {strides = array<i32>} : memref<64x128xf32, #tpu.memory_space<vmem>>, vector<1x16xf32>,
        %get3A_876 = vector.shape_cast %get3A_875 : vector<1x16xf32> to vector<16xf32>
        %add3A_877 = arith.addf %add3A_835, %get3A_876 : vector<16xf32>
        %get3A_878 = arith.index_cast %add3A_847 : i32 to index
        %get3A_879 = arith.constant 96 : index
        %get3A_880 = tpu.vector_load %arg9[%get3A_878, %get3A_879] {strides = array<i32>} : memref<64x128xf32, #tpu.memory_space<vmem>>, vector<1x16xf32>,
        %get3A_881 = vector.shape_cast %get3A_880 : vector<1x16xf32> to vector<16xf32>
        %add3A_882 = arith.addf %add3A_840, %get3A_881 : vector<16xf32>
        %get3A_883 = arith.index_cast %add3A_847 : i32 to index
        %get3A_884 = arith.constant 112 : index
        %get3A_885 = tpu.vector_load %arg9[%get3A_883, %get3A_884] {strides = array<i32>} : memref<64x128xf32, #tpu.memory_space<vmem>>, vector<1x16xf32>,
        %get3A_886 = vector.shape_cast %get3A_885 : vector<1x16xf32> to vector<16xf32>
        %add3A_887 = arith.addf %add3A_845, %get3A_886 : vector<16xf32>
        %add3A_888 = arith.constant 6 : i32
        %add3A_889 = arith.addi %add3A_636, %add3A_888 : i32
        %get3A_890 = arith.index_cast %add3A_889 : i32 to index
        %get3A_891 = arith.constant 0 : index
        %get3A_892 = tpu.vector_load %arg9[%get3A_890, %get3A_891] {strides = array<i32>} : memref<64x128xf32, #tpu.memory_space<vmem>>, vector<1x16xf32>,
        %get3A_893 = vector.shape_cast %get3A_892 : vector<1x16xf32> to vector<16xf32>
        %add3A_894 = arith.addf %add3A_852, %get3A_893 : vector<16xf32>
        %get3A_895 = arith.index_cast %add3A_889 : i32 to index
        %get3A_896 = arith.constant 16 : index
        %get3A_897 = tpu.vector_load %arg9[%get3A_895, %get3A_896] {strides = array<i32>} : memref<64x128xf32, #tpu.memory_space<vmem>>, vector<1x16xf32>,
        %get3A_898 = vector.shape_cast %get3A_897 : vector<1x16xf32> to vector<16xf32>
        %add3A_899 = arith.addf %add3A_857, %get3A_898 : vector<16xf32>
        %get3A_900 = arith.index_cast %add3A_889 : i32 to index
        %get3A_901 = arith.constant 32 : index
        %get3A_902 = tpu.vector_load %arg9[%get3A_900, %get3A_901] {strides = array<i32>} : memref<64x128xf32, #tpu.memory_space<vmem>>, vector<1x16xf32>,
        %get3A_903 = vector.shape_cast %get3A_902 : vector<1x16xf32> to vector<16xf32>
        %add3A_904 = arith.addf %add3A_862, %get3A_903 : vector<16xf32>
        %get3A_905 = arith.index_cast %add3A_889 : i32 to index
        %get3A_906 = arith.constant 48 : index
        %get3A_907 = tpu.vector_load %arg9[%get3A_905, %get3A_906] {strides = array<i32>} : memref<64x128xf32, #tpu.memory_space<vmem>>, vector<1x16xf32>,
        %get3A_908 = vector.shape_cast %get3A_907 : vector<1x16xf32> to vector<16xf32>
        %add3A_909 = arith.addf %add3A_867, %get3A_908 : vector<16xf32>
        %get3A_910 = arith.index_cast %add3A_889 : i32 to index
        %get3A_911 = arith.constant 64 : index
        %get3A_912 = tpu.vector_load %arg9[%get3A_910, %get3A_911] {strides = array<i32>} : memref<64x128xf32, #tpu.memory_space<vmem>>, vector<1x16xf32>,
        %get3A_913 = vector.shape_cast %get3A_912 : vector<1x16xf32> to vector<16xf32>
        %add3A_914 = arith.addf %add3A_872, %get3A_913 : vector<16xf32>
        %get3A_915 = arith.index_cast %add3A_889 : i32 to index
        %get3A_916 = arith.constant 80 : index
        %get3A_917 = tpu.vector_load %arg9[%get3A_915, %get3A_916] {strides = array<i32>} : memref<64x128xf32, #tpu.memory_space<vmem>>, vector<1x16xf32>,
        %get3A_918 = vector.shape_cast %get3A_917 : vector<1x16xf32> to vector<16xf32>
        %add3A_919 = arith.addf %add3A_877, %get3A_918 : vector<16xf32>
        %get3A_920 = arith.index_cast %add3A_889 : i32 to index
        %get3A_921 = arith.constant 96 : index
        %get3A_922 = tpu.vector_load %arg9[%get3A_920, %get3A_921] {strides = array<i32>} : memref<64x128xf32, #tpu.memory_space<vmem>>, vector<1x16xf32>,
        %get3A_923 = vector.shape_cast %get3A_922 : vector<1x16xf32> to vector<16xf32>
        %add3A_924 = arith.addf %add3A_882, %get3A_923 : vector<16xf32>
        %get3A_925 = arith.index_cast %add3A_889 : i32 to index
        %get3A_926 = arith.constant 112 : index
        %get3A_927 = tpu.vector_load %arg9[%get3A_925, %get3A_926] {strides = array<i32>} : memref<64x128xf32, #tpu.memory_space<vmem>>, vector<1x16xf32>,
        %get3A_928 = vector.shape_cast %get3A_927 : vector<1x16xf32> to vector<16xf32>
        %add3A_929 = arith.addf %add3A_887, %get3A_928 : vector<16xf32>
        %add3A_930 = arith.constant 7 : i32
        %add3A_931 = arith.addi %add3A_636, %add3A_930 : i32
        %get3A_932 = arith.index_cast %add3A_931 : i32 to index
        %get3A_933 = arith.constant 0 : index
        %get3A_934 = tpu.vector_load %arg9[%get3A_932, %get3A_933] {strides = array<i32>} : memref<64x128xf32, #tpu.memory_space<vmem>>, vector<1x16xf32>,
        %get3A_935 = vector.shape_cast %get3A_934 : vector<1x16xf32> to vector<16xf32>
        %add3A_936 = arith.addf %add3A_894, %get3A_935 : vector<16xf32>
        %get3A_937 = arith.index_cast %add3A_931 : i32 to index
        %get3A_938 = arith.constant 16 : index
        %get3A_939 = tpu.vector_load %arg9[%get3A_937, %get3A_938] {strides = array<i32>} : memref<64x128xf32, #tpu.memory_space<vmem>>, vector<1x16xf32>,
        %get3A_940 = vector.shape_cast %get3A_939 : vector<1x16xf32> to vector<16xf32>
        %add3A_941 = arith.addf %add3A_899, %get3A_940 : vector<16xf32>
        %get3A_942 = arith.index_cast %add3A_931 : i32 to index
        %get3A_943 = arith.constant 32 : index
        %get3A_944 = tpu.vector_load %arg9[%get3A_942, %get3A_943] {strides = array<i32>} : memref<64x128xf32, #tpu.memory_space<vmem>>, vector<1x16xf32>,
        %get3A_945 = vector.shape_cast %get3A_944 : vector<1x16xf32> to vector<16xf32>
        %add3A_946 = arith.addf %add3A_904, %get3A_945 : vector<16xf32>
        %get3A_947 = arith.index_cast %add3A_931 : i32 to index
        %get3A_948 = arith.constant 48 : index
        %get3A_949 = tpu.vector_load %arg9[%get3A_947, %get3A_948] {strides = array<i32>} : memref<64x128xf32, #tpu.memory_space<vmem>>, vector<1x16xf32>,
        %get3A_950 = vector.shape_cast %get3A_949 : vector<1x16xf32> to vector<16xf32>
        %add3A_951 = arith.addf %add3A_909, %get3A_950 : vector<16xf32>
        %get3A_952 = arith.index_cast %add3A_931 : i32 to index
        %get3A_953 = arith.constant 64 : index
        %get3A_954 = tpu.vector_load %arg9[%get3A_952, %get3A_953] {strides = array<i32>} : memref<64x128xf32, #tpu.memory_space<vmem>>, vector<1x16xf32>,
        %get3A_955 = vector.shape_cast %get3A_954 : vector<1x16xf32> to vector<16xf32>
        %add3A_956 = arith.addf %add3A_914, %get3A_955 : vector<16xf32>
        %get3A_957 = arith.index_cast %add3A_931 : i32 to index
        %get3A_958 = arith.constant 80 : index
        %get3A_959 = tpu.vector_load %arg9[%get3A_957, %get3A_958] {strides = array<i32>} : memref<64x128xf32, #tpu.memory_space<vmem>>, vector<1x16xf32>,
        %get3A_960 = vector.shape_cast %get3A_959 : vector<1x16xf32> to vector<16xf32>
        %add3A_961 = arith.addf %add3A_919, %get3A_960 : vector<16xf32>
        %get3A_962 = arith.index_cast %add3A_931 : i32 to index
        %get3A_963 = arith.constant 96 : index
        %get3A_964 = tpu.vector_load %arg9[%get3A_962, %get3A_963] {strides = array<i32>} : memref<64x128xf32, #tpu.memory_space<vmem>>, vector<1x16xf32>,
        %get3A_965 = vector.shape_cast %get3A_964 : vector<1x16xf32> to vector<16xf32>
        %add3A_966 = arith.addf %add3A_924, %get3A_965 : vector<16xf32>
        %get3A_967 = arith.index_cast %add3A_931 : i32 to index
        %get3A_968 = arith.constant 112 : index
        %get3A_969 = tpu.vector_load %arg9[%get3A_967, %get3A_968] {strides = array<i32>} : memref<64x128xf32, #tpu.memory_space<vmem>>, vector<1x16xf32>,
        %get3A_970 = vector.shape_cast %get3A_969 : vector<1x16xf32> to vector<16xf32>
        %add3A_971 = arith.addf %add3A_929, %get3A_970 : vector<16xf32>
        scf.yield %add3A_936, %add3A_941, %add3A_946, %add3A_951, %add3A_956, %add3A_961, %add3A_966, %add3A_971 : vector<16xf32>, vector<16xf32>, vector<16xf32>, vector<16xf32>, vector<16xf32>, vector<16xf32>, vector<16xf32>, vector<16xf32>
      }
      %scan3A_508 = arith.constant 4 : i32
      %mul3A_509 = arith.constant 2 : i32
      %mul3A_510 = arith.muli %add3A_479, %mul3A_509 : i32
      %add3A_511 = arith.constant 0 : i32
      %add3A_512 = arith.addi %mul3A_510, %add3A_511 : i32
      %swap3A_513 = arith.index_cast %add3A_512 : i32 to index
      %swap3A_514 = arith.constant 0 : index
      %swap3A_515 = tpu.vector_load %arg10[%swap3A_513, %swap3A_514] {strides = array<i32>} : memref<320x128xf32, #tpu.memory_space<vmem>>, vector<1x16xf32>,
      %swap3A_516 = vector.shape_cast %swap3A_515 : vector<1x16xf32> to vector<16xf32>
      %swap3A_517 = vector.shape_cast %scan3A_507#0 : vector<16xf32> to vector<1x16xf32>
      tpu.vector_store %arg10[%swap3A_513, %swap3A_514], %swap3A_517 {strides = array<i32>} : memref<320x128xf32, #tpu.memory_space<vmem>>, vector<1x16xf32>,
      %swap3A_518 = arith.index_cast %add3A_512 : i32 to index
      %swap3A_519 = arith.constant 16 : index
      %swap3A_520 = tpu.vector_load %arg10[%swap3A_518, %swap3A_519] {strides = array<i32>} : memref<320x128xf32, #tpu.memory_space<vmem>>, vector<1x16xf32>,
      %swap3A_521 = vector.shape_cast %swap3A_520 : vector<1x16xf32> to vector<16xf32>
      %swap3A_522 = vector.shape_cast %scan3A_507#1 : vector<16xf32> to vector<1x16xf32>
      tpu.vector_store %arg10[%swap3A_518, %swap3A_519], %swap3A_522 {strides = array<i32>} : memref<320x128xf32, #tpu.memory_space<vmem>>, vector<1x16xf32>,
      %swap3A_523 = arith.index_cast %add3A_512 : i32 to index
      %swap3A_524 = arith.constant 32 : index
      %swap3A_525 = tpu.vector_load %arg10[%swap3A_523, %swap3A_524] {strides = array<i32>} : memref<320x128xf32, #tpu.memory_space<vmem>>, vector<1x16xf32>,
      %swap3A_526 = vector.shape_cast %swap3A_525 : vector<1x16xf32> to vector<16xf32>
      %swap3A_527 = vector.shape_cast %scan3A_507#2 : vector<16xf32> to vector<1x16xf32>
      tpu.vector_store %arg10[%swap3A_523, %swap3A_524], %swap3A_527 {strides = array<i32>} : memref<320x128xf32, #tpu.memory_space<vmem>>, vector<1x16xf32>,
      %swap3A_528 = arith.index_cast %add3A_512 : i32 to index
      %swap3A_529 = arith.constant 48 : index
      %swap3A_530 = tpu.vector_load %arg10[%swap3A_528, %swap3A_529] {strides = array<i32>} : memref<320x128xf32, #tpu.memory_space<vmem>>, vector<1x16xf32>,
      %swap3A_531 = vector.shape_cast %swap3A_530 : vector<1x16xf32> to vector<16xf32>
      %swap3A_532 = vector.shape_cast %scan3A_507#3 : vector<16xf32> to vector<1x16xf32>
      tpu.vector_store %arg10[%swap3A_528, %swap3A_529], %swap3A_532 {strides = array<i32>} : memref<320x128xf32, #tpu.memory_space<vmem>>, vector<1x16xf32>,
      %swap3A_533 = arith.index_cast %add3A_512 : i32 to index
      %swap3A_534 = arith.constant 64 : index
      %swap3A_535 = tpu.vector_load %arg10[%swap3A_533, %swap3A_534] {strides = array<i32>} : memref<320x128xf32, #tpu.memory_space<vmem>>, vector<1x16xf32>,
      %swap3A_536 = vector.shape_cast %swap3A_535 : vector<1x16xf32> to vector<16xf32>
      %swap3A_537 = vector.shape_cast %scan3A_507#4 : vector<16xf32> to vector<1x16xf32>
      tpu.vector_store %arg10[%swap3A_533, %swap3A_534], %swap3A_537 {strides = array<i32>} : memref<320x128xf32, #tpu.memory_space<vmem>>, vector<1x16xf32>,
      %swap3A_538 = arith.index_cast %add3A_512 : i32 to index
      %swap3A_539 = arith.constant 80 : index
      %swap3A_540 = tpu.vector_load %arg10[%swap3A_538, %swap3A_539] {strides = array<i32>} : memref<320x128xf32, #tpu.memory_space<vmem>>, vector<1x16xf32>,
      %swap3A_541 = vector.shape_cast %swap3A_540 : vector<1x16xf32> to vector<16xf32>
      %swap3A_542 = vector.shape_cast %scan3A_507#5 : vector<16xf32> to vector<1x16xf32>
      tpu.vector_store %arg10[%swap3A_538, %swap3A_539], %swap3A_542 {strides = array<i32>} : memref<320x128xf32, #tpu.memory_space<vmem>>, vector<1x16xf32>,
      %swap3A_543 = arith.index_cast %add3A_512 : i32 to index
      %swap3A_544 = arith.constant 96 : index
      %swap3A_545 = tpu.vector_load %arg10[%swap3A_543, %swap3A_544] {strides = array<i32>} : memref<320x128xf32, #tpu.memory_space<vmem>>, vector<1x16xf32>,
      %swap3A_546 = vector.shape_cast %swap3A_545 : vector<1x16xf32> to vector<16xf32>
      %swap3A_547 = vector.shape_cast %scan3A_507#6 : vector<16xf32> to vector<1x16xf32>
      tpu.vector_store %arg10[%swap3A_543, %swap3A_544], %swap3A_547 {strides = array<i32>} : memref<320x128xf32, #tpu.memory_space<vmem>>, vector<1x16xf32>,
      %swap3A_548 = arith.index_cast %add3A_512 : i32 to index
      %swap3A_549 = arith.constant 112 : index
      %swap3A_550 = tpu.vector_load %arg10[%swap3A_548, %swap3A_549] {strides = array<i32>} : memref<320x128xf32, #tpu.memory_space<vmem>>, vector<1x16xf32>,
      %swap3A_551 = vector.shape_cast %swap3A_550 : vector<1x16xf32> to vector<16xf32>
      %swap3A_552 = vector.shape_cast %scan3A_507#7 : vector<16xf32> to vector<1x16xf32>
      tpu.vector_store %arg10[%swap3A_548, %swap3A_549], %swap3A_552 {strides = array<i32>} : memref<320x128xf32, #tpu.memory_space<vmem>>, vector<1x16xf32>,
      %broadcast_in_dim3A_553 = arith.constant 0.000000e+00 : f32
      %broadcast_in_dim3A_554 = vector.broadcast %broadcast_in_dim3A_553 : f32 to vector<16xf32>
      %broadcast_in_dim3A_555 = arith.constant 0.000000e+00 : f32
      %broadcast_in_dim3A_556 = vector.broadcast %broadcast_in_dim3A_555 : f32 to vector<16xf32>
      %broadcast_in_dim3A_557 = arith.constant 0.000000e+00 : f32
      %broadcast_in_dim3A_558 = vector.broadcast %broadcast_in_dim3A_557 : f32 to vector<16xf32>
      %broadcast_in_dim3A_559 = arith.constant 0.000000e+00 : f32
      %broadcast_in_dim3A_560 = vector.broadcast %broadcast_in_dim3A_559 : f32 to vector<16xf32>
      %broadcast_in_dim3A_561 = arith.constant 0.000000e+00 : f32
      %broadcast_in_dim3A_562 = vector.broadcast %broadcast_in_dim3A_561 : f32 to vector<16xf32>
      %broadcast_in_dim3A_563 = arith.constant 0.000000e+00 : f32
      %broadcast_in_dim3A_564 = vector.broadcast %broadcast_in_dim3A_563 : f32 to vector<16xf32>
      %broadcast_in_dim3A_565 = arith.constant 0.000000e+00 : f32
      %broadcast_in_dim3A_566 = vector.broadcast %broadcast_in_dim3A_565 : f32 to vector<16xf32>
      %broadcast_in_dim3A_567 = arith.constant 0.000000e+00 : f32
      %broadcast_in_dim3A_568 = vector.broadcast %broadcast_in_dim3A_567 : f32 to vector<16xf32>
      %scan3A_569 = arith.constant 0 : i32
      %scan3A_570 = arith.constant 4 : i32
      %scan3A_571 = arith.addi %scan3A_569, %scan3A_570 : i32
      %scan3A_572 = arith.constant 1 : i32
      %scan3A_573:8 = scf.for %scan3A_624 = %scan3A_569 to %scan3A_571 step %scan3A_572 iter_args(%scan3A_625 = %broadcast_in_dim3A_554, %scan3A_626 = %broadcast_in_dim3A_556, %scan3A_627 = %broadcast_in_dim3A_558, %scan3A_628 = %broadcast_in_dim3A_560, %scan3A_629 = %broadcast_in_dim3A_562, %scan3A_630 = %broadcast_in_dim3A_564, %scan3A_631 = %broadcast_in_dim3A_566, %scan3A_632 = %broadcast_in_dim3A_568) -> (vector<16xf32>, vector<16xf32>, vector<16xf32>, vector<16xf32>, vector<16xf32>, vector<16xf32>, vector<16xf32>, vector<16xf32>)  : i32 {
        %mul3A_633 = arith.constant 8 : i32
        %mul3A_634 = arith.muli %scan3A_624, %mul3A_633 : i32
        %add3A_635 = arith.constant 32 : i32
        %add3A_636 = arith.addi %add3A_635, %mul3A_634 : i32
        %add3A_637 = arith.constant 0 : i32
        %add3A_638 = arith.addi %add3A_636, %add3A_637 : i32
        %get3A = arith.index_cast %add3A_638 : i32 to index
        %get3A_639 = arith.constant 0 : index
        %get3A_640 = tpu.vector_load %arg9[%get3A, %get3A_639] {strides = array<i32>} : memref<64x128xf32, #tpu.memory_space<vmem>>, vector<1x16xf32>,
        %get3A_641 = vector.shape_cast %get3A_640 : vector<1x16xf32> to vector<16xf32>
        %add3A_642 = arith.addf %scan3A_625, %get3A_641 : vector<16xf32>
        %get3A_643 = arith.index_cast %add3A_638 : i32 to index
        %get3A_644 = arith.constant 16 : index
        %get3A_645 = tpu.vector_load %arg9[%get3A_643, %get3A_644] {strides = array<i32>} : memref<64x128xf32, #tpu.memory_space<vmem>>, vector<1x16xf32>,
        %get3A_646 = vector.shape_cast %get3A_645 : vector<1x16xf32> to vector<16xf32>
        %add3A_647 = arith.addf %scan3A_626, %get3A_646 : vector<16xf32>
        %get3A_648 = arith.index_cast %add3A_638 : i32 to index
        %get3A_649 = arith.constant 32 : index
        %get3A_650 = tpu.vector_load %arg9[%get3A_648, %get3A_649] {strides = array<i32>} : memref<64x128xf32, #tpu.memory_space<vmem>>, vector<1x16xf32>,
        %get3A_651 = vector.shape_cast %get3A_650 : vector<1x16xf32> to vector<16xf32>
        %add3A_652 = arith.addf %scan3A_627, %get3A_651 : vector<16xf32>
        %get3A_653 = arith.index_cast %add3A_638 : i32 to index
        %get3A_654 = arith.constant 48 : index
        %get3A_655 = tpu.vector_load %arg9[%get3A_653, %get3A_654] {strides = array<i32>} : memref<64x128xf32, #tpu.memory_space<vmem>>, vector<1x16xf32>,
        %get3A_656 = vector.shape_cast %get3A_655 : vector<1x16xf32> to vector<16xf32>
        %add3A_657 = arith.addf %scan3A_628, %get3A_656 : vector<16xf32>
        %get3A_658 = arith.index_cast %add3A_638 : i32 to index
        %get3A_659 = arith.constant 64 : index
        %get3A_660 = tpu.vector_load %arg9[%get3A_658, %get3A_659] {strides = array<i32>} : memref<64x128xf32, #tpu.memory_space<vmem>>, vector<1x16xf32>,
        %get3A_661 = vector.shape_cast %get3A_660 : vector<1x16xf32> to vector<16xf32>
        %add3A_662 = arith.addf %scan3A_629, %get3A_661 : vector<16xf32>
        %get3A_663 = arith.index_cast %add3A_638 : i32 to index
        %get3A_664 = arith.constant 80 : index
        %get3A_665 = tpu.vector_load %arg9[%get3A_663, %get3A_664] {strides = array<i32>} : memref<64x128xf32, #tpu.memory_space<vmem>>, vector<1x16xf32>,
        %get3A_666 = vector.shape_cast %get3A_665 : vector<1x16xf32> to vector<16xf32>
        %add3A_667 = arith.addf %scan3A_630, %get3A_666 : vector<16xf32>
        %get3A_668 = arith.index_cast %add3A_638 : i32 to index
        %get3A_669 = arith.constant 96 : index
        %get3A_670 = tpu.vector_load %arg9[%get3A_668, %get3A_669] {strides = array<i32>} : memref<64x128xf32, #tpu.memory_space<vmem>>, vector<1x16xf32>,
        %get3A_671 = vector.shape_cast %get3A_670 : vector<1x16xf32> to vector<16xf32>
        %add3A_672 = arith.addf %scan3A_631, %get3A_671 : vector<16xf32>
        %get3A_673 = arith.index_cast %add3A_638 : i32 to index
        %get3A_674 = arith.constant 112 : index
        %get3A_675 = tpu.vector_load %arg9[%get3A_673, %get3A_674] {strides = array<i32>} : memref<64x128xf32, #tpu.memory_space<vmem>>, vector<1x16xf32>,
        %get3A_676 = vector.shape_cast %get3A_675 : vector<1x16xf32> to vector<16xf32>
        %add3A_677 = arith.addf %scan3A_632, %get3A_676 : vector<16xf32>
        %add3A_678 = arith.constant 1 : i32
        %add3A_679 = arith.addi %add3A_636, %add3A_678 : i32
        %get3A_680 = arith.index_cast %add3A_679 : i32 to index
        %get3A_681 = arith.constant 0 : index
        %get3A_682 = tpu.vector_load %arg9[%get3A_680, %get3A_681] {strides = array<i32>} : memref<64x128xf32, #tpu.memory_space<vmem>>, vector<1x16xf32>,
        %get3A_683 = vector.shape_cast %get3A_682 : vector<1x16xf32> to vector<16xf32>
        %add3A_684 = arith.addf %add3A_642, %get3A_683 : vector<16xf32>
        %get3A_685 = arith.index_cast %add3A_679 : i32 to index
        %get3A_686 = arith.constant 16 : index
        %get3A_687 = tpu.vector_load %arg9[%get3A_685, %get3A_686] {strides = array<i32>} : memref<64x128xf32, #tpu.memory_space<vmem>>, vector<1x16xf32>,
        %get3A_688 = vector.shape_cast %get3A_687 : vector<1x16xf32> to vector<16xf32>
        %add3A_689 = arith.addf %add3A_647, %get3A_688 : vector<16xf32>
        %get3A_690 = arith.index_cast %add3A_679 : i32 to index
        %get3A_691 = arith.constant 32 : index
        %get3A_692 = tpu.vector_load %arg9[%get3A_690, %get3A_691] {strides = array<i32>} : memref<64x128xf32, #tpu.memory_space<vmem>>, vector<1x16xf32>,
        %get3A_693 = vector.shape_cast %get3A_692 : vector<1x16xf32> to vector<16xf32>
        %add3A_694 = arith.addf %add3A_652, %get3A_693 : vector<16xf32>
        %get3A_695 = arith.index_cast %add3A_679 : i32 to index
        %get3A_696 = arith.constant 48 : index
        %get3A_697 = tpu.vector_load %arg9[%get3A_695, %get3A_696] {strides = array<i32>} : memref<64x128xf32, #tpu.memory_space<vmem>>, vector<1x16xf32>,
        %get3A_698 = vector.shape_cast %get3A_697 : vector<1x16xf32> to vector<16xf32>
        %add3A_699 = arith.addf %add3A_657, %get3A_698 : vector<16xf32>
        %get3A_700 = arith.index_cast %add3A_679 : i32 to index
        %get3A_701 = arith.constant 64 : index
        %get3A_702 = tpu.vector_load %arg9[%get3A_700, %get3A_701] {strides = array<i32>} : memref<64x128xf32, #tpu.memory_space<vmem>>, vector<1x16xf32>,
        %get3A_703 = vector.shape_cast %get3A_702 : vector<1x16xf32> to vector<16xf32>
        %add3A_704 = arith.addf %add3A_662, %get3A_703 : vector<16xf32>
        %get3A_705 = arith.index_cast %add3A_679 : i32 to index
        %get3A_706 = arith.constant 80 : index
        %get3A_707 = tpu.vector_load %arg9[%get3A_705, %get3A_706] {strides = array<i32>} : memref<64x128xf32, #tpu.memory_space<vmem>>, vector<1x16xf32>,
        %get3A_708 = vector.shape_cast %get3A_707 : vector<1x16xf32> to vector<16xf32>
        %add3A_709 = arith.addf %add3A_667, %get3A_708 : vector<16xf32>
        %get3A_710 = arith.index_cast %add3A_679 : i32 to index
        %get3A_711 = arith.constant 96 : index
        %get3A_712 = tpu.vector_load %arg9[%get3A_710, %get3A_711] {strides = array<i32>} : memref<64x128xf32, #tpu.memory_space<vmem>>, vector<1x16xf32>,
        %get3A_713 = vector.shape_cast %get3A_712 : vector<1x16xf32> to vector<16xf32>
        %add3A_714 = arith.addf %add3A_672, %get3A_713 : vector<16xf32>
        %get3A_715 = arith.index_cast %add3A_679 : i32 to index
        %get3A_716 = arith.constant 112 : index
        %get3A_717 = tpu.vector_load %arg9[%get3A_715, %get3A_716] {strides = array<i32>} : memref<64x128xf32, #tpu.memory_space<vmem>>, vector<1x16xf32>,
        %get3A_718 = vector.shape_cast %get3A_717 : vector<1x16xf32> to vector<16xf32>
        %add3A_719 = arith.addf %add3A_677, %get3A_718 : vector<16xf32>
        %add3A_720 = arith.constant 2 : i32
        %add3A_721 = arith.addi %add3A_636, %add3A_720 : i32
        %get3A_722 = arith.index_cast %add3A_721 : i32 to index
        %get3A_723 = arith.constant 0 : index
        %get3A_724 = tpu.vector_load %arg9[%get3A_722, %get3A_723] {strides = array<i32>} : memref<64x128xf32, #tpu.memory_space<vmem>>, vector<1x16xf32>,
        %get3A_725 = vector.shape_cast %get3A_724 : vector<1x16xf32> to vector<16xf32>
        %add3A_726 = arith.addf %add3A_684, %get3A_725 : vector<16xf32>
        %get3A_727 = arith.index_cast %add3A_721 : i32 to index
        %get3A_728 = arith.constant 16 : index
        %get3A_729 = tpu.vector_load %arg9[%get3A_727, %get3A_728] {strides = array<i32>} : memref<64x128xf32, #tpu.memory_space<vmem>>, vector<1x16xf32>,
        %get3A_730 = vector.shape_cast %get3A_729 : vector<1x16xf32> to vector<16xf32>
        %add3A_731 = arith.addf %add3A_689, %get3A_730 : vector<16xf32>
        %get3A_732 = arith.index_cast %add3A_721 : i32 to index
        %get3A_733 = arith.constant 32 : index
        %get3A_734 = tpu.vector_load %arg9[%get3A_732, %get3A_733] {strides = array<i32>} : memref<64x128xf32, #tpu.memory_space<vmem>>, vector<1x16xf32>,
        %get3A_735 = vector.shape_cast %get3A_734 : vector<1x16xf32> to vector<16xf32>
        %add3A_736 = arith.addf %add3A_694, %get3A_735 : vector<16xf32>
        %get3A_737 = arith.index_cast %add3A_721 : i32 to index
        %get3A_738 = arith.constant 48 : index
        %get3A_739 = tpu.vector_load %arg9[%get3A_737, %get3A_738] {strides = array<i32>} : memref<64x128xf32, #tpu.memory_space<vmem>>, vector<1x16xf32>,
        %get3A_740 = vector.shape_cast %get3A_739 : vector<1x16xf32> to vector<16xf32>
        %add3A_741 = arith.addf %add3A_699, %get3A_740 : vector<16xf32>
        %get3A_742 = arith.index_cast %add3A_721 : i32 to index
        %get3A_743 = arith.constant 64 : index
        %get3A_744 = tpu.vector_load %arg9[%get3A_742, %get3A_743] {strides = array<i32>} : memref<64x128xf32, #tpu.memory_space<vmem>>, vector<1x16xf32>,
        %get3A_745 = vector.shape_cast %get3A_744 : vector<1x16xf32> to vector<16xf32>
        %add3A_746 = arith.addf %add3A_704, %get3A_745 : vector<16xf32>
        %get3A_747 = arith.index_cast %add3A_721 : i32 to index
        %get3A_748 = arith.constant 80 : index
        %get3A_749 = tpu.vector_load %arg9[%get3A_747, %get3A_748] {strides = array<i32>} : memref<64x128xf32, #tpu.memory_space<vmem>>, vector<1x16xf32>,
        %get3A_750 = vector.shape_cast %get3A_749 : vector<1x16xf32> to vector<16xf32>
        %add3A_751 = arith.addf %add3A_709, %get3A_750 : vector<16xf32>
        %get3A_752 = arith.index_cast %add3A_721 : i32 to index
        %get3A_753 = arith.constant 96 : index
        %get3A_754 = tpu.vector_load %arg9[%get3A_752, %get3A_753] {strides = array<i32>} : memref<64x128xf32, #tpu.memory_space<vmem>>, vector<1x16xf32>,
        %get3A_755 = vector.shape_cast %get3A_754 : vector<1x16xf32> to vector<16xf32>
        %add3A_756 = arith.addf %add3A_714, %get3A_755 : vector<16xf32>
        %get3A_757 = arith.index_cast %add3A_721 : i32 to index
        %get3A_758 = arith.constant 112 : index
        %get3A_759 = tpu.vector_load %arg9[%get3A_757, %get3A_758] {strides = array<i32>} : memref<64x128xf32, #tpu.memory_space<vmem>>, vector<1x16xf32>,
        %get3A_760 = vector.shape_cast %get3A_759 : vector<1x16xf32> to vector<16xf32>
        %add3A_761 = arith.addf %add3A_719, %get3A_760 : vector<16xf32>
        %add3A_762 = arith.constant 3 : i32
        %add3A_763 = arith.addi %add3A_636, %add3A_762 : i32
        %get3A_764 = arith.index_cast %add3A_763 : i32 to index
        %get3A_765 = arith.constant 0 : index
        %get3A_766 = tpu.vector_load %arg9[%get3A_764, %get3A_765] {strides = array<i32>} : memref<64x128xf32, #tpu.memory_space<vmem>>, vector<1x16xf32>,
        %get3A_767 = vector.shape_cast %get3A_766 : vector<1x16xf32> to vector<16xf32>
        %add3A_768 = arith.addf %add3A_726, %get3A_767 : vector<16xf32>
        %get3A_769 = arith.index_cast %add3A_763 : i32 to index
        %get3A_770 = arith.constant 16 : index
        %get3A_771 = tpu.vector_load %arg9[%get3A_769, %get3A_770] {strides = array<i32>} : memref<64x128xf32, #tpu.memory_space<vmem>>, vector<1x16xf32>,
        %get3A_772 = vector.shape_cast %get3A_771 : vector<1x16xf32> to vector<16xf32>
        %add3A_773 = arith.addf %add3A_731, %get3A_772 : vector<16xf32>
        %get3A_774 = arith.index_cast %add3A_763 : i32 to index
        %get3A_775 = arith.constant 32 : index
        %get3A_776 = tpu.vector_load %arg9[%get3A_774, %get3A_775] {strides = array<i32>} : memref<64x128xf32, #tpu.memory_space<vmem>>, vector<1x16xf32>,
        %get3A_777 = vector.shape_cast %get3A_776 : vector<1x16xf32> to vector<16xf32>
        %add3A_778 = arith.addf %add3A_736, %get3A_777 : vector<16xf32>
        %get3A_779 = arith.index_cast %add3A_763 : i32 to index
        %get3A_780 = arith.constant 48 : index
        %get3A_781 = tpu.vector_load %arg9[%get3A_779, %get3A_780] {strides = array<i32>} : memref<64x128xf32, #tpu.memory_space<vmem>>, vector<1x16xf32>,
        %get3A_782 = vector.shape_cast %get3A_781 : vector<1x16xf32> to vector<16xf32>
        %add3A_783 = arith.addf %add3A_741, %get3A_782 : vector<16xf32>
        %get3A_784 = arith.index_cast %add3A_763 : i32 to index
        %get3A_785 = arith.constant 64 : index
        %get3A_786 = tpu.vector_load %arg9[%get3A_784, %get3A_785] {strides = array<i32>} : memref<64x128xf32, #tpu.memory_space<vmem>>, vector<1x16xf32>,
        %get3A_787 = vector.shape_cast %get3A_786 : vector<1x16xf32> to vector<16xf32>
        %add3A_788 = arith.addf %add3A_746, %get3A_787 : vector<16xf32>
        %get3A_789 = arith.index_cast %add3A_763 : i32 to index
        %get3A_790 = arith.constant 80 : index
        %get3A_791 = tpu.vector_load %arg9[%get3A_789, %get3A_790] {strides = array<i32>} : memref<64x128xf32, #tpu.memory_space<vmem>>, vector<1x16xf32>,
        %get3A_792 = vector.shape_cast %get3A_791 : vector<1x16xf32> to vector<16xf32>
        %add3A_793 = arith.addf %add3A_751, %get3A_792 : vector<16xf32>
        %get3A_794 = arith.index_cast %add3A_763 : i32 to index
        %get3A_795 = arith.constant 96 : index
        %get3A_796 = tpu.vector_load %arg9[%get3A_794, %get3A_795] {strides = array<i32>} : memref<64x128xf32, #tpu.memory_space<vmem>>, vector<1x16xf32>,
        %get3A_797 = vector.shape_cast %get3A_796 : vector<1x16xf32> to vector<16xf32>
        %add3A_798 = arith.addf %add3A_756, %get3A_797 : vector<16xf32>
        %get3A_799 = arith.index_cast %add3A_763 : i32 to index
        %get3A_800 = arith.constant 112 : index
        %get3A_801 = tpu.vector_load %arg9[%get3A_799, %get3A_800] {strides = array<i32>} : memref<64x128xf32, #tpu.memory_space<vmem>>, vector<1x16xf32>,
        %get3A_802 = vector.shape_cast %get3A_801 : vector<1x16xf32> to vector<16xf32>
        %add3A_803 = arith.addf %add3A_761, %get3A_802 : vector<16xf32>
        %add3A_804 = arith.constant 4 : i32
        %add3A_805 = arith.addi %add3A_636, %add3A_804 : i32
        %get3A_806 = arith.index_cast %add3A_805 : i32 to index
        %get3A_807 = arith.constant 0 : index
        %get3A_808 = tpu.vector_load %arg9[%get3A_806, %get3A_807] {strides = array<i32>} : memref<64x128xf32, #tpu.memory_space<vmem>>, vector<1x16xf32>,
        %get3A_809 = vector.shape_cast %get3A_808 : vector<1x16xf32> to vector<16xf32>
        %add3A_810 = arith.addf %add3A_768, %get3A_809 : vector<16xf32>
        %get3A_811 = arith.index_cast %add3A_805 : i32 to index
        %get3A_812 = arith.constant 16 : index
        %get3A_813 = tpu.vector_load %arg9[%get3A_811, %get3A_812] {strides = array<i32>} : memref<64x128xf32, #tpu.memory_space<vmem>>, vector<1x16xf32>,
        %get3A_814 = vector.shape_cast %get3A_813 : vector<1x16xf32> to vector<16xf32>
        %add3A_815 = arith.addf %add3A_773, %get3A_814 : vector<16xf32>
        %get3A_816 = arith.index_cast %add3A_805 : i32 to index
        %get3A_817 = arith.constant 32 : index
        %get3A_818 = tpu.vector_load %arg9[%get3A_816, %get3A_817] {strides = array<i32>} : memref<64x128xf32, #tpu.memory_space<vmem>>, vector<1x16xf32>,
        %get3A_819 = vector.shape_cast %get3A_818 : vector<1x16xf32> to vector<16xf32>
        %add3A_820 = arith.addf %add3A_778, %get3A_819 : vector<16xf32>
        %get3A_821 = arith.index_cast %add3A_805 : i32 to index
        %get3A_822 = arith.constant 48 : index
        %get3A_823 = tpu.vector_load %arg9[%get3A_821, %get3A_822] {strides = array<i32>} : memref<64x128xf32, #tpu.memory_space<vmem>>, vector<1x16xf32>,
        %get3A_824 = vector.shape_cast %get3A_823 : vector<1x16xf32> to vector<16xf32>
        %add3A_825 = arith.addf %add3A_783, %get3A_824 : vector<16xf32>
        %get3A_826 = arith.index_cast %add3A_805 : i32 to index
        %get3A_827 = arith.constant 64 : index
        %get3A_828 = tpu.vector_load %arg9[%get3A_826, %get3A_827] {strides = array<i32>} : memref<64x128xf32, #tpu.memory_space<vmem>>, vector<1x16xf32>,
        %get3A_829 = vector.shape_cast %get3A_828 : vector<1x16xf32> to vector<16xf32>
        %add3A_830 = arith.addf %add3A_788, %get3A_829 : vector<16xf32>
        %get3A_831 = arith.index_cast %add3A_805 : i32 to index
        %get3A_832 = arith.constant 80 : index
        %get3A_833 = tpu.vector_load %arg9[%get3A_831, %get3A_832] {strides = array<i32>} : memref<64x128xf32, #tpu.memory_space<vmem>>, vector<1x16xf32>,
        %get3A_834 = vector.shape_cast %get3A_833 : vector<1x16xf32> to vector<16xf32>
        %add3A_835 = arith.addf %add3A_793, %get3A_834 : vector<16xf32>
        %get3A_836 = arith.index_cast %add3A_805 : i32 to index
        %get3A_837 = arith.constant 96 : index
        %get3A_838 = tpu.vector_load %arg9[%get3A_836, %get3A_837] {strides = array<i32>} : memref<64x128xf32, #tpu.memory_space<vmem>>, vector<1x16xf32>,
        %get3A_839 = vector.shape_cast %get3A_838 : vector<1x16xf32> to vector<16xf32>
        %add3A_840 = arith.addf %add3A_798, %get3A_839 : vector<16xf32>
        %get3A_841 = arith.index_cast %add3A_805 : i32 to index
        %get3A_842 = arith.constant 112 : index
        %get3A_843 = tpu.vector_load %arg9[%get3A_841, %get3A_842] {strides = array<i32>} : memref<64x128xf32, #tpu.memory_space<vmem>>, vector<1x16xf32>,
        %get3A_844 = vector.shape_cast %get3A_843 : vector<1x16xf32> to vector<16xf32>
        %add3A_845 = arith.addf %add3A_803, %get3A_844 : vector<16xf32>
        %add3A_846 = arith.constant 5 : i32
        %add3A_847 = arith.addi %add3A_636, %add3A_846 : i32
        %get3A_848 = arith.index_cast %add3A_847 : i32 to index
        %get3A_849 = arith.constant 0 : index
        %get3A_850 = tpu.vector_load %arg9[%get3A_848, %get3A_849] {strides = array<i32>} : memref<64x128xf32, #tpu.memory_space<vmem>>, vector<1x16xf32>,
        %get3A_851 = vector.shape_cast %get3A_850 : vector<1x16xf32> to vector<16xf32>
        %add3A_852 = arith.addf %add3A_810, %get3A_851 : vector<16xf32>
        %get3A_853 = arith.index_cast %add3A_847 : i32 to index
        %get3A_854 = arith.constant 16 : index
        %get3A_855 = tpu.vector_load %arg9[%get3A_853, %get3A_854] {strides = array<i32>} : memref<64x128xf32, #tpu.memory_space<vmem>>, vector<1x16xf32>,
        %get3A_856 = vector.shape_cast %get3A_855 : vector<1x16xf32> to vector<16xf32>
        %add3A_857 = arith.addf %add3A_815, %get3A_856 : vector<16xf32>
        %get3A_858 = arith.index_cast %add3A_847 : i32 to index
        %get3A_859 = arith.constant 32 : index
        %get3A_860 = tpu.vector_load %arg9[%get3A_858, %get3A_859] {strides = array<i32>} : memref<64x128xf32, #tpu.memory_space<vmem>>, vector<1x16xf32>,
        %get3A_861 = vector.shape_cast %get3A_860 : vector<1x16xf32> to vector<16xf32>
        %add3A_862 = arith.addf %add3A_820, %get3A_861 : vector<16xf32>
        %get3A_863 = arith.index_cast %add3A_847 : i32 to index
        %get3A_864 = arith.constant 48 : index
        %get3A_865 = tpu.vector_load %arg9[%get3A_863, %get3A_864] {strides = array<i32>} : memref<64x128xf32, #tpu.memory_space<vmem>>, vector<1x16xf32>,
        %get3A_866 = vector.shape_cast %get3A_865 : vector<1x16xf32> to vector<16xf32>
        %add3A_867 = arith.addf %add3A_825, %get3A_866 : vector<16xf32>
        %get3A_868 = arith.index_cast %add3A_847 : i32 to index
        %get3A_869 = arith.constant 64 : index
        %get3A_870 = tpu.vector_load %arg9[%get3A_868, %get3A_869] {strides = array<i32>} : memref<64x128xf32, #tpu.memory_space<vmem>>, vector<1x16xf32>,
        %get3A_871 = vector.shape_cast %get3A_870 : vector<1x16xf32> to vector<16xf32>
        %add3A_872 = arith.addf %add3A_830, %get3A_871 : vector<16xf32>
        %get3A_873 = arith.index_cast %add3A_847 : i32 to index
        %get3A_874 = arith.constant 80 : index
        %get3A_875 = tpu.vector_load %arg9[%get3A_873, %get3A_874] {strides = array<i32>} : memref<64x128xf32, #tpu.memory_space<vmem>>, vector<1x16xf32>,
        %get3A_876 = vector.shape_cast %get3A_875 : vector<1x16xf32> to vector<16xf32>
        %add3A_877 = arith.addf %add3A_835, %get3A_876 : vector<16xf32>
        %get3A_878 = arith.index_cast %add3A_847 : i32 to index
        %get3A_879 = arith.constant 96 : index
        %get3A_880 = tpu.vector_load %arg9[%get3A_878, %get3A_879] {strides = array<i32>} : memref<64x128xf32, #tpu.memory_space<vmem>>, vector<1x16xf32>,
        %get3A_881 = vector.shape_cast %get3A_880 : vector<1x16xf32> to vector<16xf32>
        %add3A_882 = arith.addf %add3A_840, %get3A_881 : vector<16xf32>
        %get3A_883 = arith.index_cast %add3A_847 : i32 to index
        %get3A_884 = arith.constant 112 : index
        %get3A_885 = tpu.vector_load %arg9[%get3A_883, %get3A_884] {strides = array<i32>} : memref<64x128xf32, #tpu.memory_space<vmem>>, vector<1x16xf32>,
        %get3A_886 = vector.shape_cast %get3A_885 : vector<1x16xf32> to vector<16xf32>
        %add3A_887 = arith.addf %add3A_845, %get3A_886 : vector<16xf32>
        %add3A_888 = arith.constant 6 : i32
        %add3A_889 = arith.addi %add3A_636, %add3A_888 : i32
        %get3A_890 = arith.index_cast %add3A_889 : i32 to index
        %get3A_891 = arith.constant 0 : index
        %get3A_892 = tpu.vector_load %arg9[%get3A_890, %get3A_891] {strides = array<i32>} : memref<64x128xf32, #tpu.memory_space<vmem>>, vector<1x16xf32>,
        %get3A_893 = vector.shape_cast %get3A_892 : vector<1x16xf32> to vector<16xf32>
        %add3A_894 = arith.addf %add3A_852, %get3A_893 : vector<16xf32>
        %get3A_895 = arith.index_cast %add3A_889 : i32 to index
        %get3A_896 = arith.constant 16 : index
        %get3A_897 = tpu.vector_load %arg9[%get3A_895, %get3A_896] {strides = array<i32>} : memref<64x128xf32, #tpu.memory_space<vmem>>, vector<1x16xf32>,
        %get3A_898 = vector.shape_cast %get3A_897 : vector<1x16xf32> to vector<16xf32>
        %add3A_899 = arith.addf %add3A_857, %get3A_898 : vector<16xf32>
        %get3A_900 = arith.index_cast %add3A_889 : i32 to index
        %get3A_901 = arith.constant 32 : index
        %get3A_902 = tpu.vector_load %arg9[%get3A_900, %get3A_901] {strides = array<i32>} : memref<64x128xf32, #tpu.memory_space<vmem>>, vector<1x16xf32>,
        %get3A_903 = vector.shape_cast %get3A_902 : vector<1x16xf32> to vector<16xf32>
        %add3A_904 = arith.addf %add3A_862, %get3A_903 : vector<16xf32>
        %get3A_905 = arith.index_cast %add3A_889 : i32 to index
        %get3A_906 = arith.constant 48 : index
        %get3A_907 = tpu.vector_load %arg9[%get3A_905, %get3A_906] {strides = array<i32>} : memref<64x128xf32, #tpu.memory_space<vmem>>, vector<1x16xf32>,
        %get3A_908 = vector.shape_cast %get3A_907 : vector<1x16xf32> to vector<16xf32>
        %add3A_909 = arith.addf %add3A_867, %get3A_908 : vector<16xf32>
        %get3A_910 = arith.index_cast %add3A_889 : i32 to index
        %get3A_911 = arith.constant 64 : index
        %get3A_912 = tpu.vector_load %arg9[%get3A_910, %get3A_911] {strides = array<i32>} : memref<64x128xf32, #tpu.memory_space<vmem>>, vector<1x16xf32>,
        %get3A_913 = vector.shape_cast %get3A_912 : vector<1x16xf32> to vector<16xf32>
        %add3A_914 = arith.addf %add3A_872, %get3A_913 : vector<16xf32>
        %get3A_915 = arith.index_cast %add3A_889 : i32 to index
        %get3A_916 = arith.constant 80 : index
        %get3A_917 = tpu.vector_load %arg9[%get3A_915, %get3A_916] {strides = array<i32>} : memref<64x128xf32, #tpu.memory_space<vmem>>, vector<1x16xf32>,
        %get3A_918 = vector.shape_cast %get3A_917 : vector<1x16xf32> to vector<16xf32>
        %add3A_919 = arith.addf %add3A_877, %get3A_918 : vector<16xf32>
        %get3A_920 = arith.index_cast %add3A_889 : i32 to index
        %get3A_921 = arith.constant 96 : index
        %get3A_922 = tpu.vector_load %arg9[%get3A_920, %get3A_921] {strides = array<i32>} : memref<64x128xf32, #tpu.memory_space<vmem>>, vector<1x16xf32>,
        %get3A_923 = vector.shape_cast %get3A_922 : vector<1x16xf32> to vector<16xf32>
        %add3A_924 = arith.addf %add3A_882, %get3A_923 : vector<16xf32>
        %get3A_925 = arith.index_cast %add3A_889 : i32 to index
        %get3A_926 = arith.constant 112 : index
        %get3A_927 = tpu.vector_load %arg9[%get3A_925, %get3A_926] {strides = array<i32>} : memref<64x128xf32, #tpu.memory_space<vmem>>, vector<1x16xf32>,
        %get3A_928 = vector.shape_cast %get3A_927 : vector<1x16xf32> to vector<16xf32>
        %add3A_929 = arith.addf %add3A_887, %get3A_928 : vector<16xf32>
        %add3A_930 = arith.constant 7 : i32
        %add3A_931 = arith.addi %add3A_636, %add3A_930 : i32
        %get3A_932 = arith.index_cast %add3A_931 : i32 to index
        %get3A_933 = arith.constant 0 : index
        %get3A_934 = tpu.vector_load %arg9[%get3A_932, %get3A_933] {strides = array<i32>} : memref<64x128xf32, #tpu.memory_space<vmem>>, vector<1x16xf32>,
        %get3A_935 = vector.shape_cast %get3A_934 : vector<1x16xf32> to vector<16xf32>
        %add3A_936 = arith.addf %add3A_894, %get3A_935 : vector<16xf32>
        %get3A_937 = arith.index_cast %add3A_931 : i32 to index
        %get3A_938 = arith.constant 16 : index
        %get3A_939 = tpu.vector_load %arg9[%get3A_937, %get3A_938] {strides = array<i32>} : memref<64x128xf32, #tpu.memory_space<vmem>>, vector<1x16xf32>,
        %get3A_940 = vector.shape_cast %get3A_939 : vector<1x16xf32> to vector<16xf32>
        %add3A_941 = arith.addf %add3A_899, %get3A_940 : vector<16xf32>
        %get3A_942 = arith.index_cast %add3A_931 : i32 to index
        %get3A_943 = arith.constant 32 : index
        %get3A_944 = tpu.vector_load %arg9[%get3A_942, %get3A_943] {strides = array<i32>} : memref<64x128xf32, #tpu.memory_space<vmem>>, vector<1x16xf32>,
        %get3A_945 = vector.shape_cast %get3A_944 : vector<1x16xf32> to vector<16xf32>
        %add3A_946 = arith.addf %add3A_904, %get3A_945 : vector<16xf32>
        %get3A_947 = arith.index_cast %add3A_931 : i32 to index
        %get3A_948 = arith.constant 48 : index
        %get3A_949 = tpu.vector_load %arg9[%get3A_947, %get3A_948] {strides = array<i32>} : memref<64x128xf32, #tpu.memory_space<vmem>>, vector<1x16xf32>,
        %get3A_950 = vector.shape_cast %get3A_949 : vector<1x16xf32> to vector<16xf32>
        %add3A_951 = arith.addf %add3A_909, %get3A_950 : vector<16xf32>
        %get3A_952 = arith.index_cast %add3A_931 : i32 to index
        %get3A_953 = arith.constant 64 : index
        %get3A_954 = tpu.vector_load %arg9[%get3A_952, %get3A_953] {strides = array<i32>} : memref<64x128xf32, #tpu.memory_space<vmem>>, vector<1x16xf32>,
        %get3A_955 = vector.shape_cast %get3A_954 : vector<1x16xf32> to vector<16xf32>
        %add3A_956 = arith.addf %add3A_914, %get3A_955 : vector<16xf32>
        %get3A_957 = arith.index_cast %add3A_931 : i32 to index
        %get3A_958 = arith.constant 80 : index
        %get3A_959 = tpu.vector_load %arg9[%get3A_957, %get3A_958] {strides = array<i32>} : memref<64x128xf32, #tpu.memory_space<vmem>>, vector<1x16xf32>,
        %get3A_960 = vector.shape_cast %get3A_959 : vector<1x16xf32> to vector<16xf32>
        %add3A_961 = arith.addf %add3A_919, %get3A_960 : vector<16xf32>
        %get3A_962 = arith.index_cast %add3A_931 : i32 to index
        %get3A_963 = arith.constant 96 : index
        %get3A_964 = tpu.vector_load %arg9[%get3A_962, %get3A_963] {strides = array<i32>} : memref<64x128xf32, #tpu.memory_space<vmem>>, vector<1x16xf32>,
        %get3A_965 = vector.shape_cast %get3A_964 : vector<1x16xf32> to vector<16xf32>
        %add3A_966 = arith.addf %add3A_924, %get3A_965 : vector<16xf32>
        %get3A_967 = arith.index_cast %add3A_931 : i32 to index
        %get3A_968 = arith.constant 112 : index
        %get3A_969 = tpu.vector_load %arg9[%get3A_967, %get3A_968] {strides = array<i32>} : memref<64x128xf32, #tpu.memory_space<vmem>>, vector<1x16xf32>,
        %get3A_970 = vector.shape_cast %get3A_969 : vector<1x16xf32> to vector<16xf32>
        %add3A_971 = arith.addf %add3A_929, %get3A_970 : vector<16xf32>
        scf.yield %add3A_936, %add3A_941, %add3A_946, %add3A_951, %add3A_956, %add3A_961, %add3A_966, %add3A_971 : vector<16xf32>, vector<16xf32>, vector<16xf32>, vector<16xf32>, vector<16xf32>, vector<16xf32>, vector<16xf32>, vector<16xf32>
      }
      %scan3A_574 = arith.constant 4 : i32
      %mul3A_575 = arith.constant 2 : i32
      %mul3A_576 = arith.muli %add3A_479, %mul3A_575 : i32
      %add3A_577 = arith.constant 1 : i32
      %add3A_578 = arith.addi %mul3A_576, %add3A_577 : i32
      %swap3A_579 = arith.index_cast %add3A_578 : i32 to index
      %swap3A_580 = arith.constant 0 : index
      %swap3A_581 = tpu.vector_load %arg10[%swap3A_579, %swap3A_580] {strides = array<i32>} : memref<320x128xf32, #tpu.memory_space<vmem>>, vector<1x16xf32>,
      %swap3A_582 = vector.shape_cast %swap3A_581 : vector<1x16xf32> to vector<16xf32>
      %swap3A_583 = vector.shape_cast %scan3A_573#0 : vector<16xf32> to vector<1x16xf32>
      tpu.vector_store %arg10[%swap3A_579, %swap3A_580], %swap3A_583 {strides = array<i32>} : memref<320x128xf32, #tpu.memory_space<vmem>>, vector<1x16xf32>,
      %swap3A_584 = arith.index_cast %add3A_578 : i32 to index
      %swap3A_585 = arith.constant 16 : index
      %swap3A_586 = tpu.vector_load %arg10[%swap3A_584, %swap3A_585] {strides = array<i32>} : memref<320x128xf32, #tpu.memory_space<vmem>>, vector<1x16xf32>,
      %swap3A_587 = vector.shape_cast %swap3A_586 : vector<1x16xf32> to vector<16xf32>
      %swap3A_588 = vector.shape_cast %scan3A_573#1 : vector<16xf32> to vector<1x16xf32>
      tpu.vector_store %arg10[%swap3A_584, %swap3A_585], %swap3A_588 {strides = array<i32>} : memref<320x128xf32, #tpu.memory_space<vmem>>, vector<1x16xf32>,
      %swap3A_589 = arith.index_cast %add3A_578 : i32 to index
      %swap3A_590 = arith.constant 32 : index
      %swap3A_591 = tpu.vector_load %arg10[%swap3A_589, %swap3A_590] {strides = array<i32>} : memref<320x128xf32, #tpu.memory_space<vmem>>, vector<1x16xf32>,
      %swap3A_592 = vector.shape_cast %swap3A_591 : vector<1x16xf32> to vector<16xf32>
      %swap3A_593 = vector.shape_cast %scan3A_573#2 : vector<16xf32> to vector<1x16xf32>
      tpu.vector_store %arg10[%swap3A_589, %swap3A_590], %swap3A_593 {strides = array<i32>} : memref<320x128xf32, #tpu.memory_space<vmem>>, vector<1x16xf32>,
      %swap3A_594 = arith.index_cast %add3A_578 : i32 to index
      %swap3A_595 = arith.constant 48 : index
      %swap3A_596 = tpu.vector_load %arg10[%swap3A_594, %swap3A_595] {strides = array<i32>} : memref<320x128xf32, #tpu.memory_space<vmem>>, vector<1x16xf32>,
      %swap3A_597 = vector.shape_cast %swap3A_596 : vector<1x16xf32> to vector<16xf32>
      %swap3A_598 = vector.shape_cast %scan3A_573#3 : vector<16xf32> to vector<1x16xf32>
      tpu.vector_store %arg10[%swap3A_594, %swap3A_595], %swap3A_598 {strides = array<i32>} : memref<320x128xf32, #tpu.memory_space<vmem>>, vector<1x16xf32>,
      %swap3A_599 = arith.index_cast %add3A_578 : i32 to index
      %swap3A_600 = arith.constant 64 : index
      %swap3A_601 = tpu.vector_load %arg10[%swap3A_599, %swap3A_600] {strides = array<i32>} : memref<320x128xf32, #tpu.memory_space<vmem>>, vector<1x16xf32>,
      %swap3A_602 = vector.shape_cast %swap3A_601 : vector<1x16xf32> to vector<16xf32>
      %swap3A_603 = vector.shape_cast %scan3A_573#4 : vector<16xf32> to vector<1x16xf32>
      tpu.vector_store %arg10[%swap3A_599, %swap3A_600], %swap3A_603 {strides = array<i32>} : memref<320x128xf32, #tpu.memory_space<vmem>>, vector<1x16xf32>,
      %swap3A_604 = arith.index_cast %add3A_578 : i32 to index
      %swap3A_605 = arith.constant 80 : index
      %swap3A_606 = tpu.vector_load %arg10[%swap3A_604, %swap3A_605] {strides = array<i32>} : memref<320x128xf32, #tpu.memory_space<vmem>>, vector<1x16xf32>,
      %swap3A_607 = vector.shape_cast %swap3A_606 : vector<1x16xf32> to vector<16xf32>
      %swap3A_608 = vector.shape_cast %scan3A_573#5 : vector<16xf32> to vector<1x16xf32>
      tpu.vector_store %arg10[%swap3A_604, %swap3A_605], %swap3A_608 {strides = array<i32>} : memref<320x128xf32, #tpu.memory_space<vmem>>, vector<1x16xf32>,
      %swap3A_609 = arith.index_cast %add3A_578 : i32 to index
      %swap3A_610 = arith.constant 96 : index
      %swap3A_611 = tpu.vector_load %arg10[%swap3A_609, %swap3A_610] {strides = array<i32>} : memref<320x128xf32, #tpu.memory_space<vmem>>, vector<1x16xf32>,
      %swap3A_612 = vector.shape_cast %swap3A_611 : vector<1x16xf32> to vector<16xf32>
      %swap3A_613 = vector.shape_cast %scan3A_573#6 : vector<16xf32> to vector<1x16xf32>
      tpu.vector_store %arg10[%swap3A_609, %swap3A_610], %swap3A_613 {strides = array<i32>} : memref<320x128xf32, #tpu.memory_space<vmem>>, vector<1x16xf32>,
      %swap3A_614 = arith.index_cast %add3A_578 : i32 to index
      %swap3A_615 = arith.constant 112 : index
      %swap3A_616 = tpu.vector_load %arg10[%swap3A_614, %swap3A_615] {strides = array<i32>} : memref<320x128xf32, #tpu.memory_space<vmem>>, vector<1x16xf32>,
      %swap3A_617 = vector.shape_cast %swap3A_616 : vector<1x16xf32> to vector<16xf32>
      %swap3A_618 = vector.shape_cast %scan3A_573#7 : vector<16xf32> to vector<1x16xf32>
      tpu.vector_store %arg10[%swap3A_614, %swap3A_615], %swap3A_618 {strides = array<i32>} : memref<320x128xf32, #tpu.memory_space<vmem>>, vector<1x16xf32>,
      %lt3A_619 = arith.constant 39 : i32
      %lt3A_620 = arith.cmpi slt, %scan3A_37, %lt3A_619 : i32
      %convert_element_type3A_621 = arith.extui %lt3A_620 : i1 to i32
      %cond3A_622 = arith.constant 0 : i32
      %cond3A_623 = arith.cmpi ne, %convert_element_type3A_621, %cond3A_622 : i32
      scf.if %cond3A_623 {
        %add3A_624 = arith.constant 4 : i32
        %add3A_625 = arith.addi %add3A_479, %add3A_624 : i32
        %dma_start3A_626 = arith.constant 0 : i32
        %dma_start3A_627 = tpu.memref_slice %arg5[%add3A_625, %dma_start3A_626] : memref<160x64xi32, #tpu.memory_space<vmem>> -> memref<1x64xi32, #tpu.memory_space<vmem>>
        %dma_start3A_628 = tpu.memref_squeeze %dma_start3A_627 : memref<1x64xi32, #tpu.memory_space<vmem>> -> memref<64xi32, #tpu.memory_space<vmem>>
        %dma_start3A_629 = arith.constant 0 : i32
        %dma_start3A_630 = arith.constant 0 : i32
        %dma_start3A_631 = tpu.memref_slice %arg2[%dma_start3A_629, %dma_start3A_630] : memref<10000x128xf32, #tpu.memory_space<hbm>> -> memref<10000x128xf32, #tpu.memory_space<hbm>>
        tpu.enqueue_indirect_dma source(%dma_start3A_631 : memref<10000x128xf32, #tpu.memory_space<hbm>>) target(%arg9 : memref<64x128xf32, #tpu.memory_space<vmem>>) offsets(%dma_start3A_628 : memref<64xi32, #tpu.memory_space<vmem>>) semaphore(%arg14 : memref<!tpu.dma_semaphore, #tpu.memory_space<semaphore_mem>>)
      } else {
      }
    }
    %scan3A_34 = arith.constant 40 : i32
    %mul3A_35 = arith.constant 2 : i32
    %mul3A_36 = arith.muli %mul3A_2, %mul3A_35 : i32
    "tpu.region"() ({
      %run_scoped3A = tpu.sem_alloc : memref<!tpu.dma_semaphore, #tpu.memory_space<semaphore_mem>>
      %dma_start3A_37 = arith.constant 0 : i32
      %dma_start3A_38 = tpu.memref_slice %arg4[%mul3A_36, %dma_start3A_37] : memref<10240x128xf32, #tpu.memory_space<hbm>> -> memref<320x128xf32, #tpu.memory_space<hbm>>
      %dma_start3A_39 = arith.constant 0 : i32
      %dma_start3A_40 = tpu.memref_slice %arg4[%mul3A_36, %dma_start3A_39] : memref<10240x128xf32, #tpu.memory_space<hbm>> -> memref<320x128xf32, #tpu.memory_space<hbm>>
      tpu.enqueue_dma source(%arg10 : memref<320x128xf32, #tpu.memory_space<vmem>>) target(%dma_start3A_40 : memref<320x128xf32, #tpu.memory_space<hbm>>) target_semaphore(%run_scoped3A : memref<!tpu.dma_semaphore, #tpu.memory_space<semaphore_mem>>)
      %dma_wait3A = arith.constant 0 : i32
      %dma_wait3A_41 = tpu.memref_slice %arg4[%mul3A_36, %dma_wait3A] : memref<10240x128xf32, #tpu.memory_space<hbm>> -> memref<320x128xf32, #tpu.memory_space<hbm>>
      %dma_wait3A_42 = arith.constant 0 : i32
      %dma_wait3A_43 = tpu.memref_slice %arg4[%mul3A_36, %dma_wait3A_42] : memref<10240x128xf32, #tpu.memory_space<hbm>> -> memref<320x128xf32, #tpu.memory_space<hbm>>
      tpu.wait_dma2 semaphore(%run_scoped3A : memref<!tpu.dma_semaphore, #tpu.memory_space<semaphore_mem>>) src(%arg10 : memref<320x128xf32, #tpu.memory_space<vmem>>) dst(%dma_wait3A_43 : memref<320x128xf32, #tpu.memory_space<hbm>>)
      tpu.yield
    }) : () -> ()
    return
  }
}

module attributes {stable_mosaic.version = 14 : i64} {
  func.func @_conv_body(%arg0: i32, %arg1: memref<1xf32, #tpu.memory_space<smem>>, %arg2: memref<1024x128xf32, #tpu.memory_space<vmem>>, %arg3: memref<1024x128xf32, #tpu.memory_space<vmem>>, %arg4: memref<128x128xf32, #tpu.memory_space<vmem>>, %arg5: memref<1x128xf32, #tpu.memory_space<vmem>>, %arg6: memref<1024x128xf32, #tpu.memory_space<vmem>>) attributes {dimension_semantics = [#tpu.dimension_semantics<arbitrary>], iteration_bounds = array<i64: 10>, scalar_prefetch = 0 : i64, scratch_operands = 0 : i64, tpu.core_type = #tpu.core_type<tc>, window_params = [{transform_indices = @transform_0, window_bounds = array<i64: 1>}, {transform_indices = @transform_1, window_bounds = array<i64: 1024, 128>}, {transform_indices = @transform_2, window_bounds = array<i64: 1024, 128>}, {pipeline_mode = #tpu.pipeline_mode<synchronous>, transform_indices = @transform_3, window_bounds = array<i64: 128, 128>}, {pipeline_mode = #tpu.pipeline_mode<synchronous>, transform_indices = @transform_4, window_bounds = array<i64: 1, 128>}, {transform_indices = @transform_5, window_bounds = array<i64: 1024, 128>}]} {
    %get3A = arith.constant 0 : index
    %get3A_0 = memref.load %arg1[%get3A] : memref<1xf32, #tpu.memory_space<smem>>
    %add3A = arith.constant 1.000000e+00 : f32
    %add3A_1 = arith.addf %add3A, %get3A_0 : f32
    %get3A_2 = arith.constant 0 : index
    %get3A_3 = arith.constant 0 : index
    %get3A_4 = vector.load %arg2[%get3A_2, %get3A_3] : memref<1024x128xf32, #tpu.memory_space<vmem>>, vector<1024x128xf32>
    %mul3A = vector.broadcast %add3A_1 : f32 to vector<1024x128xf32>
    %mul3A_5 = arith.mulf %mul3A, %get3A_4 : vector<1024x128xf32>
    %get3A_6 = arith.constant 0 : index
    %get3A_7 = arith.constant 0 : index
    %get3A_8 = vector.load %arg3[%get3A_6, %get3A_7] : memref<1024x128xf32, #tpu.memory_space<vmem>>, vector<1024x128xf32>
    %add3A_9 = arith.addf %mul3A_5, %get3A_8 : vector<1024x128xf32>
    %get3A_10 = arith.constant 0 : index
    %get3A_11 = arith.constant 0 : index
    %get3A_12 = vector.load %arg4[%get3A_10, %get3A_11] : memref<128x128xf32, #tpu.memory_space<vmem>>, vector<128x128xf32>
    %dot_general3A = arith.constant dense<0.000000e+00> : vector<1024x128xf32>
    %dot_general3A_13 = tpu.matmul %add3A_9, %get3A_12, %dot_general3A {dimension_numbers = #tpu.dot_dimension_numbers<[1], [1], [0], [0], [0, 0, 1, 0], [], []>, transpose_lhs_hint = false} : vector<1024x128xf32>, vector<128x128xf32>, vector<1024x128xf32> -> vector<1024x128xf32>
    %get3A_14 = arith.constant 0 : index
    %get3A_15 = arith.constant 0 : index
    %get3A_16 = vector.load %arg5[%get3A_14, %get3A_15] : memref<1x128xf32, #tpu.memory_space<vmem>>, vector<1x128xf32>
    %add3A_17 = vector.broadcast %get3A_16 : vector<1x128xf32> to vector<1024x128xf32>
    %add3A_18 = arith.addf %dot_general3A_13, %add3A_17 : vector<1024x128xf32>
    %max3A = arith.constant 0.000000e+00 : f32
    %max3A_19 = vector.broadcast %max3A : f32 to vector<1024x128xf32>
    %max3A_20 = arith.maximumf %add3A_18, %max3A_19 : vector<1024x128xf32>
    %swap3A = arith.constant 0 : index
    %swap3A_21 = arith.constant 0 : index
    %swap3A_22 = vector.load %arg6[%swap3A, %swap3A_21] : memref<1024x128xf32, #tpu.memory_space<vmem>>, vector<1024x128xf32>
    tpu.vector_store %arg6[%swap3A, %swap3A_21], %max3A_20 {strides = array<i32>} : memref<1024x128xf32, #tpu.memory_space<vmem>>, vector<1024x128xf32>,
    return
  }
  func.func @transform_0(%arg0: i32) -> i32 {
    %c0_i32 = arith.constant 0 : i32
    %c0_i32_0 = arith.constant 0 : i32
    return %c0_i32 : i32
  }
  func.func @transform_1(%arg0: i32) -> (i32, i32) {
    %c0_i32 = arith.constant 0 : i32
    %c0_i32_0 = arith.constant 0 : i32
    return %arg0, %c0_i32 : i32, i32
  }
  func.func @transform_2(%arg0: i32) -> (i32, i32) {
    %c0_i32 = arith.constant 0 : i32
    %c0_i32_0 = arith.constant 0 : i32
    return %arg0, %c0_i32 : i32, i32
  }
  func.func @transform_3(%arg0: i32) -> (i32, i32) {
    %c0_i32 = arith.constant 0 : i32
    %c0_i32_0 = arith.constant 0 : i32
    %c0_i32_1 = arith.constant 0 : i32
    return %c0_i32, %c0_i32_0 : i32, i32
  }
  func.func @transform_4(%arg0: i32) -> (i32, i32) {
    %c0_i32 = arith.constant 0 : i32
    %c0_i32_0 = arith.constant 0 : i32
    %c0_i32_1 = arith.constant 0 : i32
    return %c0_i32, %c0_i32_0 : i32, i32
  }
  func.func @transform_5(%arg0: i32) -> (i32, i32) {
    %c0_i32 = arith.constant 0 : i32
    %c0_i32_0 = arith.constant 0 : i32
    return %arg0, %c0_i32 : i32, i32
  }
}

</mosaic_0001>

<sc_bundles>
// kernel: kernel.4.cloned.1.call-start
scs
__scs_entry_jumppad:
0x0: {  	(pc) =	sbr.rel $0x88, $3  }
0x1: {  	(tag) =	ssettag $0x0;
	lr =	simm.s32 $0x1  }
0x2: {  	[smem:$0x3F9C] =	sst lr;
	_ =	strace $0xD0000000  }
0x3: {  	_ = 	snop  }
0x4: {  	_ = 	snop  }
0x5: {  	_ = 	snop  }
0x6: {  	_ = 	snop  }
0x7: {  	_ = 	snop  }
__scs_overlays_trampoline_lowered:
0x8: {  	[smem:$0x3FAB] =	sst s0  }
0x9: {  	[smem:$0x3FAC] =	sst s1  }
0xa: {  	[smem:$0x3FAD] =	sst s2  }
0xb: {  	[smem:$0x3FAE] =	sst s3  }
0xc: {  	[smem:$0x3FAF] =	sst s4  }
0xd: {  	[smem:$0x3FB0] =	sst s5  }
0xe: {  	[smem:$0x3FB1] =	sst s6  }
0xf: {  	[smem:$0x3FB2] =	sst s7  }
0x10: {  	[smem:$0x3FB3] =	sst s8  }
0x11: {  	[smem:$0x3FB4] =	sst s9;
	s0 =	simm.s32 @!p0 $0x0  }
0x12: {  	s1 =	sld [smem:$0x3F9A];
	s0 =	simm.s32 @p0 $0x1  }
0x13: {  	[smem:$0x3FB5] =	sst s0;
	s0 =	simm.s32 @!p1 $0x0  }
0x14: {  	s2 =	sld [smem:$0x3F99];
	s0 =	simm.s32 @p1 $0x1  }
0x15: {  	[smem:$0x3FB6] =	sst s0;
	s0 =	simm.s32 @!p2 $0x0  }
0x16: {  	s3 =	sld [smem:$0x3FDB];
	s0 =	simm.s32 @p2 $0x1  }
0x17: {  	s4 =	simm.s32 $0x1BF5;
	[smem:$0x3FB8] =	sst s0  }
0x18: {  	s0 =	sld [smem:$0x3F9B];
	_ =	swait.ge [sflag:s4], $0x0  }
0x19: {  	s7 =	sld [smem:$0x3F9C]  }
0x1a: {  	s8 =	sadd.s32 $0xFFFFE003, lr  }
0x1b: {  	s9 =	sadd.s32 $0xFFFFFEF7, lr;
	s5 =	simm.s32 $0xFFFFFFFF;
	p2 =	slt.u32 s8, $0xFFFFF086  }
0x1c: {  	p1 =	slt.u32 s9, $0xF7A;
	s5 =	simm.s32 @!p2 $0x0  }
0x1d: {  	s5 =	simm.s32 @p1 $0x1;
	p0 =	seq.s32 s7, s2  }
0x1e: {  	s7 =	smul.u32 @!p0 $0xF7A, s2;
	p2 =	seq.s32 @!p0 s5, $0x0  }
0x1f: {  	s9 =	smul.u32 $0xF7A, s1;
	s8 =	simm.s32 @!p0 $0x1BF5;
	p2 =	por !p2, p0  }
0x20: {  	[sflag:s8] =	ssyncset.s32 @!p0 $0xFFFFF086;
	s6 =	sadd.s32 @!p0 s3, s7;
	s7 =	simm.s32 @!p0 $0x108  }
0x21: {  	s3 =	sadd.s32 s3, s9;
	s6 =	sadd.s32 @!p0 $0x88, s6;
	s7 =	simm.s32 @p2 $0x1082  }
0x22: {  	[simem:s7], [sflag:s8] =	dma.local @!p0 [hbm:s6], $0xF7A  }
0x23: {  	s9 =	sor.u32 $0xD0000000, s2;
	s6 =	simm.s32 $0x108;
	_ =	swait.ge @!p0 [sflag:s8], $0x0  }
0x24: {  	s3 =	sadd.s32 $0x88, s3;
	s6 =	simm.s32 @!p1 $0x1082;
	[sflag:s4] =	ssyncset.s32 $0xFFFFF086  }
0x25: {  	[simem:s6], [sflag:s4] =	dma.local [hbm:s3], $0xF7A  }
0x26: {  	[smem:$0x3F9C] =	sst s1;
	(tag) =	ssettag s2;
	_ =	strace s9  }
0x27: {  	s1 =	sld [smem:$0x3FAC]  }
0x28: {  	s2 =	sld [smem:$0x3FAD]  }
0x29: {  	s4 =	sld [smem:$0x3FAF]  }
0x2a: {  	p0 =	seq.s32 s5, $0x0;
	s5 =	sld [smem:$0x3FB0]  }
0x2b: {  	s6 =	sld [smem:$0x3FB1]  }
0x2c: {  	s7 =	sld [smem:$0x3FB2]  }
0x2d: {  	s3 =	simm.s32 $0x108;
	s8 =	sld [smem:$0x3FB3]  }
0x2e: {  	s3 =	simm.s32 @!p0 $0x1082;
	s9 =	sld [smem:$0x3FB4]  }
0x2f: {  	lr =	sadd.s32 s0, s3;
	s0 =	sld [smem:$0x3FAB]  }
0x30: {  	s3 =	sld [smem:$0x3FAE]  }
0x31: {  	[smem:$0x3FB7] =	sst s10  }
0x32: {  	s10 =	sld [smem:$0x3FB5];
	_ =	sdelay $0x3  }
0x33: {  	p0 =	seq.s32 s10, $0x1;
	s10 =	sld [smem:$0x3FB7];
	_ =	sdelay $0x3  }
0x34: {  	[smem:$0x3FB7] =	sst s10  }
0x35: {  	s10 =	sld [smem:$0x3FB6];
	_ =	sdelay $0x3  }
0x36: {  	p1 =	seq.s32 s10, $0x1;
	s10 =	sld [smem:$0x3FB7];
	_ =	sdelay $0x3  }
0x37: {  	[smem:$0x3FB7] =	sst s10  }
0x38: {  	s10 =	sld [smem:$0x3FB8]  }
0x39: {  	_ = 	snop;
	(pc) =	sbr.ind lr, $3  }
0x3a: {  	_ = 	snop  }
0x3b: {  	_ = 	snop  }
0x3c: {  	p2 =	seq.s32 s10, $0x1;
	s10 =	sld [smem:$0x3FB7]  }
0x3d: {  	_ =	shalt  }
0x3e: {  	_ =	shalt  }
0x3f: {  	_ =	shalt  }
0x40: {  	_ =	shalt  }
0x41: {  	_ =	shalt  }
0x42: {  	_ =	shalt  }
0x43: {  	_ =	shalt  }
0x44: {  	_ =	shalt  }
0x45: {  	_ =	shalt  }
0x46: {  	_ =	shalt  }
0x47: {  	_ =	shalt  }
0x48: {  	_ =	shalt  }
0x49: {  	_ =	shalt  }
0x4a: {  	_ =	shalt  }
0x4b: {  	_ =	shalt  }
0x4c: {  	_ =	shalt  }
0x4d: {  	_ =	shalt  }
0x4e: {  	_ =	shalt  }
0x4f: {  	_ =	shalt  }
0x50: {  	_ =	shalt  }
0x51: {  	_ =	shalt  }
0x52: {  	_ =	shalt  }
0x53: {  	_ =	shalt  }
0x54: {  	_ =	shalt  }
0x55: {  	_ =	shalt  }
0x56: {  	_ =	shalt  }
0x57: {  	_ =	shalt  }
0x58: {  	_ =	shalt  }
0x59: {  	_ =	shalt  }
0x5a: {  	_ =	shalt  }
0x5b: {  	_ =	shalt  }
0x5c: {  	_ =	shalt  }
0x5d: {  	_ =	shalt  }
0x5e: {  	_ =	shalt  }
0x5f: {  	_ =	shalt  }
0x60: {  	_ =	shalt  }
0x61: {  	_ =	shalt  }
0x62: {  	_ =	shalt  }
0x63: {  	_ =	shalt  }
0x64: {  	_ =	shalt  }
0x65: {  	_ =	shalt  }
0x66: {  	_ =	shalt  }
0x67: {  	_ =	shalt  }
0x68: {  	_ =	shalt  }
0x69: {  	_ =	shalt  }
0x6a: {  	_ =	shalt  }
0x6b: {  	_ =	shalt  }
0x6c: {  	_ =	shalt  }
0x6d: {  	_ =	shalt  }
0x6e: {  	_ =	shalt  }
0x6f: {  	_ =	shalt  }
0x70: {  	_ =	shalt  }
0x71: {  	_ =	shalt  }
0x72: {  	_ =	shalt  }
0x73: {  	_ =	shalt  }
0x74: {  	_ =	shalt  }
0x75: {  	_ =	shalt  }
0x76: {  	_ =	shalt  }
0x77: {  	_ =	shalt  }
0x78: {  	_ =	shalt  }
0x79: {  	_ =	shalt  }
0x7a: {  	_ =	shalt  }
0x7b: {  	_ =	shalt  }
0x7c: {  	_ =	shalt  }
0x7d: {  	_ =	shalt  }
0x7e: {  	_ =	shalt  }
0x7f: {  	_ =	shalt  }
0x80: {  	_ =	shalt  }
0x81: {  	_ =	shalt  }
0x82: {  	_ =	shalt  }
0x83: {  	_ =	shalt  }
0x84: {  	_ =	shalt  }
0x85: {  	_ =	shalt  }
0x86: {  	_ =	shalt  }
0x87: {  	_ =	shalt  }
.Lfunc_end0:
.L_simem_size_0:
called_computation_lowered:
.L_overlay_start_0:
0x88: {  	s2 =	sld [smem:$0x3FD9]  }
0x89: {  	s3 =	sld [smem:$0x3FFE];
	_ =	sdelay $0x1  }
0x8a: {  	s1 =	srdreg.scid  }
0x8b: {  	s0 =	sand.u32 $0x1, s1  }
0x8c: {  	s17 =	sshll.u32 s0, $0xA;
	s2 =	sadd.s32 s3, s2  }
0x8d: {  	s2 =	sadd.s32 s2, s17  }
0x8e: {  	[smem:$0x3FC3] =	sst s2  }
0x8f: {  	_ = 	snop  }
0x90: {  	s2 =	sld [smem:$0x3FC9]  }
0x91: {  	s18 =	sld [smem:$0x3FD0];
	(tm) =	ssettm $0x1  }
0x92: {  	s4 =	sld [smem:$0x3FFB];
	_ =	sdelay $0x3  }
0x93: {  	_ =	strace s4  }
0x94: {  	s4 =	sld [smem:$0x3FFC];
	_ =	sdelay $0x3  }
0x95: {  	_ =	strace s4  }
0x96: {  	s4 =	sld [smem:$0x3FFD];
	_ =	sdelay $0x3  }
0x97: {  	_ =	strace s4  }
0x98: {  	_ =	strace $0x8FFFFFFF  }
0x99: {  	s19 =	sld [smem:$0x3FDB];
	_ =	sdelay $0x1  }
0x9a: {  	s5 =	simm.s32 $_scs_section_size  }
0x9b: {  	s6 =	simm.s32 $_size__tile_overlayer_lowered;
	s7 =	simm.s32 $_tile_overlayer_lowered  }
0x9c: {  	s22 =	simm.s32 $0x1BFF;
	s21 =	sshll.u32 s7, $0x1;
	s4 =	sadd.s32 s5, s19  }
0x9d: {  	s8 =	simm.s32 $0x0;
	s20 =	sshll.u32 s6, $0x1;
	s6 =	sadd.s32 s21, s4  }
0x9e: {  	[timem:s8], [sflag:s22] =	dma.local [hbm:s6], s20  }
0x9f: {  	_ =	swait.ge [sflag:s22], s20  }
0xa0: {  	s5 =	ssub.s32 $0x0, s20;
	[sflag:s22] =	ssyncset.done $0x0  }
0xa1: {  	[sflag:s22] =	ssyncadd.s32 s5;
	_ =	sdelay $0x1  }
0xa2: {  	s23 =	simm.s32 $0x1B8B  }
0xa3: {  	_ =	swait.ge [sflag:s23], $0x1  }
0xa4: {  	[sflag:s23] =	ssyncset.done $0x0  }
0xa5: {  	s25 =	simm.s32 $0x1B8E;
	s24 =	sld [smem:$0x3FFE];
	[sflag:s23] =	ssyncadd.s32 $0xFFFFFFFF  }
0xa6: {  	s26 =	simm.s32 $execute0_lowered;
	[smem:$0x3FD2] =	sst s25  }
0xa7: {  	s6 =	sshll.u32 s26, $0x1;
	_ =	strace $0x80000046;
	[dreg:$0x1] =	wrdreg $0xFFFFFFFF  }
0xa8: {  	s28 =	simm.s32 $_size_execute0_lowered;
	s4 =	sadd.s32 s4, s6;
	[dreg:$0x0] =	wrdreg $0x0  }
0xa9: {  	s6 =	sshll.u32 s28, $0x1;
	[dreg:$0x2] =	wrdreg s4  }
0xaa: {  	[dreg:$0x3] =	wrdreg s6  }
0xab: {  	[dreg:$0x4] =	wrdreg $0xC0  }
0xac: {  	_ =	task [dreg:s8], $0x5FFFF  }
0xad: {  	[dreg:$0x1] =	wrdreg $0xFFFFFFFF  }
0xae: {  	[dreg:$0x0] =	wrdreg $0x60  }
0xaf: {  	[dreg:$0x2] =	wrdreg s2  }
0xb0: {  	[dreg:$0x3] =	wrdreg s18  }
0xb1: {  	[dreg:$0x4] =	wrdreg s24  }
0xb2: {  	[dreg:$0x5] =	wrdreg $0x9  }
0xb3: {  	_ =	task.clear_ibuf [dreg:s8], $0x6FFFF;
	_ =	strace $0x90000046  }
0xb4: {  	s29 =	simm.s32 $0x9;
	_ =	strace $0x80000048  }
0xb5: {  	_ =	swait.ge [sflag:s29], $0x1  }
0xb6: {  	[sflag:s29] =	ssyncadd.s32 $0xFFFFFFFF  }
0xb7: {  	_ =	strace $0x90000048  }
0xb8: {  	_ =	sfence  }
0xb9: {  	s30 =	sld [smem:$0x0];
	_ =	sdelay $0x2  }
0xba: {  	s31 =	sshll.u32 s1, $0xD;
	s1 =	sshrl.u32 s1, $0x2  }
0xbb: {  	s3 =	sand.u32 $0x4000, s31;
	s1 =	sadd.s32 s1, s30  }
0xbc: {  	s0 =	sor.u32 s3, s0;
	s1 =	sshll.u32 s1, $0x11  }
0xbd: {  	s0 =	sor.u32 s1, s0  }
0xbe: {  	s0 =	sadd.s32 $0x8F2B, s0  }
0xbf: {  	[sflag:s0] =	ssyncadd.remote.s32 $0x1  }
0xc0: {  	_ =	sfence.sel $0xFFFF  }
0xc1: {  	[dreg:$0x0] =	wrdreg $0xFFFFFFFF;
	(pc) =	sbr.abs _section_cstart, $3  }
0xc2: {  	[dreg:$0x1] =	wrdreg $0xFFFFFFFF  }
0xc3: {  	_ =	task.clear_ibuf [dreg:s8], $0x2FFFF;
	_ =	strace $0x9FFFFFFF  }
0xc4: {  	(tm) =	ssettm $0x7FFFFFFF  }
0xc5: {  	_ =	shalt  }
tec
execute0_lowered:
.L_overlay_start_1:
0x0: {  	(tag) =	ssettag $0x1  }
0x1: {  	s0 =	rddreg [dreg:$0x0]  }
0x2: {  	s4 =	rddreg [dreg:$0x1]  }
0x3: {  	s1 =	srdreg.scid;
	s6 =	rddreg [dreg:$0x2]  }
0x4: {  	s2 =	stileid.u32;
	s10 =	simm.s32 $0x80;
	s11 =	simm.s32 $0x7000  }
0x5: {  	s12 =	simm.s32 $0x100;
	s13 =	simm.s32 $0x9000;
	s14 =	simm.s32 $0x180  }
0x6: {  	s15 =	simm.s32 $0xB000;
	s16 =	simm.s32 $0x1;
	s5 =	sand.u32 $0x1, s1  }
0x7: {  	s17 =	simm.s32 $0x2;
	s18 =	simm.s32 $0x3;
	s3 =	sshll.u32 s5, $0x4  }
0x8: {  	s19 =	simm.s32 $0x4;
	s20 =	simm.s32 $0xD000;
	s7 =	sor.u32 s2, s3  }
0x9: {  	s21 =	simm.s32 $0x0;
	s1 =	rddreg [dreg:$0x3];
	s8 =	smul.u32 $0x1400, s7  }
.Ltmp0:
0xa: {  	s5 =	ssub.s32 $0x2, s5;
	s3 =	simm.s32 $0x0;
	(pc) =	sbr.rel .LBB2_1-.Ltmp0, $4  }
0xb: {  	s9 =	sshrl.u32 s5, $0x1;
	[smem:$0x7FF] =	sst s3;
	s7 =	smul.u32 $0xA00, s7  }
0xc: {  	s31 =	ssub.s32 s5, s9;
	s9 =	simm.s32 $0x5000;
	_ =	strace $0x80000047  }
0xd: {  	s6 =	sadd.s32 s8, s6;
	s4 =	sadd.s32 s4, s7;
	s7 =	simm.s32 $0x5  }
0xe: {  	s8 =	simm.s32 $0x40;
	s5 =	sadd.s32 $0x1400, s6;
	s6 =	smax.u32 s31, $0x1  }
.LBB2_20:
0xf: {  	s21 =	sadd.s32 $0x1, s21  }
0x10: {  	p0 =	sne.s32 s21, s6  }
.Ltmp1:
0x11: {  	_ = 	snop;
	(pc) =	sbr.rel @!p0 .LBB2_21-.Ltmp1, $4  }
0x12: {  	[hbm4b:s5+s3] =	stream.linear.scatter [tilespmem:s20], [sflag:$0x5], $0xA000, $0x38;
	[tilespmem:$0x17000] =	vst v63  }
0x13: {  	_ =	swait.ge [sflag:s7], $0xA000  }
0x14: {  	[sflag:s7] =	ssyncset.done $0x0  }
0x15: {  	[sflag:s7] =	ssyncadd.s32 $0xFFFF6000  }
.LBB2_1:
0x16: {  	[tilespmem:s3], [sflag:$0x5] =	stream.linear.gather [hbm4b:s4+s3], $0x5000, $0x38;
	[tilespmem:$0x17000] =	vst v63  }
0x17: {  	_ =	swait.ge [sflag:s7], $0x5000  }
0x18: {  	[sflag:s7] =	ssyncset.done $0x0  }
0x19: {  	[sflag:s7] =	ssyncadd.s32 $0xFFFFB000  }
0x1a: {  	[tilespmem:s9], [sflag:$0x1] =	stream.indirect.gather [hbm4b:s0+s8], $0x80, s3, s8, $0xb8;
	[tilespmem:$0x17000] =	vst v63  }
0x1b: {  	_ = 	snop  }
0x1c: {  	[tilespmem:s11], [sflag:$0x2] =	stream.indirect.gather [hbm4b:s0+s8], $0x80, s10, s8, $0xb8;
	[tilespmem:$0x17000] =	vst v63  }
0x1d: {  	_ = 	snop  }
0x1e: {  	[tilespmem:s13], [sflag:$0x3] =	stream.indirect.gather [hbm4b:s0+s8], $0x80, s12, s8, $0xb8;
	[tilespmem:$0x17000] =	vst v63  }
0x1f: {  	s22 =	simm.s32 $0x0  }
0x20: {  	[tilespmem:s15], [sflag:$0x4] =	stream.indirect.gather [hbm4b:s0+s8], $0x80, s14, s8, $0xb8;
	[tilespmem:$0x17000] =	vst v63  }
.LBB2_2:
0x21: {  	_ =	swait.ge [sflag:s16], $0x2000  }
0x22: {  	[sflag:s16] =	ssyncset.done $0x0  }
0x23: {  	s23 =	simm.s32 $0x0;
	[sflag:s16] =	ssyncadd.s32 $0xFFFFE000  }
0x24: {  	v6 =	vld [tilespmem:s23+$0x5380]  }
0x25: {  	v7 =	vld [tilespmem:s23+$0x5390]  }
0x26: {  	v8 =	vld [tilespmem:s23+$0x53A0]  }
0x27: {  	v9 =	vld [tilespmem:s23+$0x53B0]  }
0x28: {  	v0 =	vld [tilespmem:s23+$0x53C0]  }
0x29: {  	v1 =	vld [tilespmem:s23+$0x53D0]  }
0x2a: {  	v14 =	vld [tilespmem:s23+$0x5300]  }
0x2b: {  	v16 =	vld [tilespmem:s23+$0x5310]  }
0x2c: {  	v13 =	vld [tilespmem:s23+$0x5320]  }
0x2d: {  	v15 =	vld [tilespmem:s23+$0x5330]  }
0x2e: {  	v3 =	vld [tilespmem:s23+$0x5340]  }
0x2f: {  	v2 =	vld [tilespmem:s23+$0x5350]  }
0x30: {  	v17 =	vld [tilespmem:s23+$0x5280]  }
0x31: {  	v18 =	vld [tilespmem:s23+$0x5290]  }
0x32: {  	v19 =	vld [tilespmem:s23+$0x52A0]  }
0x33: {  	v24 =	vld [tilespmem:s23+$0x52B0]  }
0x34: {  	v5 =	vld [tilespmem:s23+$0x52C0]  }
0x35: {  	v4 =	vld [tilespmem:s23+$0x52D0]  }
0x36: {  	v21 =	vld [tilespmem:s23+$0x5200]  }
0x37: {  	v22 =	vld [tilespmem:s23+$0x5210]  }
0x38: {  	v23 =	vld [tilespmem:s23+$0x5220]  }
0x39: {  	v30 =	vld [tilespmem:s23+$0x5230]  }
0x3a: {  	v10 =	vld [tilespmem:s23+$0x5240]  }
0x3b: {  	v27 =	vld [tilespmem:s23+$0x5180]  }
0x3c: {  	v28 =	vld [tilespmem:s23+$0x5190]  }
0x3d: {  	v25 =	vld [tilespmem:s23+$0x5100]  }
0x3e: {  	v26 =	vld [tilespmem:s23+$0x5110]  }
0x3f: {  	v11 =	vld [tilespmem:s23+$0x5080]  }
0x40: {  	v20 =	vld [tilespmem:s23+$0x5090]  }
0x41: {  	v29 =	vld [tilespmem:s23+$0x5000]  }
0x42: {  	v31 =	vld [tilespmem:s23+$0x5010]  }
0x43: {  	v32 =	vld [tilespmem:s23+$0x5020]  }
0x44: {  	v33 =	vld [tilespmem:s23+$0x5030]  }
0x45: {  	v34 =	vld [tilespmem:s23+$0x50A0]  }
0x46: {  	v35 =	vld [tilespmem:s23+$0x50B0]  }
0x47: {  	v12 =	vimm.f32 $0.0e+00;
	v36 =	vld [tilespmem:s23+$0x5120]  }
0x48: {  	v37 =	vld [tilespmem:s23+$0x5130];
	v29 =	vadd.f32 v29, v12;
	v31 =	vadd.f32 v31, v12  }
0x49: {  	v38 =	vld [tilespmem:s23+$0x51A0];
	v32 =	vadd.f32 v32, v12;
	v33 =	vadd.f32 v33, v12  }
0x4a: {  	v39 =	vld [tilespmem:s23+$0x51B0];
	v29 =	vadd.f32 v11, v29;
	v31 =	vadd.f32 v20, v31  }
0x4b: {  	v11 =	vld [tilespmem:s23+$0x5250];
	v32 =	vadd.f32 v34, v32;
	v33 =	vadd.f32 v35, v33  }
0x4c: {  	v20 =	vld [tilespmem:s23+$0x51C0];
	v29 =	vadd.f32 v25, v29;
	v31 =	vadd.f32 v26, v31  }
0x4d: {  	v25 =	vld [tilespmem:s23+$0x51D0];
	v32 =	vadd.f32 v36, v32;
	v33 =	vadd.f32 v37, v33  }
0x4e: {  	v26 =	vld [tilespmem:s23+$0x5140];
	v29 =	vadd.f32 v27, v29;
	v31 =	vadd.f32 v28, v31  }
0x4f: {  	v27 =	vld [tilespmem:s23+$0x5150];
	v32 =	vadd.f32 v38, v32;
	v33 =	vadd.f32 v39, v33  }
0x50: {  	v28 =	vld [tilespmem:s23+$0x50C0];
	v21 =	vadd.f32 v21, v29;
	v22 =	vadd.f32 v22, v31  }
0x51: {  	v29 =	vld [tilespmem:s23+$0x50D0];
	v23 =	vadd.f32 v23, v32;
	v63 =	vadd.f32 v30, v33  }
0x52: {  	v30 =	vld [tilespmem:s23+$0x5040];
	v21 =	vadd.f32 v17, v21;
	v22 =	vadd.f32 v18, v22  }
0x53: {  	v31 =	vld [tilespmem:s23+$0x5050];
	v23 =	vadd.f32 v19, v23;
	v24 =	vadd.f32 v24, v63  }
0x54: {  	s24 =	simm.s32 $0x1000;
	v32 =	vld [tilespmem:s23+$0x5060];
	v19 =	vimm.f32 $0.0e+00;
	v18 =	vimm.f32 $0.0e+00;
	v17 =	vimm.f32 $0.0e+00  }
.LBB2_3:
0x55: {  	p0 =	sne.s32 s24, $0x3000;
	v33 =	vld [tilespmem:s23+$0x5070];
	v14 =	vadd.f32 v14, v21;
	v16 =	vadd.f32 v16, v22  }
0x56: {  	v34 =	vld [tilespmem:s23+$0x50E0];
	v13 =	vadd.f32 v13, v23;
	v15 =	vadd.f32 v15, v24  }
0x57: {  	v35 =	vld [tilespmem:s23+$0x50F0];
	v21 =	vadd.f32 v6, v14;
	v22 =	vadd.f32 v7, v16  }
0x58: {  	v6 =	vld [tilespmem:s23+$0x5160];
	v23 =	vadd.f32 v8, v13;
	v24 =	vadd.f32 v9, v15  }
0x59: {  	v7 =	vadd.f32 v30, v12;
	v8 =	vadd.f32 v31, v19;
	v9 =	vld [tilespmem:s23+$0x5170]  }
0x5a: {  	v12 =	vadd.f32 v32, v18;
	v13 =	vadd.f32 v33, v17;
	v14 =	vld [tilespmem:s23+$0x51E0]  }
0x5b: {  	v7 =	vadd.f32 v28, v7;
	v8 =	vadd.f32 v29, v8;
	v15 =	vld [tilespmem:s23+$0x51F0]  }
0x5c: {  	v12 =	vadd.f32 v34, v12;
	v13 =	vadd.f32 v35, v13;
	v16 =	vld [tilespmem:s23+$0x5260]  }
0x5d: {  	v7 =	vadd.f32 v26, v7;
	v8 =	vadd.f32 v27, v8;
	v17 =	vld [tilespmem:s23+$0x5270]  }
0x5e: {  	v6 =	vadd.f32 v6, v12;
	v9 =	vadd.f32 v9, v13;
	v12 =	vld [tilespmem:s23+$0x52E0]  }
0x5f: {  	v7 =	vadd.f32 v20, v7;
	v8 =	vadd.f32 v25, v8;
	v13 =	vld [tilespmem:s23+$0x52F0]  }
0x60: {  	v6 =	vadd.f32 v14, v6;
	v9 =	vadd.f32 v15, v9;
	v14 =	vld [tilespmem:s23+$0x5360]  }
0x61: {  	v7 =	vadd.f32 v10, v7;
	v8 =	vadd.f32 v11, v8;
	v10 =	vld [tilespmem:s23+$0x5370]  }
0x62: {  	v11 =	vadd.f32 v16, v6;
	v9 =	vadd.f32 v17, v9;
	v15 =	vld [tilespmem:s23+$0x53E0]  }
0x63: {  	v5 =	vadd.f32 v5, v7;
	v4 =	vadd.f32 v4, v8;
	v16 =	vld [tilespmem:s23+$0x53F0];
	s23 =	sshra.s32 s24, $0x2  }
0x64: {  	v11 =	vadd.f32 v12, v11;
	v6 =	vld [tilespmem:s23+$0x5380];
	v9 =	vadd.f32 v13, v9  }
0x65: {  	v3 =	vadd.f32 v3, v5;
	v2 =	vadd.f32 v2, v4;
	v7 =	vld [tilespmem:s23+$0x5390]  }
0x66: {  	v4 =	vadd.f32 v14, v11;
	v8 =	vld [tilespmem:s23+$0x53A0];
	v5 =	vadd.f32 v10, v9  }
0x67: {  	v12 =	vadd.f32 v0, v3;
	v19 =	vadd.f32 v1, v2;
	v9 =	vld [tilespmem:s23+$0x53B0]  }
0x68: {  	v18 =	vadd.f32 v15, v4;
	v0 =	vld [tilespmem:s23+$0x53C0];
	v17 =	vadd.f32 v16, v5  }
0x69: {  	v1 =	vld [tilespmem:s23+$0x53D0]  }
0x6a: {  	v14 =	vld [tilespmem:s23+$0x5300]  }
0x6b: {  	v16 =	vld [tilespmem:s23+$0x5310]  }
0x6c: {  	v13 =	vld [tilespmem:s23+$0x5320]  }
0x6d: {  	v15 =	vld [tilespmem:s23+$0x5330]  }
0x6e: {  	v3 =	vld [tilespmem:s23+$0x5340]  }
0x6f: {  	v2 =	vld [tilespmem:s23+$0x5350]  }
0x70: {  	v32 =	vld [tilespmem:s23+$0x5280]  }
0x71: {  	v33 =	vld [tilespmem:s23+$0x5290]  }
0x72: {  	v34 =	vld [tilespmem:s23+$0x52A0]  }
0x73: {  	v35 =	vld [tilespmem:s23+$0x52B0]  }
0x74: {  	v5 =	vld [tilespmem:s23+$0x52C0]  }
0x75: {  	v4 =	vld [tilespmem:s23+$0x52D0]  }
0x76: {  	v30 =	vld [tilespmem:s23+$0x5200]  }
0x77: {  	v31 =	vld [tilespmem:s23+$0x5210]  }
0x78: {  	v36 =	vld [tilespmem:s23+$0x5220]  }
0x79: {  	v37 =	vld [tilespmem:s23+$0x5230]  }
0x7a: {  	v10 =	vld [tilespmem:s23+$0x5240]  }
0x7b: {  	v11 =	vld [tilespmem:s23+$0x5250]  }
0x7c: {  	v28 =	vld [tilespmem:s23+$0x5180]  }
0x7d: {  	v29 =	vld [tilespmem:s23+$0x5190]  }
0x7e: {  	v25 =	vld [tilespmem:s23+$0x5100]  }
0x7f: {  	v26 =	vld [tilespmem:s23+$0x5110]  }
0x80: {  	v20 =	vld [tilespmem:s23+$0x5080]  }
0x81: {  	v27 =	vld [tilespmem:s23+$0x5090]  }
0x82: {  	v38 =	vld [tilespmem:s23+$0x5000]  }
0x83: {  	v39 =	vld [tilespmem:s23+$0x5010]  }
0x84: {  	v40 =	vld [tilespmem:s23+$0x5020]  }
0x85: {  	v41 =	vld [tilespmem:s23+$0x5030]  }
0x86: {  	v42 =	vld [tilespmem:s23+$0x50A0]  }
0x87: {  	v43 =	vld [tilespmem:s23+$0x50B0]  }
0x88: {  	v44 =	vld [tilespmem:s23+$0x5120]  }
0x89: {  	v21 =	vadd.f32 v38, v21;
	v22 =	vadd.f32 v39, v22;
	v38 =	vld [tilespmem:s23+$0x5130]  }
0x8a: {  	v23 =	vadd.f32 v40, v23;
	v24 =	vadd.f32 v41, v24;
	v39 =	vld [tilespmem:s23+$0x51A0]  }
0x8b: {  	v21 =	vadd.f32 v20, v21;
	v22 =	vadd.f32 v27, v22;
	v40 =	vld [tilespmem:s23+$0x51B0]  }
0x8c: {  	v23 =	vadd.f32 v42, v23;
	v24 =	vadd.f32 v43, v24;
	v20 =	vld [tilespmem:s23+$0x51C0]  }
0x8d: {  	v21 =	vadd.f32 v25, v21;
	v22 =	vadd.f32 v26, v22;
	v25 =	vld [tilespmem:s23+$0x51D0]  }
0x8e: {  	v23 =	vadd.f32 v44, v23;
	v24 =	vadd.f32 v38, v24;
	v26 =	vld [tilespmem:s23+$0x5140]  }
0x8f: {  	v21 =	vadd.f32 v28, v21;
	v22 =	vadd.f32 v29, v22;
	v27 =	vld [tilespmem:s23+$0x5150]  }
.Ltmp2:
0x90: {  	v23 =	vadd.f32 v39, v23;
	v28 =	vld [tilespmem:s23+$0x50C0];
	v24 =	vadd.f32 v40, v24;
	(pc) =	sbr.rel @p0 .LBB2_3-.Ltmp2, $4  }
0x91: {  	v21 =	vadd.f32 v30, v21;
	v22 =	vadd.f32 v31, v22;
	v29 =	vld [tilespmem:s23+$0x50D0]  }
0x92: {  	v23 =	vadd.f32 v36, v23;
	v30 =	vld [tilespmem:s23+$0x5040];
	v24 =	vadd.f32 v37, v24  }
0x93: {  	v21 =	vadd.f32 v32, v21;
	v22 =	vadd.f32 v33, v22;
	v31 =	vld [tilespmem:s23+$0x5050]  }
0x94: {  	s24 =	sadd.s32 $0x1000, s24;
	v23 =	vadd.f32 v34, v23;
	v32 =	vld [tilespmem:s23+$0x5060];
	v24 =	vadd.f32 v35, v24  }
0x95: {  	v33 =	vld [tilespmem:s23+$0x5070];
	v14 =	vadd.f32 v14, v21;
	v16 =	vadd.f32 v16, v22  }
0x96: {  	v21 =	vld [tilespmem:s23+$0x50E0];
	v13 =	vadd.f32 v13, v23;
	v15 =	vadd.f32 v15, v24  }
0x97: {  	v22 =	vld [tilespmem:s23+$0x50F0];
	v6 =	vadd.f32 v6, v14;
	v7 =	vadd.f32 v7, v16  }
0x98: {  	v14 =	vld [tilespmem:s23+$0x5160];
	v12 =	vadd.f32 v30, v12;
	v8 =	vadd.f32 v8, v13  }
0x99: {  	v9 =	vadd.f32 v9, v15;
	v13 =	vadd.f32 v31, v19;
	v15 =	vld [tilespmem:s23+$0x5170]  }
0x9a: {  	v19 =	vld [tilespmem:s23+$0x51F0];
	v16 =	vadd.f32 v32, v18;
	v12 =	vadd.f32 v28, v12  }
0x9b: {  	v18 =	vld [tilespmem:s23+$0x51E0];
	v17 =	vadd.f32 v33, v17;
	v13 =	vadd.f32 v29, v13  }
0x9c: {  	v16 =	vadd.f32 v21, v16;
	v21 =	vld [tilespmem:s23+$0x5260];
	v12 =	vadd.f32 v26, v12  }
0x9d: {  	v17 =	vadd.f32 v22, v17;
	v13 =	vadd.f32 v27, v13;
	v22 =	vld [tilespmem:s23+$0x5270]  }
0x9e: {  	v14 =	vadd.f32 v14, v16;
	v16 =	vld [tilespmem:s23+$0x52E0];
	v12 =	vadd.f32 v20, v12  }
0x9f: {  	v15 =	vadd.f32 v15, v17;
	v13 =	vadd.f32 v25, v13;
	v17 =	vld [tilespmem:s23+$0x52F0]  }
0xa0: {  	v14 =	vadd.f32 v18, v14;
	v18 =	vld [tilespmem:s23+$0x5360];
	v10 =	vadd.f32 v10, v12  }
0xa1: {  	v12 =	vadd.f32 v19, v15;
	v11 =	vadd.f32 v11, v13;
	v13 =	vld [tilespmem:s23+$0x5370]  }
0xa2: {  	s24 =	sshll.u32 s22, $0xC;
	v15 =	vld [tilespmem:s23+$0x53E0];
	v14 =	vadd.f32 v21, v14;
	v5 =	vadd.f32 v5, v10  }
0xa3: {  	v10 =	vadd.f32 v22, v12;
	v4 =	vadd.f32 v4, v11;
	v11 =	vld [tilespmem:s23+$0x53F0];
	s23 =	sshra.s32 s24, $0x2  }
0xa4: {  	v12 =	vadd.f32 v16, v14;
	v3 =	vadd.f32 v3, v5;
	[tilespmem:s23+$0xD000] =	vst v6  }
0xa5: {  	[tilespmem:s23+$0xD010] =	vst v7;
	v5 =	vadd.f32 v17, v10;
	v2 =	vadd.f32 v2, v4  }
0xa6: {  	[tilespmem:s23+$0xD020] =	vst v8;
	v4 =	vadd.f32 v18, v12;
	v0 =	vadd.f32 v0, v3  }
0xa7: {  	[tilespmem:s23+$0xD030] =	vst v9;
	v3 =	vadd.f32 v13, v5;
	v1 =	vadd.f32 v1, v2  }
0xa8: {  	v2 =	vadd.f32 v15, v4;
	[tilespmem:s23+$0xD040] =	vst v0  }
0xa9: {  	v0 =	vadd.f32 v11, v3;
	[tilespmem:s23+$0xD050] =	vst v1  }
0xaa: {  	[tilespmem:s23+$0xD060] =	vst v2  }
0xab: {  	s24 =	simm.s32 $0x0;
	[tilespmem:s23+$0xD070] =	vst v0  }
0xac: {  	v6 =	vld [tilespmem:s24+$0x6380]  }
0xad: {  	v7 =	vld [tilespmem:s24+$0x6390]  }
0xae: {  	v8 =	vld [tilespmem:s24+$0x63A0]  }
0xaf: {  	v9 =	vld [tilespmem:s24+$0x63B0]  }
0xb0: {  	v0 =	vld [tilespmem:s24+$0x63C0]  }
0xb1: {  	v1 =	vld [tilespmem:s24+$0x63D0]  }
0xb2: {  	v14 =	vld [tilespmem:s24+$0x6300]  }
0xb3: {  	v16 =	vld [tilespmem:s24+$0x6310]  }
0xb4: {  	v13 =	vld [tilespmem:s24+$0x6320]  }
0xb5: {  	v15 =	vld [tilespmem:s24+$0x6330]  }
0xb6: {  	v3 =	vld [tilespmem:s24+$0x6340]  }
0xb7: {  	v2 =	vld [tilespmem:s24+$0x6350]  }
0xb8: {  	v17 =	vld [tilespmem:s24+$0x6280]  }
0xb9: {  	v18 =	vld [tilespmem:s24+$0x6290]  }
0xba: {  	v19 =	vld [tilespmem:s24+$0x62A0]  }
0xbb: {  	v24 =	vld [tilespmem:s24+$0x62B0]  }
0xbc: {  	v4 =	vld [tilespmem:s24+$0x62C0]  }
0xbd: {  	v5 =	vld [tilespmem:s24+$0x62D0]  }
0xbe: {  	v21 =	vld [tilespmem:s24+$0x6200]  }
0xbf: {  	v22 =	vld [tilespmem:s24+$0x6210]  }
0xc0: {  	v23 =	vld [tilespmem:s24+$0x6220]  }
0xc1: {  	v30 =	vld [tilespmem:s24+$0x6230]  }
0xc2: {  	v10 =	vld [tilespmem:s24+$0x6240]  }
0xc3: {  	v27 =	vld [tilespmem:s24+$0x6180]  }
0xc4: {  	v28 =	vld [tilespmem:s24+$0x6190]  }
0xc5: {  	v25 =	vld [tilespmem:s24+$0x6100]  }
0xc6: {  	v26 =	vld [tilespmem:s24+$0x6110]  }
0xc7: {  	v11 =	vld [tilespmem:s24+$0x6080]  }
0xc8: {  	v20 =	vld [tilespmem:s24+$0x6090]  }
0xc9: {  	v29 =	vld [tilespmem:s24+$0x6000]  }
0xca: {  	v31 =	vld [tilespmem:s24+$0x6010]  }
0xcb: {  	v61 =	vld [tilespmem:s24+$0x6020]  }
0xcc: {  	v62 =	vld [tilespmem:s24+$0x6030]  }
0xcd: {  	v34 =	vld [tilespmem:s24+$0x60A0]  }
0xce: {  	v35 =	vld [tilespmem:s24+$0x60B0]  }
0xcf: {  	v12 =	vimm.f32 $0.0e+00;
	v36 =	vld [tilespmem:s24+$0x6120]  }
0xd0: {  	v37 =	vld [tilespmem:s24+$0x6130];
	v29 =	vadd.f32 v29, v12;
	v31 =	vadd.f32 v31, v12  }
0xd1: {  	v38 =	vld [tilespmem:s24+$0x61A0];
	v32 =	vadd.f32 v61, v12;
	v33 =	vadd.f32 v62, v12  }
0xd2: {  	v39 =	vld [tilespmem:s24+$0x61B0];
	v29 =	vadd.f32 v11, v29;
	v31 =	vadd.f32 v20, v31  }
0xd3: {  	v11 =	vld [tilespmem:s24+$0x6250];
	v32 =	vadd.f32 v34, v32;
	v33 =	vadd.f32 v35, v33  }
0xd4: {  	v20 =	vld [tilespmem:s24+$0x61C0];
	v29 =	vadd.f32 v25, v29;
	v31 =	vadd.f32 v26, v31  }
0xd5: {  	v25 =	vld [tilespmem:s24+$0x61D0];
	v32 =	vadd.f32 v36, v32;
	v33 =	vadd.f32 v37, v33  }
0xd6: {  	v26 =	vld [tilespmem:s24+$0x6140];
	v29 =	vadd.f32 v27, v29;
	v31 =	vadd.f32 v28, v31  }
0xd7: {  	v27 =	vld [tilespmem:s24+$0x6150];
	v32 =	vadd.f32 v38, v32;
	v33 =	vadd.f32 v39, v33  }
0xd8: {  	v28 =	vld [tilespmem:s24+$0x60C0];
	v21 =	vadd.f32 v21, v29;
	v22 =	vadd.f32 v22, v31  }
0xd9: {  	v29 =	vld [tilespmem:s24+$0x60D0];
	v23 =	vadd.f32 v23, v32;
	v63 =	vadd.f32 v30, v33  }
0xda: {  	v30 =	vld [tilespmem:s24+$0x6040];
	v21 =	vadd.f32 v17, v21;
	v22 =	vadd.f32 v18, v22  }
0xdb: {  	v31 =	vld [tilespmem:s24+$0x6050];
	v23 =	vadd.f32 v19, v23;
	v24 =	vadd.f32 v24, v63  }
0xdc: {  	s25 =	simm.s32 $0x1000;
	v32 =	vld [tilespmem:s24+$0x6060];
	v19 =	vimm.f32 $0.0e+00;
	v18 =	vimm.f32 $0.0e+00;
	v17 =	vimm.f32 $0.0e+00  }
.LBB2_5:
0xdd: {  	p0 =	sne.s32 s25, $0x3000;
	v33 =	vld [tilespmem:s24+$0x6070];
	v14 =	vadd.f32 v14, v21;
	v16 =	vadd.f32 v16, v22  }
0xde: {  	v34 =	vld [tilespmem:s24+$0x60E0];
	v13 =	vadd.f32 v13, v23;
	v15 =	vadd.f32 v15, v24  }
0xdf: {  	v35 =	vld [tilespmem:s24+$0x60F0];
	v21 =	vadd.f32 v6, v14;
	v22 =	vadd.f32 v7, v16  }
0xe0: {  	v6 =	vld [tilespmem:s24+$0x6160];
	v23 =	vadd.f32 v8, v13;
	v24 =	vadd.f32 v9, v15  }
0xe1: {  	v7 =	vadd.f32 v30, v12;
	v8 =	vadd.f32 v31, v19;
	v9 =	vld [tilespmem:s24+$0x6170]  }
0xe2: {  	v12 =	vadd.f32 v32, v18;
	v13 =	vadd.f32 v33, v17;
	v14 =	vld [tilespmem:s24+$0x61E0]  }
0xe3: {  	v7 =	vadd.f32 v28, v7;
	v8 =	vadd.f32 v29, v8;
	v15 =	vld [tilespmem:s24+$0x61F0]  }
0xe4: {  	v12 =	vadd.f32 v34, v12;
	v13 =	vadd.f32 v35, v13;
	v16 =	vld [tilespmem:s24+$0x6260]  }
0xe5: {  	v7 =	vadd.f32 v26, v7;
	v8 =	vadd.f32 v27, v8;
	v17 =	vld [tilespmem:s24+$0x6270]  }
0xe6: {  	v6 =	vadd.f32 v6, v12;
	v9 =	vadd.f32 v9, v13;
	v12 =	vld [tilespmem:s24+$0x62E0]  }
0xe7: {  	v7 =	vadd.f32 v20, v7;
	v8 =	vadd.f32 v25, v8;
	v13 =	vld [tilespmem:s24+$0x62F0]  }
0xe8: {  	v6 =	vadd.f32 v14, v6;
	v9 =	vadd.f32 v15, v9;
	v14 =	vld [tilespmem:s24+$0x6360]  }
0xe9: {  	v7 =	vadd.f32 v10, v7;
	v8 =	vadd.f32 v11, v8;
	v10 =	vld [tilespmem:s24+$0x6370]  }
0xea: {  	v11 =	vadd.f32 v16, v6;
	v9 =	vadd.f32 v17, v9;
	v15 =	vld [tilespmem:s24+$0x63E0]  }
0xeb: {  	v4 =	vadd.f32 v4, v7;
	v5 =	vadd.f32 v5, v8;
	v16 =	vld [tilespmem:s24+$0x63F0];
	s24 =	sshra.s32 s25, $0x2  }
0xec: {  	v11 =	vadd.f32 v12, v11;
	v6 =	vld [tilespmem:s24+$0x6380];
	v9 =	vadd.f32 v13, v9  }
0xed: {  	v3 =	vadd.f32 v3, v4;
	v2 =	vadd.f32 v2, v5;
	v7 =	vld [tilespmem:s24+$0x6390]  }
0xee: {  	v4 =	vadd.f32 v14, v11;
	v8 =	vld [tilespmem:s24+$0x63A0];
	v5 =	vadd.f32 v10, v9  }
0xef: {  	v12 =	vadd.f32 v0, v3;
	v19 =	vadd.f32 v1, v2;
	v9 =	vld [tilespmem:s24+$0x63B0]  }
0xf0: {  	v18 =	vadd.f32 v15, v4;
	v0 =	vld [tilespmem:s24+$0x63C0];
	v17 =	vadd.f32 v16, v5  }
0xf1: {  	v1 =	vld [tilespmem:s24+$0x63D0]  }
0xf2: {  	v14 =	vld [tilespmem:s24+$0x6300]  }
0xf3: {  	v16 =	vld [tilespmem:s24+$0x6310]  }
0xf4: {  	v13 =	vld [tilespmem:s24+$0x6320]  }
0xf5: {  	v15 =	vld [tilespmem:s24+$0x6330]  }
0xf6: {  	v3 =	vld [tilespmem:s24+$0x6340]  }
0xf7: {  	v2 =	vld [tilespmem:s24+$0x6350]  }
0xf8: {  	v32 =	vld [tilespmem:s24+$0x6280]  }
0xf9: {  	v33 =	vld [tilespmem:s24+$0x6290]  }
0xfa: {  	v34 =	vld [tilespmem:s24+$0x62A0]  }
0xfb: {  	v35 =	vld [tilespmem:s24+$0x62B0]  }
0xfc: {  	v4 =	vld [tilespmem:s24+$0x62C0]  }
0xfd: {  	v5 =	vld [tilespmem:s24+$0x62D0]  }
0xfe: {  	v30 =	vld [tilespmem:s24+$0x6200]  }
0xff: {  	v31 =	vld [tilespmem:s24+$0x6210]  }
0x100: {  	v36 =	vld [tilespmem:s24+$0x6220]  }
0x101: {  	v37 =	vld [tilespmem:s24+$0x6230]  }
0x102: {  	v10 =	vld [tilespmem:s24+$0x6240]  }
0x103: {  	v11 =	vld [tilespmem:s24+$0x6250]  }
0x104: {  	v28 =	vld [tilespmem:s24+$0x6180]  }
0x105: {  	v29 =	vld [tilespmem:s24+$0x6190]  }
0x106: {  	v25 =	vld [tilespmem:s24+$0x6100]  }
0x107: {  	v26 =	vld [tilespmem:s24+$0x6110]  }
0x108: {  	v20 =	vld [tilespmem:s24+$0x6080]  }
0x109: {  	v27 =	vld [tilespmem:s24+$0x6090]  }
0x10a: {  	v38 =	vld [tilespmem:s24+$0x6000]  }
0x10b: {  	v39 =	vld [tilespmem:s24+$0x6010]  }
0x10c: {  	v40 =	vld [tilespmem:s24+$0x6020]  }
0x10d: {  	v41 =	vld [tilespmem:s24+$0x6030]  }
0x10e: {  	v42 =	vld [tilespmem:s24+$0x60A0]  }
0x10f: {  	v43 =	vld [tilespmem:s24+$0x60B0]  }
0x110: {  	v44 =	vld [tilespmem:s24+$0x6120]  }
0x111: {  	v21 =	vadd.f32 v38, v21;
	v22 =	vadd.f32 v39, v22;
	v38 =	vld [tilespmem:s24+$0x6130]  }
0x112: {  	v23 =	vadd.f32 v40, v23;
	v24 =	vadd.f32 v41, v24;
	v39 =	vld [tilespmem:s24+$0x61A0]  }
0x113: {  	v21 =	vadd.f32 v20, v21;
	v22 =	vadd.f32 v27, v22;
	v40 =	vld [tilespmem:s24+$0x61B0]  }
0x114: {  	v23 =	vadd.f32 v42, v23;
	v24 =	vadd.f32 v43, v24;
	v20 =	vld [tilespmem:s24+$0x61C0]  }
0x115: {  	v21 =	vadd.f32 v25, v21;
	v22 =	vadd.f32 v26, v22;
	v25 =	vld [tilespmem:s24+$0x61D0]  }
0x116: {  	v23 =	vadd.f32 v44, v23;
	v24 =	vadd.f32 v38, v24;
	v26 =	vld [tilespmem:s24+$0x6140]  }
0x117: {  	v21 =	vadd.f32 v28, v21;
	v22 =	vadd.f32 v29, v22;
	v27 =	vld [tilespmem:s24+$0x6150]  }
.Ltmp3:
0x118: {  	v23 =	vadd.f32 v39, v23;
	v28 =	vld [tilespmem:s24+$0x60C0];
	v24 =	vadd.f32 v40, v24;
	(pc) =	sbr.rel @p0 .LBB2_5-.Ltmp3, $4  }
0x119: {  	v21 =	vadd.f32 v30, v21;
	v22 =	vadd.f32 v31, v22;
	v29 =	vld [tilespmem:s24+$0x60D0]  }
0x11a: {  	v23 =	vadd.f32 v36, v23;
	v30 =	vld [tilespmem:s24+$0x6040];
	v24 =	vadd.f32 v37, v24  }
0x11b: {  	v21 =	vadd.f32 v32, v21;
	v22 =	vadd.f32 v33, v22;
	v31 =	vld [tilespmem:s24+$0x6050]  }
0x11c: {  	s25 =	sadd.s32 $0x1000, s25;
	v23 =	vadd.f32 v34, v23;
	v32 =	vld [tilespmem:s24+$0x6060];
	v24 =	vadd.f32 v35, v24  }
0x11d: {  	v14 =	vadd.f32 v14, v21;
	v16 =	vadd.f32 v16, v22  }
0x11e: {  	v33 =	vld [tilespmem:s24+$0x6070];
	v13 =	vadd.f32 v13, v23;
	v15 =	vadd.f32 v15, v24  }
0x11f: {  	v21 =	vld [tilespmem:s24+$0x60E0];
	v6 =	vadd.f32 v6, v14;
	v7 =	vadd.f32 v7, v16  }
0x120: {  	v22 =	vld [tilespmem:s24+$0x60F0];
	v12 =	vadd.f32 v30, v12;
	v8 =	vadd.f32 v8, v13  }
0x121: {  	v14 =	vld [tilespmem:s24+$0x6160];
	v9 =	vadd.f32 v9, v15;
	v13 =	vadd.f32 v31, v19  }
0x122: {  	v15 =	vld [tilespmem:s24+$0x6170];
	v16 =	vadd.f32 v32, v18;
	v12 =	vadd.f32 v28, v12  }
0x123: {  	v18 =	vld [tilespmem:s24+$0x61E0];
	v17 =	vadd.f32 v33, v17;
	v13 =	vadd.f32 v29, v13  }
0x124: {  	v19 =	vld [tilespmem:s24+$0x61F0];
	v16 =	vadd.f32 v21, v16;
	v12 =	vadd.f32 v26, v12  }
0x125: {  	v21 =	vld [tilespmem:s24+$0x6260];
	v17 =	vadd.f32 v22, v17;
	v13 =	vadd.f32 v27, v13  }
0x126: {  	v22 =	vld [tilespmem:s24+$0x6270];
	v14 =	vadd.f32 v14, v16;
	v12 =	vadd.f32 v20, v12  }
0x127: {  	v16 =	vld [tilespmem:s24+$0x62E0];
	v15 =	vadd.f32 v15, v17;
	v13 =	vadd.f32 v25, v13  }
0x128: {  	v17 =	vld [tilespmem:s24+$0x62F0];
	v14 =	vadd.f32 v18, v14;
	v10 =	vadd.f32 v10, v12  }
0x129: {  	v18 =	vld [tilespmem:s24+$0x6360];
	v12 =	vadd.f32 v19, v15;
	v11 =	vadd.f32 v11, v13  }
0x12a: {  	v13 =	vld [tilespmem:s24+$0x6370];
	v14 =	vadd.f32 v21, v14;
	v4 =	vadd.f32 v4, v10  }
0x12b: {  	v15 =	vld [tilespmem:s24+$0x63E0];
	v10 =	vadd.f32 v22, v12;
	v5 =	vadd.f32 v5, v11  }
0x12c: {  	v11 =	vld [tilespmem:s24+$0x63F0];
	[tilespmem:s23+$0xD080] =	vst v6;
	v12 =	vadd.f32 v16, v14;
	v3 =	vadd.f32 v3, v4  }
0x12d: {  	[tilespmem:s23+$0xD090] =	vst v7;
	v4 =	vadd.f32 v17, v10;
	v2 =	vadd.f32 v2, v5  }
0x12e: {  	[tilespmem:s23+$0xD0A0] =	vst v8;
	v5 =	vadd.f32 v18, v12;
	v0 =	vadd.f32 v0, v3  }
0x12f: {  	[tilespmem:s23+$0xD0B0] =	vst v9;
	v3 =	vadd.f32 v13, v4;
	v1 =	vadd.f32 v1, v2  }
0x130: {  	p0 =	seq.s32 s22, $0x27;
	v2 =	vadd.f32 v15, v5;
	[tilespmem:s23+$0xD0C0] =	vst v0  }
0x131: {  	s24 =	sshll.u32 @!p0 s22, $0x9;
	v0 =	vadd.f32 v11, v3;
	[tilespmem:s23+$0xD0D0] =	vst v1  }
0x132: {  	s24 =	sand.u32 @!p0 $0x3FFFFE00, s24;
	[tilespmem:s23+$0xD0E0] =	vst v2  }
0x133: {  	s26 =	simm.s32 @!p0 $0x40;
	s28 =	simm.s32 @!p0 $0x5000;
	s25 =	sadd.s32 @!p0 $0x200, s24;
	[tilespmem:s23+$0xD0F0] =	vst v0  }
0x134: {  	[tilespmem:s28], [sflag:$0x1] =	stream.indirect.gather @!p0 [hbm4b:s0+s26], $0x80, s25, s26, $0xb8;
	[tilespmem:$0x17000] =	vst v63  }
0x135: {  	_ =	swait.ge [sflag:s17], $0x2000  }
0x136: {  	[sflag:s17] =	ssyncset.done $0x0  }
0x137: {  	s25 =	simm.s32 $0x0;
	[sflag:s17] =	ssyncadd.s32 $0xFFFFE000  }
0x138: {  	v6 =	vld [tilespmem:s25+$0x7380]  }
0x139: {  	v7 =	vld [tilespmem:s25+$0x7390]  }
0x13a: {  	v8 =	vld [tilespmem:s25+$0x73A0]  }
0x13b: {  	v9 =	vld [tilespmem:s25+$0x73B0]  }
0x13c: {  	v0 =	vld [tilespmem:s25+$0x73C0]  }
0x13d: {  	v1 =	vld [tilespmem:s25+$0x73D0]  }
0x13e: {  	v14 =	vld [tilespmem:s25+$0x7300]  }
0x13f: {  	v16 =	vld [tilespmem:s25+$0x7310]  }
0x140: {  	v13 =	vld [tilespmem:s25+$0x7320]  }
0x141: {  	v15 =	vld [tilespmem:s25+$0x7330]  }
0x142: {  	v3 =	vld [tilespmem:s25+$0x7340]  }
0x143: {  	v2 =	vld [tilespmem:s25+$0x7350]  }
0x144: {  	v17 =	vld [tilespmem:s25+$0x7280]  }
0x145: {  	v18 =	vld [tilespmem:s25+$0x7290]  }
0x146: {  	v19 =	vld [tilespmem:s25+$0x72A0]  }
0x147: {  	v24 =	vld [tilespmem:s25+$0x72B0]  }
0x148: {  	v4 =	vld [tilespmem:s25+$0x72C0]  }
0x149: {  	v5 =	vld [tilespmem:s25+$0x72D0]  }
0x14a: {  	v21 =	vld [tilespmem:s25+$0x7200]  }
0x14b: {  	v22 =	vld [tilespmem:s25+$0x7210]  }
0x14c: {  	v23 =	vld [tilespmem:s25+$0x7220]  }
0x14d: {  	v30 =	vld [tilespmem:s25+$0x7230]  }
0x14e: {  	v10 =	vld [tilespmem:s25+$0x7240]  }
0x14f: {  	v27 =	vld [tilespmem:s25+$0x7180]  }
0x150: {  	v28 =	vld [tilespmem:s25+$0x7190]  }
0x151: {  	v25 =	vld [tilespmem:s25+$0x7100]  }
0x152: {  	v26 =	vld [tilespmem:s25+$0x7110]  }
0x153: {  	v11 =	vld [tilespmem:s25+$0x7080]  }
0x154: {  	v20 =	vld [tilespmem:s25+$0x7090]  }
0x155: {  	v29 =	vld [tilespmem:s25+$0x7000]  }
0x156: {  	v31 =	vld [tilespmem:s25+$0x7010]  }
0x157: {  	v61 =	vld [tilespmem:s25+$0x7020]  }
0x158: {  	v62 =	vld [tilespmem:s25+$0x7030]  }
0x159: {  	v34 =	vld [tilespmem:s25+$0x70A0]  }
0x15a: {  	v35 =	vld [tilespmem:s25+$0x70B0]  }
0x15b: {  	v12 =	vimm.f32 $0.0e+00;
	v36 =	vld [tilespmem:s25+$0x7120]  }
0x15c: {  	v37 =	vld [tilespmem:s25+$0x7130];
	v29 =	vadd.f32 v29, v12;
	v31 =	vadd.f32 v31, v12  }
0x15d: {  	v38 =	vld [tilespmem:s25+$0x71A0];
	v32 =	vadd.f32 v61, v12;
	v33 =	vadd.f32 v62, v12  }
0x15e: {  	v39 =	vld [tilespmem:s25+$0x71B0];
	v29 =	vadd.f32 v11, v29;
	v31 =	vadd.f32 v20, v31  }
0x15f: {  	v11 =	vld [tilespmem:s25+$0x7250];
	v32 =	vadd.f32 v34, v32;
	v33 =	vadd.f32 v35, v33  }
0x160: {  	v20 =	vld [tilespmem:s25+$0x71C0];
	v29 =	vadd.f32 v25, v29;
	v31 =	vadd.f32 v26, v31  }
0x161: {  	v25 =	vld [tilespmem:s25+$0x71D0];
	v32 =	vadd.f32 v36, v32;
	v33 =	vadd.f32 v37, v33  }
0x162: {  	v26 =	vld [tilespmem:s25+$0x7140];
	v29 =	vadd.f32 v27, v29;
	v31 =	vadd.f32 v28, v31  }
0x163: {  	v27 =	vld [tilespmem:s25+$0x7150];
	v32 =	vadd.f32 v38, v32;
	v33 =	vadd.f32 v39, v33  }
0x164: {  	v28 =	vld [tilespmem:s25+$0x70C0];
	v21 =	vadd.f32 v21, v29;
	v22 =	vadd.f32 v22, v31  }
0x165: {  	v29 =	vld [tilespmem:s25+$0x70D0];
	v23 =	vadd.f32 v23, v32;
	v63 =	vadd.f32 v30, v33  }
0x166: {  	v30 =	vld [tilespmem:s25+$0x7040];
	v21 =	vadd.f32 v17, v21;
	v22 =	vadd.f32 v18, v22  }
0x167: {  	v31 =	vld [tilespmem:s25+$0x7050];
	v23 =	vadd.f32 v19, v23;
	v24 =	vadd.f32 v24, v63  }
0x168: {  	s26 =	simm.s32 $0x1000;
	v32 =	vld [tilespmem:s25+$0x7060];
	v19 =	vimm.f32 $0.0e+00;
	v18 =	vimm.f32 $0.0e+00;
	v17 =	vimm.f32 $0.0e+00  }
.LBB2_7:
0x169: {  	p1 =	sne.s32 s26, $0x3000;
	v33 =	vld [tilespmem:s25+$0x7070];
	v14 =	vadd.f32 v14, v21;
	v16 =	vadd.f32 v16, v22  }
0x16a: {  	v34 =	vld [tilespmem:s25+$0x70E0];
	v13 =	vadd.f32 v13, v23;
	v15 =	vadd.f32 v15, v24  }
0x16b: {  	v35 =	vld [tilespmem:s25+$0x70F0];
	v21 =	vadd.f32 v6, v14;
	v22 =	vadd.f32 v7, v16  }
0x16c: {  	v6 =	vld [tilespmem:s25+$0x7160];
	v23 =	vadd.f32 v8, v13;
	v24 =	vadd.f32 v9, v15  }
0x16d: {  	v7 =	vadd.f32 v30, v12;
	v8 =	vadd.f32 v31, v19;
	v9 =	vld [tilespmem:s25+$0x7170]  }
0x16e: {  	v12 =	vadd.f32 v32, v18;
	v13 =	vadd.f32 v33, v17;
	v14 =	vld [tilespmem:s25+$0x71E0]  }
0x16f: {  	v7 =	vadd.f32 v28, v7;
	v8 =	vadd.f32 v29, v8;
	v15 =	vld [tilespmem:s25+$0x71F0]  }
0x170: {  	v12 =	vadd.f32 v34, v12;
	v13 =	vadd.f32 v35, v13;
	v16 =	vld [tilespmem:s25+$0x7260]  }
0x171: {  	v7 =	vadd.f32 v26, v7;
	v8 =	vadd.f32 v27, v8;
	v17 =	vld [tilespmem:s25+$0x7270]  }
0x172: {  	v6 =	vadd.f32 v6, v12;
	v9 =	vadd.f32 v9, v13;
	v12 =	vld [tilespmem:s25+$0x72E0]  }
0x173: {  	v7 =	vadd.f32 v20, v7;
	v8 =	vadd.f32 v25, v8;
	v13 =	vld [tilespmem:s25+$0x72F0]  }
0x174: {  	v6 =	vadd.f32 v14, v6;
	v9 =	vadd.f32 v15, v9;
	v14 =	vld [tilespmem:s25+$0x7360]  }
0x175: {  	v7 =	vadd.f32 v10, v7;
	v8 =	vadd.f32 v11, v8;
	v10 =	vld [tilespmem:s25+$0x7370]  }
0x176: {  	v11 =	vadd.f32 v16, v6;
	v9 =	vadd.f32 v17, v9;
	v15 =	vld [tilespmem:s25+$0x73E0]  }
0x177: {  	v4 =	vadd.f32 v4, v7;
	v5 =	vadd.f32 v5, v8;
	v16 =	vld [tilespmem:s25+$0x73F0];
	s25 =	sshra.s32 s26, $0x2  }
0x178: {  	v11 =	vadd.f32 v12, v11;
	v6 =	vld [tilespmem:s25+$0x7380];
	v9 =	vadd.f32 v13, v9  }
0x179: {  	v3 =	vadd.f32 v3, v4;
	v2 =	vadd.f32 v2, v5;
	v7 =	vld [tilespmem:s25+$0x7390]  }
0x17a: {  	v4 =	vadd.f32 v14, v11;
	v8 =	vld [tilespmem:s25+$0x73A0];
	v5 =	vadd.f32 v10, v9  }
0x17b: {  	v12 =	vadd.f32 v0, v3;
	v19 =	vadd.f32 v1, v2;
	v9 =	vld [tilespmem:s25+$0x73B0]  }
0x17c: {  	v18 =	vadd.f32 v15, v4;
	v0 =	vld [tilespmem:s25+$0x73C0];
	v17 =	vadd.f32 v16, v5  }
0x17d: {  	v1 =	vld [tilespmem:s25+$0x73D0]  }
0x17e: {  	v14 =	vld [tilespmem:s25+$0x7300]  }
0x17f: {  	v16 =	vld [tilespmem:s25+$0x7310]  }
0x180: {  	v13 =	vld [tilespmem:s25+$0x7320]  }
0x181: {  	v15 =	vld [tilespmem:s25+$0x7330]  }
0x182: {  	v3 =	vld [tilespmem:s25+$0x7340]  }
0x183: {  	v2 =	vld [tilespmem:s25+$0x7350]  }
0x184: {  	v32 =	vld [tilespmem:s25+$0x7280]  }
0x185: {  	v33 =	vld [tilespmem:s25+$0x7290]  }
0x186: {  	v34 =	vld [tilespmem:s25+$0x72A0]  }
0x187: {  	v35 =	vld [tilespmem:s25+$0x72B0]  }
0x188: {  	v4 =	vld [tilespmem:s25+$0x72C0]  }
0x189: {  	v5 =	vld [tilespmem:s25+$0x72D0]  }
0x18a: {  	v30 =	vld [tilespmem:s25+$0x7200]  }
0x18b: {  	v31 =	vld [tilespmem:s25+$0x7210]  }
0x18c: {  	v36 =	vld [tilespmem:s25+$0x7220]  }
0x18d: {  	v37 =	vld [tilespmem:s25+$0x7230]  }
0x18e: {  	v10 =	vld [tilespmem:s25+$0x7240]  }
0x18f: {  	v11 =	vld [tilespmem:s25+$0x7250]  }
0x190: {  	v28 =	vld [tilespmem:s25+$0x7180]  }
0x191: {  	v29 =	vld [tilespmem:s25+$0x7190]  }
0x192: {  	v25 =	vld [tilespmem:s25+$0x7100]  }
0x193: {  	v26 =	vld [tilespmem:s25+$0x7110]  }
0x194: {  	v20 =	vld [tilespmem:s25+$0x7080]  }
0x195: {  	v27 =	vld [tilespmem:s25+$0x7090]  }
0x196: {  	v38 =	vld [tilespmem:s25+$0x7000]  }
0x197: {  	v39 =	vld [tilespmem:s25+$0x7010]  }
0x198: {  	v40 =	vld [tilespmem:s25+$0x7020]  }
0x199: {  	v41 =	vld [tilespmem:s25+$0x7030]  }
0x19a: {  	v42 =	vld [tilespmem:s25+$0x70A0]  }
0x19b: {  	v43 =	vld [tilespmem:s25+$0x70B0]  }
0x19c: {  	v44 =	vld [tilespmem:s25+$0x7120]  }
0x19d: {  	v21 =	vadd.f32 v38, v21;
	v22 =	vadd.f32 v39, v22;
	v38 =	vld [tilespmem:s25+$0x7130]  }
0x19e: {  	v23 =	vadd.f32 v40, v23;
	v24 =	vadd.f32 v41, v24;
	v39 =	vld [tilespmem:s25+$0x71A0]  }
0x19f: {  	v21 =	vadd.f32 v20, v21;
	v22 =	vadd.f32 v27, v22;
	v40 =	vld [tilespmem:s25+$0x71B0]  }
0x1a0: {  	v23 =	vadd.f32 v42, v23;
	v24 =	vadd.f32 v43, v24;
	v20 =	vld [tilespmem:s25+$0x71C0]  }
0x1a1: {  	v21 =	vadd.f32 v25, v21;
	v22 =	vadd.f32 v26, v22;
	v25 =	vld [tilespmem:s25+$0x71D0]  }
0x1a2: {  	v23 =	vadd.f32 v44, v23;
	v24 =	vadd.f32 v38, v24;
	v26 =	vld [tilespmem:s25+$0x7140]  }
0x1a3: {  	v21 =	vadd.f32 v28, v21;
	v22 =	vadd.f32 v29, v22;
	v27 =	vld [tilespmem:s25+$0x7150]  }
.Ltmp4:
0x1a4: {  	v23 =	vadd.f32 v39, v23;
	v28 =	vld [tilespmem:s25+$0x70C0];
	v24 =	vadd.f32 v40, v24;
	(pc) =	sbr.rel @p1 .LBB2_7-.Ltmp4, $4  }
0x1a5: {  	v21 =	vadd.f32 v30, v21;
	v22 =	vadd.f32 v31, v22;
	v29 =	vld [tilespmem:s25+$0x70D0]  }
0x1a6: {  	v23 =	vadd.f32 v36, v23;
	v30 =	vld [tilespmem:s25+$0x7040];
	v24 =	vadd.f32 v37, v24  }
0x1a7: {  	v21 =	vadd.f32 v32, v21;
	v22 =	vadd.f32 v33, v22;
	v31 =	vld [tilespmem:s25+$0x7050]  }
0x1a8: {  	s26 =	sadd.s32 $0x1000, s26;
	v23 =	vadd.f32 v34, v23;
	v32 =	vld [tilespmem:s25+$0x7060];
	v24 =	vadd.f32 v35, v24  }
0x1a9: {  	v14 =	vadd.f32 v14, v21;
	v16 =	vadd.f32 v16, v22  }
0x1aa: {  	v33 =	vld [tilespmem:s25+$0x7070];
	v13 =	vadd.f32 v13, v23;
	v15 =	vadd.f32 v15, v24  }
0x1ab: {  	v21 =	vld [tilespmem:s25+$0x70E0];
	v6 =	vadd.f32 v6, v14;
	v7 =	vadd.f32 v7, v16  }
0x1ac: {  	v22 =	vld [tilespmem:s25+$0x70F0];
	v12 =	vadd.f32 v30, v12;
	v8 =	vadd.f32 v8, v13  }
0x1ad: {  	v14 =	vld [tilespmem:s25+$0x7160];
	v9 =	vadd.f32 v9, v15;
	v13 =	vadd.f32 v31, v19  }
0x1ae: {  	v15 =	vld [tilespmem:s25+$0x7170];
	v16 =	vadd.f32 v32, v18;
	v12 =	vadd.f32 v28, v12  }
0x1af: {  	v18 =	vld [tilespmem:s25+$0x71E0];
	v17 =	vadd.f32 v33, v17;
	v13 =	vadd.f32 v29, v13  }
0x1b0: {  	v19 =	vld [tilespmem:s25+$0x71F0];
	v16 =	vadd.f32 v21, v16;
	v12 =	vadd.f32 v26, v12  }
0x1b1: {  	v21 =	vld [tilespmem:s25+$0x7260];
	v17 =	vadd.f32 v22, v17;
	v13 =	vadd.f32 v27, v13  }
0x1b2: {  	v22 =	vld [tilespmem:s25+$0x7270];
	v14 =	vadd.f32 v14, v16;
	v12 =	vadd.f32 v20, v12  }
0x1b3: {  	v16 =	vld [tilespmem:s25+$0x72E0];
	v15 =	vadd.f32 v15, v17;
	v13 =	vadd.f32 v25, v13  }
0x1b4: {  	v17 =	vld [tilespmem:s25+$0x72F0];
	v14 =	vadd.f32 v18, v14;
	v10 =	vadd.f32 v10, v12  }
0x1b5: {  	v18 =	vld [tilespmem:s25+$0x7360];
	v12 =	vadd.f32 v19, v15;
	v11 =	vadd.f32 v11, v13  }
0x1b6: {  	v13 =	vld [tilespmem:s25+$0x7370];
	v14 =	vadd.f32 v21, v14;
	v4 =	vadd.f32 v4, v10  }
0x1b7: {  	v15 =	vld [tilespmem:s25+$0x73E0];
	v10 =	vadd.f32 v22, v12;
	v5 =	vadd.f32 v5, v11  }
0x1b8: {  	v11 =	vld [tilespmem:s25+$0x73F0];
	[tilespmem:s23+$0xD100] =	vst v6;
	v12 =	vadd.f32 v16, v14;
	v3 =	vadd.f32 v3, v4  }
0x1b9: {  	[tilespmem:s23+$0xD110] =	vst v7;
	v4 =	vadd.f32 v17, v10;
	v2 =	vadd.f32 v2, v5  }
0x1ba: {  	[tilespmem:s23+$0xD120] =	vst v8;
	v5 =	vadd.f32 v18, v12;
	v0 =	vadd.f32 v0, v3  }
0x1bb: {  	[tilespmem:s23+$0xD130] =	vst v9;
	v3 =	vadd.f32 v13, v4;
	v1 =	vadd.f32 v1, v2  }
0x1bc: {  	v2 =	vadd.f32 v15, v5;
	[tilespmem:s23+$0xD140] =	vst v0  }
0x1bd: {  	v0 =	vadd.f32 v11, v3;
	[tilespmem:s23+$0xD150] =	vst v1  }
0x1be: {  	[tilespmem:s23+$0xD160] =	vst v2  }
0x1bf: {  	s25 =	simm.s32 $0x0;
	[tilespmem:s23+$0xD170] =	vst v0  }
0x1c0: {  	v6 =	vld [tilespmem:s25+$0x8380]  }
0x1c1: {  	v7 =	vld [tilespmem:s25+$0x8390]  }
0x1c2: {  	v8 =	vld [tilespmem:s25+$0x83A0]  }
0x1c3: {  	v9 =	vld [tilespmem:s25+$0x83B0]  }
0x1c4: {  	v0 =	vld [tilespmem:s25+$0x83C0]  }
0x1c5: {  	v1 =	vld [tilespmem:s25+$0x83D0]  }
0x1c6: {  	v14 =	vld [tilespmem:s25+$0x8300]  }
0x1c7: {  	v16 =	vld [tilespmem:s25+$0x8310]  }
0x1c8: {  	v13 =	vld [tilespmem:s25+$0x8320]  }
0x1c9: {  	v15 =	vld [tilespmem:s25+$0x8330]  }
0x1ca: {  	v3 =	vld [tilespmem:s25+$0x8340]  }
0x1cb: {  	v2 =	vld [tilespmem:s25+$0x8350]  }
0x1cc: {  	v17 =	vld [tilespmem:s25+$0x8280]  }
0x1cd: {  	v18 =	vld [tilespmem:s25+$0x8290]  }
0x1ce: {  	v19 =	vld [tilespmem:s25+$0x82A0]  }
0x1cf: {  	v24 =	vld [tilespmem:s25+$0x82B0]  }
0x1d0: {  	v4 =	vld [tilespmem:s25+$0x82C0]  }
0x1d1: {  	v5 =	vld [tilespmem:s25+$0x82D0]  }
0x1d2: {  	v21 =	vld [tilespmem:s25+$0x8200]  }
0x1d3: {  	v22 =	vld [tilespmem:s25+$0x8210]  }
0x1d4: {  	v23 =	vld [tilespmem:s25+$0x8220]  }
0x1d5: {  	v30 =	vld [tilespmem:s25+$0x8230]  }
0x1d6: {  	v10 =	vld [tilespmem:s25+$0x8240]  }
0x1d7: {  	v27 =	vld [tilespmem:s25+$0x8180]  }
0x1d8: {  	v28 =	vld [tilespmem:s25+$0x8190]  }
0x1d9: {  	v25 =	vld [tilespmem:s25+$0x8100]  }
0x1da: {  	v26 =	vld [tilespmem:s25+$0x8110]  }
0x1db: {  	v11 =	vld [tilespmem:s25+$0x8080]  }
0x1dc: {  	v20 =	vld [tilespmem:s25+$0x8090]  }
0x1dd: {  	v29 =	vld [tilespmem:s25+$0x8000]  }
0x1de: {  	v31 =	vld [tilespmem:s25+$0x8010]  }
0x1df: {  	v61 =	vld [tilespmem:s25+$0x8020]  }
0x1e0: {  	v62 =	vld [tilespmem:s25+$0x8030]  }
0x1e1: {  	v34 =	vld [tilespmem:s25+$0x80A0]  }
0x1e2: {  	v35 =	vld [tilespmem:s25+$0x80B0]  }
0x1e3: {  	v12 =	vimm.f32 $0.0e+00;
	v36 =	vld [tilespmem:s25+$0x8120]  }
0x1e4: {  	v37 =	vld [tilespmem:s25+$0x8130];
	v29 =	vadd.f32 v29, v12;
	v31 =	vadd.f32 v31, v12  }
0x1e5: {  	v38 =	vld [tilespmem:s25+$0x81A0];
	v32 =	vadd.f32 v61, v12;
	v33 =	vadd.f32 v62, v12  }
0x1e6: {  	v39 =	vld [tilespmem:s25+$0x81B0];
	v29 =	vadd.f32 v11, v29;
	v31 =	vadd.f32 v20, v31  }
0x1e7: {  	v11 =	vld [tilespmem:s25+$0x8250];
	v32 =	vadd.f32 v34, v32;
	v33 =	vadd.f32 v35, v33  }
0x1e8: {  	v20 =	vld [tilespmem:s25+$0x81C0];
	v29 =	vadd.f32 v25, v29;
	v31 =	vadd.f32 v26, v31  }
0x1e9: {  	v25 =	vld [tilespmem:s25+$0x81D0];
	v32 =	vadd.f32 v36, v32;
	v33 =	vadd.f32 v37, v33  }
0x1ea: {  	v26 =	vld [tilespmem:s25+$0x8140];
	v29 =	vadd.f32 v27, v29;
	v31 =	vadd.f32 v28, v31  }
0x1eb: {  	v27 =	vld [tilespmem:s25+$0x8150];
	v32 =	vadd.f32 v38, v32;
	v33 =	vadd.f32 v39, v33  }
0x1ec: {  	v28 =	vld [tilespmem:s25+$0x80C0];
	v21 =	vadd.f32 v21, v29;
	v22 =	vadd.f32 v22, v31  }
0x1ed: {  	v29 =	vld [tilespmem:s25+$0x80D0];
	v23 =	vadd.f32 v23, v32;
	v63 =	vadd.f32 v30, v33  }
0x1ee: {  	v30 =	vld [tilespmem:s25+$0x8040];
	v21 =	vadd.f32 v17, v21;
	v22 =	vadd.f32 v18, v22  }
0x1ef: {  	v31 =	vld [tilespmem:s25+$0x8050];
	v23 =	vadd.f32 v19, v23;
	v24 =	vadd.f32 v24, v63  }
0x1f0: {  	s26 =	simm.s32 $0x1000;
	v32 =	vld [tilespmem:s25+$0x8060];
	v19 =	vimm.f32 $0.0e+00;
	v18 =	vimm.f32 $0.0e+00;
	v17 =	vimm.f32 $0.0e+00  }
.LBB2_9:
0x1f1: {  	p1 =	sne.s32 s26, $0x3000;
	v33 =	vld [tilespmem:s25+$0x8070];
	v14 =	vadd.f32 v14, v21;
	v16 =	vadd.f32 v16, v22  }
0x1f2: {  	v34 =	vld [tilespmem:s25+$0x80E0];
	v13 =	vadd.f32 v13, v23;
	v15 =	vadd.f32 v15, v24  }
0x1f3: {  	v35 =	vld [tilespmem:s25+$0x80F0];
	v21 =	vadd.f32 v6, v14;
	v22 =	vadd.f32 v7, v16  }
0x1f4: {  	v6 =	vld [tilespmem:s25+$0x8160];
	v23 =	vadd.f32 v8, v13;
	v24 =	vadd.f32 v9, v15  }
0x1f5: {  	v7 =	vadd.f32 v30, v12;
	v8 =	vadd.f32 v31, v19;
	v9 =	vld [tilespmem:s25+$0x8170]  }
0x1f6: {  	v12 =	vadd.f32 v32, v18;
	v13 =	vadd.f32 v33, v17;
	v14 =	vld [tilespmem:s25+$0x81E0]  }
0x1f7: {  	v7 =	vadd.f32 v28, v7;
	v8 =	vadd.f32 v29, v8;
	v15 =	vld [tilespmem:s25+$0x81F0]  }
0x1f8: {  	v12 =	vadd.f32 v34, v12;
	v13 =	vadd.f32 v35, v13;
	v16 =	vld [tilespmem:s25+$0x8260]  }
0x1f9: {  	v7 =	vadd.f32 v26, v7;
	v8 =	vadd.f32 v27, v8;
	v17 =	vld [tilespmem:s25+$0x8270]  }
0x1fa: {  	v6 =	vadd.f32 v6, v12;
	v9 =	vadd.f32 v9, v13;
	v12 =	vld [tilespmem:s25+$0x82E0]  }
0x1fb: {  	v7 =	vadd.f32 v20, v7;
	v8 =	vadd.f32 v25, v8;
	v13 =	vld [tilespmem:s25+$0x82F0]  }
0x1fc: {  	v6 =	vadd.f32 v14, v6;
	v9 =	vadd.f32 v15, v9;
	v14 =	vld [tilespmem:s25+$0x8360]  }
0x1fd: {  	v7 =	vadd.f32 v10, v7;
	v8 =	vadd.f32 v11, v8;
	v10 =	vld [tilespmem:s25+$0x8370]  }
0x1fe: {  	v11 =	vadd.f32 v16, v6;
	v9 =	vadd.f32 v17, v9;
	v15 =	vld [tilespmem:s25+$0x83E0]  }
0x1ff: {  	v4 =	vadd.f32 v4, v7;
	v5 =	vadd.f32 v5, v8;
	v16 =	vld [tilespmem:s25+$0x83F0];
	s25 =	sshra.s32 s26, $0x2  }
0x200: {  	v11 =	vadd.f32 v12, v11;
	v6 =	vld [tilespmem:s25+$0x8380];
	v9 =	vadd.f32 v13, v9  }
0x201: {  	v3 =	vadd.f32 v3, v4;
	v2 =	vadd.f32 v2, v5;
	v7 =	vld [tilespmem:s25+$0x8390]  }
0x202: {  	v4 =	vadd.f32 v14, v11;
	v8 =	vld [tilespmem:s25+$0x83A0];
	v5 =	vadd.f32 v10, v9  }
0x203: {  	v12 =	vadd.f32 v0, v3;
	v19 =	vadd.f32 v1, v2;
	v9 =	vld [tilespmem:s25+$0x83B0]  }
0x204: {  	v18 =	vadd.f32 v15, v4;
	v0 =	vld [tilespmem:s25+$0x83C0];
	v17 =	vadd.f32 v16, v5  }
0x205: {  	v1 =	vld [tilespmem:s25+$0x83D0]  }
0x206: {  	v14 =	vld [tilespmem:s25+$0x8300]  }
0x207: {  	v16 =	vld [tilespmem:s25+$0x8310]  }
0x208: {  	v13 =	vld [tilespmem:s25+$0x8320]  }
0x209: {  	v15 =	vld [tilespmem:s25+$0x8330]  }
0x20a: {  	v3 =	vld [tilespmem:s25+$0x8340]  }
0x20b: {  	v2 =	vld [tilespmem:s25+$0x8350]  }
0x20c: {  	v32 =	vld [tilespmem:s25+$0x8280]  }
0x20d: {  	v33 =	vld [tilespmem:s25+$0x8290]  }
0x20e: {  	v34 =	vld [tilespmem:s25+$0x82A0]  }
0x20f: {  	v35 =	vld [tilespmem:s25+$0x82B0]  }
0x210: {  	v4 =	vld [tilespmem:s25+$0x82C0]  }
0x211: {  	v5 =	vld [tilespmem:s25+$0x82D0]  }
0x212: {  	v30 =	vld [tilespmem:s25+$0x8200]  }
0x213: {  	v31 =	vld [tilespmem:s25+$0x8210]  }
0x214: {  	v36 =	vld [tilespmem:s25+$0x8220]  }
0x215: {  	v37 =	vld [tilespmem:s25+$0x8230]  }
0x216: {  	v10 =	vld [tilespmem:s25+$0x8240]  }
0x217: {  	v11 =	vld [tilespmem:s25+$0x8250]  }
0x218: {  	v28 =	vld [tilespmem:s25+$0x8180]  }
0x219: {  	v29 =	vld [tilespmem:s25+$0x8190]  }
0x21a: {  	v25 =	vld [tilespmem:s25+$0x8100]  }
0x21b: {  	v26 =	vld [tilespmem:s25+$0x8110]  }
0x21c: {  	v20 =	vld [tilespmem:s25+$0x8080]  }
0x21d: {  	v27 =	vld [tilespmem:s25+$0x8090]  }
0x21e: {  	v38 =	vld [tilespmem:s25+$0x8000]  }
0x21f: {  	v39 =	vld [tilespmem:s25+$0x8010]  }
0x220: {  	v40 =	vld [tilespmem:s25+$0x8020]  }
0x221: {  	v41 =	vld [tilespmem:s25+$0x8030]  }
0x222: {  	v42 =	vld [tilespmem:s25+$0x80A0]  }
0x223: {  	v43 =	vld [tilespmem:s25+$0x80B0]  }
0x224: {  	v44 =	vld [tilespmem:s25+$0x8120]  }
0x225: {  	v21 =	vadd.f32 v38, v21;
	v22 =	vadd.f32 v39, v22;
	v38 =	vld [tilespmem:s25+$0x8130]  }
0x226: {  	v23 =	vadd.f32 v40, v23;
	v24 =	vadd.f32 v41, v24;
	v39 =	vld [tilespmem:s25+$0x81A0]  }
0x227: {  	v21 =	vadd.f32 v20, v21;
	v22 =	vadd.f32 v27, v22;
	v40 =	vld [tilespmem:s25+$0x81B0]  }
0x228: {  	v23 =	vadd.f32 v42, v23;
	v24 =	vadd.f32 v43, v24;
	v20 =	vld [tilespmem:s25+$0x81C0]  }
0x229: {  	v21 =	vadd.f32 v25, v21;
	v22 =	vadd.f32 v26, v22;
	v25 =	vld [tilespmem:s25+$0x81D0]  }
0x22a: {  	v23 =	vadd.f32 v44, v23;
	v24 =	vadd.f32 v38, v24;
	v26 =	vld [tilespmem:s25+$0x8140]  }
0x22b: {  	v21 =	vadd.f32 v28, v21;
	v22 =	vadd.f32 v29, v22;
	v27 =	vld [tilespmem:s25+$0x8150]  }
.Ltmp5:
0x22c: {  	v23 =	vadd.f32 v39, v23;
	v28 =	vld [tilespmem:s25+$0x80C0];
	v24 =	vadd.f32 v40, v24;
	(pc) =	sbr.rel @p1 .LBB2_9-.Ltmp5, $4  }
0x22d: {  	v21 =	vadd.f32 v30, v21;
	v22 =	vadd.f32 v31, v22;
	v29 =	vld [tilespmem:s25+$0x80D0]  }
0x22e: {  	v23 =	vadd.f32 v36, v23;
	v30 =	vld [tilespmem:s25+$0x8040];
	v24 =	vadd.f32 v37, v24  }
0x22f: {  	v21 =	vadd.f32 v32, v21;
	v22 =	vadd.f32 v33, v22;
	v31 =	vld [tilespmem:s25+$0x8050]  }
0x230: {  	s26 =	sadd.s32 $0x1000, s26;
	v23 =	vadd.f32 v34, v23;
	v32 =	vld [tilespmem:s25+$0x8060];
	v24 =	vadd.f32 v35, v24  }
0x231: {  	v14 =	vadd.f32 v14, v21;
	v16 =	vadd.f32 v16, v22  }
0x232: {  	v33 =	vld [tilespmem:s25+$0x8070];
	v13 =	vadd.f32 v13, v23;
	v15 =	vadd.f32 v15, v24  }
0x233: {  	v21 =	vld [tilespmem:s25+$0x80E0];
	v6 =	vadd.f32 v6, v14;
	v7 =	vadd.f32 v7, v16  }
0x234: {  	v22 =	vld [tilespmem:s25+$0x80F0];
	v12 =	vadd.f32 v30, v12;
	v8 =	vadd.f32 v8, v13  }
0x235: {  	v14 =	vld [tilespmem:s25+$0x8160];
	v9 =	vadd.f32 v9, v15;
	v13 =	vadd.f32 v31, v19  }
0x236: {  	v15 =	vld [tilespmem:s25+$0x8170];
	v16 =	vadd.f32 v32, v18;
	v12 =	vadd.f32 v28, v12  }
0x237: {  	v18 =	vld [tilespmem:s25+$0x81E0];
	v17 =	vadd.f32 v33, v17;
	v13 =	vadd.f32 v29, v13  }
0x238: {  	v19 =	vld [tilespmem:s25+$0x81F0];
	v16 =	vadd.f32 v21, v16;
	v12 =	vadd.f32 v26, v12  }
0x239: {  	v21 =	vld [tilespmem:s25+$0x8260];
	v17 =	vadd.f32 v22, v17;
	v13 =	vadd.f32 v27, v13  }
0x23a: {  	v22 =	vld [tilespmem:s25+$0x8270];
	v14 =	vadd.f32 v14, v16;
	v12 =	vadd.f32 v20, v12  }
0x23b: {  	v16 =	vld [tilespmem:s25+$0x82E0];
	v15 =	vadd.f32 v15, v17;
	v13 =	vadd.f32 v25, v13  }
0x23c: {  	v17 =	vld [tilespmem:s25+$0x82F0];
	v14 =	vadd.f32 v18, v14;
	v10 =	vadd.f32 v10, v12  }
0x23d: {  	v18 =	vld [tilespmem:s25+$0x8360];
	v12 =	vadd.f32 v19, v15;
	v11 =	vadd.f32 v11, v13  }
0x23e: {  	v13 =	vld [tilespmem:s25+$0x8370];
	v14 =	vadd.f32 v21, v14;
	v4 =	vadd.f32 v4, v10  }
0x23f: {  	v15 =	vld [tilespmem:s25+$0x83E0];
	v10 =	vadd.f32 v22, v12;
	v5 =	vadd.f32 v5, v11  }
0x240: {  	v11 =	vld [tilespmem:s25+$0x83F0];
	[tilespmem:s23+$0xD180] =	vst v6;
	v12 =	vadd.f32 v16, v14;
	v3 =	vadd.f32 v3, v4  }
0x241: {  	[tilespmem:s23+$0xD190] =	vst v7;
	v4 =	vadd.f32 v17, v10;
	v2 =	vadd.f32 v2, v5  }
0x242: {  	[tilespmem:s23+$0xD1A0] =	vst v8;
	v5 =	vadd.f32 v18, v12;
	v0 =	vadd.f32 v0, v3  }
0x243: {  	[tilespmem:s23+$0xD1B0] =	vst v9;
	v3 =	vadd.f32 v13, v4;
	v1 =	vadd.f32 v1, v2  }
0x244: {  	v2 =	vadd.f32 v15, v5;
	[tilespmem:s23+$0xD1C0] =	vst v0  }
0x245: {  	v0 =	vadd.f32 v11, v3;
	[tilespmem:s23+$0xD1D0] =	vst v1  }
0x246: {  	[tilespmem:s23+$0xD1E0] =	vst v2  }
0x247: {  	s26 =	simm.s32 @!p0 $0x40;
	s28 =	simm.s32 @!p0 $0x7000;
	s25 =	sadd.s32 @!p0 $0x280, s24;
	[tilespmem:s23+$0xD1F0] =	vst v0  }
0x248: {  	[tilespmem:s28], [sflag:$0x2] =	stream.indirect.gather @!p0 [hbm4b:s0+s26], $0x80, s25, s26, $0xb8;
	[tilespmem:$0x17000] =	vst v63  }
0x249: {  	_ =	swait.ge [sflag:s18], $0x2000  }
0x24a: {  	[sflag:s18] =	ssyncset.done $0x0  }
0x24b: {  	s25 =	simm.s32 $0x0;
	[sflag:s18] =	ssyncadd.s32 $0xFFFFE000  }
0x24c: {  	v6 =	vld [tilespmem:s25+$0x9380]  }
0x24d: {  	v7 =	vld [tilespmem:s25+$0x9390]  }
0x24e: {  	v8 =	vld [tilespmem:s25+$0x93A0]  }
0x24f: {  	v9 =	vld [tilespmem:s25+$0x93B0]  }
0x250: {  	v0 =	vld [tilespmem:s25+$0x93C0]  }
0x251: {  	v1 =	vld [tilespmem:s25+$0x93D0]  }
0x252: {  	v14 =	vld [tilespmem:s25+$0x9300]  }
0x253: {  	v16 =	vld [tilespmem:s25+$0x9310]  }
0x254: {  	v13 =	vld [tilespmem:s25+$0x9320]  }
0x255: {  	v15 =	vld [tilespmem:s25+$0x9330]  }
0x256: {  	v3 =	vld [tilespmem:s25+$0x9340]  }
0x257: {  	v2 =	vld [tilespmem:s25+$0x9350]  }
0x258: {  	v17 =	vld [tilespmem:s25+$0x9280]  }
0x259: {  	v18 =	vld [tilespmem:s25+$0x9290]  }
0x25a: {  	v19 =	vld [tilespmem:s25+$0x92A0]  }
0x25b: {  	v24 =	vld [tilespmem:s25+$0x92B0]  }
0x25c: {  	v4 =	vld [tilespmem:s25+$0x92C0]  }
0x25d: {  	v5 =	vld [tilespmem:s25+$0x92D0]  }
0x25e: {  	v21 =	vld [tilespmem:s25+$0x9200]  }
0x25f: {  	v22 =	vld [tilespmem:s25+$0x9210]  }
0x260: {  	v23 =	vld [tilespmem:s25+$0x9220]  }
0x261: {  	v30 =	vld [tilespmem:s25+$0x9230]  }
0x262: {  	v10 =	vld [tilespmem:s25+$0x9240]  }
0x263: {  	v27 =	vld [tilespmem:s25+$0x9180]  }
0x264: {  	v28 =	vld [tilespmem:s25+$0x9190]  }
0x265: {  	v25 =	vld [tilespmem:s25+$0x9100]  }
0x266: {  	v26 =	vld [tilespmem:s25+$0x9110]  }
0x267: {  	v11 =	vld [tilespmem:s25+$0x9080]  }
0x268: {  	v20 =	vld [tilespmem:s25+$0x9090]  }
0x269: {  	v29 =	vld [tilespmem:s25+$0x9000]  }
0x26a: {  	v31 =	vld [tilespmem:s25+$0x9010]  }
0x26b: {  	v61 =	vld [tilespmem:s25+$0x9020]  }
0x26c: {  	v62 =	vld [tilespmem:s25+$0x9030]  }
0x26d: {  	v34 =	vld [tilespmem:s25+$0x90A0]  }
0x26e: {  	v35 =	vld [tilespmem:s25+$0x90B0]  }
0x26f: {  	v12 =	vimm.f32 $0.0e+00;
	v36 =	vld [tilespmem:s25+$0x9120]  }
0x270: {  	v37 =	vld [tilespmem:s25+$0x9130];
	v29 =	vadd.f32 v29, v12;
	v31 =	vadd.f32 v31, v12  }
0x271: {  	v38 =	vld [tilespmem:s25+$0x91A0];
	v32 =	vadd.f32 v61, v12;
	v33 =	vadd.f32 v62, v12  }
0x272: {  	v39 =	vld [tilespmem:s25+$0x91B0];
	v29 =	vadd.f32 v11, v29;
	v31 =	vadd.f32 v20, v31  }
0x273: {  	v11 =	vld [tilespmem:s25+$0x9250];
	v32 =	vadd.f32 v34, v32;
	v33 =	vadd.f32 v35, v33  }
0x274: {  	v20 =	vld [tilespmem:s25+$0x91C0];
	v29 =	vadd.f32 v25, v29;
	v31 =	vadd.f32 v26, v31  }
0x275: {  	v25 =	vld [tilespmem:s25+$0x91D0];
	v32 =	vadd.f32 v36, v32;
	v33 =	vadd.f32 v37, v33  }
0x276: {  	v26 =	vld [tilespmem:s25+$0x9140];
	v29 =	vadd.f32 v27, v29;
	v31 =	vadd.f32 v28, v31  }
0x277: {  	v27 =	vld [tilespmem:s25+$0x9150];
	v32 =	vadd.f32 v38, v32;
	v33 =	vadd.f32 v39, v33  }
0x278: {  	v28 =	vld [tilespmem:s25+$0x90C0];
	v21 =	vadd.f32 v21, v29;
	v22 =	vadd.f32 v22, v31  }
0x279: {  	v29 =	vld [tilespmem:s25+$0x90D0];
	v23 =	vadd.f32 v23, v32;
	v63 =	vadd.f32 v30, v33  }
0x27a: {  	v30 =	vld [tilespmem:s25+$0x9040];
	v21 =	vadd.f32 v17, v21;
	v22 =	vadd.f32 v18, v22  }
0x27b: {  	v31 =	vld [tilespmem:s25+$0x9050];
	v23 =	vadd.f32 v19, v23;
	v24 =	vadd.f32 v24, v63  }
0x27c: {  	s26 =	simm.s32 $0x1000;
	v32 =	vld [tilespmem:s25+$0x9060];
	v19 =	vimm.f32 $0.0e+00;
	v18 =	vimm.f32 $0.0e+00;
	v17 =	vimm.f32 $0.0e+00  }
.LBB2_11:
0x27d: {  	p1 =	sne.s32 s26, $0x3000;
	v33 =	vld [tilespmem:s25+$0x9070];
	v14 =	vadd.f32 v14, v21;
	v16 =	vadd.f32 v16, v22  }
0x27e: {  	v34 =	vld [tilespmem:s25+$0x90E0];
	v13 =	vadd.f32 v13, v23;
	v15 =	vadd.f32 v15, v24  }
0x27f: {  	v35 =	vld [tilespmem:s25+$0x90F0];
	v21 =	vadd.f32 v6, v14;
	v22 =	vadd.f32 v7, v16  }
0x280: {  	v6 =	vld [tilespmem:s25+$0x9160];
	v23 =	vadd.f32 v8, v13;
	v24 =	vadd.f32 v9, v15  }
0x281: {  	v7 =	vadd.f32 v30, v12;
	v8 =	vadd.f32 v31, v19;
	v9 =	vld [tilespmem:s25+$0x9170]  }
0x282: {  	v12 =	vadd.f32 v32, v18;
	v13 =	vadd.f32 v33, v17;
	v14 =	vld [tilespmem:s25+$0x91E0]  }
0x283: {  	v7 =	vadd.f32 v28, v7;
	v8 =	vadd.f32 v29, v8;
	v15 =	vld [tilespmem:s25+$0x91F0]  }
0x284: {  	v12 =	vadd.f32 v34, v12;
	v13 =	vadd.f32 v35, v13;
	v16 =	vld [tilespmem:s25+$0x9260]  }
0x285: {  	v7 =	vadd.f32 v26, v7;
	v8 =	vadd.f32 v27, v8;
	v17 =	vld [tilespmem:s25+$0x9270]  }
0x286: {  	v6 =	vadd.f32 v6, v12;
	v9 =	vadd.f32 v9, v13;
	v12 =	vld [tilespmem:s25+$0x92E0]  }
0x287: {  	v7 =	vadd.f32 v20, v7;
	v8 =	vadd.f32 v25, v8;
	v13 =	vld [tilespmem:s25+$0x92F0]  }
0x288: {  	v6 =	vadd.f32 v14, v6;
	v9 =	vadd.f32 v15, v9;
	v14 =	vld [tilespmem:s25+$0x9360]  }
0x289: {  	v7 =	vadd.f32 v10, v7;
	v8 =	vadd.f32 v11, v8;
	v10 =	vld [tilespmem:s25+$0x9370]  }
0x28a: {  	v11 =	vadd.f32 v16, v6;
	v9 =	vadd.f32 v17, v9;
	v15 =	vld [tilespmem:s25+$0x93E0]  }
0x28b: {  	v4 =	vadd.f32 v4, v7;
	v5 =	vadd.f32 v5, v8;
	v16 =	vld [tilespmem:s25+$0x93F0];
	s25 =	sshra.s32 s26, $0x2  }
0x28c: {  	v11 =	vadd.f32 v12, v11;
	v6 =	vld [tilespmem:s25+$0x9380];
	v9 =	vadd.f32 v13, v9  }
0x28d: {  	v3 =	vadd.f32 v3, v4;
	v2 =	vadd.f32 v2, v5;
	v7 =	vld [tilespmem:s25+$0x9390]  }
0x28e: {  	v4 =	vadd.f32 v14, v11;
	v8 =	vld [tilespmem:s25+$0x93A0];
	v5 =	vadd.f32 v10, v9  }
0x28f: {  	v12 =	vadd.f32 v0, v3;
	v19 =	vadd.f32 v1, v2;
	v9 =	vld [tilespmem:s25+$0x93B0]  }
0x290: {  	v18 =	vadd.f32 v15, v4;
	v0 =	vld [tilespmem:s25+$0x93C0];
	v17 =	vadd.f32 v16, v5  }
0x291: {  	v1 =	vld [tilespmem:s25+$0x93D0]  }
0x292: {  	v14 =	vld [tilespmem:s25+$0x9300]  }
0x293: {  	v16 =	vld [tilespmem:s25+$0x9310]  }
0x294: {  	v13 =	vld [tilespmem:s25+$0x9320]  }
0x295: {  	v15 =	vld [tilespmem:s25+$0x9330]  }
0x296: {  	v3 =	vld [tilespmem:s25+$0x9340]  }
0x297: {  	v2 =	vld [tilespmem:s25+$0x9350]  }
0x298: {  	v32 =	vld [tilespmem:s25+$0x9280]  }
0x299: {  	v33 =	vld [tilespmem:s25+$0x9290]  }
0x29a: {  	v34 =	vld [tilespmem:s25+$0x92A0]  }
0x29b: {  	v35 =	vld [tilespmem:s25+$0x92B0]  }
0x29c: {  	v4 =	vld [tilespmem:s25+$0x92C0]  }
0x29d: {  	v5 =	vld [tilespmem:s25+$0x92D0]  }
0x29e: {  	v30 =	vld [tilespmem:s25+$0x9200]  }
0x29f: {  	v31 =	vld [tilespmem:s25+$0x9210]  }
0x2a0: {  	v36 =	vld [tilespmem:s25+$0x9220]  }
0x2a1: {  	v37 =	vld [tilespmem:s25+$0x9230]  }
0x2a2: {  	v10 =	vld [tilespmem:s25+$0x9240]  }
0x2a3: {  	v11 =	vld [tilespmem:s25+$0x9250]  }
0x2a4: {  	v28 =	vld [tilespmem:s25+$0x9180]  }
0x2a5: {  	v29 =	vld [tilespmem:s25+$0x9190]  }
0x2a6: {  	v25 =	vld [tilespmem:s25+$0x9100]  }
0x2a7: {  	v26 =	vld [tilespmem:s25+$0x9110]  }
0x2a8: {  	v20 =	vld [tilespmem:s25+$0x9080]  }
0x2a9: {  	v27 =	vld [tilespmem:s25+$0x9090]  }
0x2aa: {  	v38 =	vld [tilespmem:s25+$0x9000]  }
0x2ab: {  	v39 =	vld [tilespmem:s25+$0x9010]  }
0x2ac: {  	v40 =	vld [tilespmem:s25+$0x9020]  }
0x2ad: {  	v41 =	vld [tilespmem:s25+$0x9030]  }
0x2ae: {  	v42 =	vld [tilespmem:s25+$0x90A0]  }
0x2af: {  	v43 =	vld [tilespmem:s25+$0x90B0]  }
0x2b0: {  	v44 =	vld [tilespmem:s25+$0x9120]  }
0x2b1: {  	v21 =	vadd.f32 v38, v21;
	v22 =	vadd.f32 v39, v22;
	v38 =	vld [tilespmem:s25+$0x9130]  }
0x2b2: {  	v23 =	vadd.f32 v40, v23;
	v24 =	vadd.f32 v41, v24;
	v39 =	vld [tilespmem:s25+$0x91A0]  }
0x2b3: {  	v21 =	vadd.f32 v20, v21;
	v22 =	vadd.f32 v27, v22;
	v40 =	vld [tilespmem:s25+$0x91B0]  }
0x2b4: {  	v23 =	vadd.f32 v42, v23;
	v24 =	vadd.f32 v43, v24;
	v20 =	vld [tilespmem:s25+$0x91C0]  }
0x2b5: {  	v21 =	vadd.f32 v25, v21;
	v22 =	vadd.f32 v26, v22;
	v25 =	vld [tilespmem:s25+$0x91D0]  }
0x2b6: {  	v23 =	vadd.f32 v44, v23;
	v24 =	vadd.f32 v38, v24;
	v26 =	vld [tilespmem:s25+$0x9140]  }
0x2b7: {  	v21 =	vadd.f32 v28, v21;
	v22 =	vadd.f32 v29, v22;
	v27 =	vld [tilespmem:s25+$0x9150]  }
.Ltmp6:
0x2b8: {  	v23 =	vadd.f32 v39, v23;
	v28 =	vld [tilespmem:s25+$0x90C0];
	v24 =	vadd.f32 v40, v24;
	(pc) =	sbr.rel @p1 .LBB2_11-.Ltmp6, $4  }
0x2b9: {  	v21 =	vadd.f32 v30, v21;
	v22 =	vadd.f32 v31, v22;
	v29 =	vld [tilespmem:s25+$0x90D0]  }
0x2ba: {  	v23 =	vadd.f32 v36, v23;
	v30 =	vld [tilespmem:s25+$0x9040];
	v24 =	vadd.f32 v37, v24  }
0x2bb: {  	v21 =	vadd.f32 v32, v21;
	v22 =	vadd.f32 v33, v22;
	v31 =	vld [tilespmem:s25+$0x9050]  }
0x2bc: {  	s26 =	sadd.s32 $0x1000, s26;
	v23 =	vadd.f32 v34, v23;
	v32 =	vld [tilespmem:s25+$0x9060];
	v24 =	vadd.f32 v35, v24  }
0x2bd: {  	v14 =	vadd.f32 v14, v21;
	v16 =	vadd.f32 v16, v22  }
0x2be: {  	v33 =	vld [tilespmem:s25+$0x9070];
	v13 =	vadd.f32 v13, v23;
	v15 =	vadd.f32 v15, v24  }
0x2bf: {  	v21 =	vld [tilespmem:s25+$0x90E0];
	v6 =	vadd.f32 v6, v14;
	v7 =	vadd.f32 v7, v16  }
0x2c0: {  	v22 =	vld [tilespmem:s25+$0x90F0];
	v12 =	vadd.f32 v30, v12;
	v8 =	vadd.f32 v8, v13  }
0x2c1: {  	v14 =	vld [tilespmem:s25+$0x9160];
	v9 =	vadd.f32 v9, v15;
	v13 =	vadd.f32 v31, v19  }
0x2c2: {  	v15 =	vld [tilespmem:s25+$0x9170];
	v16 =	vadd.f32 v32, v18;
	v12 =	vadd.f32 v28, v12  }
0x2c3: {  	v18 =	vld [tilespmem:s25+$0x91E0];
	v17 =	vadd.f32 v33, v17;
	v13 =	vadd.f32 v29, v13  }
0x2c4: {  	v19 =	vld [tilespmem:s25+$0x91F0];
	v16 =	vadd.f32 v21, v16;
	v12 =	vadd.f32 v26, v12  }
0x2c5: {  	v21 =	vld [tilespmem:s25+$0x9260];
	v17 =	vadd.f32 v22, v17;
	v13 =	vadd.f32 v27, v13  }
0x2c6: {  	v22 =	vld [tilespmem:s25+$0x9270];
	v14 =	vadd.f32 v14, v16;
	v12 =	vadd.f32 v20, v12  }
0x2c7: {  	v16 =	vld [tilespmem:s25+$0x92E0];
	v15 =	vadd.f32 v15, v17;
	v13 =	vadd.f32 v25, v13  }
0x2c8: {  	v17 =	vld [tilespmem:s25+$0x92F0];
	v14 =	vadd.f32 v18, v14;
	v10 =	vadd.f32 v10, v12  }
0x2c9: {  	v18 =	vld [tilespmem:s25+$0x9360];
	v12 =	vadd.f32 v19, v15;
	v11 =	vadd.f32 v11, v13  }
0x2ca: {  	v13 =	vld [tilespmem:s25+$0x9370];
	v14 =	vadd.f32 v21, v14;
	v4 =	vadd.f32 v4, v10  }
0x2cb: {  	v15 =	vld [tilespmem:s25+$0x93E0];
	v10 =	vadd.f32 v22, v12;
	v5 =	vadd.f32 v5, v11  }
0x2cc: {  	v11 =	vld [tilespmem:s25+$0x93F0];
	[tilespmem:s23+$0xD200] =	vst v6;
	v12 =	vadd.f32 v16, v14;
	v3 =	vadd.f32 v3, v4  }
0x2cd: {  	[tilespmem:s23+$0xD210] =	vst v7;
	v4 =	vadd.f32 v17, v10;
	v2 =	vadd.f32 v2, v5  }
0x2ce: {  	[tilespmem:s23+$0xD220] =	vst v8;
	v5 =	vadd.f32 v18, v12;
	v0 =	vadd.f32 v0, v3  }
0x2cf: {  	[tilespmem:s23+$0xD230] =	vst v9;
	v3 =	vadd.f32 v13, v4;
	v1 =	vadd.f32 v1, v2  }
0x2d0: {  	v2 =	vadd.f32 v15, v5;
	[tilespmem:s23+$0xD240] =	vst v0  }
0x2d1: {  	v0 =	vadd.f32 v11, v3;
	[tilespmem:s23+$0xD250] =	vst v1  }
0x2d2: {  	[tilespmem:s23+$0xD260] =	vst v2  }
0x2d3: {  	s25 =	simm.s32 $0x0;
	[tilespmem:s23+$0xD270] =	vst v0  }
0x2d4: {  	v6 =	vld [tilespmem:s25+$0xA380]  }
0x2d5: {  	v7 =	vld [tilespmem:s25+$0xA390]  }
0x2d6: {  	v8 =	vld [tilespmem:s25+$0xA3A0]  }
0x2d7: {  	v9 =	vld [tilespmem:s25+$0xA3B0]  }
0x2d8: {  	v0 =	vld [tilespmem:s25+$0xA3C0]  }
0x2d9: {  	v1 =	vld [tilespmem:s25+$0xA3D0]  }
0x2da: {  	v14 =	vld [tilespmem:s25+$0xA300]  }
0x2db: {  	v16 =	vld [tilespmem:s25+$0xA310]  }
0x2dc: {  	v13 =	vld [tilespmem:s25+$0xA320]  }
0x2dd: {  	v15 =	vld [tilespmem:s25+$0xA330]  }
0x2de: {  	v3 =	vld [tilespmem:s25+$0xA340]  }
0x2df: {  	v2 =	vld [tilespmem:s25+$0xA350]  }
0x2e0: {  	v17 =	vld [tilespmem:s25+$0xA280]  }
0x2e1: {  	v18 =	vld [tilespmem:s25+$0xA290]  }
0x2e2: {  	v19 =	vld [tilespmem:s25+$0xA2A0]  }
0x2e3: {  	v24 =	vld [tilespmem:s25+$0xA2B0]  }
0x2e4: {  	v4 =	vld [tilespmem:s25+$0xA2C0]  }
0x2e5: {  	v5 =	vld [tilespmem:s25+$0xA2D0]  }
0x2e6: {  	v21 =	vld [tilespmem:s25+$0xA200]  }
0x2e7: {  	v22 =	vld [tilespmem:s25+$0xA210]  }
0x2e8: {  	v23 =	vld [tilespmem:s25+$0xA220]  }
0x2e9: {  	v30 =	vld [tilespmem:s25+$0xA230]  }
0x2ea: {  	v10 =	vld [tilespmem:s25+$0xA240]  }
0x2eb: {  	v27 =	vld [tilespmem:s25+$0xA180]  }
0x2ec: {  	v28 =	vld [tilespmem:s25+$0xA190]  }
0x2ed: {  	v25 =	vld [tilespmem:s25+$0xA100]  }
0x2ee: {  	v26 =	vld [tilespmem:s25+$0xA110]  }
0x2ef: {  	v11 =	vld [tilespmem:s25+$0xA080]  }
0x2f0: {  	v20 =	vld [tilespmem:s25+$0xA090]  }
0x2f1: {  	v29 =	vld [tilespmem:s25+$0xA000]  }
0x2f2: {  	v31 =	vld [tilespmem:s25+$0xA010]  }
0x2f3: {  	v61 =	vld [tilespmem:s25+$0xA020]  }
0x2f4: {  	v62 =	vld [tilespmem:s25+$0xA030]  }
0x2f5: {  	v34 =	vld [tilespmem:s25+$0xA0A0]  }
0x2f6: {  	v35 =	vld [tilespmem:s25+$0xA0B0]  }
0x2f7: {  	v12 =	vimm.f32 $0.0e+00;
	v36 =	vld [tilespmem:s25+$0xA120]  }
0x2f8: {  	v37 =	vld [tilespmem:s25+$0xA130];
	v29 =	vadd.f32 v29, v12;
	v31 =	vadd.f32 v31, v12  }
0x2f9: {  	v38 =	vld [tilespmem:s25+$0xA1A0];
	v32 =	vadd.f32 v61, v12;
	v33 =	vadd.f32 v62, v12  }
0x2fa: {  	v39 =	vld [tilespmem:s25+$0xA1B0];
	v29 =	vadd.f32 v11, v29;
	v31 =	vadd.f32 v20, v31  }
0x2fb: {  	v11 =	vld [tilespmem:s25+$0xA250];
	v32 =	vadd.f32 v34, v32;
	v33 =	vadd.f32 v35, v33  }
0x2fc: {  	v20 =	vld [tilespmem:s25+$0xA1C0];
	v29 =	vadd.f32 v25, v29;
	v31 =	vadd.f32 v26, v31  }
0x2fd: {  	v25 =	vld [tilespmem:s25+$0xA1D0];
	v32 =	vadd.f32 v36, v32;
	v33 =	vadd.f32 v37, v33  }
0x2fe: {  	v26 =	vld [tilespmem:s25+$0xA140];
	v29 =	vadd.f32 v27, v29;
	v31 =	vadd.f32 v28, v31  }
0x2ff: {  	v27 =	vld [tilespmem:s25+$0xA150];
	v32 =	vadd.f32 v38, v32;
	v33 =	vadd.f32 v39, v33  }
0x300: {  	v28 =	vld [tilespmem:s25+$0xA0C0];
	v21 =	vadd.f32 v21, v29;
	v22 =	vadd.f32 v22, v31  }
0x301: {  	v29 =	vld [tilespmem:s25+$0xA0D0];
	v23 =	vadd.f32 v23, v32;
	v63 =	vadd.f32 v30, v33  }
0x302: {  	v30 =	vld [tilespmem:s25+$0xA040];
	v21 =	vadd.f32 v17, v21;
	v22 =	vadd.f32 v18, v22  }
0x303: {  	v31 =	vld [tilespmem:s25+$0xA050];
	v23 =	vadd.f32 v19, v23;
	v24 =	vadd.f32 v24, v63  }
0x304: {  	s26 =	simm.s32 $0x1000;
	v32 =	vld [tilespmem:s25+$0xA060];
	v19 =	vimm.f32 $0.0e+00;
	v18 =	vimm.f32 $0.0e+00;
	v17 =	vimm.f32 $0.0e+00  }
.LBB2_13:
0x305: {  	p1 =	sne.s32 s26, $0x3000;
	v33 =	vld [tilespmem:s25+$0xA070];
	v14 =	vadd.f32 v14, v21;
	v16 =	vadd.f32 v16, v22  }
0x306: {  	v34 =	vld [tilespmem:s25+$0xA0E0];
	v13 =	vadd.f32 v13, v23;
	v15 =	vadd.f32 v15, v24  }
0x307: {  	v35 =	vld [tilespmem:s25+$0xA0F0];
	v21 =	vadd.f32 v6, v14;
	v22 =	vadd.f32 v7, v16  }
0x308: {  	v6 =	vld [tilespmem:s25+$0xA160];
	v23 =	vadd.f32 v8, v13;
	v24 =	vadd.f32 v9, v15  }
0x309: {  	v7 =	vadd.f32 v30, v12;
	v8 =	vadd.f32 v31, v19;
	v9 =	vld [tilespmem:s25+$0xA170]  }
0x30a: {  	v12 =	vadd.f32 v32, v18;
	v13 =	vadd.f32 v33, v17;
	v14 =	vld [tilespmem:s25+$0xA1E0]  }
0x30b: {  	v7 =	vadd.f32 v28, v7;
	v8 =	vadd.f32 v29, v8;
	v15 =	vld [tilespmem:s25+$0xA1F0]  }
0x30c: {  	v12 =	vadd.f32 v34, v12;
	v13 =	vadd.f32 v35, v13;
	v16 =	vld [tilespmem:s25+$0xA260]  }
0x30d: {  	v7 =	vadd.f32 v26, v7;
	v8 =	vadd.f32 v27, v8;
	v17 =	vld [tilespmem:s25+$0xA270]  }
0x30e: {  	v6 =	vadd.f32 v6, v12;
	v9 =	vadd.f32 v9, v13;
	v12 =	vld [tilespmem:s25+$0xA2E0]  }
0x30f: {  	v7 =	vadd.f32 v20, v7;
	v8 =	vadd.f32 v25, v8;
	v13 =	vld [tilespmem:s25+$0xA2F0]  }
0x310: {  	v6 =	vadd.f32 v14, v6;
	v9 =	vadd.f32 v15, v9;
	v14 =	vld [tilespmem:s25+$0xA360]  }
0x311: {  	v7 =	vadd.f32 v10, v7;
	v8 =	vadd.f32 v11, v8;
	v10 =	vld [tilespmem:s25+$0xA370]  }
0x312: {  	v11 =	vadd.f32 v16, v6;
	v9 =	vadd.f32 v17, v9;
	v15 =	vld [tilespmem:s25+$0xA3E0]  }
0x313: {  	v4 =	vadd.f32 v4, v7;
	v5 =	vadd.f32 v5, v8;
	v16 =	vld [tilespmem:s25+$0xA3F0];
	s25 =	sshra.s32 s26, $0x2  }
0x314: {  	v11 =	vadd.f32 v12, v11;
	v6 =	vld [tilespmem:s25+$0xA380];
	v9 =	vadd.f32 v13, v9  }
0x315: {  	v3 =	vadd.f32 v3, v4;
	v2 =	vadd.f32 v2, v5;
	v7 =	vld [tilespmem:s25+$0xA390]  }
0x316: {  	v4 =	vadd.f32 v14, v11;
	v8 =	vld [tilespmem:s25+$0xA3A0];
	v5 =	vadd.f32 v10, v9  }
0x317: {  	v12 =	vadd.f32 v0, v3;
	v19 =	vadd.f32 v1, v2;
	v9 =	vld [tilespmem:s25+$0xA3B0]  }
0x318: {  	v18 =	vadd.f32 v15, v4;
	v0 =	vld [tilespmem:s25+$0xA3C0];
	v17 =	vadd.f32 v16, v5  }
0x319: {  	v1 =	vld [tilespmem:s25+$0xA3D0]  }
0x31a: {  	v14 =	vld [tilespmem:s25+$0xA300]  }
0x31b: {  	v16 =	vld [tilespmem:s25+$0xA310]  }
0x31c: {  	v13 =	vld [tilespmem:s25+$0xA320]  }
0x31d: {  	v15 =	vld [tilespmem:s25+$0xA330]  }
0x31e: {  	v3 =	vld [tilespmem:s25+$0xA340]  }
0x31f: {  	v2 =	vld [tilespmem:s25+$0xA350]  }
0x320: {  	v32 =	vld [tilespmem:s25+$0xA280]  }
0x321: {  	v33 =	vld [tilespmem:s25+$0xA290]  }
0x322: {  	v34 =	vld [tilespmem:s25+$0xA2A0]  }
0x323: {  	v35 =	vld [tilespmem:s25+$0xA2B0]  }
0x324: {  	v4 =	vld [tilespmem:s25+$0xA2C0]  }
0x325: {  	v5 =	vld [tilespmem:s25+$0xA2D0]  }
0x326: {  	v30 =	vld [tilespmem:s25+$0xA200]  }
0x327: {  	v31 =	vld [tilespmem:s25+$0xA210]  }
0x328: {  	v36 =	vld [tilespmem:s25+$0xA220]  }
0x329: {  	v37 =	vld [tilespmem:s25+$0xA230]  }
0x32a: {  	v10 =	vld [tilespmem:s25+$0xA240]  }
0x32b: {  	v11 =	vld [tilespmem:s25+$0xA250]  }
0x32c: {  	v28 =	vld [tilespmem:s25+$0xA180]  }
0x32d: {  	v29 =	vld [tilespmem:s25+$0xA190]  }
0x32e: {  	v25 =	vld [tilespmem:s25+$0xA100]  }
0x32f: {  	v26 =	vld [tilespmem:s25+$0xA110]  }
0x330: {  	v20 =	vld [tilespmem:s25+$0xA080]  }
0x331: {  	v27 =	vld [tilespmem:s25+$0xA090]  }
0x332: {  	v38 =	vld [tilespmem:s25+$0xA000]  }
0x333: {  	v39 =	vld [tilespmem:s25+$0xA010]  }
0x334: {  	v40 =	vld [tilespmem:s25+$0xA020]  }
0x335: {  	v41 =	vld [tilespmem:s25+$0xA030]  }
0x336: {  	v42 =	vld [tilespmem:s25+$0xA0A0]  }
0x337: {  	v43 =	vld [tilespmem:s25+$0xA0B0]  }
0x338: {  	v44 =	vld [tilespmem:s25+$0xA120]  }
0x339: {  	v21 =	vadd.f32 v38, v21;
	v22 =	vadd.f32 v39, v22;
	v38 =	vld [tilespmem:s25+$0xA130]  }
0x33a: {  	v23 =	vadd.f32 v40, v23;
	v24 =	vadd.f32 v41, v24;
	v39 =	vld [tilespmem:s25+$0xA1A0]  }
0x33b: {  	v21 =	vadd.f32 v20, v21;
	v22 =	vadd.f32 v27, v22;
	v40 =	vld [tilespmem:s25+$0xA1B0]  }
0x33c: {  	v23 =	vadd.f32 v42, v23;
	v24 =	vadd.f32 v43, v24;
	v20 =	vld [tilespmem:s25+$0xA1C0]  }
0x33d: {  	v21 =	vadd.f32 v25, v21;
	v22 =	vadd.f32 v26, v22;
	v25 =	vld [tilespmem:s25+$0xA1D0]  }
0x33e: {  	v23 =	vadd.f32 v44, v23;
	v24 =	vadd.f32 v38, v24;
	v26 =	vld [tilespmem:s25+$0xA140]  }
0x33f: {  	v21 =	vadd.f32 v28, v21;
	v22 =	vadd.f32 v29, v22;
	v27 =	vld [tilespmem:s25+$0xA150]  }
.Ltmp7:
0x340: {  	v23 =	vadd.f32 v39, v23;
	v28 =	vld [tilespmem:s25+$0xA0C0];
	v24 =	vadd.f32 v40, v24;
	(pc) =	sbr.rel @p1 .LBB2_13-.Ltmp7, $4  }
0x341: {  	v21 =	vadd.f32 v30, v21;
	v22 =	vadd.f32 v31, v22;
	v29 =	vld [tilespmem:s25+$0xA0D0]  }
0x342: {  	v23 =	vadd.f32 v36, v23;
	v30 =	vld [tilespmem:s25+$0xA040];
	v24 =	vadd.f32 v37, v24  }
0x343: {  	v21 =	vadd.f32 v32, v21;
	v22 =	vadd.f32 v33, v22;
	v31 =	vld [tilespmem:s25+$0xA050]  }
0x344: {  	s26 =	sadd.s32 $0x1000, s26;
	v23 =	vadd.f32 v34, v23;
	v32 =	vld [tilespmem:s25+$0xA060];
	v24 =	vadd.f32 v35, v24  }
0x345: {  	v14 =	vadd.f32 v14, v21;
	v16 =	vadd.f32 v16, v22  }
0x346: {  	v33 =	vld [tilespmem:s25+$0xA070];
	v13 =	vadd.f32 v13, v23;
	v15 =	vadd.f32 v15, v24  }
0x347: {  	v21 =	vld [tilespmem:s25+$0xA0E0];
	v6 =	vadd.f32 v6, v14;
	v7 =	vadd.f32 v7, v16  }
0x348: {  	v22 =	vld [tilespmem:s25+$0xA0F0];
	v12 =	vadd.f32 v30, v12;
	v8 =	vadd.f32 v8, v13  }
0x349: {  	v14 =	vld [tilespmem:s25+$0xA160];
	v9 =	vadd.f32 v9, v15;
	v13 =	vadd.f32 v31, v19  }
0x34a: {  	v15 =	vld [tilespmem:s25+$0xA170];
	v16 =	vadd.f32 v32, v18;
	v12 =	vadd.f32 v28, v12  }
0x34b: {  	v18 =	vld [tilespmem:s25+$0xA1E0];
	v17 =	vadd.f32 v33, v17;
	v13 =	vadd.f32 v29, v13  }
0x34c: {  	v19 =	vld [tilespmem:s25+$0xA1F0];
	v16 =	vadd.f32 v21, v16;
	v12 =	vadd.f32 v26, v12  }
0x34d: {  	v21 =	vld [tilespmem:s25+$0xA260];
	v17 =	vadd.f32 v22, v17;
	v13 =	vadd.f32 v27, v13  }
0x34e: {  	v22 =	vld [tilespmem:s25+$0xA270];
	v14 =	vadd.f32 v14, v16;
	v12 =	vadd.f32 v20, v12  }
0x34f: {  	v16 =	vld [tilespmem:s25+$0xA2E0];
	v15 =	vadd.f32 v15, v17;
	v13 =	vadd.f32 v25, v13  }
0x350: {  	v17 =	vld [tilespmem:s25+$0xA2F0];
	v14 =	vadd.f32 v18, v14;
	v10 =	vadd.f32 v10, v12  }
0x351: {  	v18 =	vld [tilespmem:s25+$0xA360];
	v12 =	vadd.f32 v19, v15;
	v11 =	vadd.f32 v11, v13  }
0x352: {  	v13 =	vld [tilespmem:s25+$0xA370];
	v14 =	vadd.f32 v21, v14;
	v4 =	vadd.f32 v4, v10  }
0x353: {  	v15 =	vld [tilespmem:s25+$0xA3E0];
	v10 =	vadd.f32 v22, v12;
	v5 =	vadd.f32 v5, v11  }
0x354: {  	v11 =	vld [tilespmem:s25+$0xA3F0];
	[tilespmem:s23+$0xD280] =	vst v6;
	v12 =	vadd.f32 v16, v14;
	v3 =	vadd.f32 v3, v4  }
0x355: {  	[tilespmem:s23+$0xD290] =	vst v7;
	v4 =	vadd.f32 v17, v10;
	v2 =	vadd.f32 v2, v5  }
0x356: {  	[tilespmem:s23+$0xD2A0] =	vst v8;
	v5 =	vadd.f32 v18, v12;
	v0 =	vadd.f32 v0, v3  }
0x357: {  	[tilespmem:s23+$0xD2B0] =	vst v9;
	v3 =	vadd.f32 v13, v4;
	v1 =	vadd.f32 v1, v2  }
0x358: {  	v2 =	vadd.f32 v15, v5;
	[tilespmem:s23+$0xD2C0] =	vst v0  }
0x359: {  	v0 =	vadd.f32 v11, v3;
	[tilespmem:s23+$0xD2D0] =	vst v1  }
0x35a: {  	[tilespmem:s23+$0xD2E0] =	vst v2  }
0x35b: {  	s24 =	sadd.s32 @!p0 $0x300, s24;
	s26 =	simm.s32 @!p0 $0x9000;
	s25 =	simm.s32 @!p0 $0x40;
	[tilespmem:s23+$0xD2F0] =	vst v0  }
0x35c: {  	[tilespmem:s26], [sflag:$0x3] =	stream.indirect.gather @!p0 [hbm4b:s0+s25], $0x80, s24, s25, $0xb8;
	[tilespmem:$0x17000] =	vst v63  }
0x35d: {  	_ =	swait.ge [sflag:s19], $0x2000  }
0x35e: {  	[sflag:s19] =	ssyncset.done $0x0  }
0x35f: {  	s24 =	simm.s32 $0x0;
	[sflag:s19] =	ssyncadd.s32 $0xFFFFE000  }
0x360: {  	v6 =	vld [tilespmem:s24+$0xB380]  }
0x361: {  	v7 =	vld [tilespmem:s24+$0xB390]  }
0x362: {  	v8 =	vld [tilespmem:s24+$0xB3A0]  }
0x363: {  	v9 =	vld [tilespmem:s24+$0xB3B0]  }
0x364: {  	v0 =	vld [tilespmem:s24+$0xB3C0]  }
0x365: {  	v1 =	vld [tilespmem:s24+$0xB3D0]  }
0x366: {  	v14 =	vld [tilespmem:s24+$0xB300]  }
0x367: {  	v16 =	vld [tilespmem:s24+$0xB310]  }
0x368: {  	v13 =	vld [tilespmem:s24+$0xB320]  }
0x369: {  	v15 =	vld [tilespmem:s24+$0xB330]  }
0x36a: {  	v3 =	vld [tilespmem:s24+$0xB340]  }
0x36b: {  	v2 =	vld [tilespmem:s24+$0xB350]  }
0x36c: {  	v17 =	vld [tilespmem:s24+$0xB280]  }
0x36d: {  	v18 =	vld [tilespmem:s24+$0xB290]  }
0x36e: {  	v19 =	vld [tilespmem:s24+$0xB2A0]  }
0x36f: {  	v24 =	vld [tilespmem:s24+$0xB2B0]  }
0x370: {  	v4 =	vld [tilespmem:s24+$0xB2C0]  }
0x371: {  	v5 =	vld [tilespmem:s24+$0xB2D0]  }
0x372: {  	v21 =	vld [tilespmem:s24+$0xB200]  }
0x373: {  	v22 =	vld [tilespmem:s24+$0xB210]  }
0x374: {  	v23 =	vld [tilespmem:s24+$0xB220]  }
0x375: {  	v30 =	vld [tilespmem:s24+$0xB230]  }
0x376: {  	v10 =	vld [tilespmem:s24+$0xB240]  }
0x377: {  	v27 =	vld [tilespmem:s24+$0xB180]  }
0x378: {  	v28 =	vld [tilespmem:s24+$0xB190]  }
0x379: {  	v25 =	vld [tilespmem:s24+$0xB100]  }
0x37a: {  	v26 =	vld [tilespmem:s24+$0xB110]  }
0x37b: {  	v11 =	vld [tilespmem:s24+$0xB080]  }
0x37c: {  	v20 =	vld [tilespmem:s24+$0xB090]  }
0x37d: {  	v29 =	vld [tilespmem:s24+$0xB000]  }
0x37e: {  	v31 =	vld [tilespmem:s24+$0xB010]  }
0x37f: {  	v61 =	vld [tilespmem:s24+$0xB020]  }
0x380: {  	v62 =	vld [tilespmem:s24+$0xB030]  }
0x381: {  	v34 =	vld [tilespmem:s24+$0xB0A0]  }
0x382: {  	v35 =	vld [tilespmem:s24+$0xB0B0]  }
0x383: {  	v12 =	vimm.f32 $0.0e+00;
	v36 =	vld [tilespmem:s24+$0xB120]  }
0x384: {  	v37 =	vld [tilespmem:s24+$0xB130];
	v29 =	vadd.f32 v29, v12;
	v31 =	vadd.f32 v31, v12  }
0x385: {  	v38 =	vld [tilespmem:s24+$0xB1A0];
	v32 =	vadd.f32 v61, v12;
	v33 =	vadd.f32 v62, v12  }
0x386: {  	v39 =	vld [tilespmem:s24+$0xB1B0];
	v29 =	vadd.f32 v11, v29;
	v31 =	vadd.f32 v20, v31  }
0x387: {  	v11 =	vld [tilespmem:s24+$0xB250];
	v32 =	vadd.f32 v34, v32;
	v33 =	vadd.f32 v35, v33  }
0x388: {  	v20 =	vld [tilespmem:s24+$0xB1C0];
	v29 =	vadd.f32 v25, v29;
	v31 =	vadd.f32 v26, v31  }
0x389: {  	v25 =	vld [tilespmem:s24+$0xB1D0];
	v32 =	vadd.f32 v36, v32;
	v33 =	vadd.f32 v37, v33  }
0x38a: {  	v26 =	vld [tilespmem:s24+$0xB140];
	v29 =	vadd.f32 v27, v29;
	v31 =	vadd.f32 v28, v31  }
0x38b: {  	v27 =	vld [tilespmem:s24+$0xB150];
	v32 =	vadd.f32 v38, v32;
	v33 =	vadd.f32 v39, v33  }
0x38c: {  	v28 =	vld [tilespmem:s24+$0xB0C0];
	v21 =	vadd.f32 v21, v29;
	v22 =	vadd.f32 v22, v31  }
0x38d: {  	v29 =	vld [tilespmem:s24+$0xB0D0];
	v23 =	vadd.f32 v23, v32;
	v63 =	vadd.f32 v30, v33  }
0x38e: {  	v30 =	vld [tilespmem:s24+$0xB040];
	v21 =	vadd.f32 v17, v21;
	v22 =	vadd.f32 v18, v22  }
0x38f: {  	v31 =	vld [tilespmem:s24+$0xB050];
	v23 =	vadd.f32 v19, v23;
	v24 =	vadd.f32 v24, v63  }
0x390: {  	s25 =	simm.s32 $0x1000;
	v32 =	vld [tilespmem:s24+$0xB060];
	v19 =	vimm.f32 $0.0e+00;
	v18 =	vimm.f32 $0.0e+00;
	v17 =	vimm.f32 $0.0e+00  }
.LBB2_15:
0x391: {  	p1 =	sne.s32 s25, $0x3000;
	v33 =	vld [tilespmem:s24+$0xB070];
	v14 =	vadd.f32 v14, v21;
	v16 =	vadd.f32 v16, v22  }
0x392: {  	v34 =	vld [tilespmem:s24+$0xB0E0];
	v13 =	vadd.f32 v13, v23;
	v15 =	vadd.f32 v15, v24  }
0x393: {  	v35 =	vld [tilespmem:s24+$0xB0F0];
	v21 =	vadd.f32 v6, v14;
	v22 =	vadd.f32 v7, v16  }
0x394: {  	v6 =	vld [tilespmem:s24+$0xB160];
	v23 =	vadd.f32 v8, v13;
	v24 =	vadd.f32 v9, v15  }
0x395: {  	v7 =	vadd.f32 v30, v12;
	v8 =	vadd.f32 v31, v19;
	v9 =	vld [tilespmem:s24+$0xB170]  }
0x396: {  	v12 =	vadd.f32 v32, v18;
	v13 =	vadd.f32 v33, v17;
	v14 =	vld [tilespmem:s24+$0xB1E0]  }
0x397: {  	v7 =	vadd.f32 v28, v7;
	v8 =	vadd.f32 v29, v8;
	v15 =	vld [tilespmem:s24+$0xB1F0]  }
0x398: {  	v12 =	vadd.f32 v34, v12;
	v13 =	vadd.f32 v35, v13;
	v16 =	vld [tilespmem:s24+$0xB260]  }
0x399: {  	v7 =	vadd.f32 v26, v7;
	v8 =	vadd.f32 v27, v8;
	v17 =	vld [tilespmem:s24+$0xB270]  }
0x39a: {  	v6 =	vadd.f32 v6, v12;
	v9 =	vadd.f32 v9, v13;
	v12 =	vld [tilespmem:s24+$0xB2E0]  }
0x39b: {  	v7 =	vadd.f32 v20, v7;
	v8 =	vadd.f32 v25, v8;
	v13 =	vld [tilespmem:s24+$0xB2F0]  }
0x39c: {  	v6 =	vadd.f32 v14, v6;
	v9 =	vadd.f32 v15, v9;
	v14 =	vld [tilespmem:s24+$0xB360]  }
0x39d: {  	v7 =	vadd.f32 v10, v7;
	v8 =	vadd.f32 v11, v8;
	v10 =	vld [tilespmem:s24+$0xB370]  }
0x39e: {  	v11 =	vadd.f32 v16, v6;
	v9 =	vadd.f32 v17, v9;
	v15 =	vld [tilespmem:s24+$0xB3E0]  }
0x39f: {  	v4 =	vadd.f32 v4, v7;
	v5 =	vadd.f32 v5, v8;
	v16 =	vld [tilespmem:s24+$0xB3F0];
	s24 =	sshra.s32 s25, $0x2  }
0x3a0: {  	v11 =	vadd.f32 v12, v11;
	v6 =	vld [tilespmem:s24+$0xB380];
	v9 =	vadd.f32 v13, v9  }
0x3a1: {  	v3 =	vadd.f32 v3, v4;
	v2 =	vadd.f32 v2, v5;
	v7 =	vld [tilespmem:s24+$0xB390]  }
0x3a2: {  	v4 =	vadd.f32 v14, v11;
	v8 =	vld [tilespmem:s24+$0xB3A0];
	v5 =	vadd.f32 v10, v9  }
0x3a3: {  	v12 =	vadd.f32 v0, v3;
	v19 =	vadd.f32 v1, v2;
	v9 =	vld [tilespmem:s24+$0xB3B0]  }
0x3a4: {  	v18 =	vadd.f32 v15, v4;
	v0 =	vld [tilespmem:s24+$0xB3C0];
	v17 =	vadd.f32 v16, v5  }
0x3a5: {  	v1 =	vld [tilespmem:s24+$0xB3D0]  }
0x3a6: {  	v14 =	vld [tilespmem:s24+$0xB300]  }
0x3a7: {  	v16 =	vld [tilespmem:s24+$0xB310]  }
0x3a8: {  	v13 =	vld [tilespmem:s24+$0xB320]  }
0x3a9: {  	v15 =	vld [tilespmem:s24+$0xB330]  }
0x3aa: {  	v3 =	vld [tilespmem:s24+$0xB340]  }
0x3ab: {  	v2 =	vld [tilespmem:s24+$0xB350]  }
0x3ac: {  	v32 =	vld [tilespmem:s24+$0xB280]  }
0x3ad: {  	v33 =	vld [tilespmem:s24+$0xB290]  }
0x3ae: {  	v34 =	vld [tilespmem:s24+$0xB2A0]  }
0x3af: {  	v35 =	vld [tilespmem:s24+$0xB2B0]  }
0x3b0: {  	v4 =	vld [tilespmem:s24+$0xB2C0]  }
0x3b1: {  	v5 =	vld [tilespmem:s24+$0xB2D0]  }
0x3b2: {  	v30 =	vld [tilespmem:s24+$0xB200]  }
0x3b3: {  	v31 =	vld [tilespmem:s24+$0xB210]  }
0x3b4: {  	v36 =	vld [tilespmem:s24+$0xB220]  }
0x3b5: {  	v37 =	vld [tilespmem:s24+$0xB230]  }
0x3b6: {  	v10 =	vld [tilespmem:s24+$0xB240]  }
0x3b7: {  	v11 =	vld [tilespmem:s24+$0xB250]  }
0x3b8: {  	v28 =	vld [tilespmem:s24+$0xB180]  }
0x3b9: {  	v29 =	vld [tilespmem:s24+$0xB190]  }
0x3ba: {  	v25 =	vld [tilespmem:s24+$0xB100]  }
0x3bb: {  	v26 =	vld [tilespmem:s24+$0xB110]  }
0x3bc: {  	v20 =	vld [tilespmem:s24+$0xB080]  }
0x3bd: {  	v27 =	vld [tilespmem:s24+$0xB090]  }
0x3be: {  	v38 =	vld [tilespmem:s24+$0xB000]  }
0x3bf: {  	v39 =	vld [tilespmem:s24+$0xB010]  }
0x3c0: {  	v40 =	vld [tilespmem:s24+$0xB020]  }
0x3c1: {  	v41 =	vld [tilespmem:s24+$0xB030]  }
0x3c2: {  	v42 =	vld [tilespmem:s24+$0xB0A0]  }
0x3c3: {  	v43 =	vld [tilespmem:s24+$0xB0B0]  }
0x3c4: {  	v44 =	vld [tilespmem:s24+$0xB120]  }
0x3c5: {  	v21 =	vadd.f32 v38, v21;
	v22 =	vadd.f32 v39, v22;
	v38 =	vld [tilespmem:s24+$0xB130]  }
0x3c6: {  	v23 =	vadd.f32 v40, v23;
	v24 =	vadd.f32 v41, v24;
	v39 =	vld [tilespmem:s24+$0xB1A0]  }
0x3c7: {  	v21 =	vadd.f32 v20, v21;
	v22 =	vadd.f32 v27, v22;
	v40 =	vld [tilespmem:s24+$0xB1B0]  }
0x3c8: {  	v23 =	vadd.f32 v42, v23;
	v24 =	vadd.f32 v43, v24;
	v20 =	vld [tilespmem:s24+$0xB1C0]  }
0x3c9: {  	v21 =	vadd.f32 v25, v21;
	v22 =	vadd.f32 v26, v22;
	v25 =	vld [tilespmem:s24+$0xB1D0]  }
0x3ca: {  	v23 =	vadd.f32 v44, v23;
	v24 =	vadd.f32 v38, v24;
	v26 =	vld [tilespmem:s24+$0xB140]  }
0x3cb: {  	v21 =	vadd.f32 v28, v21;
	v22 =	vadd.f32 v29, v22;
	v27 =	vld [tilespmem:s24+$0xB150]  }
.Ltmp8:
0x3cc: {  	v23 =	vadd.f32 v39, v23;
	v28 =	vld [tilespmem:s24+$0xB0C0];
	v24 =	vadd.f32 v40, v24;
	(pc) =	sbr.rel @p1 .LBB2_15-.Ltmp8, $4  }
0x3cd: {  	v21 =	vadd.f32 v30, v21;
	v22 =	vadd.f32 v31, v22;
	v29 =	vld [tilespmem:s24+$0xB0D0]  }
0x3ce: {  	v23 =	vadd.f32 v36, v23;
	v30 =	vld [tilespmem:s24+$0xB040];
	v24 =	vadd.f32 v37, v24  }
0x3cf: {  	v21 =	vadd.f32 v32, v21;
	v22 =	vadd.f32 v33, v22;
	v31 =	vld [tilespmem:s24+$0xB050]  }
0x3d0: {  	s25 =	sadd.s32 $0x1000, s25;
	v23 =	vadd.f32 v34, v23;
	v32 =	vld [tilespmem:s24+$0xB060];
	v24 =	vadd.f32 v35, v24  }
0x3d1: {  	v14 =	vadd.f32 v14, v21;
	v16 =	vadd.f32 v16, v22  }
0x3d2: {  	v33 =	vld [tilespmem:s24+$0xB070];
	v13 =	vadd.f32 v13, v23;
	v15 =	vadd.f32 v15, v24  }
0x3d3: {  	v21 =	vld [tilespmem:s24+$0xB0E0];
	v6 =	vadd.f32 v6, v14;
	v7 =	vadd.f32 v7, v16  }
0x3d4: {  	v22 =	vld [tilespmem:s24+$0xB0F0];
	v12 =	vadd.f32 v30, v12;
	v8 =	vadd.f32 v8, v13  }
0x3d5: {  	v14 =	vld [tilespmem:s24+$0xB160];
	v9 =	vadd.f32 v9, v15;
	v13 =	vadd.f32 v31, v19  }
0x3d6: {  	v15 =	vld [tilespmem:s24+$0xB170];
	v16 =	vadd.f32 v32, v18;
	v12 =	vadd.f32 v28, v12  }
0x3d7: {  	v18 =	vld [tilespmem:s24+$0xB1E0];
	v17 =	vadd.f32 v33, v17;
	v13 =	vadd.f32 v29, v13  }
0x3d8: {  	v19 =	vld [tilespmem:s24+$0xB1F0];
	v16 =	vadd.f32 v21, v16;
	v12 =	vadd.f32 v26, v12  }
0x3d9: {  	v21 =	vld [tilespmem:s24+$0xB260];
	v17 =	vadd.f32 v22, v17;
	v13 =	vadd.f32 v27, v13  }
0x3da: {  	v22 =	vld [tilespmem:s24+$0xB270];
	v14 =	vadd.f32 v14, v16;
	v12 =	vadd.f32 v20, v12  }
0x3db: {  	v16 =	vld [tilespmem:s24+$0xB2E0];
	v15 =	vadd.f32 v15, v17;
	v13 =	vadd.f32 v25, v13  }
0x3dc: {  	v17 =	vld [tilespmem:s24+$0xB2F0];
	v14 =	vadd.f32 v18, v14;
	v10 =	vadd.f32 v10, v12  }
0x3dd: {  	v18 =	vld [tilespmem:s24+$0xB360];
	v12 =	vadd.f32 v19, v15;
	v11 =	vadd.f32 v11, v13  }
0x3de: {  	v13 =	vld [tilespmem:s24+$0xB370];
	v14 =	vadd.f32 v21, v14;
	v4 =	vadd.f32 v4, v10  }
0x3df: {  	v15 =	vld [tilespmem:s24+$0xB3E0];
	v10 =	vadd.f32 v22, v12;
	v5 =	vadd.f32 v5, v11  }
0x3e0: {  	v11 =	vld [tilespmem:s24+$0xB3F0];
	[tilespmem:s23+$0xD300] =	vst v6;
	v12 =	vadd.f32 v16, v14;
	v3 =	vadd.f32 v3, v4  }
0x3e1: {  	[tilespmem:s23+$0xD310] =	vst v7;
	v4 =	vadd.f32 v17, v10;
	v2 =	vadd.f32 v2, v5  }
0x3e2: {  	[tilespmem:s23+$0xD320] =	vst v8;
	v5 =	vadd.f32 v18, v12;
	v0 =	vadd.f32 v0, v3  }
0x3e3: {  	[tilespmem:s23+$0xD330] =	vst v9;
	v3 =	vadd.f32 v13, v4;
	v1 =	vadd.f32 v1, v2  }
0x3e4: {  	v2 =	vadd.f32 v15, v5;
	[tilespmem:s23+$0xD340] =	vst v0  }
0x3e5: {  	v0 =	vadd.f32 v11, v3;
	[tilespmem:s23+$0xD350] =	vst v1  }
0x3e6: {  	[tilespmem:s23+$0xD360] =	vst v2  }
0x3e7: {  	s24 =	simm.s32 $0x0;
	[tilespmem:s23+$0xD370] =	vst v0  }
0x3e8: {  	v6 =	vld [tilespmem:s24+$0xC380]  }
0x3e9: {  	v7 =	vld [tilespmem:s24+$0xC390]  }
0x3ea: {  	v8 =	vld [tilespmem:s24+$0xC3A0]  }
0x3eb: {  	v9 =	vld [tilespmem:s24+$0xC3B0]  }
0x3ec: {  	v0 =	vld [tilespmem:s24+$0xC3C0]  }
0x3ed: {  	v1 =	vld [tilespmem:s24+$0xC3D0]  }
0x3ee: {  	v14 =	vld [tilespmem:s24+$0xC300]  }
0x3ef: {  	v16 =	vld [tilespmem:s24+$0xC310]  }
0x3f0: {  	v13 =	vld [tilespmem:s24+$0xC320]  }
0x3f1: {  	v15 =	vld [tilespmem:s24+$0xC330]  }
0x3f2: {  	v3 =	vld [tilespmem:s24+$0xC340]  }
0x3f3: {  	v2 =	vld [tilespmem:s24+$0xC350]  }
0x3f4: {  	v17 =	vld [tilespmem:s24+$0xC280]  }
0x3f5: {  	v18 =	vld [tilespmem:s24+$0xC290]  }
0x3f6: {  	v19 =	vld [tilespmem:s24+$0xC2A0]  }
0x3f7: {  	v24 =	vld [tilespmem:s24+$0xC2B0]  }
0x3f8: {  	v4 =	vld [tilespmem:s24+$0xC2C0]  }
0x3f9: {  	v5 =	vld [tilespmem:s24+$0xC2D0]  }
0x3fa: {  	v21 =	vld [tilespmem:s24+$0xC200]  }
0x3fb: {  	v22 =	vld [tilespmem:s24+$0xC210]  }
0x3fc: {  	v23 =	vld [tilespmem:s24+$0xC220]  }
0x3fd: {  	v30 =	vld [tilespmem:s24+$0xC230]  }
0x3fe: {  	v10 =	vld [tilespmem:s24+$0xC240]  }
0x3ff: {  	v27 =	vld [tilespmem:s24+$0xC180]  }
0x400: {  	v28 =	vld [tilespmem:s24+$0xC190]  }
0x401: {  	v25 =	vld [tilespmem:s24+$0xC100]  }
0x402: {  	v26 =	vld [tilespmem:s24+$0xC110]  }
0x403: {  	v11 =	vld [tilespmem:s24+$0xC080]  }
0x404: {  	v20 =	vld [tilespmem:s24+$0xC090]  }
0x405: {  	v29 =	vld [tilespmem:s24+$0xC000]  }
0x406: {  	v31 =	vld [tilespmem:s24+$0xC010]  }
0x407: {  	v61 =	vld [tilespmem:s24+$0xC020]  }
0x408: {  	v62 =	vld [tilespmem:s24+$0xC030]  }
0x409: {  	v34 =	vld [tilespmem:s24+$0xC0A0]  }
0x40a: {  	v35 =	vld [tilespmem:s24+$0xC0B0]  }
0x40b: {  	v12 =	vimm.f32 $0.0e+00;
	v36 =	vld [tilespmem:s24+$0xC120]  }
0x40c: {  	v37 =	vld [tilespmem:s24+$0xC130];
	v29 =	vadd.f32 v29, v12;
	v31 =	vadd.f32 v31, v12  }
0x40d: {  	v38 =	vld [tilespmem:s24+$0xC1A0];
	v32 =	vadd.f32 v61, v12;
	v33 =	vadd.f32 v62, v12  }
0x40e: {  	v39 =	vld [tilespmem:s24+$0xC1B0];
	v29 =	vadd.f32 v11, v29;
	v31 =	vadd.f32 v20, v31  }
0x40f: {  	v11 =	vld [tilespmem:s24+$0xC250];
	v32 =	vadd.f32 v34, v32;
	v33 =	vadd.f32 v35, v33  }
0x410: {  	v20 =	vld [tilespmem:s24+$0xC1C0];
	v29 =	vadd.f32 v25, v29;
	v31 =	vadd.f32 v26, v31  }
0x411: {  	v25 =	vld [tilespmem:s24+$0xC1D0];
	v32 =	vadd.f32 v36, v32;
	v33 =	vadd.f32 v37, v33  }
0x412: {  	v26 =	vld [tilespmem:s24+$0xC140];
	v29 =	vadd.f32 v27, v29;
	v31 =	vadd.f32 v28, v31  }
0x413: {  	v27 =	vld [tilespmem:s24+$0xC150];
	v32 =	vadd.f32 v38, v32;
	v33 =	vadd.f32 v39, v33  }
0x414: {  	v28 =	vld [tilespmem:s24+$0xC0C0];
	v21 =	vadd.f32 v21, v29;
	v22 =	vadd.f32 v22, v31  }
0x415: {  	v29 =	vld [tilespmem:s24+$0xC0D0];
	v23 =	vadd.f32 v23, v32;
	v63 =	vadd.f32 v30, v33  }
0x416: {  	v30 =	vld [tilespmem:s24+$0xC040];
	v21 =	vadd.f32 v17, v21;
	v22 =	vadd.f32 v18, v22  }
0x417: {  	v31 =	vld [tilespmem:s24+$0xC050];
	v23 =	vadd.f32 v19, v23;
	v24 =	vadd.f32 v24, v63  }
0x418: {  	s25 =	simm.s32 $0x1000;
	v32 =	vld [tilespmem:s24+$0xC060];
	v19 =	vimm.f32 $0.0e+00;
	v18 =	vimm.f32 $0.0e+00;
	v17 =	vimm.f32 $0.0e+00  }
.LBB2_17:
0x419: {  	p1 =	sne.s32 s25, $0x3000;
	v33 =	vld [tilespmem:s24+$0xC070];
	v14 =	vadd.f32 v14, v21;
	v16 =	vadd.f32 v16, v22  }
0x41a: {  	v34 =	vld [tilespmem:s24+$0xC0E0];
	v13 =	vadd.f32 v13, v23;
	v15 =	vadd.f32 v15, v24  }
0x41b: {  	v35 =	vld [tilespmem:s24+$0xC0F0];
	v21 =	vadd.f32 v6, v14;
	v22 =	vadd.f32 v7, v16  }
0x41c: {  	v6 =	vld [tilespmem:s24+$0xC160];
	v23 =	vadd.f32 v8, v13;
	v24 =	vadd.f32 v9, v15  }
0x41d: {  	v7 =	vadd.f32 v30, v12;
	v8 =	vadd.f32 v31, v19;
	v9 =	vld [tilespmem:s24+$0xC170]  }
0x41e: {  	v12 =	vadd.f32 v32, v18;
	v13 =	vadd.f32 v33, v17;
	v14 =	vld [tilespmem:s24+$0xC1E0]  }
0x41f: {  	v7 =	vadd.f32 v28, v7;
	v8 =	vadd.f32 v29, v8;
	v15 =	vld [tilespmem:s24+$0xC1F0]  }
0x420: {  	v12 =	vadd.f32 v34, v12;
	v13 =	vadd.f32 v35, v13;
	v16 =	vld [tilespmem:s24+$0xC260]  }
0x421: {  	v7 =	vadd.f32 v26, v7;
	v8 =	vadd.f32 v27, v8;
	v17 =	vld [tilespmem:s24+$0xC270]  }
0x422: {  	v6 =	vadd.f32 v6, v12;
	v9 =	vadd.f32 v9, v13;
	v12 =	vld [tilespmem:s24+$0xC2E0]  }
0x423: {  	v7 =	vadd.f32 v20, v7;
	v8 =	vadd.f32 v25, v8;
	v13 =	vld [tilespmem:s24+$0xC2F0]  }
0x424: {  	v6 =	vadd.f32 v14, v6;
	v9 =	vadd.f32 v15, v9;
	v14 =	vld [tilespmem:s24+$0xC360]  }
0x425: {  	v7 =	vadd.f32 v10, v7;
	v8 =	vadd.f32 v11, v8;
	v10 =	vld [tilespmem:s24+$0xC370]  }
0x426: {  	v11 =	vadd.f32 v16, v6;
	v9 =	vadd.f32 v17, v9;
	v15 =	vld [tilespmem:s24+$0xC3E0]  }
0x427: {  	v4 =	vadd.f32 v4, v7;
	v5 =	vadd.f32 v5, v8;
	v16 =	vld [tilespmem:s24+$0xC3F0];
	s24 =	sshra.s32 s25, $0x2  }
0x428: {  	v11 =	vadd.f32 v12, v11;
	v6 =	vld [tilespmem:s24+$0xC380];
	v9 =	vadd.f32 v13, v9  }
0x429: {  	v3 =	vadd.f32 v3, v4;
	v2 =	vadd.f32 v2, v5;
	v7 =	vld [tilespmem:s24+$0xC390]  }
0x42a: {  	v4 =	vadd.f32 v14, v11;
	v8 =	vld [tilespmem:s24+$0xC3A0];
	v5 =	vadd.f32 v10, v9  }
0x42b: {  	v12 =	vadd.f32 v0, v3;
	v19 =	vadd.f32 v1, v2;
	v9 =	vld [tilespmem:s24+$0xC3B0]  }
0x42c: {  	v18 =	vadd.f32 v15, v4;
	v0 =	vld [tilespmem:s24+$0xC3C0];
	v17 =	vadd.f32 v16, v5  }
0x42d: {  	v1 =	vld [tilespmem:s24+$0xC3D0]  }
0x42e: {  	v14 =	vld [tilespmem:s24+$0xC300]  }
0x42f: {  	v16 =	vld [tilespmem:s24+$0xC310]  }
0x430: {  	v13 =	vld [tilespmem:s24+$0xC320]  }
0x431: {  	v15 =	vld [tilespmem:s24+$0xC330]  }
0x432: {  	v3 =	vld [tilespmem:s24+$0xC340]  }
0x433: {  	v2 =	vld [tilespmem:s24+$0xC350]  }
0x434: {  	v32 =	vld [tilespmem:s24+$0xC280]  }
0x435: {  	v33 =	vld [tilespmem:s24+$0xC290]  }
0x436: {  	v34 =	vld [tilespmem:s24+$0xC2A0]  }
0x437: {  	v35 =	vld [tilespmem:s24+$0xC2B0]  }
0x438: {  	v4 =	vld [tilespmem:s24+$0xC2C0]  }
0x439: {  	v5 =	vld [tilespmem:s24+$0xC2D0]  }
0x43a: {  	v30 =	vld [tilespmem:s24+$0xC200]  }
0x43b: {  	v31 =	vld [tilespmem:s24+$0xC210]  }
0x43c: {  	v36 =	vld [tilespmem:s24+$0xC220]  }
0x43d: {  	v37 =	vld [tilespmem:s24+$0xC230]  }
0x43e: {  	v10 =	vld [tilespmem:s24+$0xC240]  }
0x43f: {  	v11 =	vld [tilespmem:s24+$0xC250]  }
0x440: {  	v28 =	vld [tilespmem:s24+$0xC180]  }
0x441: {  	v29 =	vld [tilespmem:s24+$0xC190]  }
0x442: {  	v25 =	vld [tilespmem:s24+$0xC100]  }
0x443: {  	v26 =	vld [tilespmem:s24+$0xC110]  }
0x444: {  	v20 =	vld [tilespmem:s24+$0xC080]  }
0x445: {  	v27 =	vld [tilespmem:s24+$0xC090]  }
0x446: {  	v38 =	vld [tilespmem:s24+$0xC000]  }
0x447: {  	v39 =	vld [tilespmem:s24+$0xC010]  }
0x448: {  	v40 =	vld [tilespmem:s24+$0xC020]  }
0x449: {  	v41 =	vld [tilespmem:s24+$0xC030]  }
0x44a: {  	v42 =	vld [tilespmem:s24+$0xC0A0]  }
0x44b: {  	v43 =	vld [tilespmem:s24+$0xC0B0]  }
0x44c: {  	v44 =	vld [tilespmem:s24+$0xC120]  }
0x44d: {  	v21 =	vadd.f32 v38, v21;
	v22 =	vadd.f32 v39, v22;
	v38 =	vld [tilespmem:s24+$0xC130]  }
0x44e: {  	v23 =	vadd.f32 v40, v23;
	v24 =	vadd.f32 v41, v24;
	v39 =	vld [tilespmem:s24+$0xC1A0]  }
0x44f: {  	v21 =	vadd.f32 v20, v21;
	v22 =	vadd.f32 v27, v22;
	v40 =	vld [tilespmem:s24+$0xC1B0]  }
0x450: {  	v23 =	vadd.f32 v42, v23;
	v24 =	vadd.f32 v43, v24;
	v20 =	vld [tilespmem:s24+$0xC1C0]  }
0x451: {  	v21 =	vadd.f32 v25, v21;
	v22 =	vadd.f32 v26, v22;
	v25 =	vld [tilespmem:s24+$0xC1D0]  }
0x452: {  	v23 =	vadd.f32 v44, v23;
	v24 =	vadd.f32 v38, v24;
	v26 =	vld [tilespmem:s24+$0xC140]  }
0x453: {  	v21 =	vadd.f32 v28, v21;
	v22 =	vadd.f32 v29, v22;
	v27 =	vld [tilespmem:s24+$0xC150]  }
.Ltmp9:
0x454: {  	v23 =	vadd.f32 v39, v23;
	v28 =	vld [tilespmem:s24+$0xC0C0];
	v24 =	vadd.f32 v40, v24;
	(pc) =	sbr.rel @p1 .LBB2_17-.Ltmp9, $4  }
0x455: {  	v21 =	vadd.f32 v30, v21;
	v22 =	vadd.f32 v31, v22;
	v29 =	vld [tilespmem:s24+$0xC0D0]  }
0x456: {  	v23 =	vadd.f32 v36, v23;
	v30 =	vld [tilespmem:s24+$0xC040];
	v24 =	vadd.f32 v37, v24  }
0x457: {  	v21 =	vadd.f32 v32, v21;
	v22 =	vadd.f32 v33, v22;
	v31 =	vld [tilespmem:s24+$0xC050]  }
0x458: {  	s25 =	sadd.s32 $0x1000, s25;
	v23 =	vadd.f32 v34, v23;
	v32 =	vld [tilespmem:s24+$0xC060];
	v24 =	vadd.f32 v35, v24  }
0x459: {  	v14 =	vadd.f32 v14, v21;
	v16 =	vadd.f32 v16, v22  }
0x45a: {  	v33 =	vld [tilespmem:s24+$0xC070];
	v13 =	vadd.f32 v13, v23;
	v15 =	vadd.f32 v15, v24  }
0x45b: {  	v40 =	vld [tilespmem:s24+$0xC0E0];
	v6 =	vadd.f32 v6, v14;
	v7 =	vadd.f32 v7, v16  }
0x45c: {  	v41 =	vld [tilespmem:s24+$0xC0F0];
	v12 =	vadd.f32 v30, v12;
	v8 =	vadd.f32 v8, v13  }
0x45d: {  	v42 =	vld [tilespmem:s24+$0xC160];
	v9 =	vadd.f32 v9, v15;
	v43 =	vadd.f32 v31, v19  }
0x45e: {  	v44 =	vld [tilespmem:s24+$0xC170];
	v45 =	vadd.f32 v32, v18;
	v12 =	vadd.f32 v28, v12  }
0x45f: {  	v46 =	vld [tilespmem:s24+$0xC1E0];
	v17 =	vadd.f32 v33, v17;
	v13 =	vadd.f32 v29, v43  }
0x460: {  	v47 =	vld [tilespmem:s24+$0xC1F0];
	v16 =	vadd.f32 v40, v45;
	v12 =	vadd.f32 v26, v12  }
0x461: {  	v48 =	vld [tilespmem:s24+$0xC260];
	v17 =	vadd.f32 v41, v17;
	v13 =	vadd.f32 v27, v13  }
0x462: {  	v49 =	vld [tilespmem:s24+$0xC270];
	v14 =	vadd.f32 v42, v16;
	v12 =	vadd.f32 v20, v12  }
0x463: {  	v50 =	vld [tilespmem:s24+$0xC2E0];
	v15 =	vadd.f32 v44, v17;
	v13 =	vadd.f32 v25, v13  }
0x464: {  	v51 =	vld [tilespmem:s24+$0xC2F0];
	v14 =	vadd.f32 v46, v14;
	v10 =	vadd.f32 v10, v12  }
0x465: {  	v52 =	vld [tilespmem:s24+$0xC360];
	v53 =	vadd.f32 v47, v15;
	v11 =	vadd.f32 v11, v13  }
0x466: {  	v54 =	vld [tilespmem:s24+$0xC370];
	v14 =	vadd.f32 v48, v14;
	v4 =	vadd.f32 v4, v10  }
0x467: {  	v55 =	vld [tilespmem:s24+$0xC3E0];
	v56 =	vadd.f32 v49, v53;
	v5 =	vadd.f32 v5, v11  }
0x468: {  	v57 =	vld [tilespmem:s24+$0xC3F0];
	[tilespmem:s23+$0xD380] =	vst v6;
	v58 =	vadd.f32 v50, v14;
	v3 =	vadd.f32 v3, v4  }
0x469: {  	[tilespmem:s23+$0xD390] =	vst v7;
	v59 =	vadd.f32 v51, v56;
	v2 =	vadd.f32 v2, v5  }
0x46a: {  	[tilespmem:s23+$0xD3A0] =	vst v8;
	v60 =	vadd.f32 v52, v58;
	v0 =	vadd.f32 v0, v3  }
.Ltmp10:
0x46b: {  	[tilespmem:s23+$0xD3B0] =	vst v9;
	v61 =	vadd.f32 v54, v59;
	v1 =	vadd.f32 v1, v2;
	(pc) =	sbr.rel @p0 .LBB2_20-.Ltmp10, $4  }
0x46c: {  	v62 =	vadd.f32 v55, v60;
	[tilespmem:s23+$0xD3C0] =	vst v0  }
0x46d: {  	v63 =	vadd.f32 v57, v61;
	[tilespmem:s23+$0xD3D0] =	vst v1  }
0x46e: {  	[tilespmem:s23+$0xD3E0] =	vst v62  }
0x46f: {  	[tilespmem:s23+$0xD3F0] =	vst v63  }
.Ltmp11:
0x470: {  	(pc) =	sbr.rel .LBB2_2-.Ltmp11, $4  }
0x471: {  	s23 =	sshll.u32 s22, $0x9  }
0x472: {  	s23 =	sand.u32 $0x3FFFFE00, s23  }
0x473: {  	s22 =	sadd.s32 $0x1, s22;
	s23 =	sadd.s32 $0x380, s23  }
0x474: {  	[tilespmem:s15], [sflag:$0x4] =	stream.indirect.gather [hbm4b:s0+s8], $0x80, s23, s8, $0xb8;
	[tilespmem:$0x17000] =	vst v63  }
.LBB2_21:
0x475: {  	_ =	sfence.sel $0x180000  }
0x476: {  	[bflag:$0x0] =	sbarrier.arrive $0xFFFF  }
0x477: {  	p0 =	sne.s32 s2, $0x0;
	_ =	strace $0x90000047  }
0x478: {  	s0 =	sadd.s32 @!p0 $0x100000, s1;
	[bflag:$0x2] =	sbarrier.arrive $0xFFFF  }
0x479: {  	[sflag:s0] =	ssyncadd.tile.s32 @!p0 $0x1;
	_ =	shalt  }
.Lfunc_end2:
_tile_overlayer_lowered:
.L_overlay_start_2:
0x47a: {  	(tag) =	ssettag $0x2  }
0x47b: {  	s0 =	rddreg [dreg:$0x0];
	s2 =	stileid.u32  }
0x47c: {  	s1 =	rddreg [dreg:$0x1];
	p0 =	sne.s32 s2, $0x0  }
0x47d: {  	s3 =	rddreg [dreg:$0x2];
	[bflag:$0x3] =	sbarrier.arrive $0xFFFF;
	s2 =	simm.s32 @!p0 $0x1C05  }
0x47e: {  	[timem:s3], [sflag:s2] =	dma.local @!p0 [hbm:s0], s1  }
0x47f: {  	s0 =	simm.s32 @!p0 $0x5  }
0x480: {  	_ =	swait.ge @!p0 [sflag:s0], s1  }
0x481: {  	s1 =	ssub.s32 @!p0 $0x0, s1;
	[sflag:s0] =	ssyncset.done @!p0 $0x0  }
0x482: {  	[sflag:s0] =	ssyncadd.s32 @!p0 s1  }
0x483: {  	[bflag:$0x3] =	sbarrier.arrive $0xFFFF  }
0x484: {  	_ =	shalt  }

</sc_bundles>
